<compile_context>
chip_gen: v7x
topology: tpu7x:2x2x1
jax: 0.10.2.dev20260603
libtpu: 0.0.44.dev20260713+nightly
codegen_flags: <defaults>
</compile_context>

<pallas_src>
import numpy as np
import jax
import jax.numpy as jnp
from jax import lax
from jax.experimental import pallas as pl
from jax.experimental.pallas import tpu as pltpu
from jax.experimental.pallas import tpu_sc as plsc

B = 4
N = 150000
C = 5
SPAN = 9472
NPAD = SPAN * 16
ACH = 1184
NVC = ACH // 16
NCH = NPAD // ACH
PSTART = 149184
PTAIL = N - PSTART
NX = 512
NBINS = NX * NX
BPW = NBINS // 16
BIG = NBINS
MAXV = 30000
MAXP = 20
QUART = 7504
QLAST = MAXV - 3 * QUART
NQ = 4
COLS = B * MAXV
PLANE = COLS
NPLANES = C * MAXP
FEAT = NPLANES * PLANE
FCELLS = NPLANES * QUART
FDUMP = FCELLS
FBLK = 750592
FSH = FBLK // 16
CBLK = MAXV * 4
CDUMP = CBLK
QSTR = 164096
QCH = 640
SENT = MAXP * 32768

_NORM_RANGE = np.array([-51.2, -51.2, -5.0, 0.0, 51.2, 51.2, 3.0, 255.0],
                       dtype=np.float32)
_STARTS = [float(_NORM_RANGE[i]) for i in range(4)]
_NORMS = [float(_NORM_RANGE[i + 4] - _NORM_RANGE[i]) for i in range(4)]

CSH_A = 7504
CSH_B = CBLK - 15 * CSH_A
ZB = 1024


def _loop(n, body):
  def f(i, c):
    body(i)
    return c
  lax.fori_loop(0, n, f, jnp.int32(0))


def _sc_body(pts, feat, coors, lin_hbm, qarr,
             pbuf, linbuf, count, slot, zbuf, cpat,
             si0, si1, si2, si3, si4, sv0, sv1, sv2, sv3, sv4,
             cidx1, cidx2, cidx3, cvz, cvy, cvx, sq,
             fblock, cblock, exch, exchv, sem):
  cid = lax.axis_index("c")
  sid = lax.axis_index("s")
  iota = lax.iota(jnp.int32, 16)
  ones_i = jnp.ones((16,), jnp.int32)
  zero_i = jnp.zeros((16,), jnp.int32)
  zero_f = jnp.zeros((16,), jnp.float32)
  sidx = [si0, si1, si2, si3, si4]
  sval = [sv0, sv1, sv2, sv3, sv4]
  cols = [jnp.full((16,), c, jnp.int32) for c in range(5)]
  lo = sid * BPW

  def zb(i):
    zbuf[pl.ds(i * 16, 16)] = zero_f
  _loop(ZB // 16, zb)

  def prefill_feat_staging():
    fdump = jnp.full((16,), FDUMP, jnp.int32)
    def pf(i):
      r = i // 8
      cl = (i % 8) * 16
      for s in sidx:
        s[r, pl.ds(cl, 16)] = fdump
    _loop(5 * 8, pf)

  def prefill_coors_staging():
    cdump = jnp.full((16,), CDUMP, jnp.int32)
    def pc(i):
      r = i // 8
      cl = (i % 8) * 16
      cidx1[r, pl.ds(cl, 16)] = cdump
      cidx2[r, pl.ds(cl, 16)] = cdump
      cidx3[r, pl.ds(cl, 16)] = cdump
      cvz[r, pl.ds(cl, 16)] = zero_i
    _loop(4 * 8, pc)

  def points_chunk_in(b, start, par):
    @pl.when(start + ACH <= N)
    def _():
      pltpu.sync_copy(pts.at[b, pl.ds(start, ACH), :], pbuf.at[par])

    @pl.when(start == PSTART)
    def _():
      pltpu.sync_copy(pts.at[b, pl.ds(PSTART, PTAIL), :],
                      pbuf.at[par].at[pl.ds(0, PTAIL), :])

  def chunk_fire(b, start, par):
    pltpu.async_copy(lin_hbm.at[pl.ds(b * NPAD + start, ACH)],
                     linbuf.at[par], sem)

    @pl.when(start + ACH <= N)
    def _():
      pltpu.async_copy(pts.at[b, pl.ds(start, ACH), :], pbuf.at[par], sem)

    @pl.when(start == PSTART)
    def _():
      pltpu.async_copy(pts.at[b, pl.ds(PSTART, PTAIL), :],
                       pbuf.at[par].at[pl.ds(0, PTAIL), :], sem)

  def chunk_wait(b, start, par):
    pltpu.make_async_copy(lin_hbm.at[pl.ds(b * NPAD + start, ACH)],
                          linbuf.at[par], sem).wait()

    @pl.when(start + ACH <= N)
    def _():
      pltpu.make_async_copy(pts.at[b, pl.ds(start, ACH), :], pbuf.at[par],
                            sem).wait()

    @pl.when(start == PSTART)
    def _():
      pltpu.make_async_copy(pts.at[b, pl.ds(PSTART, PTAIL), :],
                            pbuf.at[par].at[pl.ds(0, PTAIL), :], sem).wait()

  def phase_a(b):
    base_pt = sid * SPAN

    zv = jnp.zeros((16,), jnp.int32)

    def chunk_body(ci, _):
      start = base_pt + ci * ACH
      points_chunk_in(b, start, 0)

      def vec(j, _):
        rows = j * 16 + iota
        gi = start + rows
        x = plsc.load_gather(pbuf, [zv, rows, cols[0]])
        y = plsc.load_gather(pbuf, [zv, rows, cols[1]])
        z = plsc.load_gather(pbuf, [zv, rows, cols[2]])
        tx = (x - jnp.float32(-51.2)) / jnp.float32(0.2)
        ty = (y - jnp.float32(-51.2)) / jnp.float32(0.2)
        tz = (z - jnp.float32(-5.0)) / jnp.float32(8.0)
        ok = ((tx >= 0.0) & (tx < 512.0)
              & (ty >= 0.0) & (ty < 512.0)
              & (tz >= 0.0) & (tz < 1.0)
              & (gi < N))
        xi = jnp.clip(tx, 0.0, 513.0).astype(jnp.int32)
        yi = jnp.clip(ty, 0.0, 513.0).astype(jnp.int32)
        l = jnp.where(ok, yi * NX + xi, BIG)
        linbuf[0, pl.ds(j * 16, 16)] = l
        return jnp.int32(0)

      lax.fori_loop(0, NVC, vec, jnp.int32(0))
      pltpu.sync_copy(linbuf.at[0], lin_hbm.at[pl.ds(b * NPAD + start, ACH)])
      return jnp.int32(0)

    lax.fori_loop(0, SPAN // ACH, chunk_body, jnp.int32(0))

  def init_cblock(b):
    cpvec = jnp.where(iota % 4 == 0, jnp.full((16,), b, jnp.int32),
                      jnp.full((16,), -1, jnp.int32))

    def cp(i):
      cpat[pl.ds(i * 16, 16)] = cpvec
    _loop(960 // 16, cp)

    el0 = sid * CSH_A
    ds = []
    for q in range(7):
      ds.append(pltpu.async_copy(cpat, cblock.at[pl.ds(el0 + q * 960, 960)],
                                 sem))

    @pl.when(sid < 15)
    def _():
      d = pltpu.async_copy(cpat.at[pl.ds(0, CSH_A - 6720)],
                           cblock.at[pl.ds(el0 + 6720, CSH_A - 6720)], sem)
      d.wait()

    @pl.when(sid == 15)
    def _():
      d = pltpu.async_copy(cpat.at[pl.ds(0, CSH_B - 6720)],
                           cblock.at[pl.ds(el0 + 6720, CSH_B - 6720)], sem)
      d.wait()
    for d in ds:
      d.wait()

  def b1_count(b):
    def z(i):
      count[pl.ds(i * 16, 16)] = zero_i
    _loop(BPW // 16, z)

    def chunk(ci, _):
      pltpu.sync_copy(lin_hbm.at[pl.ds(b * NPAD + ci * ACH, ACH)],
                      linbuf.at[0])

      def vec(j, _):
        v = linbuf[0, pl.ds(j * 16, 16)]
        m = (v >= lo) & (v < lo + BPW)
        locc = jnp.where(m, v - lo, 0)
        plsc.addupdate_scatter(count, [locc], ones_i, mask=m)
        return jnp.int32(0)

      lax.fori_loop(0, NVC, vec, jnp.int32(0))
      return jnp.int32(0)

    lax.fori_loop(0, NCH, chunk, jnp.int32(0))

  def prefix_and_base():
    def pj(j, carry):
      c16 = count[pl.ds(j * 16, 16)]
      occ = (c16 > 0).astype(jnp.int32)
      s16 = plsc.cumsum(occ)
      slot[pl.ds(j * 16, 16)] = (carry + s16 - occ) * 2 + occ
      return carry + jnp.sum(occ)

    d = lax.fori_loop(0, BPW // 16, pj, jnp.int32(0))
    linbuf[0, pl.ds(0, 16)] = jnp.full((16,), d, jnp.int32)
    pltpu.sync_copy(linbuf.at[0].at[pl.ds(0, 16)], exch.at[sid])
    plsc.subcore_barrier()
    pltpu.sync_copy(exch, exchv)
    allv = plsc.load_gather(exchv, [iota, iota])
    base = jnp.sum(jnp.where(iota < sid, allv, 0))
    return base

  def coors_scatter(b, base):
    prefill_coors_staging()

    def ch(ci, _):
      choff = ci * 512

      def vec(j, noff):
        off16 = choff + j * 16
        enc = slot[pl.ds(off16, 16)]
        slv = (enc >> 1) + base
        occm = ((enc & 1) > 0) & (slv < MAXV)

        def proc(noff):
          binv = lo + off16 + iota
          yv = binv >> 9
          xv = binv & (NX - 1)
          om = occm.astype(jnp.int32)
          pos = noff + plsc.cumsum(om) - 1
          ph = pos >> 7
          pcl = pos & 127
          r4 = slv * 4
          plsc.store_scatter(cidx1, [ph, pcl], r4 + 1, mask=occm)
          plsc.store_scatter(cidx2, [ph, pcl], r4 + 2, mask=occm)
          plsc.store_scatter(cidx3, [ph, pcl], r4 + 3, mask=occm)
          plsc.store_scatter(cvy, [ph, pcl], yv, mask=occm)
          plsc.store_scatter(cvx, [ph, pcl], xv, mask=occm)
          return noff + jnp.sum(om)

        return lax.cond(jnp.any(occm), proc, lambda n: n, noff)

      noff = lax.fori_loop(0, 32, vec, jnp.int32(0))
      nblk = (noff + 127) >> 7

      def fl(j, _):
        pltpu.async_copy(cvz.at[j], cblock.at[cidx1.at[j]], sem).wait()
        pltpu.async_copy(cvy.at[j], cblock.at[cidx2.at[j]], sem).wait()
        pltpu.async_copy(cvx.at[j], cblock.at[cidx3.at[j]], sem).wait()
        return jnp.int32(0)

      lax.fori_loop(0, nblk, fl, jnp.int32(0))
      return jnp.int32(0)

    lax.fori_loop(0, BPW // 512, ch, jnp.int32(0))
    plsc.subcore_barrier()
    el0 = sid * CSH_A

    @pl.when(sid < 15)
    def _():
      pltpu.sync_copy(cblock.at[pl.ds(el0, CSH_A)],
                      coors.at[pl.ds(b * CBLK + el0, CSH_A)])

    @pl.when(sid == 15)
    def _():
      pltpu.sync_copy(cblock.at[pl.ds(el0, CSH_B)],
                      coors.at[pl.ds(b * CBLK + el0, CSH_B)])
    plsc.subcore_barrier()

  def scan_queue(b, base, qbase):
    def zr(i):
      count[pl.ds(i * 16, 16)] = zero_i
    _loop(BPW // 16, zr)

    chunk_fire(b, 0, 0)

    def ch(ci, qnb):
      start = ci * ACH
      par = ci & 1
      chunk_wait(b, start, par)

      @pl.when(ci + 1 < NCH)
      def _():
        chunk_fire(b, start + ACH, 1 - par)

      parv = jnp.full((16,), par, jnp.int32)

      def vec(j, off):
        v = linbuf[par, pl.ds(j * 16, 16)]
        m = (v >= lo) & (v < lo + BPW)

        def proc(off):
          locc = jnp.where(m, v - lo, 0)
          cnt = plsc.load_gather(count, [locc], mask=m)
          rc, _lm = plsc.scan_count(locc, m)
          plsc.addupdate_scatter(count, [locc], ones_i, mask=m)
          rank = cnt + rc - 1
          enc = plsc.load_gather(slot, [locc], mask=m)
          slv = (enc >> 1) + base
          valid = m & (rank < MAXP) & (slv < MAXV)
          code = rank * 32768 + slv
          vi = valid.astype(jnp.int32)
          pos = off + plsc.cumsum(vi) - 1
          spos = pos * 6
          rows = j * 16 + iota
          plsc.store_scatter(sq, [spos], code, mask=valid)
          for c in range(5):
            val = plsc.load_gather(pbuf, [parv, rows, cols[c]], mask=valid)
            if c < 4:
              val = (val - jnp.float32(_STARTS[c])) / jnp.float32(_NORMS[c])
            plsc.store_scatter(sq, [spos + 1 + c],
                               plsc.bitcast(val, jnp.int32), mask=valid)
          return off + jnp.sum(vi)

        return lax.cond(jnp.any(m), proc, lambda o: o, off)

      off = lax.fori_loop(0, NVC, vec, jnp.int32(0))
      nblk = (off + 127) >> 7

      def pad(i):
        pp = off + i * 16 + iota
        mk = pp < nblk * 128
        plsc.store_scatter(sq, [pp * 6], jnp.full((16,), SENT, jnp.int32),
                           mask=mk)
      _loop(8, pad)

      def fl(j, _):
        pltpu.sync_copy(sq.at[pl.ds(j * 768, 768)],
                        qarr.at[pl.ds(qbase + (qnb + j) * 768, 768)])
        return jnp.int32(0)

      lax.fori_loop(0, nblk, fl, jnp.int32(0))
      return qnb + nblk

    return lax.fori_loop(0, NCH, ch, jnp.int32(0))

  def quarter_pass(b, qnb, qbase, h):
    qn = qnb * 128
    bcol = b * MAXV
    slo = h * QUART
    nfz = FSH // ZB
    rem = FSH - nfz * ZB

    def zf(i, _):
      pltpu.async_copy(zbuf, fblock.at[pl.ds(sid * FSH + i * ZB, ZB)], sem
                       ).wait()
      return jnp.int32(0)

    lax.fori_loop(0, nfz, zf, jnp.int32(0))
    pltpu.async_copy(zbuf.at[pl.ds(0, rem)],
                     fblock.at[pl.ds(sid * FSH + nfz * ZB, rem)], sem).wait()
    prefill_feat_staging()
    plsc.subcore_barrier()

    nqc = (qn + QCH - 1) // QCH

    def ch(k, _):
      pltpu.sync_copy(qarr.at[pl.ds(qbase + k * (QCH * 6), QCH * 6)],
                      sq.at[pl.ds(0, QCH * 6)])

      def vec(j, off):
        e = j * 16 + iota
        ge = k * QCH + e
        e6 = e * 6
        code = plsc.load_gather(sq, [e6])
        rank = code >> 15
        slv = code & 32767
        sloc = slv - slo
        validq = ((ge < qn) & (rank < MAXP) & (slv < MAXV)
                  & (sloc >= 0) & (sloc < QUART))

        def proc(off):
          d0 = rank * QUART + sloc
          vi = validq.astype(jnp.int32)
          pos = off + plsc.cumsum(vi) - 1
          ph = pos >> 7
          pcl = pos & 127
          for c in range(5):
            dst = d0 + c * (MAXP * QUART)
            plsc.store_scatter(sidx[c], [ph, pcl], dst, mask=validq)
            vv = plsc.load_gather(sq, [e6 + 1 + c], mask=validq)
            plsc.store_scatter(sval[c], [ph, pcl],
                               plsc.bitcast(vv, jnp.float32), mask=validq)
          return off + jnp.sum(vi)

        return lax.cond(jnp.any(validq), proc, lambda o: o, off)

      off = lax.fori_loop(0, QCH // 16, vec, jnp.int32(0))
      nblk = (off + 127) >> 7

      def fl(j, _):
        for c in range(5):
          pltpu.async_copy(sval[c].at[j], fblock.at[sidx[c].at[j]], sem
                           ).wait()
        return jnp.int32(0)

      lax.fori_loop(0, nblk, fl, jnp.int32(0))
      return jnp.int32(0)

    lax.fori_loop(0, nqc, ch, jnp.int32(0))
    plsc.subcore_barrier()
    for kk in range(7):
      p = sid + 16 * kk

      @pl.when((p < NPLANES) & (h < 3))
      def _():
        pltpu.async_copy(fblock.at[pl.ds(p * QUART, QUART)],
                         feat.at[pl.ds(p * PLANE + bcol + slo, QUART)],
                         sem).wait()

      @pl.when((p < NPLANES) & (h == 3))
      def _():
        pltpu.async_copy(fblock.at[pl.ds(p * QUART, QLAST)],
                         feat.at[pl.ds(p * PLANE + bcol + slo, QLAST)],
                         sem).wait()
    plsc.subcore_barrier()

  def batch_body(k, _):
    b = 2 * cid + k
    with jax.named_scope("phase_a"):
      phase_a(b)
    with jax.named_scope("init_cblock"):
      init_cblock(b)
    plsc.subcore_barrier()
    with jax.named_scope("b1_count"):
      b1_count(b)
    with jax.named_scope("prefix"):
      base = prefix_and_base()
    with jax.named_scope("coors_scatter"):
      coors_scatter(b, base)
    qbase = (cid * 16 + sid) * (QSTR * 6)
    with jax.named_scope("scan_queue"):
      qnb = scan_queue(b, base, qbase)

    def qloop(h, _):
      with jax.named_scope("quarter_pass"):
        quarter_pass(b, qnb, qbase, h)
      return jnp.int32(0)

    lax.fori_loop(0, NQ, qloop, jnp.int32(0))
    return jnp.int32(0)

  lax.fori_loop(0, 2, batch_body, jnp.int32(0))


def kernel(points_lst):
  mesh = plsc.VectorSubcoreMesh(core_axis_name="c", subcore_axis_name="s")
  kfn = pl.kernel(
      _sc_body,
      out_type=(
          jax.ShapeDtypeStruct((FEAT,), jnp.float32),
          jax.ShapeDtypeStruct((COLS * 4,), jnp.int32),
          jax.ShapeDtypeStruct((B * NPAD,), jnp.int32),
          jax.ShapeDtypeStruct((32 * QSTR * 6,), jnp.int32),
      ),
      mesh=mesh,
      scratch_types=[
          pltpu.VMEM((2, ACH, C), jnp.float32),
          pltpu.VMEM((2, ACH), jnp.int32),
          pltpu.VMEM((BPW,), jnp.int32),
          pltpu.VMEM((BPW,), jnp.int32),
          pltpu.VMEM((ZB,), jnp.float32),
          pltpu.VMEM((960,), jnp.int32),
          pltpu.VMEM((5, 128), jnp.int32),
          pltpu.VMEM((5, 128), jnp.int32),
          pltpu.VMEM((5, 128), jnp.int32),
          pltpu.VMEM((5, 128), jnp.int32),
          pltpu.VMEM((5, 128), jnp.int32),
          pltpu.VMEM((5, 128), jnp.float32),
          pltpu.VMEM((5, 128), jnp.float32),
          pltpu.VMEM((5, 128), jnp.float32),
          pltpu.VMEM((5, 128), jnp.float32),
          pltpu.VMEM((5, 128), jnp.float32),
          pltpu.VMEM((4, 128), jnp.int32),
          pltpu.VMEM((4, 128), jnp.int32),
          pltpu.VMEM((4, 128), jnp.int32),
          pltpu.VMEM((4, 128), jnp.int32),
          pltpu.VMEM((4, 128), jnp.int32),
          pltpu.VMEM((4, 128), jnp.int32),
          pltpu.VMEM((7680,), jnp.int32),
          pltpu.VMEM_SHARED((FBLK,), jnp.float32),
          pltpu.VMEM_SHARED((CBLK + 64,), jnp.int32),
          pltpu.VMEM_SHARED((16, 16), jnp.int32),
          pltpu.VMEM((16, 16), jnp.int32),
          pltpu.SemaphoreType.DMA,
      ],
      compiler_params=pltpu.CompilerParams(
          needs_layout_passes=False, use_tc_tiling_on_sc=False),
  )
  feat, coors, _lin, _q = kfn(points_lst)
  features = feat.reshape(1, C, MAXP, COLS)
  coors_batch = coors.reshape(COLS, 4)
  return features, coors_batch

# --- scband reference (transcript-rebuilt; emitter-appended) ---
"""Pipeline reference for scband-center-point-pre-process-83021717832034 (READ-ONLY COPY).

The authoritative reference and input builder live on the scoring server;
editing this copy changes nothing except your own understanding.
"""

import jax, jax.numpy as jnp
import numpy as np

PC_RANGE = np.array([-51.2, -51.2, -5.0, 51.2, 51.2, 3.0], dtype=np.float32)
VOXEL_SIZE = np.array([0.2, 0.2, 8.0], dtype=np.float32)
GRID = np.round((PC_RANGE[3:] - PC_RANGE[:3]) / VOXEL_SIZE).astype(np.int32)  # [512, 512, 1]
MAX_VOXELS = 30000
MAX_POINTS = 20
NORM_RANGE = np.array([-51.2, -51.2, -5.0, 0.0, 51.2, 51.2, 3.0, 255.0], dtype=np.float32)
NORM_DIMS = [0, 1, 2, 3]


def setup_inputs(seed: int = 0) -> dict:
    key = jax.random.key(seed)
    pts = jax.random.normal(key, (4, 150000, 5), dtype=jnp.float32)
    # scale so points land in the pc_range like real lidar returns
    pts = pts * jnp.array([20.0, 20.0, 1.5, 50.0, 1.0], dtype=jnp.float32) + jnp.array([0.0, 0.0, -1.0, 100.0, 0.0], dtype=jnp.float32)
    return {"points_lst": pts}


def _voxelize_one(points):
    nx, ny, nz = int(GRID[0]), int(GRID[1]), int(GRID[2])
    big = nx * ny * nz
    coords = jnp.floor((points[:, :3] - jnp.asarray(PC_RANGE[:3])) / jnp.asarray(VOXEL_SIZE)).astype(jnp.int32)
    in_range = jnp.all((coords >= 0) & (coords < jnp.asarray(GRID)), axis=1)
    lin = coords[:, 2] * (ny * nx) + coords[:, 1] * nx + coords[:, 0]
    lin = jnp.where(in_range, lin, big)
    order = jnp.argsort(lin)  # stable
    lin_s = lin[order]
    pts_s = points[order]
    N = points.shape[0]
    is_first = jnp.concatenate([jnp.ones((1,), dtype=bool), lin_s[1:] != lin_s[:-1]])
    vox_id = jnp.cumsum(is_first.astype(jnp.int32)) - 1
    pos = jnp.arange(N, dtype=jnp.int32)
    first_pos = jax.ops.segment_min(pos, vox_id, num_segments=N)
    rank = pos - first_pos[vox_id]
    valid = (lin_s < big) & (rank < MAX_POINTS) & (vox_id < MAX_VOXELS)
    vi = jnp.where(valid, vox_id, MAX_VOXELS)
    rk = jnp.where(valid, rank, 0)
    C = points.shape[1]
    voxels = jnp.zeros((MAX_VOXELS + 1, MAX_POINTS, C), dtype=points.dtype)
    voxels = voxels.at[vi, rk].set(jnp.where(valid[:, None], pts_s, 0.0))[:MAX_VOXELS]
    npv = jnp.zeros((MAX_VOXELS + 1,), dtype=jnp.int32).at[vi].add(valid.astype(jnp.int32))[:MAX_VOXELS]
    lin_v = jnp.full((MAX_VOXELS + 1,), -1, dtype=jnp.int32).at[vi].set(jnp.where(valid, lin_s, -1).astype(jnp.int32))[:MAX_VOXELS]
    zc = lin_v // (ny * nx)
    yc = (lin_v % (ny * nx)) // nx
    xc = lin_v % nx
    coors = jnp.stack([zc, yc, xc], axis=1)
    coors = jnp.where((npv > 0)[:, None], coors, -1)
    return voxels, coors, npv


def reference(points_lst):
    B = points_lst.shape[0]
    vox_l, coor_l, npv_l = [], [], []
    for b in range(B):
        v, c, n = _voxelize_one(points_lst[b])
        vox_l.append(v)
        coor_l.append(jnp.concatenate([jnp.full((c.shape[0], 1), b, dtype=c.dtype), c], axis=1))
        npv_l.append(n)
    features = jnp.concatenate(vox_l, axis=0)
    coors_batch = jnp.concatenate(coor_l, axis=0)
    num_points = jnp.concatenate(npv_l, axis=0)
    half = len(NORM_RANGE) // 2
    for idx, dim in enumerate(NORM_DIMS):
        start = float(NORM_RANGE[idx])
        norm = float(NORM_RANGE[idx + half] - NORM_RANGE[idx])
        features = features.at[:, :, dim].set((features[:, :, dim] - start) / norm)
    P = features.shape[1]
    mask = (jnp.arange(P)[None, :] < num_points[:, None]).astype(features.dtype)
    features = features * mask[:, :, None]
    features = jnp.transpose(features[None], (0, 3, 2, 1))  # [1, C, P, B*MAX_VOXELS]
    return features, coors_batch

if __name__ == "__main__":
    import jax
    _d = setup_inputs()
    print(jax.jit(kernel)(*tuple(_d.values())))

</pallas_src>

<mosaic_0001>
#map = affine_map<(d0, d1) -> (0, 0, 0)>
#map1 = affine_map<(d0, d1) -> (0)>
module attributes {stable_mosaic.version = 14 : i64} {
  func.func @_sc_body(%arg0: i32, %arg1: i32, %arg2: memref<4x150000x5xf32, #tpu.memory_space<hbm>>, %arg3: memref<12000000xf32, #tpu.memory_space<hbm>>, %arg4: memref<480000xi32, #tpu.memory_space<hbm>>, %arg5: memref<606208xi32, #tpu.memory_space<hbm>>, %arg6: memref<31506432xi32, #tpu.memory_space<hbm>>, %arg7: memref<2x1184x5xf32, #tpu.memory_space<vmem>>, %arg8: memref<2x1184xi32, #tpu.memory_space<vmem>>, %arg9: memref<16384xi32, #tpu.memory_space<vmem>>, %arg10: memref<16384xi32, #tpu.memory_space<vmem>>, %arg11: memref<1024xf32, #tpu.memory_space<vmem>>, %arg12: memref<960xi32, #tpu.memory_space<vmem>>, %arg13: memref<5x128xi32, #tpu.memory_space<vmem>>, %arg14: memref<5x128xi32, #tpu.memory_space<vmem>>, %arg15: memref<5x128xi32, #tpu.memory_space<vmem>>, %arg16: memref<5x128xi32, #tpu.memory_space<vmem>>, %arg17: memref<5x128xi32, #tpu.memory_space<vmem>>, %arg18: memref<5x128xf32, #tpu.memory_space<vmem>>, %arg19: memref<5x128xf32, #tpu.memory_space<vmem>>, %arg20: memref<5x128xf32, #tpu.memory_space<vmem>>, %arg21: memref<5x128xf32, #tpu.memory_space<vmem>>, %arg22: memref<5x128xf32, #tpu.memory_space<vmem>>, %arg23: memref<4x128xi32, #tpu.memory_space<vmem>>, %arg24: memref<4x128xi32, #tpu.memory_space<vmem>>, %arg25: memref<4x128xi32, #tpu.memory_space<vmem>>, %arg26: memref<4x128xi32, #tpu.memory_space<vmem>>, %arg27: memref<4x128xi32, #tpu.memory_space<vmem>>, %arg28: memref<4x128xi32, #tpu.memory_space<vmem>>, %arg29: memref<7680xi32, #tpu.memory_space<vmem>>, %arg30: memref<750592xf32, #tpu.memory_space<vmem_shared>>, %arg31: memref<120064xi32, #tpu.memory_space<vmem_shared>>, %arg32: memref<16x16xi32, #tpu.memory_space<vmem_shared>>, %arg33: memref<16x16xi32, #tpu.memory_space<vmem>>, %arg34: memref<!tpu.dma_semaphore, #tpu.memory_space<semaphore_mem>>) attributes {dimension_semantics = [#tpu.dimension_semantics<core_parallel>, #tpu.dimension_semantics<subcore_parallel>], iteration_bounds = array<i64: 2, 16>, scalar_prefetch = 0 : i64, scratch_operands = 28 : i64, tpu.core_type = #tpu.core_type<sc_vector_subcore>, window_params = [{transform_indices = #map}, {transform_indices = #map1}, {transform_indices = #map1}, {transform_indices = #map1}, {transform_indices = #map1}]} {
    %iota3A = tpu.iota {dimensions = array<i32: 0>} : vector<16xi32>
    %broadcast_in_dim3A = arith.constant 1 : i32
    %broadcast_in_dim3A_0 = vector.broadcast %broadcast_in_dim3A : i32 to vector<16xi32>
    %broadcast_in_dim3A_1 = arith.constant 0 : i32
    %broadcast_in_dim3A_2 = vector.broadcast %broadcast_in_dim3A_1 : i32 to vector<16xi32>
    %broadcast_in_dim3A_3 = arith.constant 0.000000e+00 : f32
    %broadcast_in_dim3A_4 = vector.broadcast %broadcast_in_dim3A_3 : f32 to vector<16xf32>
    %broadcast_in_dim3A_5 = arith.constant 0 : i32
    %broadcast_in_dim3A_6 = vector.broadcast %broadcast_in_dim3A_5 : i32 to vector<16xi32>
    %broadcast_in_dim3A_7 = arith.constant 1 : i32
    %broadcast_in_dim3A_8 = vector.broadcast %broadcast_in_dim3A_7 : i32 to vector<16xi32>
    %broadcast_in_dim3A_9 = arith.constant 2 : i32
    %broadcast_in_dim3A_10 = vector.broadcast %broadcast_in_dim3A_9 : i32 to vector<16xi32>
    %broadcast_in_dim3A_11 = arith.constant 3 : i32
    %broadcast_in_dim3A_12 = vector.broadcast %broadcast_in_dim3A_11 : i32 to vector<16xi32>
    %broadcast_in_dim3A_13 = arith.constant 4 : i32
    %broadcast_in_dim3A_14 = vector.broadcast %broadcast_in_dim3A_13 : i32 to vector<16xi32>
    %mul3A = arith.constant 16384 : i32
    %mul3A_15 = arith.muli %arg1, %mul3A : i32
    %scan3A = arith.constant 0 : i32
    %scan3A_16 = arith.constant 0 : i32
    %scan3A_17 = arith.constant 64 : i32
    %scan3A_18 = arith.addi %scan3A_16, %scan3A_17 : i32
    %scan3A_19 = arith.constant 1 : i32
    scf.for %scan3A_28 = %scan3A_16 to %scan3A_18 step %scan3A_19  : i32 {
      %mul3A_29 = arith.constant 16 : i32
      %mul3A_30 = arith.muli %scan3A_28, %mul3A_29 : i32
      %swap3A = arith.index_cast %mul3A_30 : i32 to index
      %swap3A_31 = tpu.vector_load %arg11[%swap3A] {strides = array<i32>} : memref<1024xf32, #tpu.memory_space<vmem>>, vector<16xf32>,
      tpu.vector_store %arg11[%swap3A], %broadcast_in_dim3A_4 {strides = array<i32>} : memref<1024xf32, #tpu.memory_space<vmem>>, vector<16xf32>,
    }
    %scan3A_20 = arith.constant 64 : i32
    %scan3A_21 = arith.constant 0 : i32
    %scan3A_22 = arith.constant 0 : i32
    %scan3A_23 = arith.constant 2 : i32
    %scan3A_24 = arith.addi %scan3A_22, %scan3A_23 : i32
    %scan3A_25 = arith.constant 1 : i32
    %scan3A_26 = scf.for %scan3A_28 = %scan3A_22 to %scan3A_24 step %scan3A_25 iter_args(%scan3A_29 = %scan3A_21) -> (i32)  : i32 {
      %mul3A_30 = arith.constant 2 : i32
      %mul3A_31 = arith.muli %mul3A_30, %arg0 : i32
      %add3A = arith.addi %mul3A_31, %scan3A_28 : i32
      "tpu.trace_start"() <{level = 10 : i32, message = "phase_a"}> : () -> ()
      %mul3A_32 = arith.constant 9472 : i32
      %mul3A_33 = arith.muli %arg1, %mul3A_32 : i32
      %broadcast_in_dim3A_34 = arith.constant 0 : i32
      %broadcast_in_dim3A_35 = vector.broadcast %broadcast_in_dim3A_34 : i32 to vector<16xi32>
      %scan3A_36 = arith.constant 0 : i32
      %scan3A_37 = arith.constant 0 : i32
      %scan3A_38 = arith.constant 8 : i32
      %scan3A_39 = arith.addi %scan3A_37, %scan3A_38 : i32
      %scan3A_40 = arith.constant 1 : i32
      %scan3A_41 = scf.for %scan3A_239 = %scan3A_37 to %scan3A_39 step %scan3A_40 iter_args(%scan3A_240 = %scan3A_36) -> (i32)  : i32 {
        %mul3A_241 = arith.constant 1184 : i32
        %mul3A_242 = arith.muli %scan3A_239, %mul3A_241 : i32
        %add3A_243 = arith.addi %mul3A_33, %mul3A_242 : i32
        %add3A_244 = arith.constant 1184 : i32
        %add3A_245 = arith.addi %add3A_243, %add3A_244 : i32
        %le3A = arith.constant 150000 : i32
        %le3A_246 = arith.cmpi sle, %add3A_245, %le3A : i32
        %convert_element_type3A_247 = arith.extui %le3A_246 : i1 to i32
        %cond3A_248 = arith.constant 0 : i32
        %cond3A_249 = arith.cmpi ne, %convert_element_type3A_247, %cond3A_248 : i32
        scf.if %cond3A_249 {
          %run_scoped3A_267 = arith.constant 0 : i32
          "tpu.region"() ({
            %run_scoped3A_268 = tpu.sem_alloc : memref<!tpu.dma_semaphore, #tpu.memory_space<semaphore_mem>>
            %dma_start3A_269 = arith.constant 0 : i32
            %dma_start3A_270 = arith.constant 0 : i32
            %dma_start3A_271 = tpu.memref_slice %arg7[%run_scoped3A_267, %dma_start3A_269, %dma_start3A_270] : memref<2x1184x5xf32, #tpu.memory_space<vmem>> -> memref<1x1184x5xf32, #tpu.memory_space<vmem>>
            %dma_start3A_272 = tpu.memref_squeeze %dma_start3A_271 : memref<1x1184x5xf32, #tpu.memory_space<vmem>> -> memref<1184x5xf32, #tpu.memory_space<vmem>>
            %dma_start3A_273 = arith.constant 0 : i32
            %dma_start3A_274 = tpu.memref_slice %arg2[%add3A, %add3A_243, %dma_start3A_273] : memref<4x150000x5xf32, #tpu.memory_space<hbm>> -> memref<1x1184x5xf32, #tpu.memory_space<hbm>>
            %dma_start3A_275 = tpu.memref_squeeze %dma_start3A_274 : memref<1x1184x5xf32, #tpu.memory_space<hbm>> -> memref<1184x5xf32, #tpu.memory_space<hbm>>
            %dma_start3A_276 = arith.constant 0 : i32
            %dma_start3A_277 = arith.constant 0 : i32
            %dma_start3A_278 = tpu.memref_slice %arg7[%run_scoped3A_267, %dma_start3A_276, %dma_start3A_277] : memref<2x1184x5xf32, #tpu.memory_space<vmem>> -> memref<1x1184x5xf32, #tpu.memory_space<vmem>>
            %dma_start3A_279 = tpu.memref_squeeze %dma_start3A_278 : memref<1x1184x5xf32, #tpu.memory_space<vmem>> -> memref<1184x5xf32, #tpu.memory_space<vmem>>
            %dma_start3A_280 = arith.constant 0 : i32
            %dma_start3A_281 = tpu.memref_slice %arg2[%add3A, %add3A_243, %dma_start3A_280] : memref<4x150000x5xf32, #tpu.memory_space<hbm>> -> memref<1x1184x5xf32, #tpu.memory_space<hbm>>
            %dma_start3A_282 = tpu.memref_squeeze %dma_start3A_281 : memref<1x1184x5xf32, #tpu.memory_space<hbm>> -> memref<1184x5xf32, #tpu.memory_space<hbm>>
            tpu.enqueue_dma source(%dma_start3A_282 : memref<1184x5xf32, #tpu.memory_space<hbm>>) target(%dma_start3A_279 : memref<1184x5xf32, #tpu.memory_space<vmem>>) target_semaphore(%run_scoped3A_268 : memref<!tpu.dma_semaphore, #tpu.memory_space<semaphore_mem>>)
            %dma_wait3A_283 = arith.constant 0 : i32
            %dma_wait3A_284 = arith.constant 0 : i32
            %dma_wait3A_285 = tpu.memref_slice %arg7[%run_scoped3A_267, %dma_wait3A_283, %dma_wait3A_284] : memref<2x1184x5xf32, #tpu.memory_space<vmem>> -> memref<1x1184x5xf32, #tpu.memory_space<vmem>>
            %dma_wait3A_286 = tpu.memref_squeeze %dma_wait3A_285 : memref<1x1184x5xf32, #tpu.memory_space<vmem>> -> memref<1184x5xf32, #tpu.memory_space<vmem>>
            %dma_wait3A_287 = arith.constant 0 : i32
            %dma_wait3A_288 = tpu.memref_slice %arg2[%add3A, %add3A_243, %dma_wait3A_287] : memref<4x150000x5xf32, #tpu.memory_space<hbm>> -> memref<1x1184x5xf32, #tpu.memory_space<hbm>>
            %dma_wait3A_289 = tpu.memref_squeeze %dma_wait3A_288 : memref<1x1184x5xf32, #tpu.memory_space<hbm>> -> memref<1184x5xf32, #tpu.memory_space<hbm>>
            %dma_wait3A_290 = arith.constant 0 : i32
            %dma_wait3A_291 = arith.constant 0 : i32
            %dma_wait3A_292 = tpu.memref_slice %arg7[%run_scoped3A_267, %dma_wait3A_290, %dma_wait3A_291] : memref<2x1184x5xf32, #tpu.memory_space<vmem>> -> memref<1x1184x5xf32, #tpu.memory_space<vmem>>
            %dma_wait3A_293 = tpu.memref_squeeze %dma_wait3A_292 : memref<1x1184x5xf32, #tpu.memory_space<vmem>> -> memref<1184x5xf32, #tpu.memory_space<vmem>>
            %dma_wait3A_294 = arith.constant 0 : i32
            %dma_wait3A_295 = tpu.memref_slice %arg2[%add3A, %add3A_243, %dma_wait3A_294] : memref<4x150000x5xf32, #tpu.memory_space<hbm>> -> memref<1x1184x5xf32, #tpu.memory_space<hbm>>
            %dma_wait3A_296 = tpu.memref_squeeze %dma_wait3A_295 : memref<1x1184x5xf32, #tpu.memory_space<hbm>> -> memref<1184x5xf32, #tpu.memory_space<hbm>>
            tpu.wait_dma2 semaphore(%run_scoped3A_268 : memref<!tpu.dma_semaphore, #tpu.memory_space<semaphore_mem>>) src(%dma_wait3A_296 : memref<1184x5xf32, #tpu.memory_space<hbm>>) dst(%dma_wait3A_293 : memref<1184x5xf32, #tpu.memory_space<vmem>>)
            tpu.yield
          }) : () -> ()
        } else {
        }
        %eq3A_250 = arith.constant 149184 : i32
        %eq3A_251 = arith.cmpi eq, %add3A_243, %eq3A_250 : i32
        %convert_element_type3A_252 = arith.extui %eq3A_251 : i1 to i32
        %cond3A_253 = arith.constant 0 : i32
        %cond3A_254 = arith.cmpi ne, %convert_element_type3A_252, %cond3A_253 : i32
        scf.if %cond3A_254 {
          %run_scoped3A_267 = arith.constant 0 : i32
          "tpu.region"() ({
            %run_scoped3A_268 = tpu.sem_alloc : memref<!tpu.dma_semaphore, #tpu.memory_space<semaphore_mem>>
            %dma_start3A_269 = arith.constant 0 : i32
            %dma_start3A_270 = arith.constant 0 : i32
            %dma_start3A_271 = tpu.memref_slice %arg7[%run_scoped3A_267, %dma_start3A_269, %dma_start3A_270] : memref<2x1184x5xf32, #tpu.memory_space<vmem>> -> memref<1x1184x5xf32, #tpu.memory_space<vmem>>
            %dma_start3A_272 = tpu.memref_squeeze %dma_start3A_271 : memref<1x1184x5xf32, #tpu.memory_space<vmem>> -> memref<1184x5xf32, #tpu.memory_space<vmem>>
            %dma_start3A_273 = arith.constant 0 : i32
            %dma_start3A_274 = arith.constant 0 : i32
            %dma_start3A_275 = tpu.memref_slice %dma_start3A_272[%dma_start3A_273, %dma_start3A_274] : memref<1184x5xf32, #tpu.memory_space<vmem>> -> memref<816x5xf32, #tpu.memory_space<vmem>>
            %dma_start3A_276 = arith.constant 149184 : i32
            %dma_start3A_277 = arith.constant 0 : i32
            %dma_start3A_278 = tpu.memref_slice %arg2[%add3A, %dma_start3A_276, %dma_start3A_277] : memref<4x150000x5xf32, #tpu.memory_space<hbm>> -> memref<1x816x5xf32, #tpu.memory_space<hbm>>
            %dma_start3A_279 = tpu.memref_squeeze %dma_start3A_278 : memref<1x816x5xf32, #tpu.memory_space<hbm>> -> memref<816x5xf32, #tpu.memory_space<hbm>>
            %dma_start3A_280 = arith.constant 0 : i32
            %dma_start3A_281 = arith.constant 0 : i32
            %dma_start3A_282 = tpu.memref_slice %arg7[%run_scoped3A_267, %dma_start3A_280, %dma_start3A_281] : memref<2x1184x5xf32, #tpu.memory_space<vmem>> -> memref<1x1184x5xf32, #tpu.memory_space<vmem>>
            %dma_start3A_283 = tpu.memref_squeeze %dma_start3A_282 : memref<1x1184x5xf32, #tpu.memory_space<vmem>> -> memref<1184x5xf32, #tpu.memory_space<vmem>>
            %dma_start3A_284 = arith.constant 0 : i32
            %dma_start3A_285 = arith.constant 0 : i32
            %dma_start3A_286 = tpu.memref_slice %dma_start3A_283[%dma_start3A_284, %dma_start3A_285] : memref<1184x5xf32, #tpu.memory_space<vmem>> -> memref<816x5xf32, #tpu.memory_space<vmem>>
            %dma_start3A_287 = arith.constant 149184 : i32
            %dma_start3A_288 = arith.constant 0 : i32
            %dma_start3A_289 = tpu.memref_slice %arg2[%add3A, %dma_start3A_287, %dma_start3A_288] : memref<4x150000x5xf32, #tpu.memory_space<hbm>> -> memref<1x816x5xf32, #tpu.memory_space<hbm>>
            %dma_start3A_290 = tpu.memref_squeeze %dma_start3A_289 : memref<1x816x5xf32, #tpu.memory_space<hbm>> -> memref<816x5xf32, #tpu.memory_space<hbm>>
            tpu.enqueue_dma source(%dma_start3A_290 : memref<816x5xf32, #tpu.memory_space<hbm>>) target(%dma_start3A_286 : memref<816x5xf32, #tpu.memory_space<vmem>>) target_semaphore(%run_scoped3A_268 : memref<!tpu.dma_semaphore, #tpu.memory_space<semaphore_mem>>)
            %dma_wait3A_291 = arith.constant 0 : i32
            %dma_wait3A_292 = arith.constant 0 : i32
            %dma_wait3A_293 = tpu.memref_slice %arg7[%run_scoped3A_267, %dma_wait3A_291, %dma_wait3A_292] : memref<2x1184x5xf32, #tpu.memory_space<vmem>> -> memref<1x1184x5xf32, #tpu.memory_space<vmem>>
            %dma_wait3A_294 = tpu.memref_squeeze %dma_wait3A_293 : memref<1x1184x5xf32, #tpu.memory_space<vmem>> -> memref<1184x5xf32, #tpu.memory_space<vmem>>
            %dma_wait3A_295 = arith.constant 0 : i32
            %dma_wait3A_296 = arith.constant 0 : i32
            %dma_wait3A_297 = tpu.memref_slice %dma_wait3A_294[%dma_wait3A_295, %dma_wait3A_296] : memref<1184x5xf32, #tpu.memory_space<vmem>> -> memref<816x5xf32, #tpu.memory_space<vmem>>
            %dma_wait3A_298 = arith.constant 149184 : i32
            %dma_wait3A_299 = arith.constant 0 : i32
            %dma_wait3A_300 = tpu.memref_slice %arg2[%add3A, %dma_wait3A_298, %dma_wait3A_299] : memref<4x150000x5xf32, #tpu.memory_space<hbm>> -> memref<1x816x5xf32, #tpu.memory_space<hbm>>
            %dma_wait3A_301 = tpu.memref_squeeze %dma_wait3A_300 : memref<1x816x5xf32, #tpu.memory_space<hbm>> -> memref<816x5xf32, #tpu.memory_space<hbm>>
            %dma_wait3A_302 = arith.constant 0 : i32
            %dma_wait3A_303 = arith.constant 0 : i32
            %dma_wait3A_304 = tpu.memref_slice %arg7[%run_scoped3A_267, %dma_wait3A_302, %dma_wait3A_303] : memref<2x1184x5xf32, #tpu.memory_space<vmem>> -> memref<1x1184x5xf32, #tpu.memory_space<vmem>>
            %dma_wait3A_305 = tpu.memref_squeeze %dma_wait3A_304 : memref<1x1184x5xf32, #tpu.memory_space<vmem>> -> memref<1184x5xf32, #tpu.memory_space<vmem>>
            %dma_wait3A_306 = arith.constant 0 : i32
            %dma_wait3A_307 = arith.constant 0 : i32
            %dma_wait3A_308 = tpu.memref_slice %dma_wait3A_305[%dma_wait3A_306, %dma_wait3A_307] : memref<1184x5xf32, #tpu.memory_space<vmem>> -> memref<816x5xf32, #tpu.memory_space<vmem>>
            %dma_wait3A_309 = arith.constant 149184 : i32
            %dma_wait3A_310 = arith.constant 0 : i32
            %dma_wait3A_311 = tpu.memref_slice %arg2[%add3A, %dma_wait3A_309, %dma_wait3A_310] : memref<4x150000x5xf32, #tpu.memory_space<hbm>> -> memref<1x816x5xf32, #tpu.memory_space<hbm>>
            %dma_wait3A_312 = tpu.memref_squeeze %dma_wait3A_311 : memref<1x816x5xf32, #tpu.memory_space<hbm>> -> memref<816x5xf32, #tpu.memory_space<hbm>>
            tpu.wait_dma2 semaphore(%run_scoped3A_268 : memref<!tpu.dma_semaphore, #tpu.memory_space<semaphore_mem>>) src(%dma_wait3A_312 : memref<816x5xf32, #tpu.memory_space<hbm>>) dst(%dma_wait3A_308 : memref<816x5xf32, #tpu.memory_space<vmem>>)
            tpu.yield
          }) : () -> ()
        } else {
        }
        %scan3A_255 = arith.constant 0 : i32
        %scan3A_256 = arith.constant 0 : i32
        %scan3A_257 = arith.constant 74 : i32
        %scan3A_258 = arith.addi %scan3A_256, %scan3A_257 : i32
        %scan3A_259 = arith.constant 1 : i32
        %scan3A_260 = scf.for %scan3A_267 = %scan3A_256 to %scan3A_258 step %scan3A_259 iter_args(%scan3A_268 = %scan3A_255) -> (i32)  : i32 {
          %mul3A_269 = arith.constant 16 : i32
          %mul3A_270 = arith.muli %scan3A_267, %mul3A_269 : i32
          %add3A_271 = vector.broadcast %mul3A_270 : i32 to vector<16xi32>
          %add3A_272 = arith.addi %add3A_271, %iota3A : vector<16xi32>
          %add3A_273 = vector.broadcast %add3A_243 : i32 to vector<16xi32>
          %add3A_274 = arith.addi %add3A_273, %add3A_272 : vector<16xi32>
          %gather3A_275 = tpu.vector_load_idx %arg7[%broadcast_in_dim3A_35, %add3A_272, %broadcast_in_dim3A_6] : memref<2x1184x5xf32, #tpu.memory_space<vmem>>[vector<16xi32>, vector<16xi32>, vector<16xi32>], vector<16xf32>,
          %gather3A_276 = tpu.vector_load_idx %arg7[%broadcast_in_dim3A_35, %add3A_272, %broadcast_in_dim3A_8] : memref<2x1184x5xf32, #tpu.memory_space<vmem>>[vector<16xi32>, vector<16xi32>, vector<16xi32>], vector<16xf32>,
          %gather3A_277 = tpu.vector_load_idx %arg7[%broadcast_in_dim3A_35, %add3A_272, %broadcast_in_dim3A_10] : memref<2x1184x5xf32, #tpu.memory_space<vmem>>[vector<16xi32>, vector<16xi32>, vector<16xi32>], vector<16xf32>,
          %sub3A = arith.constant -5.120000e+01 : f32
          %sub3A_278 = vector.broadcast %sub3A : f32 to vector<16xf32>
          %sub3A_279 = arith.subf %gather3A_275, %sub3A_278 : vector<16xf32>
          %div3A = arith.constant 2.000000e-01 : f32
          %div3A_280 = vector.broadcast %div3A : f32 to vector<16xf32>
          %div3A_281 = arith.divf %sub3A_279, %div3A_280 : vector<16xf32>
          %sub3A_282 = arith.constant -5.120000e+01 : f32
          %sub3A_283 = vector.broadcast %sub3A_282 : f32 to vector<16xf32>
          %sub3A_284 = arith.subf %gather3A_276, %sub3A_283 : vector<16xf32>
          %div3A_285 = arith.constant 2.000000e-01 : f32
          %div3A_286 = vector.broadcast %div3A_285 : f32 to vector<16xf32>
          %div3A_287 = arith.divf %sub3A_284, %div3A_286 : vector<16xf32>
          %sub3A_288 = arith.constant -5.000000e+00 : f32
          %sub3A_289 = vector.broadcast %sub3A_288 : f32 to vector<16xf32>
          %sub3A_290 = arith.subf %gather3A_277, %sub3A_289 : vector<16xf32>
          %div3A_291 = arith.constant 8.000000e+00 : f32
          %div3A_292 = vector.broadcast %div3A_291 : f32 to vector<16xf32>
          %div3A_293 = arith.divf %sub3A_290, %div3A_292 : vector<16xf32>
          %ge3A = arith.constant 0.000000e+00 : f32
          %ge3A_294 = vector.broadcast %ge3A : f32 to vector<16xf32>
          %ge3A_295 = arith.cmpf oge, %div3A_281, %ge3A_294 : vector<16xf32>
          %lt3A_296 = arith.constant 5.120000e+02 : f32
          %lt3A_297 = vector.broadcast %lt3A_296 : f32 to vector<16xf32>
          %lt3A_298 = arith.cmpf olt, %div3A_281, %lt3A_297 : vector<16xf32>
          %and3A_299 = arith.andi %ge3A_295, %lt3A_298 : vector<16xi1>
          %ge3A_300 = arith.constant 0.000000e+00 : f32
          %ge3A_301 = vector.broadcast %ge3A_300 : f32 to vector<16xf32>
          %ge3A_302 = arith.cmpf oge, %div3A_287, %ge3A_301 : vector<16xf32>
          %and3A_303 = arith.andi %and3A_299, %ge3A_302 : vector<16xi1>
          %lt3A_304 = arith.constant 5.120000e+02 : f32
          %lt3A_305 = vector.broadcast %lt3A_304 : f32 to vector<16xf32>
          %lt3A_306 = arith.cmpf olt, %div3A_287, %lt3A_305 : vector<16xf32>
          %and3A_307 = arith.andi %and3A_303, %lt3A_306 : vector<16xi1>
          %ge3A_308 = arith.constant 0.000000e+00 : f32
          %ge3A_309 = vector.broadcast %ge3A_308 : f32 to vector<16xf32>
          %ge3A_310 = arith.cmpf oge, %div3A_293, %ge3A_309 : vector<16xf32>
          %and3A_311 = arith.andi %and3A_307, %ge3A_310 : vector<16xi1>
          %lt3A_312 = arith.constant 1.000000e+00 : f32
          %lt3A_313 = vector.broadcast %lt3A_312 : f32 to vector<16xf32>
          %lt3A_314 = arith.cmpf olt, %div3A_293, %lt3A_313 : vector<16xf32>
          %and3A_315 = arith.andi %and3A_311, %lt3A_314 : vector<16xi1>
          %lt3A_316 = arith.constant 150000 : i32
          %lt3A_317 = vector.broadcast %lt3A_316 : i32 to vector<16xi32>
          %lt3A_318 = arith.cmpi slt, %add3A_274, %lt3A_317 : vector<16xi32>
          %and3A_319 = arith.andi %and3A_315, %lt3A_318 : vector<16xi1>
          %jit3A_320 = arith.constant 0.000000e+00 : f32
          %jit3A_321 = arith.constant 5.130000e+02 : f32
          %max3A = vector.broadcast %jit3A_320 : f32 to vector<16xf32>
          %max3A_322 = arith.maximumf %max3A, %div3A_281 : vector<16xf32>
          %min3A = vector.broadcast %jit3A_321 : f32 to vector<16xf32>
          %min3A_323 = arith.minimumf %min3A, %max3A_322 : vector<16xf32>
          %convert_element_type3A_324 = arith.fptosi %min3A_323 : vector<16xf32> to vector<16xi32>
          %jit3A_325 = arith.constant 0.000000e+00 : f32
          %jit3A_326 = arith.constant 5.130000e+02 : f32
          %max3A_327 = vector.broadcast %jit3A_325 : f32 to vector<16xf32>
          %max3A_328 = arith.maximumf %max3A_327, %div3A_287 : vector<16xf32>
          %min3A_329 = vector.broadcast %jit3A_326 : f32 to vector<16xf32>
          %min3A_330 = arith.minimumf %min3A_329, %max3A_328 : vector<16xf32>
          %convert_element_type3A_331 = arith.fptosi %min3A_330 : vector<16xf32> to vector<16xi32>
          %mul3A_332 = arith.constant 512 : i32
          %mul3A_333 = vector.broadcast %mul3A_332 : i32 to vector<16xi32>
          %mul3A_334 = arith.muli %convert_element_type3A_331, %mul3A_333 : vector<16xi32>
          %add3A_335 = arith.addi %mul3A_334, %convert_element_type3A_324 : vector<16xi32>
          %jit3A_336 = arith.constant 262144 : i32
          %broadcast_in_dim3A_337 = vector.broadcast %jit3A_336 : i32 to vector<16xi32>
          %select_n3A_338 = arith.select %and3A_319, %add3A_335, %broadcast_in_dim3A_337 : vector<16xi1>, vector<16xi32>
          %mul3A_339 = arith.constant 16 : i32
          %mul3A_340 = arith.muli %scan3A_267, %mul3A_339 : i32
          %swap3A_341 = arith.constant 0 : i32
          %swap3A_342 = arith.index_cast %swap3A_341 : i32 to index
          %swap3A_343 = arith.index_cast %mul3A_340 : i32 to index
          %swap3A_344 = tpu.vector_load %arg8[%swap3A_342, %swap3A_343] {strides = array<i32>} : memref<2x1184xi32, #tpu.memory_space<vmem>>, vector<16xi32>,
          tpu.vector_store %arg8[%swap3A_342, %swap3A_343], %select_n3A_338 {strides = array<i32>} : memref<2x1184xi32, #tpu.memory_space<vmem>>, vector<16xi32>,
          %scan3A_345 = arith.constant 0 : i32
          scf.yield %scan3A_345 : i32
        }
        %scan3A_261 = arith.constant 74 : i32
        %mul3A_262 = arith.constant 151552 : i32
        %mul3A_263 = arith.muli %add3A, %mul3A_262 : i32
        %add3A_264 = arith.addi %mul3A_263, %add3A_243 : i32
        %run_scoped3A_265 = arith.constant 0 : i32
        "tpu.region"() ({
          %run_scoped3A_267 = tpu.sem_alloc : memref<!tpu.dma_semaphore, #tpu.memory_space<semaphore_mem>>
          %dma_start3A_268 = arith.constant 0 : i32
          %dma_start3A_269 = tpu.memref_slice %arg8[%run_scoped3A_265, %dma_start3A_268] : memref<2x1184xi32, #tpu.memory_space<vmem>> -> memref<1x1184xi32, #tpu.memory_space<vmem>>
          %dma_start3A_270 = tpu.memref_squeeze %dma_start3A_269 : memref<1x1184xi32, #tpu.memory_space<vmem>> -> memref<1184xi32, #tpu.memory_space<vmem>>
          %dma_start3A_271 = tpu.memref_slice %arg5[%add3A_264] : memref<606208xi32, #tpu.memory_space<hbm>> -> memref<1184xi32, #tpu.memory_space<hbm>>
          %dma_start3A_272 = tpu.memref_slice %arg5[%add3A_264] : memref<606208xi32, #tpu.memory_space<hbm>> -> memref<1184xi32, #tpu.memory_space<hbm>>
          %dma_start3A_273 = arith.constant 0 : i32
          %dma_start3A_274 = tpu.memref_slice %arg8[%run_scoped3A_265, %dma_start3A_273] : memref<2x1184xi32, #tpu.memory_space<vmem>> -> memref<1x1184xi32, #tpu.memory_space<vmem>>
          %dma_start3A_275 = tpu.memref_squeeze %dma_start3A_274 : memref<1x1184xi32, #tpu.memory_space<vmem>> -> memref<1184xi32, #tpu.memory_space<vmem>>
          tpu.enqueue_dma source(%dma_start3A_275 : memref<1184xi32, #tpu.memory_space<vmem>>) target(%dma_start3A_272 : memref<1184xi32, #tpu.memory_space<hbm>>) target_semaphore(%run_scoped3A_267 : memref<!tpu.dma_semaphore, #tpu.memory_space<semaphore_mem>>)
          %dma_wait3A_276 = arith.constant 0 : i32
          %dma_wait3A_277 = tpu.memref_slice %arg8[%run_scoped3A_265, %dma_wait3A_276] : memref<2x1184xi32, #tpu.memory_space<vmem>> -> memref<1x1184xi32, #tpu.memory_space<vmem>>
          %dma_wait3A_278 = tpu.memref_squeeze %dma_wait3A_277 : memref<1x1184xi32, #tpu.memory_space<vmem>> -> memref<1184xi32, #tpu.memory_space<vmem>>
          %dma_wait3A_279 = tpu.memref_slice %arg5[%add3A_264] : memref<606208xi32, #tpu.memory_space<hbm>> -> memref<1184xi32, #tpu.memory_space<hbm>>
          %dma_wait3A_280 = tpu.memref_slice %arg5[%add3A_264] : memref<606208xi32, #tpu.memory_space<hbm>> -> memref<1184xi32, #tpu.memory_space<hbm>>
          %dma_wait3A_281 = arith.constant 0 : i32
          %dma_wait3A_282 = tpu.memref_slice %arg8[%run_scoped3A_265, %dma_wait3A_281] : memref<2x1184xi32, #tpu.memory_space<vmem>> -> memref<1x1184xi32, #tpu.memory_space<vmem>>
          %dma_wait3A_283 = tpu.memref_squeeze %dma_wait3A_282 : memref<1x1184xi32, #tpu.memory_space<vmem>> -> memref<1184xi32, #tpu.memory_space<vmem>>
          tpu.wait_dma2 semaphore(%run_scoped3A_267 : memref<!tpu.dma_semaphore, #tpu.memory_space<semaphore_mem>>) src(%dma_wait3A_283 : memref<1184xi32, #tpu.memory_space<vmem>>) dst(%dma_wait3A_280 : memref<1184xi32, #tpu.memory_space<hbm>>)
          tpu.yield
        }) : () -> ()
        %scan3A_266 = arith.constant 0 : i32
        scf.yield %scan3A_266 : i32
      }
      %scan3A_42 = arith.constant 8 : i32
      %jit3A = arith.constant 4 : i32
      "tpu.trace_stop"() : () -> ()
      "tpu.trace_start"() <{level = 10 : i32, message = "init_cblock"}> : () -> ()
      %eq3A = arith.constant 0 : i32
      %eq3A_43 = arith.cmpi eq, %jit3A, %eq3A : i32
      %jit3A_44 = arith.constant 1 : i32
      %select_n3A = arith.select %eq3A_43, %jit3A_44, %jit3A : i32
      %rem3A = vector.broadcast %select_n3A : i32 to vector<16xi32>
      %rem3A_45 = arith.remsi %iota3A, %rem3A : vector<16xi32>
      %ne3A = arith.constant 0 : i32
      %ne3A_46 = vector.broadcast %ne3A : i32 to vector<16xi32>
      %ne3A_47 = arith.cmpi ne, %rem3A_45, %ne3A_46 : vector<16xi32>
      %lt3A = arith.constant 0 : i32
      %lt3A_48 = vector.broadcast %lt3A : i32 to vector<16xi32>
      %lt3A_49 = arith.cmpi slt, %rem3A_45, %lt3A_48 : vector<16xi32>
      %lt3A_50 = arith.constant 0 : i32
      %lt3A_51 = arith.cmpi slt, %select_n3A, %lt3A_50 : i32
      %ne3A_52 = vector.broadcast %lt3A_51 : i1 to vector<16xi1>
      %ne3A_53 = vector.broadcast %ne3A_52 : vector<16xi1> to vector<16xi1>
      %ne3A_54 = arith.xori %lt3A_49, %ne3A_53 : vector<16xi1>
      %and3A = arith.andi %ne3A_54, %ne3A_47 : vector<16xi1>
      %add3A_55 = vector.broadcast %select_n3A : i32 to vector<16xi32>
      %add3A_56 = arith.addi %rem3A_45, %add3A_55 : vector<16xi32>
      %select_n3A_57 = arith.select %and3A, %add3A_56, %rem3A_45 : vector<16xi1>, vector<16xi32>
      %eq3A_58 = arith.constant 0 : i32
      %eq3A_59 = vector.broadcast %eq3A_58 : i32 to vector<16xi32>
      %eq3A_60 = arith.cmpi eq, %select_n3A_57, %eq3A_59 : vector<16xi32>
      %broadcast_in_dim3A_61 = vector.broadcast %add3A : i32 to vector<16xi32>
      %broadcast_in_dim3A_62 = arith.constant -1 : i32
      %broadcast_in_dim3A_63 = vector.broadcast %broadcast_in_dim3A_62 : i32 to vector<16xi32>
      %select_n3A_64 = arith.select %eq3A_60, %broadcast_in_dim3A_61, %broadcast_in_dim3A_63 : vector<16xi1>, vector<16xi32>
      %scan3A_65 = arith.constant 0 : i32
      %scan3A_66 = arith.constant 0 : i32
      %scan3A_67 = arith.constant 60 : i32
      %scan3A_68 = arith.addi %scan3A_66, %scan3A_67 : i32
      %scan3A_69 = arith.constant 1 : i32
      scf.for %scan3A_239 = %scan3A_66 to %scan3A_68 step %scan3A_69  : i32 {
        %mul3A_240 = arith.constant 16 : i32
        %mul3A_241 = arith.muli %scan3A_239, %mul3A_240 : i32
        %swap3A_242 = arith.index_cast %mul3A_241 : i32 to index
        %swap3A_243 = tpu.vector_load %arg12[%swap3A_242] {strides = array<i32>} : memref<960xi32, #tpu.memory_space<vmem>>, vector<16xi32>,
        tpu.vector_store %arg12[%swap3A_242], %select_n3A_64 {strides = array<i32>} : memref<960xi32, #tpu.memory_space<vmem>>, vector<16xi32>,
      }
      %scan3A_70 = arith.constant 60 : i32
      %mul3A_71 = arith.constant 7504 : i32
      %mul3A_72 = arith.muli %arg1, %mul3A_71 : i32
      %add3A_73 = arith.constant 0 : i32
      %add3A_74 = arith.addi %mul3A_72, %add3A_73 : i32
      %dma_start3A = tpu.memref_slice %arg31[%add3A_74] : memref<120064xi32, #tpu.memory_space<vmem_shared>> -> memref<960xi32, #tpu.memory_space<vmem_shared>>
      %dma_start3A_75 = tpu.memref_slice %arg31[%add3A_74] : memref<120064xi32, #tpu.memory_space<vmem_shared>> -> memref<960xi32, #tpu.memory_space<vmem_shared>>
      tpu.enqueue_dma source(%arg12 : memref<960xi32, #tpu.memory_space<vmem>>) target(%dma_start3A_75 : memref<960xi32, #tpu.memory_space<vmem_shared>>) target_semaphore(%arg34 : memref<!tpu.dma_semaphore, #tpu.memory_space<semaphore_mem>>)
      %add3A_76 = arith.constant 960 : i32
      %add3A_77 = arith.addi %mul3A_72, %add3A_76 : i32
      %dma_start3A_78 = tpu.memref_slice %arg31[%add3A_77] : memref<120064xi32, #tpu.memory_space<vmem_shared>> -> memref<960xi32, #tpu.memory_space<vmem_shared>>
      %dma_start3A_79 = tpu.memref_slice %arg31[%add3A_77] : memref<120064xi32, #tpu.memory_space<vmem_shared>> -> memref<960xi32, #tpu.memory_space<vmem_shared>>
      tpu.enqueue_dma source(%arg12 : memref<960xi32, #tpu.memory_space<vmem>>) target(%dma_start3A_79 : memref<960xi32, #tpu.memory_space<vmem_shared>>) target_semaphore(%arg34 : memref<!tpu.dma_semaphore, #tpu.memory_space<semaphore_mem>>)
      %add3A_80 = arith.constant 1920 : i32
      %add3A_81 = arith.addi %mul3A_72, %add3A_80 : i32
      %dma_start3A_82 = tpu.memref_slice %arg31[%add3A_81] : memref<120064xi32, #tpu.memory_space<vmem_shared>> -> memref<960xi32, #tpu.memory_space<vmem_shared>>
      %dma_start3A_83 = tpu.memref_slice %arg31[%add3A_81] : memref<120064xi32, #tpu.memory_space<vmem_shared>> -> memref<960xi32, #tpu.memory_space<vmem_shared>>
      tpu.enqueue_dma source(%arg12 : memref<960xi32, #tpu.memory_space<vmem>>) target(%dma_start3A_83 : memref<960xi32, #tpu.memory_space<vmem_shared>>) target_semaphore(%arg34 : memref<!tpu.dma_semaphore, #tpu.memory_space<semaphore_mem>>)
      %add3A_84 = arith.constant 2880 : i32
      %add3A_85 = arith.addi %mul3A_72, %add3A_84 : i32
      %dma_start3A_86 = tpu.memref_slice %arg31[%add3A_85] : memref<120064xi32, #tpu.memory_space<vmem_shared>> -> memref<960xi32, #tpu.memory_space<vmem_shared>>
      %dma_start3A_87 = tpu.memref_slice %arg31[%add3A_85] : memref<120064xi32, #tpu.memory_space<vmem_shared>> -> memref<960xi32, #tpu.memory_space<vmem_shared>>
      tpu.enqueue_dma source(%arg12 : memref<960xi32, #tpu.memory_space<vmem>>) target(%dma_start3A_87 : memref<960xi32, #tpu.memory_space<vmem_shared>>) target_semaphore(%arg34 : memref<!tpu.dma_semaphore, #tpu.memory_space<semaphore_mem>>)
      %add3A_88 = arith.constant 3840 : i32
      %add3A_89 = arith.addi %mul3A_72, %add3A_88 : i32
      %dma_start3A_90 = tpu.memref_slice %arg31[%add3A_89] : memref<120064xi32, #tpu.memory_space<vmem_shared>> -> memref<960xi32, #tpu.memory_space<vmem_shared>>
      %dma_start3A_91 = tpu.memref_slice %arg31[%add3A_89] : memref<120064xi32, #tpu.memory_space<vmem_shared>> -> memref<960xi32, #tpu.memory_space<vmem_shared>>
      tpu.enqueue_dma source(%arg12 : memref<960xi32, #tpu.memory_space<vmem>>) target(%dma_start3A_91 : memref<960xi32, #tpu.memory_space<vmem_shared>>) target_semaphore(%arg34 : memref<!tpu.dma_semaphore, #tpu.memory_space<semaphore_mem>>)
      %add3A_92 = arith.constant 4800 : i32
      %add3A_93 = arith.addi %mul3A_72, %add3A_92 : i32
      %dma_start3A_94 = tpu.memref_slice %arg31[%add3A_93] : memref<120064xi32, #tpu.memory_space<vmem_shared>> -> memref<960xi32, #tpu.memory_space<vmem_shared>>
      %dma_start3A_95 = tpu.memref_slice %arg31[%add3A_93] : memref<120064xi32, #tpu.memory_space<vmem_shared>> -> memref<960xi32, #tpu.memory_space<vmem_shared>>
      tpu.enqueue_dma source(%arg12 : memref<960xi32, #tpu.memory_space<vmem>>) target(%dma_start3A_95 : memref<960xi32, #tpu.memory_space<vmem_shared>>) target_semaphore(%arg34 : memref<!tpu.dma_semaphore, #tpu.memory_space<semaphore_mem>>)
      %add3A_96 = arith.constant 5760 : i32
      %add3A_97 = arith.addi %mul3A_72, %add3A_96 : i32
      %dma_start3A_98 = tpu.memref_slice %arg31[%add3A_97] : memref<120064xi32, #tpu.memory_space<vmem_shared>> -> memref<960xi32, #tpu.memory_space<vmem_shared>>
      %dma_start3A_99 = tpu.memref_slice %arg31[%add3A_97] : memref<120064xi32, #tpu.memory_space<vmem_shared>> -> memref<960xi32, #tpu.memory_space<vmem_shared>>
      tpu.enqueue_dma source(%arg12 : memref<960xi32, #tpu.memory_space<vmem>>) target(%dma_start3A_99 : memref<960xi32, #tpu.memory_space<vmem_shared>>) target_semaphore(%arg34 : memref<!tpu.dma_semaphore, #tpu.memory_space<semaphore_mem>>)
      %lt3A_100 = arith.constant 15 : i32
      %lt3A_101 = arith.cmpi slt, %arg1, %lt3A_100 : i32
      %convert_element_type3A = arith.extui %lt3A_101 : i1 to i32
      %cond3A = arith.constant 0 : i32
      %cond3A_102 = arith.cmpi ne, %convert_element_type3A, %cond3A : i32
      scf.if %cond3A_102 {
        %add3A_239 = arith.constant 6720 : i32
        %add3A_240 = arith.addi %mul3A_72, %add3A_239 : i32
        %dma_start3A_241 = arith.constant 0 : i32
        %dma_start3A_242 = tpu.memref_slice %arg12[%dma_start3A_241] : memref<960xi32, #tpu.memory_space<vmem>> -> memref<784xi32, #tpu.memory_space<vmem>>
        %dma_start3A_243 = tpu.memref_slice %arg31[%add3A_240] : memref<120064xi32, #tpu.memory_space<vmem_shared>> -> memref<784xi32, #tpu.memory_space<vmem_shared>>
        %dma_start3A_244 = tpu.memref_slice %arg31[%add3A_240] : memref<120064xi32, #tpu.memory_space<vmem_shared>> -> memref<784xi32, #tpu.memory_space<vmem_shared>>
        %dma_start3A_245 = arith.constant 0 : i32
        %dma_start3A_246 = tpu.memref_slice %arg12[%dma_start3A_245] : memref<960xi32, #tpu.memory_space<vmem>> -> memref<784xi32, #tpu.memory_space<vmem>>
        tpu.enqueue_dma source(%dma_start3A_246 : memref<784xi32, #tpu.memory_space<vmem>>) target(%dma_start3A_244 : memref<784xi32, #tpu.memory_space<vmem_shared>>) target_semaphore(%arg34 : memref<!tpu.dma_semaphore, #tpu.memory_space<semaphore_mem>>)
        %dma_wait3A_247 = arith.constant 0 : i32
        %dma_wait3A_248 = tpu.memref_slice %arg12[%dma_wait3A_247] : memref<960xi32, #tpu.memory_space<vmem>> -> memref<784xi32, #tpu.memory_space<vmem>>
        %dma_wait3A_249 = tpu.memref_slice %arg31[%add3A_240] : memref<120064xi32, #tpu.memory_space<vmem_shared>> -> memref<784xi32, #tpu.memory_space<vmem_shared>>
        %dma_wait3A_250 = tpu.memref_slice %arg31[%add3A_240] : memref<120064xi32, #tpu.memory_space<vmem_shared>> -> memref<784xi32, #tpu.memory_space<vmem_shared>>
        %dma_wait3A_251 = arith.constant 0 : i32
        %dma_wait3A_252 = tpu.memref_slice %arg12[%dma_wait3A_251] : memref<960xi32, #tpu.memory_space<vmem>> -> memref<784xi32, #tpu.memory_space<vmem>>
        tpu.wait_dma2 semaphore(%arg34 : memref<!tpu.dma_semaphore, #tpu.memory_space<semaphore_mem>>) src(%dma_wait3A_252 : memref<784xi32, #tpu.memory_space<vmem>>) dst(%dma_wait3A_250 : memref<784xi32, #tpu.memory_space<vmem_shared>>)
      } else {
      }
      %eq3A_103 = arith.constant 15 : i32
      %eq3A_104 = arith.cmpi eq, %arg1, %eq3A_103 : i32
      %convert_element_type3A_105 = arith.extui %eq3A_104 : i1 to i32
      %cond3A_106 = arith.constant 0 : i32
      %cond3A_107 = arith.cmpi ne, %convert_element_type3A_105, %cond3A_106 : i32
      scf.if %cond3A_107 {
        %add3A_239 = arith.constant 6720 : i32
        %add3A_240 = arith.addi %mul3A_72, %add3A_239 : i32
        %dma_start3A_241 = arith.constant 0 : i32
        %dma_start3A_242 = tpu.memref_slice %arg12[%dma_start3A_241] : memref<960xi32, #tpu.memory_space<vmem>> -> memref<720xi32, #tpu.memory_space<vmem>>
        %dma_start3A_243 = tpu.memref_slice %arg31[%add3A_240] : memref<120064xi32, #tpu.memory_space<vmem_shared>> -> memref<720xi32, #tpu.memory_space<vmem_shared>>
        %dma_start3A_244 = tpu.memref_slice %arg31[%add3A_240] : memref<120064xi32, #tpu.memory_space<vmem_shared>> -> memref<720xi32, #tpu.memory_space<vmem_shared>>
        %dma_start3A_245 = arith.constant 0 : i32
        %dma_start3A_246 = tpu.memref_slice %arg12[%dma_start3A_245] : memref<960xi32, #tpu.memory_space<vmem>> -> memref<720xi32, #tpu.memory_space<vmem>>
        tpu.enqueue_dma source(%dma_start3A_246 : memref<720xi32, #tpu.memory_space<vmem>>) target(%dma_start3A_244 : memref<720xi32, #tpu.memory_space<vmem_shared>>) target_semaphore(%arg34 : memref<!tpu.dma_semaphore, #tpu.memory_space<semaphore_mem>>)
        %dma_wait3A_247 = arith.constant 0 : i32
        %dma_wait3A_248 = tpu.memref_slice %arg12[%dma_wait3A_247] : memref<960xi32, #tpu.memory_space<vmem>> -> memref<720xi32, #tpu.memory_space<vmem>>
        %dma_wait3A_249 = tpu.memref_slice %arg31[%add3A_240] : memref<120064xi32, #tpu.memory_space<vmem_shared>> -> memref<720xi32, #tpu.memory_space<vmem_shared>>
        %dma_wait3A_250 = tpu.memref_slice %arg31[%add3A_240] : memref<120064xi32, #tpu.memory_space<vmem_shared>> -> memref<720xi32, #tpu.memory_space<vmem_shared>>
        %dma_wait3A_251 = arith.constant 0 : i32
        %dma_wait3A_252 = tpu.memref_slice %arg12[%dma_wait3A_251] : memref<960xi32, #tpu.memory_space<vmem>> -> memref<720xi32, #tpu.memory_space<vmem>>
        tpu.wait_dma2 semaphore(%arg34 : memref<!tpu.dma_semaphore, #tpu.memory_space<semaphore_mem>>) src(%dma_wait3A_252 : memref<720xi32, #tpu.memory_space<vmem>>) dst(%dma_wait3A_250 : memref<720xi32, #tpu.memory_space<vmem_shared>>)
      } else {
      }
      %dma_wait3A = tpu.memref_slice %arg31[%add3A_74] : memref<120064xi32, #tpu.memory_space<vmem_shared>> -> memref<960xi32, #tpu.memory_space<vmem_shared>>
      %dma_wait3A_108 = tpu.memref_slice %arg31[%add3A_74] : memref<120064xi32, #tpu.memory_space<vmem_shared>> -> memref<960xi32, #tpu.memory_space<vmem_shared>>
      tpu.wait_dma2 semaphore(%arg34 : memref<!tpu.dma_semaphore, #tpu.memory_space<semaphore_mem>>) src(%arg12 : memref<960xi32, #tpu.memory_space<vmem>>) dst(%dma_wait3A_108 : memref<960xi32, #tpu.memory_space<vmem_shared>>)
      %dma_wait3A_109 = tpu.memref_slice %arg31[%add3A_77] : memref<120064xi32, #tpu.memory_space<vmem_shared>> -> memref<960xi32, #tpu.memory_space<vmem_shared>>
      %dma_wait3A_110 = tpu.memref_slice %arg31[%add3A_77] : memref<120064xi32, #tpu.memory_space<vmem_shared>> -> memref<960xi32, #tpu.memory_space<vmem_shared>>
      tpu.wait_dma2 semaphore(%arg34 : memref<!tpu.dma_semaphore, #tpu.memory_space<semaphore_mem>>) src(%arg12 : memref<960xi32, #tpu.memory_space<vmem>>) dst(%dma_wait3A_110 : memref<960xi32, #tpu.memory_space<vmem_shared>>)
      %dma_wait3A_111 = tpu.memref_slice %arg31[%add3A_81] : memref<120064xi32, #tpu.memory_space<vmem_shared>> -> memref<960xi32, #tpu.memory_space<vmem_shared>>
      %dma_wait3A_112 = tpu.memref_slice %arg31[%add3A_81] : memref<120064xi32, #tpu.memory_space<vmem_shared>> -> memref<960xi32, #tpu.memory_space<vmem_shared>>
      tpu.wait_dma2 semaphore(%arg34 : memref<!tpu.dma_semaphore, #tpu.memory_space<semaphore_mem>>) src(%arg12 : memref<960xi32, #tpu.memory_space<vmem>>) dst(%dma_wait3A_112 : memref<960xi32, #tpu.memory_space<vmem_shared>>)
      %dma_wait3A_113 = tpu.memref_slice %arg31[%add3A_85] : memref<120064xi32, #tpu.memory_space<vmem_shared>> -> memref<960xi32, #tpu.memory_space<vmem_shared>>
      %dma_wait3A_114 = tpu.memref_slice %arg31[%add3A_85] : memref<120064xi32, #tpu.memory_space<vmem_shared>> -> memref<960xi32, #tpu.memory_space<vmem_shared>>
      tpu.wait_dma2 semaphore(%arg34 : memref<!tpu.dma_semaphore, #tpu.memory_space<semaphore_mem>>) src(%arg12 : memref<960xi32, #tpu.memory_space<vmem>>) dst(%dma_wait3A_114 : memref<960xi32, #tpu.memory_space<vmem_shared>>)
      %dma_wait3A_115 = tpu.memref_slice %arg31[%add3A_89] : memref<120064xi32, #tpu.memory_space<vmem_shared>> -> memref<960xi32, #tpu.memory_space<vmem_shared>>
      %dma_wait3A_116 = tpu.memref_slice %arg31[%add3A_89] : memref<120064xi32, #tpu.memory_space<vmem_shared>> -> memref<960xi32, #tpu.memory_space<vmem_shared>>
      tpu.wait_dma2 semaphore(%arg34 : memref<!tpu.dma_semaphore, #tpu.memory_space<semaphore_mem>>) src(%arg12 : memref<960xi32, #tpu.memory_space<vmem>>) dst(%dma_wait3A_116 : memref<960xi32, #tpu.memory_space<vmem_shared>>)
      %dma_wait3A_117 = tpu.memref_slice %arg31[%add3A_93] : memref<120064xi32, #tpu.memory_space<vmem_shared>> -> memref<960xi32, #tpu.memory_space<vmem_shared>>
      %dma_wait3A_118 = tpu.memref_slice %arg31[%add3A_93] : memref<120064xi32, #tpu.memory_space<vmem_shared>> -> memref<960xi32, #tpu.memory_space<vmem_shared>>
      tpu.wait_dma2 semaphore(%arg34 : memref<!tpu.dma_semaphore, #tpu.memory_space<semaphore_mem>>) src(%arg12 : memref<960xi32, #tpu.memory_space<vmem>>) dst(%dma_wait3A_118 : memref<960xi32, #tpu.memory_space<vmem_shared>>)
      %dma_wait3A_119 = tpu.memref_slice %arg31[%add3A_97] : memref<120064xi32, #tpu.memory_space<vmem_shared>> -> memref<960xi32, #tpu.memory_space<vmem_shared>>
      %dma_wait3A_120 = tpu.memref_slice %arg31[%add3A_97] : memref<120064xi32, #tpu.memory_space<vmem_shared>> -> memref<960xi32, #tpu.memory_space<vmem_shared>>
      tpu.wait_dma2 semaphore(%arg34 : memref<!tpu.dma_semaphore, #tpu.memory_space<semaphore_mem>>) src(%arg12 : memref<960xi32, #tpu.memory_space<vmem>>) dst(%dma_wait3A_120 : memref<960xi32, #tpu.memory_space<vmem_shared>>)
      "tpu.trace_stop"() : () -> ()
      %barrier3A = arith.constant 0 : index
      tpu.barrier barrier_id(%barrier3A)
      "tpu.trace_start"() <{level = 10 : i32, message = "b1_count"}> : () -> ()
      %scan3A_121 = arith.constant 0 : i32
      %scan3A_122 = arith.constant 0 : i32
      %scan3A_123 = arith.constant 1024 : i32
      %scan3A_124 = arith.addi %scan3A_122, %scan3A_123 : i32
      %scan3A_125 = arith.constant 1 : i32
      scf.for %scan3A_239 = %scan3A_122 to %scan3A_124 step %scan3A_125  : i32 {
        %mul3A_240 = arith.constant 16 : i32
        %mul3A_241 = arith.muli %scan3A_239, %mul3A_240 : i32
        %swap3A_242 = arith.index_cast %mul3A_241 : i32 to index
        %swap3A_243 = tpu.vector_load %arg9[%swap3A_242] {strides = array<i32>} : memref<16384xi32, #tpu.memory_space<vmem>>, vector<16xi32>,
        tpu.vector_store %arg9[%swap3A_242], %broadcast_in_dim3A_2 {strides = array<i32>} : memref<16384xi32, #tpu.memory_space<vmem>>, vector<16xi32>,
      }
      %scan3A_126 = arith.constant 1024 : i32
      %scan3A_127 = arith.constant 0 : i32
      %scan3A_128 = arith.constant 0 : i32
      %scan3A_129 = arith.constant 128 : i32
      %scan3A_130 = arith.addi %scan3A_128, %scan3A_129 : i32
      %scan3A_131 = arith.constant 1 : i32
      %scan3A_132 = scf.for %scan3A_239 = %scan3A_128 to %scan3A_130 step %scan3A_131 iter_args(%scan3A_240 = %scan3A_127) -> (i32)  : i32 {
        %mul3A_241 = arith.constant 151552 : i32
        %mul3A_242 = arith.muli %add3A, %mul3A_241 : i32
        %mul3A_243 = arith.constant 1184 : i32
        %mul3A_244 = arith.muli %scan3A_239, %mul3A_243 : i32
        %add3A_245 = arith.addi %mul3A_242, %mul3A_244 : i32
        %run_scoped3A_246 = arith.constant 0 : i32
        "tpu.region"() ({
          %run_scoped3A_255 = tpu.sem_alloc : memref<!tpu.dma_semaphore, #tpu.memory_space<semaphore_mem>>
          %dma_start3A_256 = arith.constant 0 : i32
          %dma_start3A_257 = tpu.memref_slice %arg8[%run_scoped3A_246, %dma_start3A_256] : memref<2x1184xi32, #tpu.memory_space<vmem>> -> memref<1x1184xi32, #tpu.memory_space<vmem>>
          %dma_start3A_258 = tpu.memref_squeeze %dma_start3A_257 : memref<1x1184xi32, #tpu.memory_space<vmem>> -> memref<1184xi32, #tpu.memory_space<vmem>>
          %dma_start3A_259 = tpu.memref_slice %arg5[%add3A_245] : memref<606208xi32, #tpu.memory_space<hbm>> -> memref<1184xi32, #tpu.memory_space<hbm>>
          %dma_start3A_260 = arith.constant 0 : i32
          %dma_start3A_261 = tpu.memref_slice %arg8[%run_scoped3A_246, %dma_start3A_260] : memref<2x1184xi32, #tpu.memory_space<vmem>> -> memref<1x1184xi32, #tpu.memory_space<vmem>>
          %dma_start3A_262 = tpu.memref_squeeze %dma_start3A_261 : memref<1x1184xi32, #tpu.memory_space<vmem>> -> memref<1184xi32, #tpu.memory_space<vmem>>
          %dma_start3A_263 = tpu.memref_slice %arg5[%add3A_245] : memref<606208xi32, #tpu.memory_space<hbm>> -> memref<1184xi32, #tpu.memory_space<hbm>>
          tpu.enqueue_dma source(%dma_start3A_263 : memref<1184xi32, #tpu.memory_space<hbm>>) target(%dma_start3A_262 : memref<1184xi32, #tpu.memory_space<vmem>>) target_semaphore(%run_scoped3A_255 : memref<!tpu.dma_semaphore, #tpu.memory_space<semaphore_mem>>)
          %dma_wait3A_264 = arith.constant 0 : i32
          %dma_wait3A_265 = tpu.memref_slice %arg8[%run_scoped3A_246, %dma_wait3A_264] : memref<2x1184xi32, #tpu.memory_space<vmem>> -> memref<1x1184xi32, #tpu.memory_space<vmem>>
          %dma_wait3A_266 = tpu.memref_squeeze %dma_wait3A_265 : memref<1x1184xi32, #tpu.memory_space<vmem>> -> memref<1184xi32, #tpu.memory_space<vmem>>
          %dma_wait3A_267 = tpu.memref_slice %arg5[%add3A_245] : memref<606208xi32, #tpu.memory_space<hbm>> -> memref<1184xi32, #tpu.memory_space<hbm>>
          %dma_wait3A_268 = arith.constant 0 : i32
          %dma_wait3A_269 = tpu.memref_slice %arg8[%run_scoped3A_246, %dma_wait3A_268] : memref<2x1184xi32, #tpu.memory_space<vmem>> -> memref<1x1184xi32, #tpu.memory_space<vmem>>
          %dma_wait3A_270 = tpu.memref_squeeze %dma_wait3A_269 : memref<1x1184xi32, #tpu.memory_space<vmem>> -> memref<1184xi32, #tpu.memory_space<vmem>>
          %dma_wait3A_271 = tpu.memref_slice %arg5[%add3A_245] : memref<606208xi32, #tpu.memory_space<hbm>> -> memref<1184xi32, #tpu.memory_space<hbm>>
          tpu.wait_dma2 semaphore(%run_scoped3A_255 : memref<!tpu.dma_semaphore, #tpu.memory_space<semaphore_mem>>) src(%dma_wait3A_271 : memref<1184xi32, #tpu.memory_space<hbm>>) dst(%dma_wait3A_270 : memref<1184xi32, #tpu.memory_space<vmem>>)
          tpu.yield
        }) : () -> ()
        %scan3A_247 = arith.constant 0 : i32
        %scan3A_248 = arith.constant 0 : i32
        %scan3A_249 = arith.constant 74 : i32
        %scan3A_250 = arith.addi %scan3A_248, %scan3A_249 : i32
        %scan3A_251 = arith.constant 1 : i32
        %scan3A_252 = scf.for %scan3A_255 = %scan3A_248 to %scan3A_250 step %scan3A_251 iter_args(%scan3A_256 = %scan3A_247) -> (i32)  : i32 {
          %mul3A_257 = arith.constant 16 : i32
          %mul3A_258 = arith.muli %scan3A_255, %mul3A_257 : i32
          %get3A = arith.constant 0 : i32
          %get3A_259 = arith.index_cast %get3A : i32 to index
          %get3A_260 = arith.index_cast %mul3A_258 : i32 to index
          %get3A_261 = tpu.vector_load %arg8[%get3A_259, %get3A_260] {strides = array<i32>} : memref<2x1184xi32, #tpu.memory_space<vmem>>, vector<16xi32>,
          %ge3A = vector.broadcast %mul3A_15 : i32 to vector<16xi32>
          %ge3A_262 = arith.cmpi sge, %get3A_261, %ge3A : vector<16xi32>
          %add3A_263 = arith.constant 16384 : i32
          %add3A_264 = arith.addi %mul3A_15, %add3A_263 : i32
          %lt3A_265 = vector.broadcast %add3A_264 : i32 to vector<16xi32>
          %lt3A_266 = arith.cmpi slt, %get3A_261, %lt3A_265 : vector<16xi32>
          %and3A_267 = arith.andi %ge3A_262, %lt3A_266 : vector<16xi1>
          %sub3A = vector.broadcast %mul3A_15 : i32 to vector<16xi32>
          %sub3A_268 = arith.subi %get3A_261, %sub3A : vector<16xi32>
          %jit3A_269 = arith.constant 0 : i32
          %broadcast_in_dim3A_270 = vector.broadcast %jit3A_269 : i32 to vector<16xi32>
          %select_n3A_271 = arith.select %and3A_267, %sub3A_268, %broadcast_in_dim3A_270 : vector<16xi1>, vector<16xi32>
          tpu.vector_store_idx %arg9[%select_n3A_271], %broadcast_in_dim3A_0 masked %and3A_267 {add = true} : memref<16384xi32, #tpu.memory_space<vmem>>[vector<16xi32>], vector<16xi32>, vector<16xi1>
          %scan3A_272 = arith.constant 0 : i32
          scf.yield %scan3A_272 : i32
        }
        %scan3A_253 = arith.constant 74 : i32
        %scan3A_254 = arith.constant 0 : i32
        scf.yield %scan3A_254 : i32
      }
      %scan3A_133 = arith.constant 128 : i32
      "tpu.trace_stop"() : () -> ()
      "tpu.trace_start"() <{level = 10 : i32, message = "prefix"}> : () -> ()
      %scan3A_134 = arith.constant 0 : i32
      %scan3A_135 = arith.constant 0 : i32
      %scan3A_136 = arith.constant 1024 : i32
      %scan3A_137 = arith.addi %scan3A_135, %scan3A_136 : i32
      %scan3A_138 = arith.constant 1 : i32
      %scan3A_139 = scf.for %scan3A_239 = %scan3A_135 to %scan3A_137 step %scan3A_138 iter_args(%scan3A_240 = %scan3A_134) -> (i32)  : i32 {
        %mul3A_241 = arith.constant 16 : i32
        %mul3A_242 = arith.muli %scan3A_239, %mul3A_241 : i32
        %get3A = arith.index_cast %mul3A_242 : i32 to index
        %get3A_243 = tpu.vector_load %arg9[%get3A] {strides = array<i32>} : memref<16384xi32, #tpu.memory_space<vmem>>, vector<16xi32>,
        %gt3A = arith.constant 0 : i32
        %gt3A_244 = vector.broadcast %gt3A : i32 to vector<16xi32>
        %gt3A_245 = arith.cmpi sgt, %get3A_243, %gt3A_244 : vector<16xi32>
        %convert_element_type3A_246 = arith.extui %gt3A_245 : vector<16xi1> to vector<16xi32>
        %broadcast_in_dim3A_247 = arith.constant true
        %broadcast_in_dim3A_248 = vector.broadcast %broadcast_in_dim3A_247 : i1 to vector<16xi1>
        %masked_cumsum3A = tpu.scan <sum>, %convert_element_type3A_246 masked %broadcast_in_dim3A_248 : vector<16xi32>, vector<16xi1> -> vector<16xi32>
        %add3A_249 = vector.broadcast %scan3A_240 : i32 to vector<16xi32>
        %add3A_250 = arith.addi %add3A_249, %masked_cumsum3A : vector<16xi32>
        %sub3A = arith.subi %add3A_250, %convert_element_type3A_246 : vector<16xi32>
        %mul3A_251 = arith.constant 2 : i32
        %mul3A_252 = vector.broadcast %mul3A_251 : i32 to vector<16xi32>
        %mul3A_253 = arith.muli %sub3A, %mul3A_252 : vector<16xi32>
        %add3A_254 = arith.addi %mul3A_253, %convert_element_type3A_246 : vector<16xi32>
        %mul3A_255 = arith.constant 16 : i32
        %mul3A_256 = arith.muli %scan3A_239, %mul3A_255 : i32
        %swap3A_257 = arith.index_cast %mul3A_256 : i32 to index
        %swap3A_258 = tpu.vector_load %arg10[%swap3A_257] {strides = array<i32>} : memref<16384xi32, #tpu.memory_space<vmem>>, vector<16xi32>,
        tpu.vector_store %arg10[%swap3A_257], %add3A_254 {strides = array<i32>} : memref<16384xi32, #tpu.memory_space<vmem>>, vector<16xi32>,
        %reduce_sum3A_259 = arith.constant true
        %reduce_sum3A_260 = vector.broadcast %reduce_sum3A_259 : i1 to vector<16xi1>
        %reduce_sum3A_261 = tpu.scan <sum>, %convert_element_type3A_246 masked %reduce_sum3A_260 : vector<16xi32>, vector<16xi1> -> vector<16xi32>
        %reduce_sum3A_262 = vector.extract %reduce_sum3A_261[15] : i32 from vector<16xi32>
        %add3A_263 = arith.addi %scan3A_240, %reduce_sum3A_262 : i32
        scf.yield %add3A_263 : i32
      }
      %scan3A_140 = arith.constant 1024 : i32
      %broadcast_in_dim3A_141 = vector.broadcast %scan3A_139 : i32 to vector<16xi32>
      %swap3A = arith.constant 0 : i32
      %swap3A_142 = arith.index_cast %swap3A : i32 to index
      %swap3A_143 = arith.constant 0 : index
      %swap3A_144 = tpu.vector_load %arg8[%swap3A_142, %swap3A_143] {strides = array<i32>} : memref<2x1184xi32, #tpu.memory_space<vmem>>, vector<16xi32>,
      tpu.vector_store %arg8[%swap3A_142, %swap3A_143], %broadcast_in_dim3A_141 {strides = array<i32>} : memref<2x1184xi32, #tpu.memory_space<vmem>>, vector<16xi32>,
      %run_scoped3A = arith.constant 0 : i32
      "tpu.region"() ({
        %run_scoped3A_239 = tpu.sem_alloc : memref<!tpu.dma_semaphore, #tpu.memory_space<semaphore_mem>>
        %dma_start3A_240 = arith.constant 0 : i32
        %dma_start3A_241 = tpu.memref_slice %arg8[%run_scoped3A, %dma_start3A_240] : memref<2x1184xi32, #tpu.memory_space<vmem>> -> memref<1x1184xi32, #tpu.memory_space<vmem>>
        %dma_start3A_242 = tpu.memref_squeeze %dma_start3A_241 : memref<1x1184xi32, #tpu.memory_space<vmem>> -> memref<1184xi32, #tpu.memory_space<vmem>>
        %dma_start3A_243 = arith.constant 0 : i32
        %dma_start3A_244 = tpu.memref_slice %dma_start3A_242[%dma_start3A_243] : memref<1184xi32, #tpu.memory_space<vmem>> -> memref<16xi32, #tpu.memory_space<vmem>>
        %dma_start3A_245 = arith.constant 0 : i32
        %dma_start3A_246 = tpu.memref_slice %arg32[%arg1, %dma_start3A_245] : memref<16x16xi32, #tpu.memory_space<vmem_shared>> -> memref<1x16xi32, #tpu.memory_space<vmem_shared>>
        %dma_start3A_247 = tpu.memref_squeeze %dma_start3A_246 : memref<1x16xi32, #tpu.memory_space<vmem_shared>> -> memref<16xi32, #tpu.memory_space<vmem_shared>>
        %dma_start3A_248 = arith.constant 0 : i32
        %dma_start3A_249 = tpu.memref_slice %arg32[%arg1, %dma_start3A_248] : memref<16x16xi32, #tpu.memory_space<vmem_shared>> -> memref<1x16xi32, #tpu.memory_space<vmem_shared>>
        %dma_start3A_250 = tpu.memref_squeeze %dma_start3A_249 : memref<1x16xi32, #tpu.memory_space<vmem_shared>> -> memref<16xi32, #tpu.memory_space<vmem_shared>>
        %dma_start3A_251 = arith.constant 0 : i32
        %dma_start3A_252 = tpu.memref_slice %arg8[%run_scoped3A, %dma_start3A_251] : memref<2x1184xi32, #tpu.memory_space<vmem>> -> memref<1x1184xi32, #tpu.memory_space<vmem>>
        %dma_start3A_253 = tpu.memref_squeeze %dma_start3A_252 : memref<1x1184xi32, #tpu.memory_space<vmem>> -> memref<1184xi32, #tpu.memory_space<vmem>>
        %dma_start3A_254 = arith.constant 0 : i32
        %dma_start3A_255 = tpu.memref_slice %dma_start3A_253[%dma_start3A_254] : memref<1184xi32, #tpu.memory_space<vmem>> -> memref<16xi32, #tpu.memory_space<vmem>>
        tpu.enqueue_dma source(%dma_start3A_255 : memref<16xi32, #tpu.memory_space<vmem>>) target(%dma_start3A_250 : memref<16xi32, #tpu.memory_space<vmem_shared>>) target_semaphore(%run_scoped3A_239 : memref<!tpu.dma_semaphore, #tpu.memory_space<semaphore_mem>>)
        %dma_wait3A_256 = arith.constant 0 : i32
        %dma_wait3A_257 = tpu.memref_slice %arg8[%run_scoped3A, %dma_wait3A_256] : memref<2x1184xi32, #tpu.memory_space<vmem>> -> memref<1x1184xi32, #tpu.memory_space<vmem>>
        %dma_wait3A_258 = tpu.memref_squeeze %dma_wait3A_257 : memref<1x1184xi32, #tpu.memory_space<vmem>> -> memref<1184xi32, #tpu.memory_space<vmem>>
        %dma_wait3A_259 = arith.constant 0 : i32
        %dma_wait3A_260 = tpu.memref_slice %dma_wait3A_258[%dma_wait3A_259] : memref<1184xi32, #tpu.memory_space<vmem>> -> memref<16xi32, #tpu.memory_space<vmem>>
        %dma_wait3A_261 = arith.constant 0 : i32
        %dma_wait3A_262 = tpu.memref_slice %arg32[%arg1, %dma_wait3A_261] : memref<16x16xi32, #tpu.memory_space<vmem_shared>> -> memref<1x16xi32, #tpu.memory_space<vmem_shared>>
        %dma_wait3A_263 = tpu.memref_squeeze %dma_wait3A_262 : memref<1x16xi32, #tpu.memory_space<vmem_shared>> -> memref<16xi32, #tpu.memory_space<vmem_shared>>
        %dma_wait3A_264 = arith.constant 0 : i32
        %dma_wait3A_265 = tpu.memref_slice %arg32[%arg1, %dma_wait3A_264] : memref<16x16xi32, #tpu.memory_space<vmem_shared>> -> memref<1x16xi32, #tpu.memory_space<vmem_shared>>
        %dma_wait3A_266 = tpu.memref_squeeze %dma_wait3A_265 : memref<1x16xi32, #tpu.memory_space<vmem_shared>> -> memref<16xi32, #tpu.memory_space<vmem_shared>>
        %dma_wait3A_267 = arith.constant 0 : i32
        %dma_wait3A_268 = tpu.memref_slice %arg8[%run_scoped3A, %dma_wait3A_267] : memref<2x1184xi32, #tpu.memory_space<vmem>> -> memref<1x1184xi32, #tpu.memory_space<vmem>>
        %dma_wait3A_269 = tpu.memref_squeeze %dma_wait3A_268 : memref<1x1184xi32, #tpu.memory_space<vmem>> -> memref<1184xi32, #tpu.memory_space<vmem>>
        %dma_wait3A_270 = arith.constant 0 : i32
        %dma_wait3A_271 = tpu.memref_slice %dma_wait3A_269[%dma_wait3A_270] : memref<1184xi32, #tpu.memory_space<vmem>> -> memref<16xi32, #tpu.memory_space<vmem>>
        tpu.wait_dma2 semaphore(%run_scoped3A_239 : memref<!tpu.dma_semaphore, #tpu.memory_space<semaphore_mem>>) src(%dma_wait3A_271 : memref<16xi32, #tpu.memory_space<vmem>>) dst(%dma_wait3A_266 : memref<16xi32, #tpu.memory_space<vmem_shared>>)
        tpu.yield
      }) : () -> ()
      %barrier3A_145 = arith.constant 0 : index
      tpu.barrier barrier_id(%barrier3A_145)
      "tpu.region"() ({
        %run_scoped3A_239 = tpu.sem_alloc : memref<!tpu.dma_semaphore, #tpu.memory_space<semaphore_mem>>
        tpu.enqueue_dma source(%arg32 : memref<16x16xi32, #tpu.memory_space<vmem_shared>>) target(%arg33 : memref<16x16xi32, #tpu.memory_space<vmem>>) target_semaphore(%run_scoped3A_239 : memref<!tpu.dma_semaphore, #tpu.memory_space<semaphore_mem>>)
        tpu.wait_dma2 semaphore(%run_scoped3A_239 : memref<!tpu.dma_semaphore, #tpu.memory_space<semaphore_mem>>) src(%arg32 : memref<16x16xi32, #tpu.memory_space<vmem_shared>>) dst(%arg33 : memref<16x16xi32, #tpu.memory_space<vmem>>)
        tpu.yield
      }) : () -> ()
      %gather3A = tpu.vector_load_idx %arg33[%iota3A, %iota3A] : memref<16x16xi32, #tpu.memory_space<vmem>>[vector<16xi32>, vector<16xi32>], vector<16xi32>,
      %lt3A_146 = vector.broadcast %arg1 : i32 to vector<16xi32>
      %lt3A_147 = arith.cmpi slt, %iota3A, %lt3A_146 : vector<16xi32>
      %jit3A_148 = arith.constant 0 : i32
      %broadcast_in_dim3A_149 = vector.broadcast %jit3A_148 : i32 to vector<16xi32>
      %select_n3A_150 = arith.select %lt3A_147, %gather3A, %broadcast_in_dim3A_149 : vector<16xi1>, vector<16xi32>
      %reduce_sum3A = arith.constant true
      %reduce_sum3A_151 = vector.broadcast %reduce_sum3A : i1 to vector<16xi1>
      %reduce_sum3A_152 = tpu.scan <sum>, %select_n3A_150 masked %reduce_sum3A_151 : vector<16xi32>, vector<16xi1> -> vector<16xi32>
      %reduce_sum3A_153 = vector.extract %reduce_sum3A_152[15] : i32 from vector<16xi32>
      %broadcast_in_dim3A_154 = arith.constant 120000 : i32
      "tpu.trace_stop"() : () -> ()
      "tpu.trace_start"() <{level = 10 : i32, message = "coors_scatter"}> : () -> ()
      %broadcast_in_dim3A_155 = vector.broadcast %broadcast_in_dim3A_154 : i32 to vector<16xi32>
      %scan3A_156 = arith.constant 0 : i32
      %scan3A_157 = arith.constant 0 : i32
      %scan3A_158 = arith.constant 32 : i32
      %scan3A_159 = arith.addi %scan3A_157, %scan3A_158 : i32
      %scan3A_160 = arith.constant 1 : i32
      scf.for %scan3A_239 = %scan3A_157 to %scan3A_159 step %scan3A_160  : i32 {
        %jit3A_240 = arith.constant 8 : i32
        %div3A = arith.divsi %scan3A_239, %jit3A_240 : i32
        %sign3A = arith.constant 0 : i32
        %sign3A_241 = arith.cmpi sgt, %scan3A_239, %sign3A : i32
        %sign3A_242 = arith.extui %sign3A_241 : i1 to i32
        %sign3A_243 = arith.constant 0 : i32
        %sign3A_244 = arith.cmpi slt, %scan3A_239, %sign3A_243 : i32
        %sign3A_245 = arith.extui %sign3A_244 : i1 to i32
        %sign3A_246 = arith.subi %sign3A_242, %sign3A_245 : i32
        %sign3A_247 = arith.constant 0 : i32
        %sign3A_248 = arith.cmpi sgt, %jit3A_240, %sign3A_247 : i32
        %sign3A_249 = arith.extui %sign3A_248 : i1 to i32
        %sign3A_250 = arith.constant 0 : i32
        %sign3A_251 = arith.cmpi slt, %jit3A_240, %sign3A_250 : i32
        %sign3A_252 = arith.extui %sign3A_251 : i1 to i32
        %sign3A_253 = arith.subi %sign3A_249, %sign3A_252 : i32
        %ne3A_254 = arith.cmpi ne, %sign3A_246, %sign3A_253 : i32
        %rem3A_255 = arith.remsi %scan3A_239, %jit3A_240 : i32
        %ne3A_256 = arith.constant 0 : i32
        %ne3A_257 = arith.cmpi ne, %rem3A_255, %ne3A_256 : i32
        %and3A_258 = arith.andi %ne3A_254, %ne3A_257 : i1
        %sub3A = arith.constant 1 : i32
        %sub3A_259 = arith.subi %div3A, %sub3A : i32
        %select_n3A_260 = arith.select %and3A_258, %sub3A_259, %div3A : i32
        %jit3A_261 = arith.constant 8 : i32
        %eq3A_262 = arith.constant 0 : i32
        %eq3A_263 = arith.cmpi eq, %jit3A_261, %eq3A_262 : i32
        %jit3A_264 = arith.constant 1 : i32
        %select_n3A_265 = arith.select %eq3A_263, %jit3A_264, %jit3A_261 : i32
        %rem3A_266 = arith.remsi %scan3A_239, %select_n3A_265 : i32
        %ne3A_267 = arith.constant 0 : i32
        %ne3A_268 = arith.cmpi ne, %rem3A_266, %ne3A_267 : i32
        %lt3A_269 = arith.constant 0 : i32
        %lt3A_270 = arith.cmpi slt, %rem3A_266, %lt3A_269 : i32
        %lt3A_271 = arith.constant 0 : i32
        %lt3A_272 = arith.cmpi slt, %select_n3A_265, %lt3A_271 : i32
        %ne3A_273 = arith.xori %lt3A_270, %lt3A_272 : i1
        %and3A_274 = arith.andi %ne3A_273, %ne3A_268 : i1
        %add3A_275 = arith.addi %rem3A_266, %select_n3A_265 : i32
        %select_n3A_276 = arith.select %and3A_274, %add3A_275, %rem3A_266 : i32
        %mul3A_277 = arith.constant 16 : i32
        %mul3A_278 = arith.muli %select_n3A_276, %mul3A_277 : i32
        %swap3A_279 = arith.index_cast %select_n3A_260 : i32 to index
        %swap3A_280 = arith.index_cast %mul3A_278 : i32 to index
        %swap3A_281 = tpu.vector_load %arg23[%swap3A_279, %swap3A_280] {strides = array<i32>} : memref<4x128xi32, #tpu.memory_space<vmem>>, vector<16xi32>,
        tpu.vector_store %arg23[%swap3A_279, %swap3A_280], %broadcast_in_dim3A_155 {strides = array<i32>} : memref<4x128xi32, #tpu.memory_space<vmem>>, vector<16xi32>,
        %swap3A_282 = arith.index_cast %select_n3A_260 : i32 to index
        %swap3A_283 = arith.index_cast %mul3A_278 : i32 to index
        %swap3A_284 = tpu.vector_load %arg24[%swap3A_282, %swap3A_283] {strides = array<i32>} : memref<4x128xi32, #tpu.memory_space<vmem>>, vector<16xi32>,
        tpu.vector_store %arg24[%swap3A_282, %swap3A_283], %broadcast_in_dim3A_155 {strides = array<i32>} : memref<4x128xi32, #tpu.memory_space<vmem>>, vector<16xi32>,
        %swap3A_285 = arith.index_cast %select_n3A_260 : i32 to index
        %swap3A_286 = arith.index_cast %mul3A_278 : i32 to index
        %swap3A_287 = tpu.vector_load %arg25[%swap3A_285, %swap3A_286] {strides = array<i32>} : memref<4x128xi32, #tpu.memory_space<vmem>>, vector<16xi32>,
        tpu.vector_store %arg25[%swap3A_285, %swap3A_286], %broadcast_in_dim3A_155 {strides = array<i32>} : memref<4x128xi32, #tpu.memory_space<vmem>>, vector<16xi32>,
        %swap3A_288 = arith.index_cast %select_n3A_260 : i32 to index
        %swap3A_289 = arith.index_cast %mul3A_278 : i32 to index
        %swap3A_290 = tpu.vector_load %arg26[%swap3A_288, %swap3A_289] {strides = array<i32>} : memref<4x128xi32, #tpu.memory_space<vmem>>, vector<16xi32>,
        tpu.vector_store %arg26[%swap3A_288, %swap3A_289], %broadcast_in_dim3A_2 {strides = array<i32>} : memref<4x128xi32, #tpu.memory_space<vmem>>, vector<16xi32>,
      }
      %scan3A_161 = arith.constant 32 : i32
      %scan3A_162 = arith.constant 0 : i32
      %scan3A_163 = arith.constant 0 : i32
      %scan3A_164 = arith.constant 32 : i32
      %scan3A_165 = arith.addi %scan3A_163, %scan3A_164 : i32
      %scan3A_166 = arith.constant 1 : i32
      %scan3A_167 = scf.for %scan3A_239 = %scan3A_163 to %scan3A_165 step %scan3A_166 iter_args(%scan3A_240 = %scan3A_162) -> (i32)  : i32 {
        %mul3A_241 = arith.constant 512 : i32
        %mul3A_242 = arith.muli %scan3A_239, %mul3A_241 : i32
        %scan3A_243 = arith.constant 0 : i32
        %scan3A_244 = arith.constant 0 : i32
        %scan3A_245 = arith.constant 32 : i32
        %scan3A_246 = arith.addi %scan3A_244, %scan3A_245 : i32
        %scan3A_247 = arith.constant 1 : i32
        %scan3A_248 = scf.for %scan3A_265 = %scan3A_244 to %scan3A_246 step %scan3A_247 iter_args(%scan3A_266 = %scan3A_243) -> (i32)  : i32 {
          %mul3A_267 = arith.constant 16 : i32
          %mul3A_268 = arith.muli %scan3A_265, %mul3A_267 : i32
          %add3A_269 = arith.addi %mul3A_242, %mul3A_268 : i32
          %get3A = arith.index_cast %add3A_269 : i32 to index
          %get3A_270 = tpu.vector_load %arg10[%get3A] {strides = array<i32>} : memref<16384xi32, #tpu.memory_space<vmem>>, vector<16xi32>,
          %shift_right_arithmetic3A_271 = arith.constant 1 : i32
          %shift_right_arithmetic3A_272 = vector.broadcast %shift_right_arithmetic3A_271 : i32 to vector<16xi32>
          %shift_right_arithmetic3A_273 = arith.shrsi %get3A_270, %shift_right_arithmetic3A_272 : vector<16xi32>
          %add3A_274 = vector.broadcast %reduce_sum3A_153 : i32 to vector<16xi32>
          %add3A_275 = arith.addi %shift_right_arithmetic3A_273, %add3A_274 : vector<16xi32>
          %and3A_276 = arith.constant 1 : i32
          %and3A_277 = vector.broadcast %and3A_276 : i32 to vector<16xi32>
          %and3A_278 = arith.andi %get3A_270, %and3A_277 : vector<16xi32>
          %gt3A = arith.constant 0 : i32
          %gt3A_279 = vector.broadcast %gt3A : i32 to vector<16xi32>
          %gt3A_280 = arith.cmpi sgt, %and3A_278, %gt3A_279 : vector<16xi32>
          %lt3A_281 = arith.constant 30000 : i32
          %lt3A_282 = vector.broadcast %lt3A_281 : i32 to vector<16xi32>
          %lt3A_283 = arith.cmpi slt, %add3A_275, %lt3A_282 : vector<16xi32>
          %and3A_284 = arith.andi %gt3A_280, %lt3A_283 : vector<16xi1>
          %reduce_or3A = arith.constant 1.000000e+00 : f32
          %reduce_or3A_285 = arith.constant 0.000000e+00 : f32
          %reduce_or3A_286 = vector.broadcast %reduce_or3A : f32 to vector<16xf32>
          %reduce_or3A_287 = vector.broadcast %reduce_or3A_285 : f32 to vector<16xf32>
          %reduce_or3A_288 = arith.select %and3A_284, %reduce_or3A_286, %reduce_or3A_287 : vector<16xi1>, vector<16xf32>
          %reduce_or3A_289 = arith.constant true
          %reduce_or3A_290 = vector.broadcast %reduce_or3A_289 : i1 to vector<16xi1>
          %reduce_or3A_291 = tpu.scan <max>, %reduce_or3A_288 masked %reduce_or3A_290 : vector<16xf32>, vector<16xi1> -> vector<16xf32>
          %reduce_or3A_292 = vector.extract %reduce_or3A_291[15] : f32 from vector<16xf32>
          %reduce_or3A_293 = arith.constant 0.000000e+00 : f32
          %reduce_or3A_294 = arith.cmpf ogt, %reduce_or3A_292, %reduce_or3A_293 : f32
          %convert_element_type3A_295 = arith.extui %reduce_or3A_294 : i1 to i32
          %cond3A_296 = arith.constant 0 : i32
          %cond3A_297 = arith.cmpi ne, %convert_element_type3A_295, %cond3A_296 : i32
          %cond3A_298 = scf.if %cond3A_297 -> (i32) {
            %add3A_299 = arith.addi %mul3A_15, %add3A_269 : i32
            %add3A_300 = vector.broadcast %add3A_299 : i32 to vector<16xi32>
            %add3A_301 = arith.addi %add3A_300, %iota3A : vector<16xi32>
            %shift_right_arithmetic3A_302 = arith.constant 9 : i32
            %shift_right_arithmetic3A_303 = vector.broadcast %shift_right_arithmetic3A_302 : i32 to vector<16xi32>
            %shift_right_arithmetic3A_304 = arith.shrsi %add3A_301, %shift_right_arithmetic3A_303 : vector<16xi32>
            %and3A_305 = arith.constant 511 : i32
            %and3A_306 = vector.broadcast %and3A_305 : i32 to vector<16xi32>
            %and3A_307 = arith.andi %add3A_301, %and3A_306 : vector<16xi32>
            %convert_element_type3A_308 = arith.extui %and3A_284 : vector<16xi1> to vector<16xi32>
            %broadcast_in_dim3A_309 = arith.constant true
            %broadcast_in_dim3A_310 = vector.broadcast %broadcast_in_dim3A_309 : i1 to vector<16xi1>
            %masked_cumsum3A = tpu.scan <sum>, %convert_element_type3A_308 masked %broadcast_in_dim3A_310 : vector<16xi32>, vector<16xi1> -> vector<16xi32>
            %add3A_311 = vector.broadcast %scan3A_266 : i32 to vector<16xi32>
            %add3A_312 = arith.addi %add3A_311, %masked_cumsum3A : vector<16xi32>
            %sub3A = arith.constant 1 : i32
            %sub3A_313 = vector.broadcast %sub3A : i32 to vector<16xi32>
            %sub3A_314 = arith.subi %add3A_312, %sub3A_313 : vector<16xi32>
            %shift_right_arithmetic3A_315 = arith.constant 7 : i32
            %shift_right_arithmetic3A_316 = vector.broadcast %shift_right_arithmetic3A_315 : i32 to vector<16xi32>
            %shift_right_arithmetic3A_317 = arith.shrsi %sub3A_314, %shift_right_arithmetic3A_316 : vector<16xi32>
            %and3A_318 = arith.constant 127 : i32
            %and3A_319 = vector.broadcast %and3A_318 : i32 to vector<16xi32>
            %and3A_320 = arith.andi %sub3A_314, %and3A_319 : vector<16xi32>
            %mul3A_321 = arith.constant 4 : i32
            %mul3A_322 = vector.broadcast %mul3A_321 : i32 to vector<16xi32>
            %mul3A_323 = arith.muli %add3A_275, %mul3A_322 : vector<16xi32>
            %add3A_324 = arith.constant 1 : i32
            %add3A_325 = vector.broadcast %add3A_324 : i32 to vector<16xi32>
            %add3A_326 = arith.addi %mul3A_323, %add3A_325 : vector<16xi32>
            tpu.vector_store_idx %arg23[%shift_right_arithmetic3A_317, %and3A_320], %add3A_326 masked %and3A_284 : memref<4x128xi32, #tpu.memory_space<vmem>>[vector<16xi32>, vector<16xi32>], vector<16xi32>, vector<16xi1>
            %add3A_327 = arith.constant 2 : i32
            %add3A_328 = vector.broadcast %add3A_327 : i32 to vector<16xi32>
            %add3A_329 = arith.addi %mul3A_323, %add3A_328 : vector<16xi32>
            tpu.vector_store_idx %arg24[%shift_right_arithmetic3A_317, %and3A_320], %add3A_329 masked %and3A_284 : memref<4x128xi32, #tpu.memory_space<vmem>>[vector<16xi32>, vector<16xi32>], vector<16xi32>, vector<16xi1>
            %add3A_330 = arith.constant 3 : i32
            %add3A_331 = vector.broadcast %add3A_330 : i32 to vector<16xi32>
            %add3A_332 = arith.addi %mul3A_323, %add3A_331 : vector<16xi32>
            tpu.vector_store_idx %arg25[%shift_right_arithmetic3A_317, %and3A_320], %add3A_332 masked %and3A_284 : memref<4x128xi32, #tpu.memory_space<vmem>>[vector<16xi32>, vector<16xi32>], vector<16xi32>, vector<16xi1>
            tpu.vector_store_idx %arg27[%shift_right_arithmetic3A_317, %and3A_320], %shift_right_arithmetic3A_304 masked %and3A_284 : memref<4x128xi32, #tpu.memory_space<vmem>>[vector<16xi32>, vector<16xi32>], vector<16xi32>, vector<16xi1>
            tpu.vector_store_idx %arg28[%shift_right_arithmetic3A_317, %and3A_320], %and3A_307 masked %and3A_284 : memref<4x128xi32, #tpu.memory_space<vmem>>[vector<16xi32>, vector<16xi32>], vector<16xi32>, vector<16xi1>
            %reduce_sum3A_333 = arith.constant true
            %reduce_sum3A_334 = vector.broadcast %reduce_sum3A_333 : i1 to vector<16xi1>
            %reduce_sum3A_335 = tpu.scan <sum>, %convert_element_type3A_308 masked %reduce_sum3A_334 : vector<16xi32>, vector<16xi1> -> vector<16xi32>
            %reduce_sum3A_336 = vector.extract %reduce_sum3A_335[15] : i32 from vector<16xi32>
            %add3A_337 = arith.addi %scan3A_266, %reduce_sum3A_336 : i32
            scf.yield %add3A_337 : i32
          } else {
            scf.yield %scan3A_266 : i32
          }
          scf.yield %cond3A_298 : i32
        }
        %scan3A_249 = arith.constant 32 : i32
        %add3A_250 = arith.constant 127 : i32
        %add3A_251 = arith.addi %scan3A_248, %add3A_250 : i32
        %shift_right_arithmetic3A = arith.constant 7 : i32
        %shift_right_arithmetic3A_252 = arith.shrsi %add3A_251, %shift_right_arithmetic3A : i32
        %while3A = arith.constant 0 : i32
        %while3A_253 = arith.constant 0 : i32
        %while3A_254 = arith.subi %shift_right_arithmetic3A_252, %while3A : i32
        %while3A_255 = arith.addi %while3A, %while3A_254 : i32
        %while3A_256 = arith.constant 1 : i32
        %while3A_257 = arith.divsi %while3A_254, %while3A_256 : i32
        %while3A_258 = arith.muli %while3A_257, %while3A_256 : i32
        %while3A_259 = arith.addi %while3A, %while3A_258 : i32
        %while3A_260 = arith.constant 1 : i32
        %while3A_261 = scf.for %while3A_265 = %while3A to %while3A_259 step %while3A_260 iter_args(%while3A_266 = %while3A_253) -> (i32)  : i32 {
          %dma_start3A_267 = arith.constant 0 : i32
          %dma_start3A_268 = tpu.memref_slice %arg26[%while3A_265, %dma_start3A_267] : memref<4x128xi32, #tpu.memory_space<vmem>> -> memref<1x128xi32, #tpu.memory_space<vmem>>
          %dma_start3A_269 = tpu.memref_squeeze %dma_start3A_268 : memref<1x128xi32, #tpu.memory_space<vmem>> -> memref<128xi32, #tpu.memory_space<vmem>>
          %dma_start3A_270 = arith.constant 0 : i32
          %dma_start3A_271 = tpu.memref_slice %arg23[%while3A_265, %dma_start3A_270] : memref<4x128xi32, #tpu.memory_space<vmem>> -> memref<1x128xi32, #tpu.memory_space<vmem>>
          %dma_start3A_272 = tpu.memref_squeeze %dma_start3A_271 : memref<1x128xi32, #tpu.memory_space<vmem>> -> memref<128xi32, #tpu.memory_space<vmem>>
          %dma_start3A_273 = arith.constant 0 : i32
          %dma_start3A_274 = tpu.memref_slice %arg31[%dma_start3A_273] : memref<120064xi32, #tpu.memory_space<vmem_shared>> -> memref<120064xi32, #tpu.memory_space<vmem_shared>>
          tpu.enqueue_indirect_dma source(%dma_start3A_269 : memref<128xi32, #tpu.memory_space<vmem>>) target(%dma_start3A_274 : memref<120064xi32, #tpu.memory_space<vmem_shared>>) offsets(%dma_start3A_272 : memref<128xi32, #tpu.memory_space<vmem>>) semaphore(%arg34 : memref<!tpu.dma_semaphore, #tpu.memory_space<semaphore_mem>>)
          %dma_wait3A_275 = arith.constant 0 : i32
          %dma_wait3A_276 = tpu.memref_slice %arg26[%while3A_265, %dma_wait3A_275] : memref<4x128xi32, #tpu.memory_space<vmem>> -> memref<1x128xi32, #tpu.memory_space<vmem>>
          %dma_wait3A_277 = tpu.memref_squeeze %dma_wait3A_276 : memref<1x128xi32, #tpu.memory_space<vmem>> -> memref<128xi32, #tpu.memory_space<vmem>>
          %dma_wait3A_278 = arith.constant 0 : i32
          %dma_wait3A_279 = tpu.memref_slice %arg23[%while3A_265, %dma_wait3A_278] : memref<4x128xi32, #tpu.memory_space<vmem>> -> memref<1x128xi32, #tpu.memory_space<vmem>>
          %dma_wait3A_280 = tpu.memref_squeeze %dma_wait3A_279 : memref<1x128xi32, #tpu.memory_space<vmem>> -> memref<128xi32, #tpu.memory_space<vmem>>
          %dma_wait3A_281 = arith.constant 0 : i32
          %dma_wait3A_282 = tpu.memref_slice %arg31[%dma_wait3A_281] : memref<120064xi32, #tpu.memory_space<vmem_shared>> -> memref<120064xi32, #tpu.memory_space<vmem_shared>>
          tpu.wait_indirect_dma semaphore(%arg34 : memref<!tpu.dma_semaphore, #tpu.memory_space<semaphore_mem>>) src(%dma_wait3A_277 : memref<128xi32, #tpu.memory_space<vmem>>) dst(%dma_wait3A_282 : memref<120064xi32, #tpu.memory_space<vmem_shared>>)
          %dma_start3A_283 = arith.constant 0 : i32
          %dma_start3A_284 = tpu.memref_slice %arg27[%while3A_265, %dma_start3A_283] : memref<4x128xi32, #tpu.memory_space<vmem>> -> memref<1x128xi32, #tpu.memory_space<vmem>>
          %dma_start3A_285 = tpu.memref_squeeze %dma_start3A_284 : memref<1x128xi32, #tpu.memory_space<vmem>> -> memref<128xi32, #tpu.memory_space<vmem>>
          %dma_start3A_286 = arith.constant 0 : i32
          %dma_start3A_287 = tpu.memref_slice %arg24[%while3A_265, %dma_start3A_286] : memref<4x128xi32, #tpu.memory_space<vmem>> -> memref<1x128xi32, #tpu.memory_space<vmem>>
          %dma_start3A_288 = tpu.memref_squeeze %dma_start3A_287 : memref<1x128xi32, #tpu.memory_space<vmem>> -> memref<128xi32, #tpu.memory_space<vmem>>
          %dma_start3A_289 = arith.constant 0 : i32
          %dma_start3A_290 = tpu.memref_slice %arg31[%dma_start3A_289] : memref<120064xi32, #tpu.memory_space<vmem_shared>> -> memref<120064xi32, #tpu.memory_space<vmem_shared>>
          tpu.enqueue_indirect_dma source(%dma_start3A_285 : memref<128xi32, #tpu.memory_space<vmem>>) target(%dma_start3A_290 : memref<120064xi32, #tpu.memory_space<vmem_shared>>) offsets(%dma_start3A_288 : memref<128xi32, #tpu.memory_space<vmem>>) semaphore(%arg34 : memref<!tpu.dma_semaphore, #tpu.memory_space<semaphore_mem>>)
          %dma_wait3A_291 = arith.constant 0 : i32
          %dma_wait3A_292 = tpu.memref_slice %arg27[%while3A_265, %dma_wait3A_291] : memref<4x128xi32, #tpu.memory_space<vmem>> -> memref<1x128xi32, #tpu.memory_space<vmem>>
          %dma_wait3A_293 = tpu.memref_squeeze %dma_wait3A_292 : memref<1x128xi32, #tpu.memory_space<vmem>> -> memref<128xi32, #tpu.memory_space<vmem>>
          %dma_wait3A_294 = arith.constant 0 : i32
          %dma_wait3A_295 = tpu.memref_slice %arg24[%while3A_265, %dma_wait3A_294] : memref<4x128xi32, #tpu.memory_space<vmem>> -> memref<1x128xi32, #tpu.memory_space<vmem>>
          %dma_wait3A_296 = tpu.memref_squeeze %dma_wait3A_295 : memref<1x128xi32, #tpu.memory_space<vmem>> -> memref<128xi32, #tpu.memory_space<vmem>>
          %dma_wait3A_297 = arith.constant 0 : i32
          %dma_wait3A_298 = tpu.memref_slice %arg31[%dma_wait3A_297] : memref<120064xi32, #tpu.memory_space<vmem_shared>> -> memref<120064xi32, #tpu.memory_space<vmem_shared>>
          tpu.wait_indirect_dma semaphore(%arg34 : memref<!tpu.dma_semaphore, #tpu.memory_space<semaphore_mem>>) src(%dma_wait3A_293 : memref<128xi32, #tpu.memory_space<vmem>>) dst(%dma_wait3A_298 : memref<120064xi32, #tpu.memory_space<vmem_shared>>)
          %dma_start3A_299 = arith.constant 0 : i32
          %dma_start3A_300 = tpu.memref_slice %arg28[%while3A_265, %dma_start3A_299] : memref<4x128xi32, #tpu.memory_space<vmem>> -> memref<1x128xi32, #tpu.memory_space<vmem>>
          %dma_start3A_301 = tpu.memref_squeeze %dma_start3A_300 : memref<1x128xi32, #tpu.memory_space<vmem>> -> memref<128xi32, #tpu.memory_space<vmem>>
          %dma_start3A_302 = arith.constant 0 : i32
          %dma_start3A_303 = tpu.memref_slice %arg25[%while3A_265, %dma_start3A_302] : memref<4x128xi32, #tpu.memory_space<vmem>> -> memref<1x128xi32, #tpu.memory_space<vmem>>
          %dma_start3A_304 = tpu.memref_squeeze %dma_start3A_303 : memref<1x128xi32, #tpu.memory_space<vmem>> -> memref<128xi32, #tpu.memory_space<vmem>>
          %dma_start3A_305 = arith.constant 0 : i32
          %dma_start3A_306 = tpu.memref_slice %arg31[%dma_start3A_305] : memref<120064xi32, #tpu.memory_space<vmem_shared>> -> memref<120064xi32, #tpu.memory_space<vmem_shared>>
          tpu.enqueue_indirect_dma source(%dma_start3A_301 : memref<128xi32, #tpu.memory_space<vmem>>) target(%dma_start3A_306 : memref<120064xi32, #tpu.memory_space<vmem_shared>>) offsets(%dma_start3A_304 : memref<128xi32, #tpu.memory_space<vmem>>) semaphore(%arg34 : memref<!tpu.dma_semaphore, #tpu.memory_space<semaphore_mem>>)
          %dma_wait3A_307 = arith.constant 0 : i32
          %dma_wait3A_308 = tpu.memref_slice %arg28[%while3A_265, %dma_wait3A_307] : memref<4x128xi32, #tpu.memory_space<vmem>> -> memref<1x128xi32, #tpu.memory_space<vmem>>
          %dma_wait3A_309 = tpu.memref_squeeze %dma_wait3A_308 : memref<1x128xi32, #tpu.memory_space<vmem>> -> memref<128xi32, #tpu.memory_space<vmem>>
          %dma_wait3A_310 = arith.constant 0 : i32
          %dma_wait3A_311 = tpu.memref_slice %arg25[%while3A_265, %dma_wait3A_310] : memref<4x128xi32, #tpu.memory_space<vmem>> -> memref<1x128xi32, #tpu.memory_space<vmem>>
          %dma_wait3A_312 = tpu.memref_squeeze %dma_wait3A_311 : memref<1x128xi32, #tpu.memory_space<vmem>> -> memref<128xi32, #tpu.memory_space<vmem>>
          %dma_wait3A_313 = arith.constant 0 : i32
          %dma_wait3A_314 = tpu.memref_slice %arg31[%dma_wait3A_313] : memref<120064xi32, #tpu.memory_space<vmem_shared>> -> memref<120064xi32, #tpu.memory_space<vmem_shared>>
          tpu.wait_indirect_dma semaphore(%arg34 : memref<!tpu.dma_semaphore, #tpu.memory_space<semaphore_mem>>) src(%dma_wait3A_309 : memref<128xi32, #tpu.memory_space<vmem>>) dst(%dma_wait3A_314 : memref<120064xi32, #tpu.memory_space<vmem_shared>>)
          %while3A_315 = arith.constant 0 : i32
          scf.yield %while3A_315 : i32
        }
        %while3A_262 = arith.constant 1 : i32
        %while3A_263 = scf.for %while3A_265 = %while3A_259 to %while3A_255 step %while3A_262 iter_args(%while3A_266 = %while3A_261) -> (i32)  : i32 {
          %dma_start3A_267 = arith.constant 0 : i32
          %dma_start3A_268 = tpu.memref_slice %arg26[%while3A_265, %dma_start3A_267] : memref<4x128xi32, #tpu.memory_space<vmem>> -> memref<1x128xi32, #tpu.memory_space<vmem>>
          %dma_start3A_269 = tpu.memref_squeeze %dma_start3A_268 : memref<1x128xi32, #tpu.memory_space<vmem>> -> memref<128xi32, #tpu.memory_space<vmem>>
          %dma_start3A_270 = arith.constant 0 : i32
          %dma_start3A_271 = tpu.memref_slice %arg23[%while3A_265, %dma_start3A_270] : memref<4x128xi32, #tpu.memory_space<vmem>> -> memref<1x128xi32, #tpu.memory_space<vmem>>
          %dma_start3A_272 = tpu.memref_squeeze %dma_start3A_271 : memref<1x128xi32, #tpu.memory_space<vmem>> -> memref<128xi32, #tpu.memory_space<vmem>>
          %dma_start3A_273 = arith.constant 0 : i32
          %dma_start3A_274 = tpu.memref_slice %arg31[%dma_start3A_273] : memref<120064xi32, #tpu.memory_space<vmem_shared>> -> memref<120064xi32, #tpu.memory_space<vmem_shared>>
          tpu.enqueue_indirect_dma source(%dma_start3A_269 : memref<128xi32, #tpu.memory_space<vmem>>) target(%dma_start3A_274 : memref<120064xi32, #tpu.memory_space<vmem_shared>>) offsets(%dma_start3A_272 : memref<128xi32, #tpu.memory_space<vmem>>) semaphore(%arg34 : memref<!tpu.dma_semaphore, #tpu.memory_space<semaphore_mem>>)
          %dma_wait3A_275 = arith.constant 0 : i32
          %dma_wait3A_276 = tpu.memref_slice %arg26[%while3A_265, %dma_wait3A_275] : memref<4x128xi32, #tpu.memory_space<vmem>> -> memref<1x128xi32, #tpu.memory_space<vmem>>
          %dma_wait3A_277 = tpu.memref_squeeze %dma_wait3A_276 : memref<1x128xi32, #tpu.memory_space<vmem>> -> memref<128xi32, #tpu.memory_space<vmem>>
          %dma_wait3A_278 = arith.constant 0 : i32
          %dma_wait3A_279 = tpu.memref_slice %arg23[%while3A_265, %dma_wait3A_278] : memref<4x128xi32, #tpu.memory_space<vmem>> -> memref<1x128xi32, #tpu.memory_space<vmem>>
          %dma_wait3A_280 = tpu.memref_squeeze %dma_wait3A_279 : memref<1x128xi32, #tpu.memory_space<vmem>> -> memref<128xi32, #tpu.memory_space<vmem>>
          %dma_wait3A_281 = arith.constant 0 : i32
          %dma_wait3A_282 = tpu.memref_slice %arg31[%dma_wait3A_281] : memref<120064xi32, #tpu.memory_space<vmem_shared>> -> memref<120064xi32, #tpu.memory_space<vmem_shared>>
          tpu.wait_indirect_dma semaphore(%arg34 : memref<!tpu.dma_semaphore, #tpu.memory_space<semaphore_mem>>) src(%dma_wait3A_277 : memref<128xi32, #tpu.memory_space<vmem>>) dst(%dma_wait3A_282 : memref<120064xi32, #tpu.memory_space<vmem_shared>>)
          %dma_start3A_283 = arith.constant 0 : i32
          %dma_start3A_284 = tpu.memref_slice %arg27[%while3A_265, %dma_start3A_283] : memref<4x128xi32, #tpu.memory_space<vmem>> -> memref<1x128xi32, #tpu.memory_space<vmem>>
          %dma_start3A_285 = tpu.memref_squeeze %dma_start3A_284 : memref<1x128xi32, #tpu.memory_space<vmem>> -> memref<128xi32, #tpu.memory_space<vmem>>
          %dma_start3A_286 = arith.constant 0 : i32
          %dma_start3A_287 = tpu.memref_slice %arg24[%while3A_265, %dma_start3A_286] : memref<4x128xi32, #tpu.memory_space<vmem>> -> memref<1x128xi32, #tpu.memory_space<vmem>>
          %dma_start3A_288 = tpu.memref_squeeze %dma_start3A_287 : memref<1x128xi32, #tpu.memory_space<vmem>> -> memref<128xi32, #tpu.memory_space<vmem>>
          %dma_start3A_289 = arith.constant 0 : i32
          %dma_start3A_290 = tpu.memref_slice %arg31[%dma_start3A_289] : memref<120064xi32, #tpu.memory_space<vmem_shared>> -> memref<120064xi32, #tpu.memory_space<vmem_shared>>
          tpu.enqueue_indirect_dma source(%dma_start3A_285 : memref<128xi32, #tpu.memory_space<vmem>>) target(%dma_start3A_290 : memref<120064xi32, #tpu.memory_space<vmem_shared>>) offsets(%dma_start3A_288 : memref<128xi32, #tpu.memory_space<vmem>>) semaphore(%arg34 : memref<!tpu.dma_semaphore, #tpu.memory_space<semaphore_mem>>)
          %dma_wait3A_291 = arith.constant 0 : i32
          %dma_wait3A_292 = tpu.memref_slice %arg27[%while3A_265, %dma_wait3A_291] : memref<4x128xi32, #tpu.memory_space<vmem>> -> memref<1x128xi32, #tpu.memory_space<vmem>>
          %dma_wait3A_293 = tpu.memref_squeeze %dma_wait3A_292 : memref<1x128xi32, #tpu.memory_space<vmem>> -> memref<128xi32, #tpu.memory_space<vmem>>
          %dma_wait3A_294 = arith.constant 0 : i32
          %dma_wait3A_295 = tpu.memref_slice %arg24[%while3A_265, %dma_wait3A_294] : memref<4x128xi32, #tpu.memory_space<vmem>> -> memref<1x128xi32, #tpu.memory_space<vmem>>
          %dma_wait3A_296 = tpu.memref_squeeze %dma_wait3A_295 : memref<1x128xi32, #tpu.memory_space<vmem>> -> memref<128xi32, #tpu.memory_space<vmem>>
          %dma_wait3A_297 = arith.constant 0 : i32
          %dma_wait3A_298 = tpu.memref_slice %arg31[%dma_wait3A_297] : memref<120064xi32, #tpu.memory_space<vmem_shared>> -> memref<120064xi32, #tpu.memory_space<vmem_shared>>
          tpu.wait_indirect_dma semaphore(%arg34 : memref<!tpu.dma_semaphore, #tpu.memory_space<semaphore_mem>>) src(%dma_wait3A_293 : memref<128xi32, #tpu.memory_space<vmem>>) dst(%dma_wait3A_298 : memref<120064xi32, #tpu.memory_space<vmem_shared>>)
          %dma_start3A_299 = arith.constant 0 : i32
          %dma_start3A_300 = tpu.memref_slice %arg28[%while3A_265, %dma_start3A_299] : memref<4x128xi32, #tpu.memory_space<vmem>> -> memref<1x128xi32, #tpu.memory_space<vmem>>
          %dma_start3A_301 = tpu.memref_squeeze %dma_start3A_300 : memref<1x128xi32, #tpu.memory_space<vmem>> -> memref<128xi32, #tpu.memory_space<vmem>>
          %dma_start3A_302 = arith.constant 0 : i32
          %dma_start3A_303 = tpu.memref_slice %arg25[%while3A_265, %dma_start3A_302] : memref<4x128xi32, #tpu.memory_space<vmem>> -> memref<1x128xi32, #tpu.memory_space<vmem>>
          %dma_start3A_304 = tpu.memref_squeeze %dma_start3A_303 : memref<1x128xi32, #tpu.memory_space<vmem>> -> memref<128xi32, #tpu.memory_space<vmem>>
          %dma_start3A_305 = arith.constant 0 : i32
          %dma_start3A_306 = tpu.memref_slice %arg31[%dma_start3A_305] : memref<120064xi32, #tpu.memory_space<vmem_shared>> -> memref<120064xi32, #tpu.memory_space<vmem_shared>>
          tpu.enqueue_indirect_dma source(%dma_start3A_301 : memref<128xi32, #tpu.memory_space<vmem>>) target(%dma_start3A_306 : memref<120064xi32, #tpu.memory_space<vmem_shared>>) offsets(%dma_start3A_304 : memref<128xi32, #tpu.memory_space<vmem>>) semaphore(%arg34 : memref<!tpu.dma_semaphore, #tpu.memory_space<semaphore_mem>>)
          %dma_wait3A_307 = arith.constant 0 : i32
          %dma_wait3A_308 = tpu.memref_slice %arg28[%while3A_265, %dma_wait3A_307] : memref<4x128xi32, #tpu.memory_space<vmem>> -> memref<1x128xi32, #tpu.memory_space<vmem>>
          %dma_wait3A_309 = tpu.memref_squeeze %dma_wait3A_308 : memref<1x128xi32, #tpu.memory_space<vmem>> -> memref<128xi32, #tpu.memory_space<vmem>>
          %dma_wait3A_310 = arith.constant 0 : i32
          %dma_wait3A_311 = tpu.memref_slice %arg25[%while3A_265, %dma_wait3A_310] : memref<4x128xi32, #tpu.memory_space<vmem>> -> memref<1x128xi32, #tpu.memory_space<vmem>>
          %dma_wait3A_312 = tpu.memref_squeeze %dma_wait3A_311 : memref<1x128xi32, #tpu.memory_space<vmem>> -> memref<128xi32, #tpu.memory_space<vmem>>
          %dma_wait3A_313 = arith.constant 0 : i32
          %dma_wait3A_314 = tpu.memref_slice %arg31[%dma_wait3A_313] : memref<120064xi32, #tpu.memory_space<vmem_shared>> -> memref<120064xi32, #tpu.memory_space<vmem_shared>>
          tpu.wait_indirect_dma semaphore(%arg34 : memref<!tpu.dma_semaphore, #tpu.memory_space<semaphore_mem>>) src(%dma_wait3A_309 : memref<128xi32, #tpu.memory_space<vmem>>) dst(%dma_wait3A_314 : memref<120064xi32, #tpu.memory_space<vmem_shared>>)
          %while3A_315 = arith.constant 0 : i32
          scf.yield %while3A_315 : i32
        }
        %scan3A_264 = arith.constant 0 : i32
        scf.yield %scan3A_264 : i32
      }
      %scan3A_168 = arith.constant 32 : i32
      %barrier3A_169 = arith.constant 0 : index
      tpu.barrier barrier_id(%barrier3A_169)
      %mul3A_170 = arith.constant 7504 : i32
      %mul3A_171 = arith.muli %arg1, %mul3A_170 : i32
      %lt3A_172 = arith.constant 15 : i32
      %lt3A_173 = arith.cmpi slt, %arg1, %lt3A_172 : i32
      %convert_element_type3A_174 = arith.extui %lt3A_173 : i1 to i32
      %cond3A_175 = arith.constant 0 : i32
      %cond3A_176 = arith.cmpi ne, %convert_element_type3A_174, %cond3A_175 : i32
      scf.if %cond3A_176 {
        %mul3A_239 = arith.constant 120000 : i32
        %mul3A_240 = arith.muli %add3A, %mul3A_239 : i32
        %add3A_241 = arith.addi %mul3A_240, %mul3A_171 : i32
        "tpu.region"() ({
          %run_scoped3A_242 = tpu.sem_alloc : memref<!tpu.dma_semaphore, #tpu.memory_space<semaphore_mem>>
          %dma_start3A_243 = tpu.memref_slice %arg4[%add3A_241] : memref<480000xi32, #tpu.memory_space<hbm>> -> memref<7504xi32, #tpu.memory_space<hbm>>
          %dma_start3A_244 = tpu.memref_slice %arg31[%mul3A_171] : memref<120064xi32, #tpu.memory_space<vmem_shared>> -> memref<7504xi32, #tpu.memory_space<vmem_shared>>
          tpu.enqueue_dma source(%dma_start3A_244 : memref<7504xi32, #tpu.memory_space<vmem_shared>>) target(%dma_start3A_243 : memref<7504xi32, #tpu.memory_space<hbm>>) target_semaphore(%run_scoped3A_242 : memref<!tpu.dma_semaphore, #tpu.memory_space<semaphore_mem>>)
          %dma_wait3A_245 = tpu.memref_slice %arg4[%add3A_241] : memref<480000xi32, #tpu.memory_space<hbm>> -> memref<7504xi32, #tpu.memory_space<hbm>>
          %dma_wait3A_246 = tpu.memref_slice %arg31[%mul3A_171] : memref<120064xi32, #tpu.memory_space<vmem_shared>> -> memref<7504xi32, #tpu.memory_space<vmem_shared>>
          tpu.wait_dma2 semaphore(%run_scoped3A_242 : memref<!tpu.dma_semaphore, #tpu.memory_space<semaphore_mem>>) src(%dma_wait3A_246 : memref<7504xi32, #tpu.memory_space<vmem_shared>>) dst(%dma_wait3A_245 : memref<7504xi32, #tpu.memory_space<hbm>>)
          tpu.yield
        }) : () -> ()
      } else {
      }
      %eq3A_177 = arith.constant 15 : i32
      %eq3A_178 = arith.cmpi eq, %arg1, %eq3A_177 : i32
      %convert_element_type3A_179 = arith.extui %eq3A_178 : i1 to i32
      %cond3A_180 = arith.constant 0 : i32
      %cond3A_181 = arith.cmpi ne, %convert_element_type3A_179, %cond3A_180 : i32
      scf.if %cond3A_181 {
        %mul3A_239 = arith.constant 120000 : i32
        %mul3A_240 = arith.muli %add3A, %mul3A_239 : i32
        %add3A_241 = arith.addi %mul3A_240, %mul3A_171 : i32
        "tpu.region"() ({
          %run_scoped3A_242 = tpu.sem_alloc : memref<!tpu.dma_semaphore, #tpu.memory_space<semaphore_mem>>
          %dma_start3A_243 = tpu.memref_slice %arg4[%add3A_241] : memref<480000xi32, #tpu.memory_space<hbm>> -> memref<7440xi32, #tpu.memory_space<hbm>>
          %dma_start3A_244 = tpu.memref_slice %arg31[%mul3A_171] : memref<120064xi32, #tpu.memory_space<vmem_shared>> -> memref<7440xi32, #tpu.memory_space<vmem_shared>>
          tpu.enqueue_dma source(%dma_start3A_244 : memref<7440xi32, #tpu.memory_space<vmem_shared>>) target(%dma_start3A_243 : memref<7440xi32, #tpu.memory_space<hbm>>) target_semaphore(%run_scoped3A_242 : memref<!tpu.dma_semaphore, #tpu.memory_space<semaphore_mem>>)
          %dma_wait3A_245 = tpu.memref_slice %arg4[%add3A_241] : memref<480000xi32, #tpu.memory_space<hbm>> -> memref<7440xi32, #tpu.memory_space<hbm>>
          %dma_wait3A_246 = tpu.memref_slice %arg31[%mul3A_171] : memref<120064xi32, #tpu.memory_space<vmem_shared>> -> memref<7440xi32, #tpu.memory_space<vmem_shared>>
          tpu.wait_dma2 semaphore(%run_scoped3A_242 : memref<!tpu.dma_semaphore, #tpu.memory_space<semaphore_mem>>) src(%dma_wait3A_246 : memref<7440xi32, #tpu.memory_space<vmem_shared>>) dst(%dma_wait3A_245 : memref<7440xi32, #tpu.memory_space<hbm>>)
          tpu.yield
        }) : () -> ()
      } else {
      }
      %barrier3A_182 = arith.constant 0 : index
      tpu.barrier barrier_id(%barrier3A_182)
      "tpu.trace_stop"() : () -> ()
      %mul3A_183 = arith.constant 16 : i32
      %mul3A_184 = arith.muli %arg0, %mul3A_183 : i32
      %add3A_185 = arith.addi %mul3A_184, %arg1 : i32
      %mul3A_186 = arith.constant 984576 : i32
      %mul3A_187 = arith.muli %add3A_185, %mul3A_186 : i32
      "tpu.trace_start"() <{level = 10 : i32, message = "scan_queue"}> : () -> ()
      %scan3A_188 = arith.constant 0 : i32
      %scan3A_189 = arith.constant 0 : i32
      %scan3A_190 = arith.constant 1024 : i32
      %scan3A_191 = arith.addi %scan3A_189, %scan3A_190 : i32
      %scan3A_192 = arith.constant 1 : i32
      scf.for %scan3A_239 = %scan3A_189 to %scan3A_191 step %scan3A_192  : i32 {
        %mul3A_240 = arith.constant 16 : i32
        %mul3A_241 = arith.muli %scan3A_239, %mul3A_240 : i32
        %swap3A_242 = arith.index_cast %mul3A_241 : i32 to index
        %swap3A_243 = tpu.vector_load %arg9[%swap3A_242] {strides = array<i32>} : memref<16384xi32, #tpu.memory_space<vmem>>, vector<16xi32>,
        tpu.vector_store %arg9[%swap3A_242], %broadcast_in_dim3A_2 {strides = array<i32>} : memref<16384xi32, #tpu.memory_space<vmem>>, vector<16xi32>,
      }
      %scan3A_193 = arith.constant 1024 : i32
      %mul3A_194 = arith.constant 151552 : i32
      %mul3A_195 = arith.muli %add3A, %mul3A_194 : i32
      %add3A_196 = arith.constant 0 : i32
      %add3A_197 = arith.addi %mul3A_195, %add3A_196 : i32
      %dma_start3A_198 = arith.constant 0 : i32
      %dma_start3A_199 = arith.constant 0 : i32
      %dma_start3A_200 = tpu.memref_slice %arg8[%dma_start3A_198, %dma_start3A_199] : memref<2x1184xi32, #tpu.memory_space<vmem>> -> memref<1x1184xi32, #tpu.memory_space<vmem>>
      %dma_start3A_201 = tpu.memref_squeeze %dma_start3A_200 : memref<1x1184xi32, #tpu.memory_space<vmem>> -> memref<1184xi32, #tpu.memory_space<vmem>>
      %dma_start3A_202 = tpu.memref_slice %arg5[%add3A_197] : memref<606208xi32, #tpu.memory_space<hbm>> -> memref<1184xi32, #tpu.memory_space<hbm>>
      %dma_start3A_203 = arith.constant 0 : i32
      %dma_start3A_204 = tpu.memref_slice %arg8[%dma_start3A_198, %dma_start3A_203] : memref<2x1184xi32, #tpu.memory_space<vmem>> -> memref<1x1184xi32, #tpu.memory_space<vmem>>
      %dma_start3A_205 = tpu.memref_squeeze %dma_start3A_204 : memref<1x1184xi32, #tpu.memory_space<vmem>> -> memref<1184xi32, #tpu.memory_space<vmem>>
      %dma_start3A_206 = tpu.memref_slice %arg5[%add3A_197] : memref<606208xi32, #tpu.memory_space<hbm>> -> memref<1184xi32, #tpu.memory_space<hbm>>
      tpu.enqueue_dma source(%dma_start3A_206 : memref<1184xi32, #tpu.memory_space<hbm>>) target(%dma_start3A_205 : memref<1184xi32, #tpu.memory_space<vmem>>) target_semaphore(%arg34 : memref<!tpu.dma_semaphore, #tpu.memory_space<semaphore_mem>>)
      %dma_start3A_207 = arith.constant 0 : i32
      %dma_start3A_208 = arith.constant 0 : i32
      %dma_start3A_209 = arith.constant 0 : i32
      %dma_start3A_210 = tpu.memref_slice %arg7[%dma_start3A_207, %dma_start3A_208, %dma_start3A_209] : memref<2x1184x5xf32, #tpu.memory_space<vmem>> -> memref<1x1184x5xf32, #tpu.memory_space<vmem>>
      %dma_start3A_211 = tpu.memref_squeeze %dma_start3A_210 : memref<1x1184x5xf32, #tpu.memory_space<vmem>> -> memref<1184x5xf32, #tpu.memory_space<vmem>>
      %dma_start3A_212 = arith.constant 0 : i32
      %dma_start3A_213 = arith.constant 0 : i32
      %dma_start3A_214 = tpu.memref_slice %arg2[%add3A, %dma_start3A_212, %dma_start3A_213] : memref<4x150000x5xf32, #tpu.memory_space<hbm>> -> memref<1x1184x5xf32, #tpu.memory_space<hbm>>
      %dma_start3A_215 = tpu.memref_squeeze %dma_start3A_214 : memref<1x1184x5xf32, #tpu.memory_space<hbm>> -> memref<1184x5xf32, #tpu.memory_space<hbm>>
      %dma_start3A_216 = arith.constant 0 : i32
      %dma_start3A_217 = arith.constant 0 : i32
      %dma_start3A_218 = tpu.memref_slice %arg7[%dma_start3A_207, %dma_start3A_216, %dma_start3A_217] : memref<2x1184x5xf32, #tpu.memory_space<vmem>> -> memref<1x1184x5xf32, #tpu.memory_space<vmem>>
      %dma_start3A_219 = tpu.memref_squeeze %dma_start3A_218 : memref<1x1184x5xf32, #tpu.memory_space<vmem>> -> memref<1184x5xf32, #tpu.memory_space<vmem>>
      %dma_start3A_220 = arith.constant 0 : i32
      %dma_start3A_221 = arith.constant 0 : i32
      %dma_start3A_222 = tpu.memref_slice %arg2[%add3A, %dma_start3A_220, %dma_start3A_221] : memref<4x150000x5xf32, #tpu.memory_space<hbm>> -> memref<1x1184x5xf32, #tpu.memory_space<hbm>>
      %dma_start3A_223 = tpu.memref_squeeze %dma_start3A_222 : memref<1x1184x5xf32, #tpu.memory_space<hbm>> -> memref<1184x5xf32, #tpu.memory_space<hbm>>
      tpu.enqueue_dma source(%dma_start3A_223 : memref<1184x5xf32, #tpu.memory_space<hbm>>) target(%dma_start3A_219 : memref<1184x5xf32, #tpu.memory_space<vmem>>) target_semaphore(%arg34 : memref<!tpu.dma_semaphore, #tpu.memory_space<semaphore_mem>>)
      %scan3A_224 = arith.constant 0 : i32
      %scan3A_225 = arith.constant 0 : i32
      %scan3A_226 = arith.constant 128 : i32
      %scan3A_227 = arith.addi %scan3A_225, %scan3A_226 : i32
      %scan3A_228 = arith.constant 1 : i32
      %scan3A_229 = scf.for %scan3A_239 = %scan3A_225 to %scan3A_227 step %scan3A_228 iter_args(%scan3A_240 = %scan3A_224) -> (i32)  : i32 {
        %mul3A_241 = arith.constant 1184 : i32
        %mul3A_242 = arith.muli %scan3A_239, %mul3A_241 : i32
        %and3A_243 = arith.constant 1 : i32
        %and3A_244 = arith.andi %scan3A_239, %and3A_243 : i32
        %mul3A_245 = arith.constant 151552 : i32
        %mul3A_246 = arith.muli %add3A, %mul3A_245 : i32
        %add3A_247 = arith.addi %mul3A_246, %mul3A_242 : i32
        %dma_wait3A_248 = arith.constant 0 : i32
        %dma_wait3A_249 = tpu.memref_slice %arg8[%and3A_244, %dma_wait3A_248] : memref<2x1184xi32, #tpu.memory_space<vmem>> -> memref<1x1184xi32, #tpu.memory_space<vmem>>
        %dma_wait3A_250 = tpu.memref_squeeze %dma_wait3A_249 : memref<1x1184xi32, #tpu.memory_space<vmem>> -> memref<1184xi32, #tpu.memory_space<vmem>>
        %dma_wait3A_251 = tpu.memref_slice %arg5[%add3A_247] : memref<606208xi32, #tpu.memory_space<hbm>> -> memref<1184xi32, #tpu.memory_space<hbm>>
        %dma_wait3A_252 = arith.constant 0 : i32
        %dma_wait3A_253 = tpu.memref_slice %arg8[%and3A_244, %dma_wait3A_252] : memref<2x1184xi32, #tpu.memory_space<vmem>> -> memref<1x1184xi32, #tpu.memory_space<vmem>>
        %dma_wait3A_254 = tpu.memref_squeeze %dma_wait3A_253 : memref<1x1184xi32, #tpu.memory_space<vmem>> -> memref<1184xi32, #tpu.memory_space<vmem>>
        %dma_wait3A_255 = tpu.memref_slice %arg5[%add3A_247] : memref<606208xi32, #tpu.memory_space<hbm>> -> memref<1184xi32, #tpu.memory_space<hbm>>
        tpu.wait_dma2 semaphore(%arg34 : memref<!tpu.dma_semaphore, #tpu.memory_space<semaphore_mem>>) src(%dma_wait3A_255 : memref<1184xi32, #tpu.memory_space<hbm>>) dst(%dma_wait3A_254 : memref<1184xi32, #tpu.memory_space<vmem>>)
        %add3A_256 = arith.constant 1184 : i32
        %add3A_257 = arith.addi %mul3A_242, %add3A_256 : i32
        %le3A = arith.constant 150000 : i32
        %le3A_258 = arith.cmpi sle, %add3A_257, %le3A : i32
        %convert_element_type3A_259 = arith.extui %le3A_258 : i1 to i32
        %cond3A_260 = arith.constant 0 : i32
        %cond3A_261 = arith.cmpi ne, %convert_element_type3A_259, %cond3A_260 : i32
        scf.if %cond3A_261 {
          %dma_wait3A_303 = arith.constant 0 : i32
          %dma_wait3A_304 = arith.constant 0 : i32
          %dma_wait3A_305 = tpu.memref_slice %arg7[%and3A_244, %dma_wait3A_303, %dma_wait3A_304] : memref<2x1184x5xf32, #tpu.memory_space<vmem>> -> memref<1x1184x5xf32, #tpu.memory_space<vmem>>
          %dma_wait3A_306 = tpu.memref_squeeze %dma_wait3A_305 : memref<1x1184x5xf32, #tpu.memory_space<vmem>> -> memref<1184x5xf32, #tpu.memory_space<vmem>>
          %dma_wait3A_307 = arith.constant 0 : i32
          %dma_wait3A_308 = tpu.memref_slice %arg2[%add3A, %mul3A_242, %dma_wait3A_307] : memref<4x150000x5xf32, #tpu.memory_space<hbm>> -> memref<1x1184x5xf32, #tpu.memory_space<hbm>>
          %dma_wait3A_309 = tpu.memref_squeeze %dma_wait3A_308 : memref<1x1184x5xf32, #tpu.memory_space<hbm>> -> memref<1184x5xf32, #tpu.memory_space<hbm>>
          %dma_wait3A_310 = arith.constant 0 : i32
          %dma_wait3A_311 = arith.constant 0 : i32
          %dma_wait3A_312 = tpu.memref_slice %arg7[%and3A_244, %dma_wait3A_310, %dma_wait3A_311] : memref<2x1184x5xf32, #tpu.memory_space<vmem>> -> memref<1x1184x5xf32, #tpu.memory_space<vmem>>
          %dma_wait3A_313 = tpu.memref_squeeze %dma_wait3A_312 : memref<1x1184x5xf32, #tpu.memory_space<vmem>> -> memref<1184x5xf32, #tpu.memory_space<vmem>>
          %dma_wait3A_314 = arith.constant 0 : i32
          %dma_wait3A_315 = tpu.memref_slice %arg2[%add3A, %mul3A_242, %dma_wait3A_314] : memref<4x150000x5xf32, #tpu.memory_space<hbm>> -> memref<1x1184x5xf32, #tpu.memory_space<hbm>>
          %dma_wait3A_316 = tpu.memref_squeeze %dma_wait3A_315 : memref<1x1184x5xf32, #tpu.memory_space<hbm>> -> memref<1184x5xf32, #tpu.memory_space<hbm>>
          tpu.wait_dma2 semaphore(%arg34 : memref<!tpu.dma_semaphore, #tpu.memory_space<semaphore_mem>>) src(%dma_wait3A_316 : memref<1184x5xf32, #tpu.memory_space<hbm>>) dst(%dma_wait3A_313 : memref<1184x5xf32, #tpu.memory_space<vmem>>)
        } else {
        }
        %eq3A_262 = arith.constant 149184 : i32
        %eq3A_263 = arith.cmpi eq, %mul3A_242, %eq3A_262 : i32
        %convert_element_type3A_264 = arith.extui %eq3A_263 : i1 to i32
        %cond3A_265 = arith.constant 0 : i32
        %cond3A_266 = arith.cmpi ne, %convert_element_type3A_264, %cond3A_265 : i32
        scf.if %cond3A_266 {
          %dma_wait3A_303 = arith.constant 0 : i32
          %dma_wait3A_304 = arith.constant 0 : i32
          %dma_wait3A_305 = tpu.memref_slice %arg7[%and3A_244, %dma_wait3A_303, %dma_wait3A_304] : memref<2x1184x5xf32, #tpu.memory_space<vmem>> -> memref<1x1184x5xf32, #tpu.memory_space<vmem>>
          %dma_wait3A_306 = tpu.memref_squeeze %dma_wait3A_305 : memref<1x1184x5xf32, #tpu.memory_space<vmem>> -> memref<1184x5xf32, #tpu.memory_space<vmem>>
          %dma_wait3A_307 = arith.constant 0 : i32
          %dma_wait3A_308 = arith.constant 0 : i32
          %dma_wait3A_309 = tpu.memref_slice %dma_wait3A_306[%dma_wait3A_307, %dma_wait3A_308] : memref<1184x5xf32, #tpu.memory_space<vmem>> -> memref<816x5xf32, #tpu.memory_space<vmem>>
          %dma_wait3A_310 = arith.constant 149184 : i32
          %dma_wait3A_311 = arith.constant 0 : i32
          %dma_wait3A_312 = tpu.memref_slice %arg2[%add3A, %dma_wait3A_310, %dma_wait3A_311] : memref<4x150000x5xf32, #tpu.memory_space<hbm>> -> memref<1x816x5xf32, #tpu.memory_space<hbm>>
          %dma_wait3A_313 = tpu.memref_squeeze %dma_wait3A_312 : memref<1x816x5xf32, #tpu.memory_space<hbm>> -> memref<816x5xf32, #tpu.memory_space<hbm>>
          %dma_wait3A_314 = arith.constant 0 : i32
          %dma_wait3A_315 = arith.constant 0 : i32
          %dma_wait3A_316 = tpu.memref_slice %arg7[%and3A_244, %dma_wait3A_314, %dma_wait3A_315] : memref<2x1184x5xf32, #tpu.memory_space<vmem>> -> memref<1x1184x5xf32, #tpu.memory_space<vmem>>
          %dma_wait3A_317 = tpu.memref_squeeze %dma_wait3A_316 : memref<1x1184x5xf32, #tpu.memory_space<vmem>> -> memref<1184x5xf32, #tpu.memory_space<vmem>>
          %dma_wait3A_318 = arith.constant 0 : i32
          %dma_wait3A_319 = arith.constant 0 : i32
          %dma_wait3A_320 = tpu.memref_slice %dma_wait3A_317[%dma_wait3A_318, %dma_wait3A_319] : memref<1184x5xf32, #tpu.memory_space<vmem>> -> memref<816x5xf32, #tpu.memory_space<vmem>>
          %dma_wait3A_321 = arith.constant 149184 : i32
          %dma_wait3A_322 = arith.constant 0 : i32
          %dma_wait3A_323 = tpu.memref_slice %arg2[%add3A, %dma_wait3A_321, %dma_wait3A_322] : memref<4x150000x5xf32, #tpu.memory_space<hbm>> -> memref<1x816x5xf32, #tpu.memory_space<hbm>>
          %dma_wait3A_324 = tpu.memref_squeeze %dma_wait3A_323 : memref<1x816x5xf32, #tpu.memory_space<hbm>> -> memref<816x5xf32, #tpu.memory_space<hbm>>
          tpu.wait_dma2 semaphore(%arg34 : memref<!tpu.dma_semaphore, #tpu.memory_space<semaphore_mem>>) src(%dma_wait3A_324 : memref<816x5xf32, #tpu.memory_space<hbm>>) dst(%dma_wait3A_320 : memref<816x5xf32, #tpu.memory_space<vmem>>)
        } else {
        }
        %add3A_267 = arith.constant 1 : i32
        %add3A_268 = arith.addi %scan3A_239, %add3A_267 : i32
        %lt3A_269 = arith.constant 128 : i32
        %lt3A_270 = arith.cmpi slt, %add3A_268, %lt3A_269 : i32
        %convert_element_type3A_271 = arith.extui %lt3A_270 : i1 to i32
        %cond3A_272 = arith.constant 0 : i32
        %cond3A_273 = arith.cmpi ne, %convert_element_type3A_271, %cond3A_272 : i32
        scf.if %cond3A_273 {
          %add3A_303 = arith.constant 1184 : i32
          %add3A_304 = arith.addi %mul3A_242, %add3A_303 : i32
          %sub3A = arith.constant 1 : i32
          %sub3A_305 = arith.subi %sub3A, %and3A_244 : i32
          %mul3A_306 = arith.constant 151552 : i32
          %mul3A_307 = arith.muli %add3A, %mul3A_306 : i32
          %add3A_308 = arith.addi %mul3A_307, %add3A_304 : i32
          %dma_start3A_309 = arith.constant 0 : i32
          %dma_start3A_310 = tpu.memref_slice %arg8[%sub3A_305, %dma_start3A_309] : memref<2x1184xi32, #tpu.memory_space<vmem>> -> memref<1x1184xi32, #tpu.memory_space<vmem>>
          %dma_start3A_311 = tpu.memref_squeeze %dma_start3A_310 : memref<1x1184xi32, #tpu.memory_space<vmem>> -> memref<1184xi32, #tpu.memory_space<vmem>>
          %dma_start3A_312 = tpu.memref_slice %arg5[%add3A_308] : memref<606208xi32, #tpu.memory_space<hbm>> -> memref<1184xi32, #tpu.memory_space<hbm>>
          %dma_start3A_313 = arith.constant 0 : i32
          %dma_start3A_314 = tpu.memref_slice %arg8[%sub3A_305, %dma_start3A_313] : memref<2x1184xi32, #tpu.memory_space<vmem>> -> memref<1x1184xi32, #tpu.memory_space<vmem>>
          %dma_start3A_315 = tpu.memref_squeeze %dma_start3A_314 : memref<1x1184xi32, #tpu.memory_space<vmem>> -> memref<1184xi32, #tpu.memory_space<vmem>>
          %dma_start3A_316 = tpu.memref_slice %arg5[%add3A_308] : memref<606208xi32, #tpu.memory_space<hbm>> -> memref<1184xi32, #tpu.memory_space<hbm>>
          tpu.enqueue_dma source(%dma_start3A_316 : memref<1184xi32, #tpu.memory_space<hbm>>) target(%dma_start3A_315 : memref<1184xi32, #tpu.memory_space<vmem>>) target_semaphore(%arg34 : memref<!tpu.dma_semaphore, #tpu.memory_space<semaphore_mem>>)
          %add3A_317 = arith.constant 1184 : i32
          %add3A_318 = arith.addi %add3A_304, %add3A_317 : i32
          %le3A_319 = arith.constant 150000 : i32
          %le3A_320 = arith.cmpi sle, %add3A_318, %le3A_319 : i32
          %convert_element_type3A_321 = arith.extui %le3A_320 : i1 to i32
          %cond3A_322 = arith.constant 0 : i32
          %cond3A_323 = arith.cmpi ne, %convert_element_type3A_321, %cond3A_322 : i32
          scf.if %cond3A_323 {
            %dma_start3A_329 = arith.constant 0 : i32
            %dma_start3A_330 = arith.constant 0 : i32
            %dma_start3A_331 = tpu.memref_slice %arg7[%sub3A_305, %dma_start3A_329, %dma_start3A_330] : memref<2x1184x5xf32, #tpu.memory_space<vmem>> -> memref<1x1184x5xf32, #tpu.memory_space<vmem>>
            %dma_start3A_332 = tpu.memref_squeeze %dma_start3A_331 : memref<1x1184x5xf32, #tpu.memory_space<vmem>> -> memref<1184x5xf32, #tpu.memory_space<vmem>>
            %dma_start3A_333 = arith.constant 0 : i32
            %dma_start3A_334 = tpu.memref_slice %arg2[%add3A, %add3A_304, %dma_start3A_333] : memref<4x150000x5xf32, #tpu.memory_space<hbm>> -> memref<1x1184x5xf32, #tpu.memory_space<hbm>>
            %dma_start3A_335 = tpu.memref_squeeze %dma_start3A_334 : memref<1x1184x5xf32, #tpu.memory_space<hbm>> -> memref<1184x5xf32, #tpu.memory_space<hbm>>
            %dma_start3A_336 = arith.constant 0 : i32
            %dma_start3A_337 = arith.constant 0 : i32
            %dma_start3A_338 = tpu.memref_slice %arg7[%sub3A_305, %dma_start3A_336, %dma_start3A_337] : memref<2x1184x5xf32, #tpu.memory_space<vmem>> -> memref<1x1184x5xf32, #tpu.memory_space<vmem>>
            %dma_start3A_339 = tpu.memref_squeeze %dma_start3A_338 : memref<1x1184x5xf32, #tpu.memory_space<vmem>> -> memref<1184x5xf32, #tpu.memory_space<vmem>>
            %dma_start3A_340 = arith.constant 0 : i32
            %dma_start3A_341 = tpu.memref_slice %arg2[%add3A, %add3A_304, %dma_start3A_340] : memref<4x150000x5xf32, #tpu.memory_space<hbm>> -> memref<1x1184x5xf32, #tpu.memory_space<hbm>>
            %dma_start3A_342 = tpu.memref_squeeze %dma_start3A_341 : memref<1x1184x5xf32, #tpu.memory_space<hbm>> -> memref<1184x5xf32, #tpu.memory_space<hbm>>
            tpu.enqueue_dma source(%dma_start3A_342 : memref<1184x5xf32, #tpu.memory_space<hbm>>) target(%dma_start3A_339 : memref<1184x5xf32, #tpu.memory_space<vmem>>) target_semaphore(%arg34 : memref<!tpu.dma_semaphore, #tpu.memory_space<semaphore_mem>>)
          } else {
          }
          %eq3A_324 = arith.constant 149184 : i32
          %eq3A_325 = arith.cmpi eq, %add3A_304, %eq3A_324 : i32
          %convert_element_type3A_326 = arith.extui %eq3A_325 : i1 to i32
          %cond3A_327 = arith.constant 0 : i32
          %cond3A_328 = arith.cmpi ne, %convert_element_type3A_326, %cond3A_327 : i32
          scf.if %cond3A_328 {
            %dma_start3A_329 = arith.constant 0 : i32
            %dma_start3A_330 = arith.constant 0 : i32
            %dma_start3A_331 = tpu.memref_slice %arg7[%sub3A_305, %dma_start3A_329, %dma_start3A_330] : memref<2x1184x5xf32, #tpu.memory_space<vmem>> -> memref<1x1184x5xf32, #tpu.memory_space<vmem>>
            %dma_start3A_332 = tpu.memref_squeeze %dma_start3A_331 : memref<1x1184x5xf32, #tpu.memory_space<vmem>> -> memref<1184x5xf32, #tpu.memory_space<vmem>>
            %dma_start3A_333 = arith.constant 0 : i32
            %dma_start3A_334 = arith.constant 0 : i32
            %dma_start3A_335 = tpu.memref_slice %dma_start3A_332[%dma_start3A_333, %dma_start3A_334] : memref<1184x5xf32, #tpu.memory_space<vmem>> -> memref<816x5xf32, #tpu.memory_space<vmem>>
            %dma_start3A_336 = arith.constant 149184 : i32
            %dma_start3A_337 = arith.constant 0 : i32
            %dma_start3A_338 = tpu.memref_slice %arg2[%add3A, %dma_start3A_336, %dma_start3A_337] : memref<4x150000x5xf32, #tpu.memory_space<hbm>> -> memref<1x816x5xf32, #tpu.memory_space<hbm>>
            %dma_start3A_339 = tpu.memref_squeeze %dma_start3A_338 : memref<1x816x5xf32, #tpu.memory_space<hbm>> -> memref<816x5xf32, #tpu.memory_space<hbm>>
            %dma_start3A_340 = arith.constant 0 : i32
            %dma_start3A_341 = arith.constant 0 : i32
            %dma_start3A_342 = tpu.memref_slice %arg7[%sub3A_305, %dma_start3A_340, %dma_start3A_341] : memref<2x1184x5xf32, #tpu.memory_space<vmem>> -> memref<1x1184x5xf32, #tpu.memory_space<vmem>>
            %dma_start3A_343 = tpu.memref_squeeze %dma_start3A_342 : memref<1x1184x5xf32, #tpu.memory_space<vmem>> -> memref<1184x5xf32, #tpu.memory_space<vmem>>
            %dma_start3A_344 = arith.constant 0 : i32
            %dma_start3A_345 = arith.constant 0 : i32
            %dma_start3A_346 = tpu.memref_slice %dma_start3A_343[%dma_start3A_344, %dma_start3A_345] : memref<1184x5xf32, #tpu.memory_space<vmem>> -> memref<816x5xf32, #tpu.memory_space<vmem>>
            %dma_start3A_347 = arith.constant 149184 : i32
            %dma_start3A_348 = arith.constant 0 : i32
            %dma_start3A_349 = tpu.memref_slice %arg2[%add3A, %dma_start3A_347, %dma_start3A_348] : memref<4x150000x5xf32, #tpu.memory_space<hbm>> -> memref<1x816x5xf32, #tpu.memory_space<hbm>>
            %dma_start3A_350 = tpu.memref_squeeze %dma_start3A_349 : memref<1x816x5xf32, #tpu.memory_space<hbm>> -> memref<816x5xf32, #tpu.memory_space<hbm>>
            tpu.enqueue_dma source(%dma_start3A_350 : memref<816x5xf32, #tpu.memory_space<hbm>>) target(%dma_start3A_346 : memref<816x5xf32, #tpu.memory_space<vmem>>) target_semaphore(%arg34 : memref<!tpu.dma_semaphore, #tpu.memory_space<semaphore_mem>>)
          } else {
          }
        } else {
        }
        %broadcast_in_dim3A_274 = vector.broadcast %and3A_244 : i32 to vector<16xi32>
        %scan3A_275 = arith.constant 0 : i32
        %scan3A_276 = arith.constant 0 : i32
        %scan3A_277 = arith.constant 74 : i32
        %scan3A_278 = arith.addi %scan3A_276, %scan3A_277 : i32
        %scan3A_279 = arith.constant 1 : i32
        %scan3A_280 = scf.for %scan3A_303 = %scan3A_276 to %scan3A_278 step %scan3A_279 iter_args(%scan3A_304 = %scan3A_275) -> (i32)  : i32 {
          %mul3A_305 = arith.constant 16 : i32
          %mul3A_306 = arith.muli %scan3A_303, %mul3A_305 : i32
          %get3A = arith.index_cast %and3A_244 : i32 to index
          %get3A_307 = arith.index_cast %mul3A_306 : i32 to index
          %get3A_308 = tpu.vector_load %arg8[%get3A, %get3A_307] {strides = array<i32>} : memref<2x1184xi32, #tpu.memory_space<vmem>>, vector<16xi32>,
          %ge3A = vector.broadcast %mul3A_15 : i32 to vector<16xi32>
          %ge3A_309 = arith.cmpi sge, %get3A_308, %ge3A : vector<16xi32>
          %add3A_310 = arith.constant 16384 : i32
          %add3A_311 = arith.addi %mul3A_15, %add3A_310 : i32
          %lt3A_312 = vector.broadcast %add3A_311 : i32 to vector<16xi32>
          %lt3A_313 = arith.cmpi slt, %get3A_308, %lt3A_312 : vector<16xi32>
          %and3A_314 = arith.andi %ge3A_309, %lt3A_313 : vector<16xi1>
          %reduce_or3A = arith.constant 1.000000e+00 : f32
          %reduce_or3A_315 = arith.constant 0.000000e+00 : f32
          %reduce_or3A_316 = vector.broadcast %reduce_or3A : f32 to vector<16xf32>
          %reduce_or3A_317 = vector.broadcast %reduce_or3A_315 : f32 to vector<16xf32>
          %reduce_or3A_318 = arith.select %and3A_314, %reduce_or3A_316, %reduce_or3A_317 : vector<16xi1>, vector<16xf32>
          %reduce_or3A_319 = arith.constant true
          %reduce_or3A_320 = vector.broadcast %reduce_or3A_319 : i1 to vector<16xi1>
          %reduce_or3A_321 = tpu.scan <max>, %reduce_or3A_318 masked %reduce_or3A_320 : vector<16xf32>, vector<16xi1> -> vector<16xf32>
          %reduce_or3A_322 = vector.extract %reduce_or3A_321[15] : f32 from vector<16xf32>
          %reduce_or3A_323 = arith.constant 0.000000e+00 : f32
          %reduce_or3A_324 = arith.cmpf ogt, %reduce_or3A_322, %reduce_or3A_323 : f32
          %convert_element_type3A_325 = arith.extui %reduce_or3A_324 : i1 to i32
          %cond3A_326 = arith.constant 0 : i32
          %cond3A_327 = arith.cmpi ne, %convert_element_type3A_325, %cond3A_326 : i32
          %cond3A_328 = scf.if %cond3A_327 -> (i32) {
            %sub3A = vector.broadcast %mul3A_15 : i32 to vector<16xi32>
            %sub3A_329 = arith.subi %get3A_308, %sub3A : vector<16xi32>
            %jit3A_330 = arith.constant 0 : i32
            %broadcast_in_dim3A_331 = vector.broadcast %jit3A_330 : i32 to vector<16xi32>
            %select_n3A_332 = arith.select %and3A_314, %sub3A_329, %broadcast_in_dim3A_331 : vector<16xi1>, vector<16xi32>
            %gather3A_333 = tpu.vector_load_idx %arg9[%select_n3A_332] masked %and3A_314 : memref<16384xi32, #tpu.memory_space<vmem>>[vector<16xi32>], vector<16xi32>, vector<16xi1>
            %unique3A, %unique3A_334 = tpu.scan_count mask(%and3A_314 : vector<16xi1>) value(%select_n3A_332 : vector<16xi32>) : vector<16xi1>, vector<16xi32>
            tpu.vector_store_idx %arg9[%select_n3A_332], %broadcast_in_dim3A_0 masked %and3A_314 {add = true} : memref<16384xi32, #tpu.memory_space<vmem>>[vector<16xi32>], vector<16xi32>, vector<16xi1>
            %add3A_335 = arith.addi %gather3A_333, %unique3A_334 : vector<16xi32>
            %sub3A_336 = arith.constant 1 : i32
            %sub3A_337 = vector.broadcast %sub3A_336 : i32 to vector<16xi32>
            %sub3A_338 = arith.subi %add3A_335, %sub3A_337 : vector<16xi32>
            %gather3A_339 = tpu.vector_load_idx %arg10[%select_n3A_332] masked %and3A_314 : memref<16384xi32, #tpu.memory_space<vmem>>[vector<16xi32>], vector<16xi32>, vector<16xi1>
            %shift_right_arithmetic3A_340 = arith.constant 1 : i32
            %shift_right_arithmetic3A_341 = vector.broadcast %shift_right_arithmetic3A_340 : i32 to vector<16xi32>
            %shift_right_arithmetic3A_342 = arith.shrsi %gather3A_339, %shift_right_arithmetic3A_341 : vector<16xi32>
            %add3A_343 = vector.broadcast %reduce_sum3A_153 : i32 to vector<16xi32>
            %add3A_344 = arith.addi %shift_right_arithmetic3A_342, %add3A_343 : vector<16xi32>
            %lt3A_345 = arith.constant 20 : i32
            %lt3A_346 = vector.broadcast %lt3A_345 : i32 to vector<16xi32>
            %lt3A_347 = arith.cmpi slt, %sub3A_338, %lt3A_346 : vector<16xi32>
            %and3A_348 = arith.andi %and3A_314, %lt3A_347 : vector<16xi1>
            %lt3A_349 = arith.constant 30000 : i32
            %lt3A_350 = vector.broadcast %lt3A_349 : i32 to vector<16xi32>
            %lt3A_351 = arith.cmpi slt, %add3A_344, %lt3A_350 : vector<16xi32>
            %and3A_352 = arith.andi %and3A_348, %lt3A_351 : vector<16xi1>
            %mul3A_353 = arith.constant 32768 : i32
            %mul3A_354 = vector.broadcast %mul3A_353 : i32 to vector<16xi32>
            %mul3A_355 = arith.muli %sub3A_338, %mul3A_354 : vector<16xi32>
            %add3A_356 = arith.addi %mul3A_355, %add3A_344 : vector<16xi32>
            %convert_element_type3A_357 = arith.extui %and3A_352 : vector<16xi1> to vector<16xi32>
            %broadcast_in_dim3A_358 = arith.constant true
            %broadcast_in_dim3A_359 = vector.broadcast %broadcast_in_dim3A_358 : i1 to vector<16xi1>
            %masked_cumsum3A = tpu.scan <sum>, %convert_element_type3A_357 masked %broadcast_in_dim3A_359 : vector<16xi32>, vector<16xi1> -> vector<16xi32>
            %add3A_360 = vector.broadcast %scan3A_304 : i32 to vector<16xi32>
            %add3A_361 = arith.addi %add3A_360, %masked_cumsum3A : vector<16xi32>
            %sub3A_362 = arith.constant 1 : i32
            %sub3A_363 = vector.broadcast %sub3A_362 : i32 to vector<16xi32>
            %sub3A_364 = arith.subi %add3A_361, %sub3A_363 : vector<16xi32>
            %mul3A_365 = arith.constant 6 : i32
            %mul3A_366 = vector.broadcast %mul3A_365 : i32 to vector<16xi32>
            %mul3A_367 = arith.muli %sub3A_364, %mul3A_366 : vector<16xi32>
            %mul3A_368 = arith.constant 16 : i32
            %mul3A_369 = arith.muli %scan3A_303, %mul3A_368 : i32
            %add3A_370 = vector.broadcast %mul3A_369 : i32 to vector<16xi32>
            %add3A_371 = arith.addi %add3A_370, %iota3A : vector<16xi32>
            tpu.vector_store_idx %arg29[%mul3A_367], %add3A_356 masked %and3A_352 : memref<7680xi32, #tpu.memory_space<vmem>>[vector<16xi32>], vector<16xi32>, vector<16xi1>
            %gather3A_372 = tpu.vector_load_idx %arg7[%broadcast_in_dim3A_274, %add3A_371, %broadcast_in_dim3A_6] masked %and3A_352 : memref<2x1184x5xf32, #tpu.memory_space<vmem>>[vector<16xi32>, vector<16xi32>, vector<16xi32>], vector<16xf32>, vector<16xi1>
            %sub3A_373 = arith.constant -5.120000e+01 : f32
            %sub3A_374 = vector.broadcast %sub3A_373 : f32 to vector<16xf32>
            %sub3A_375 = arith.subf %gather3A_372, %sub3A_374 : vector<16xf32>
            %div3A = arith.constant 1.024000e+02 : f32
            %div3A_376 = vector.broadcast %div3A : f32 to vector<16xf32>
            %div3A_377 = arith.divf %sub3A_375, %div3A_376 : vector<16xf32>
            %add3A_378 = arith.constant 1 : i32
            %add3A_379 = vector.broadcast %add3A_378 : i32 to vector<16xi32>
            %add3A_380 = arith.addi %mul3A_367, %add3A_379 : vector<16xi32>
            %add3A_381 = arith.constant 0 : i32
            %add3A_382 = vector.broadcast %add3A_381 : i32 to vector<16xi32>
            %add3A_383 = arith.addi %add3A_380, %add3A_382 : vector<16xi32>
            %bitcast3A = vector.bitcast %div3A_377 : vector<16xf32> to vector<16xi32>
            tpu.vector_store_idx %arg29[%add3A_383], %bitcast3A masked %and3A_352 : memref<7680xi32, #tpu.memory_space<vmem>>[vector<16xi32>], vector<16xi32>, vector<16xi1>
            %gather3A_384 = tpu.vector_load_idx %arg7[%broadcast_in_dim3A_274, %add3A_371, %broadcast_in_dim3A_8] masked %and3A_352 : memref<2x1184x5xf32, #tpu.memory_space<vmem>>[vector<16xi32>, vector<16xi32>, vector<16xi32>], vector<16xf32>, vector<16xi1>
            %sub3A_385 = arith.constant -5.120000e+01 : f32
            %sub3A_386 = vector.broadcast %sub3A_385 : f32 to vector<16xf32>
            %sub3A_387 = arith.subf %gather3A_384, %sub3A_386 : vector<16xf32>
            %div3A_388 = arith.constant 1.024000e+02 : f32
            %div3A_389 = vector.broadcast %div3A_388 : f32 to vector<16xf32>
            %div3A_390 = arith.divf %sub3A_387, %div3A_389 : vector<16xf32>
            %add3A_391 = arith.constant 1 : i32
            %add3A_392 = vector.broadcast %add3A_391 : i32 to vector<16xi32>
            %add3A_393 = arith.addi %mul3A_367, %add3A_392 : vector<16xi32>
            %add3A_394 = arith.constant 1 : i32
            %add3A_395 = vector.broadcast %add3A_394 : i32 to vector<16xi32>
            %add3A_396 = arith.addi %add3A_393, %add3A_395 : vector<16xi32>
            %bitcast3A_397 = vector.bitcast %div3A_390 : vector<16xf32> to vector<16xi32>
            tpu.vector_store_idx %arg29[%add3A_396], %bitcast3A_397 masked %and3A_352 : memref<7680xi32, #tpu.memory_space<vmem>>[vector<16xi32>], vector<16xi32>, vector<16xi1>
            %gather3A_398 = tpu.vector_load_idx %arg7[%broadcast_in_dim3A_274, %add3A_371, %broadcast_in_dim3A_10] masked %and3A_352 : memref<2x1184x5xf32, #tpu.memory_space<vmem>>[vector<16xi32>, vector<16xi32>, vector<16xi32>], vector<16xf32>, vector<16xi1>
            %sub3A_399 = arith.constant -5.000000e+00 : f32
            %sub3A_400 = vector.broadcast %sub3A_399 : f32 to vector<16xf32>
            %sub3A_401 = arith.subf %gather3A_398, %sub3A_400 : vector<16xf32>
            %div3A_402 = arith.constant 8.000000e+00 : f32
            %div3A_403 = vector.broadcast %div3A_402 : f32 to vector<16xf32>
            %div3A_404 = arith.divf %sub3A_401, %div3A_403 : vector<16xf32>
            %add3A_405 = arith.constant 1 : i32
            %add3A_406 = vector.broadcast %add3A_405 : i32 to vector<16xi32>
            %add3A_407 = arith.addi %mul3A_367, %add3A_406 : vector<16xi32>
            %add3A_408 = arith.constant 2 : i32
            %add3A_409 = vector.broadcast %add3A_408 : i32 to vector<16xi32>
            %add3A_410 = arith.addi %add3A_407, %add3A_409 : vector<16xi32>
            %bitcast3A_411 = vector.bitcast %div3A_404 : vector<16xf32> to vector<16xi32>
            tpu.vector_store_idx %arg29[%add3A_410], %bitcast3A_411 masked %and3A_352 : memref<7680xi32, #tpu.memory_space<vmem>>[vector<16xi32>], vector<16xi32>, vector<16xi1>
            %gather3A_412 = tpu.vector_load_idx %arg7[%broadcast_in_dim3A_274, %add3A_371, %broadcast_in_dim3A_12] masked %and3A_352 : memref<2x1184x5xf32, #tpu.memory_space<vmem>>[vector<16xi32>, vector<16xi32>, vector<16xi32>], vector<16xf32>, vector<16xi1>
            %sub3A_413 = arith.constant 0.000000e+00 : f32
            %sub3A_414 = vector.broadcast %sub3A_413 : f32 to vector<16xf32>
            %sub3A_415 = arith.subf %gather3A_412, %sub3A_414 : vector<16xf32>
            %div3A_416 = arith.constant 2.550000e+02 : f32
            %div3A_417 = vector.broadcast %div3A_416 : f32 to vector<16xf32>
            %div3A_418 = arith.divf %sub3A_415, %div3A_417 : vector<16xf32>
            %add3A_419 = arith.constant 1 : i32
            %add3A_420 = vector.broadcast %add3A_419 : i32 to vector<16xi32>
            %add3A_421 = arith.addi %mul3A_367, %add3A_420 : vector<16xi32>
            %add3A_422 = arith.constant 3 : i32
            %add3A_423 = vector.broadcast %add3A_422 : i32 to vector<16xi32>
            %add3A_424 = arith.addi %add3A_421, %add3A_423 : vector<16xi32>
            %bitcast3A_425 = vector.bitcast %div3A_418 : vector<16xf32> to vector<16xi32>
            tpu.vector_store_idx %arg29[%add3A_424], %bitcast3A_425 masked %and3A_352 : memref<7680xi32, #tpu.memory_space<vmem>>[vector<16xi32>], vector<16xi32>, vector<16xi1>
            %gather3A_426 = tpu.vector_load_idx %arg7[%broadcast_in_dim3A_274, %add3A_371, %broadcast_in_dim3A_14] masked %and3A_352 : memref<2x1184x5xf32, #tpu.memory_space<vmem>>[vector<16xi32>, vector<16xi32>, vector<16xi32>], vector<16xf32>, vector<16xi1>
            %add3A_427 = arith.constant 1 : i32
            %add3A_428 = vector.broadcast %add3A_427 : i32 to vector<16xi32>
            %add3A_429 = arith.addi %mul3A_367, %add3A_428 : vector<16xi32>
            %add3A_430 = arith.constant 4 : i32
            %add3A_431 = vector.broadcast %add3A_430 : i32 to vector<16xi32>
            %add3A_432 = arith.addi %add3A_429, %add3A_431 : vector<16xi32>
            %bitcast3A_433 = vector.bitcast %gather3A_426 : vector<16xf32> to vector<16xi32>
            tpu.vector_store_idx %arg29[%add3A_432], %bitcast3A_433 masked %and3A_352 : memref<7680xi32, #tpu.memory_space<vmem>>[vector<16xi32>], vector<16xi32>, vector<16xi1>
            %reduce_sum3A_434 = arith.constant true
            %reduce_sum3A_435 = vector.broadcast %reduce_sum3A_434 : i1 to vector<16xi1>
            %reduce_sum3A_436 = tpu.scan <sum>, %convert_element_type3A_357 masked %reduce_sum3A_435 : vector<16xi32>, vector<16xi1> -> vector<16xi32>
            %reduce_sum3A_437 = vector.extract %reduce_sum3A_436[15] : i32 from vector<16xi32>
            %add3A_438 = arith.addi %scan3A_304, %reduce_sum3A_437 : i32
            scf.yield %add3A_438 : i32
          } else {
            scf.yield %scan3A_304 : i32
          }
          scf.yield %cond3A_328 : i32
        }
        %scan3A_281 = arith.constant 74 : i32
        %add3A_282 = arith.constant 127 : i32
        %add3A_283 = arith.addi %scan3A_280, %add3A_282 : i32
        %shift_right_arithmetic3A = arith.constant 7 : i32
        %shift_right_arithmetic3A_284 = arith.shrsi %add3A_283, %shift_right_arithmetic3A : i32
        %scan3A_285 = arith.constant 0 : i32
        %scan3A_286 = arith.constant 0 : i32
        %scan3A_287 = arith.constant 8 : i32
        %scan3A_288 = arith.addi %scan3A_286, %scan3A_287 : i32
        %scan3A_289 = arith.constant 1 : i32
        scf.for %scan3A_303 = %scan3A_286 to %scan3A_288 step %scan3A_289  : i32 {
          %mul3A_304 = arith.constant 16 : i32
          %mul3A_305 = arith.muli %scan3A_303, %mul3A_304 : i32
          %add3A_306 = arith.addi %scan3A_280, %mul3A_305 : i32
          %add3A_307 = vector.broadcast %add3A_306 : i32 to vector<16xi32>
          %add3A_308 = arith.addi %add3A_307, %iota3A : vector<16xi32>
          %mul3A_309 = arith.constant 128 : i32
          %mul3A_310 = arith.muli %shift_right_arithmetic3A_284, %mul3A_309 : i32
          %lt3A_311 = vector.broadcast %mul3A_310 : i32 to vector<16xi32>
          %lt3A_312 = arith.cmpi slt, %add3A_308, %lt3A_311 : vector<16xi32>
          %mul3A_313 = arith.constant 6 : i32
          %mul3A_314 = vector.broadcast %mul3A_313 : i32 to vector<16xi32>
          %mul3A_315 = arith.muli %add3A_308, %mul3A_314 : vector<16xi32>
          %broadcast_in_dim3A_316 = arith.constant 655360 : i32
          %broadcast_in_dim3A_317 = vector.broadcast %broadcast_in_dim3A_316 : i32 to vector<16xi32>
          tpu.vector_store_idx %arg29[%mul3A_315], %broadcast_in_dim3A_317 masked %lt3A_312 : memref<7680xi32, #tpu.memory_space<vmem>>[vector<16xi32>], vector<16xi32>, vector<16xi1>
        }
        %scan3A_290 = arith.constant 8 : i32
        %while3A = arith.constant 0 : i32
        %while3A_291 = arith.constant 0 : i32
        %while3A_292 = arith.subi %shift_right_arithmetic3A_284, %while3A : i32
        %while3A_293 = arith.addi %while3A, %while3A_292 : i32
        %while3A_294 = arith.constant 1 : i32
        %while3A_295 = arith.divsi %while3A_292, %while3A_294 : i32
        %while3A_296 = arith.muli %while3A_295, %while3A_294 : i32
        %while3A_297 = arith.addi %while3A, %while3A_296 : i32
        %while3A_298 = arith.constant 1 : i32
        %while3A_299 = scf.for %while3A_303 = %while3A to %while3A_297 step %while3A_298 iter_args(%while3A_304 = %while3A_291) -> (i32)  : i32 {
          %mul3A_305 = arith.constant 768 : i32
          %mul3A_306 = arith.muli %while3A_303, %mul3A_305 : i32
          %add3A_307 = arith.addi %scan3A_240, %while3A_303 : i32
          %mul3A_308 = arith.constant 768 : i32
          %mul3A_309 = arith.muli %add3A_307, %mul3A_308 : i32
          %add3A_310 = arith.addi %mul3A_187, %mul3A_309 : i32
          "tpu.region"() ({
            %run_scoped3A_312 = tpu.sem_alloc : memref<!tpu.dma_semaphore, #tpu.memory_space<semaphore_mem>>
            %dma_start3A_313 = tpu.memref_slice %arg29[%mul3A_306] : memref<7680xi32, #tpu.memory_space<vmem>> -> memref<768xi32, #tpu.memory_space<vmem>>
            %dma_start3A_314 = tpu.memref_slice %arg6[%add3A_310] : memref<31506432xi32, #tpu.memory_space<hbm>> -> memref<768xi32, #tpu.memory_space<hbm>>
            %dma_start3A_315 = tpu.memref_slice %arg6[%add3A_310] : memref<31506432xi32, #tpu.memory_space<hbm>> -> memref<768xi32, #tpu.memory_space<hbm>>
            %dma_start3A_316 = tpu.memref_slice %arg29[%mul3A_306] : memref<7680xi32, #tpu.memory_space<vmem>> -> memref<768xi32, #tpu.memory_space<vmem>>
            tpu.enqueue_dma source(%dma_start3A_316 : memref<768xi32, #tpu.memory_space<vmem>>) target(%dma_start3A_315 : memref<768xi32, #tpu.memory_space<hbm>>) target_semaphore(%run_scoped3A_312 : memref<!tpu.dma_semaphore, #tpu.memory_space<semaphore_mem>>)
            %dma_wait3A_317 = tpu.memref_slice %arg29[%mul3A_306] : memref<7680xi32, #tpu.memory_space<vmem>> -> memref<768xi32, #tpu.memory_space<vmem>>
            %dma_wait3A_318 = tpu.memref_slice %arg6[%add3A_310] : memref<31506432xi32, #tpu.memory_space<hbm>> -> memref<768xi32, #tpu.memory_space<hbm>>
            %dma_wait3A_319 = tpu.memref_slice %arg6[%add3A_310] : memref<31506432xi32, #tpu.memory_space<hbm>> -> memref<768xi32, #tpu.memory_space<hbm>>
            %dma_wait3A_320 = tpu.memref_slice %arg29[%mul3A_306] : memref<7680xi32, #tpu.memory_space<vmem>> -> memref<768xi32, #tpu.memory_space<vmem>>
            tpu.wait_dma2 semaphore(%run_scoped3A_312 : memref<!tpu.dma_semaphore, #tpu.memory_space<semaphore_mem>>) src(%dma_wait3A_320 : memref<768xi32, #tpu.memory_space<vmem>>) dst(%dma_wait3A_319 : memref<768xi32, #tpu.memory_space<hbm>>)
            tpu.yield
          }) : () -> ()
          %while3A_311 = arith.constant 0 : i32
          scf.yield %while3A_311 : i32
        }
        %while3A_300 = arith.constant 1 : i32
        %while3A_301 = scf.for %while3A_303 = %while3A_297 to %while3A_293 step %while3A_300 iter_args(%while3A_304 = %while3A_299) -> (i32)  : i32 {
          %mul3A_305 = arith.constant 768 : i32
          %mul3A_306 = arith.muli %while3A_303, %mul3A_305 : i32
          %add3A_307 = arith.addi %scan3A_240, %while3A_303 : i32
          %mul3A_308 = arith.constant 768 : i32
          %mul3A_309 = arith.muli %add3A_307, %mul3A_308 : i32
          %add3A_310 = arith.addi %mul3A_187, %mul3A_309 : i32
          "tpu.region"() ({
            %run_scoped3A_312 = tpu.sem_alloc : memref<!tpu.dma_semaphore, #tpu.memory_space<semaphore_mem>>
            %dma_start3A_313 = tpu.memref_slice %arg29[%mul3A_306] : memref<7680xi32, #tpu.memory_space<vmem>> -> memref<768xi32, #tpu.memory_space<vmem>>
            %dma_start3A_314 = tpu.memref_slice %arg6[%add3A_310] : memref<31506432xi32, #tpu.memory_space<hbm>> -> memref<768xi32, #tpu.memory_space<hbm>>
            %dma_start3A_315 = tpu.memref_slice %arg6[%add3A_310] : memref<31506432xi32, #tpu.memory_space<hbm>> -> memref<768xi32, #tpu.memory_space<hbm>>
            %dma_start3A_316 = tpu.memref_slice %arg29[%mul3A_306] : memref<7680xi32, #tpu.memory_space<vmem>> -> memref<768xi32, #tpu.memory_space<vmem>>
            tpu.enqueue_dma source(%dma_start3A_316 : memref<768xi32, #tpu.memory_space<vmem>>) target(%dma_start3A_315 : memref<768xi32, #tpu.memory_space<hbm>>) target_semaphore(%run_scoped3A_312 : memref<!tpu.dma_semaphore, #tpu.memory_space<semaphore_mem>>)
            %dma_wait3A_317 = tpu.memref_slice %arg29[%mul3A_306] : memref<7680xi32, #tpu.memory_space<vmem>> -> memref<768xi32, #tpu.memory_space<vmem>>
            %dma_wait3A_318 = tpu.memref_slice %arg6[%add3A_310] : memref<31506432xi32, #tpu.memory_space<hbm>> -> memref<768xi32, #tpu.memory_space<hbm>>
            %dma_wait3A_319 = tpu.memref_slice %arg6[%add3A_310] : memref<31506432xi32, #tpu.memory_space<hbm>> -> memref<768xi32, #tpu.memory_space<hbm>>
            %dma_wait3A_320 = tpu.memref_slice %arg29[%mul3A_306] : memref<7680xi32, #tpu.memory_space<vmem>> -> memref<768xi32, #tpu.memory_space<vmem>>
            tpu.wait_dma2 semaphore(%run_scoped3A_312 : memref<!tpu.dma_semaphore, #tpu.memory_space<semaphore_mem>>) src(%dma_wait3A_320 : memref<768xi32, #tpu.memory_space<vmem>>) dst(%dma_wait3A_319 : memref<768xi32, #tpu.memory_space<hbm>>)
            tpu.yield
          }) : () -> ()
          %while3A_311 = arith.constant 0 : i32
          scf.yield %while3A_311 : i32
        }
        %add3A_302 = arith.addi %scan3A_240, %shift_right_arithmetic3A_284 : i32
        scf.yield %add3A_302 : i32
      }
      %scan3A_230 = arith.constant 128 : i32
      "tpu.trace_stop"() : () -> ()
      %scan3A_231 = arith.constant 0 : i32
      %scan3A_232 = arith.constant 0 : i32
      %scan3A_233 = arith.constant 4 : i32
      %scan3A_234 = arith.addi %scan3A_232, %scan3A_233 : i32
      %scan3A_235 = arith.constant 1 : i32
      %scan3A_236 = scf.for %scan3A_239 = %scan3A_232 to %scan3A_234 step %scan3A_235 iter_args(%scan3A_240 = %scan3A_231) -> (i32)  : i32 {
        "tpu.trace_start"() <{level = 10 : i32, message = "quarter_pass"}> : () -> ()
        %mul3A_241 = arith.constant 128 : i32
        %mul3A_242 = arith.muli %scan3A_229, %mul3A_241 : i32
        %mul3A_243 = arith.constant 30000 : i32
        %mul3A_244 = arith.muli %add3A, %mul3A_243 : i32
        %mul3A_245 = arith.constant 7504 : i32
        %mul3A_246 = arith.muli %scan3A_239, %mul3A_245 : i32
        %scan3A_247 = arith.constant 0 : i32
        %scan3A_248 = arith.constant 0 : i32
        %scan3A_249 = arith.constant 45 : i32
        %scan3A_250 = arith.addi %scan3A_248, %scan3A_249 : i32
        %scan3A_251 = arith.constant 1 : i32
        %scan3A_252 = scf.for %scan3A_444 = %scan3A_248 to %scan3A_250 step %scan3A_251 iter_args(%scan3A_445 = %scan3A_247) -> (i32)  : i32 {
          %mul3A_446 = arith.constant 46912 : i32
          %mul3A_447 = arith.muli %arg1, %mul3A_446 : i32
          %mul3A_448 = arith.constant 1024 : i32
          %mul3A_449 = arith.muli %scan3A_444, %mul3A_448 : i32
          %add3A_450 = arith.addi %mul3A_447, %mul3A_449 : i32
          %dma_start3A_451 = tpu.memref_slice %arg30[%add3A_450] : memref<750592xf32, #tpu.memory_space<vmem_shared>> -> memref<1024xf32, #tpu.memory_space<vmem_shared>>
          %dma_start3A_452 = tpu.memref_slice %arg30[%add3A_450] : memref<750592xf32, #tpu.memory_space<vmem_shared>> -> memref<1024xf32, #tpu.memory_space<vmem_shared>>
          tpu.enqueue_dma source(%arg11 : memref<1024xf32, #tpu.memory_space<vmem>>) target(%dma_start3A_452 : memref<1024xf32, #tpu.memory_space<vmem_shared>>) target_semaphore(%arg34 : memref<!tpu.dma_semaphore, #tpu.memory_space<semaphore_mem>>)
          %dma_wait3A_453 = tpu.memref_slice %arg30[%add3A_450] : memref<750592xf32, #tpu.memory_space<vmem_shared>> -> memref<1024xf32, #tpu.memory_space<vmem_shared>>
          %dma_wait3A_454 = tpu.memref_slice %arg30[%add3A_450] : memref<750592xf32, #tpu.memory_space<vmem_shared>> -> memref<1024xf32, #tpu.memory_space<vmem_shared>>
          tpu.wait_dma2 semaphore(%arg34 : memref<!tpu.dma_semaphore, #tpu.memory_space<semaphore_mem>>) src(%arg11 : memref<1024xf32, #tpu.memory_space<vmem>>) dst(%dma_wait3A_454 : memref<1024xf32, #tpu.memory_space<vmem_shared>>)
          %scan3A_455 = arith.constant 0 : i32
          scf.yield %scan3A_455 : i32
        }
        %scan3A_253 = arith.constant 45 : i32
        %mul3A_254 = arith.constant 46912 : i32
        %mul3A_255 = arith.muli %arg1, %mul3A_254 : i32
        %add3A_256 = arith.constant 46080 : i32
        %add3A_257 = arith.addi %mul3A_255, %add3A_256 : i32
        %dma_start3A_258 = arith.constant 0 : i32
        %dma_start3A_259 = tpu.memref_slice %arg11[%dma_start3A_258] : memref<1024xf32, #tpu.memory_space<vmem>> -> memref<832xf32, #tpu.memory_space<vmem>>
        %dma_start3A_260 = tpu.memref_slice %arg30[%add3A_257] : memref<750592xf32, #tpu.memory_space<vmem_shared>> -> memref<832xf32, #tpu.memory_space<vmem_shared>>
        %dma_start3A_261 = tpu.memref_slice %arg30[%add3A_257] : memref<750592xf32, #tpu.memory_space<vmem_shared>> -> memref<832xf32, #tpu.memory_space<vmem_shared>>
        %dma_start3A_262 = arith.constant 0 : i32
        %dma_start3A_263 = tpu.memref_slice %arg11[%dma_start3A_262] : memref<1024xf32, #tpu.memory_space<vmem>> -> memref<832xf32, #tpu.memory_space<vmem>>
        tpu.enqueue_dma source(%dma_start3A_263 : memref<832xf32, #tpu.memory_space<vmem>>) target(%dma_start3A_261 : memref<832xf32, #tpu.memory_space<vmem_shared>>) target_semaphore(%arg34 : memref<!tpu.dma_semaphore, #tpu.memory_space<semaphore_mem>>)
        %dma_wait3A_264 = arith.constant 0 : i32
        %dma_wait3A_265 = tpu.memref_slice %arg11[%dma_wait3A_264] : memref<1024xf32, #tpu.memory_space<vmem>> -> memref<832xf32, #tpu.memory_space<vmem>>
        %dma_wait3A_266 = tpu.memref_slice %arg30[%add3A_257] : memref<750592xf32, #tpu.memory_space<vmem_shared>> -> memref<832xf32, #tpu.memory_space<vmem_shared>>
        %dma_wait3A_267 = tpu.memref_slice %arg30[%add3A_257] : memref<750592xf32, #tpu.memory_space<vmem_shared>> -> memref<832xf32, #tpu.memory_space<vmem_shared>>
        %dma_wait3A_268 = arith.constant 0 : i32
        %dma_wait3A_269 = tpu.memref_slice %arg11[%dma_wait3A_268] : memref<1024xf32, #tpu.memory_space<vmem>> -> memref<832xf32, #tpu.memory_space<vmem>>
        tpu.wait_dma2 semaphore(%arg34 : memref<!tpu.dma_semaphore, #tpu.memory_space<semaphore_mem>>) src(%dma_wait3A_269 : memref<832xf32, #tpu.memory_space<vmem>>) dst(%dma_wait3A_267 : memref<832xf32, #tpu.memory_space<vmem_shared>>)
        %broadcast_in_dim3A_270 = arith.constant 750400 : i32
        %broadcast_in_dim3A_271 = vector.broadcast %broadcast_in_dim3A_270 : i32 to vector<16xi32>
        %scan3A_272 = arith.constant 0 : i32
        %scan3A_273 = arith.constant 0 : i32
        %scan3A_274 = arith.constant 40 : i32
        %scan3A_275 = arith.addi %scan3A_273, %scan3A_274 : i32
        %scan3A_276 = arith.constant 1 : i32
        scf.for %scan3A_444 = %scan3A_273 to %scan3A_275 step %scan3A_276  : i32 {
          %jit3A_445 = arith.constant 8 : i32
          %div3A_446 = arith.divsi %scan3A_444, %jit3A_445 : i32
          %sign3A_447 = arith.constant 0 : i32
          %sign3A_448 = arith.cmpi sgt, %scan3A_444, %sign3A_447 : i32
          %sign3A_449 = arith.extui %sign3A_448 : i1 to i32
          %sign3A_450 = arith.constant 0 : i32
          %sign3A_451 = arith.cmpi slt, %scan3A_444, %sign3A_450 : i32
          %sign3A_452 = arith.extui %sign3A_451 : i1 to i32
          %sign3A_453 = arith.subi %sign3A_449, %sign3A_452 : i32
          %sign3A_454 = arith.constant 0 : i32
          %sign3A_455 = arith.cmpi sgt, %jit3A_445, %sign3A_454 : i32
          %sign3A_456 = arith.extui %sign3A_455 : i1 to i32
          %sign3A_457 = arith.constant 0 : i32
          %sign3A_458 = arith.cmpi slt, %jit3A_445, %sign3A_457 : i32
          %sign3A_459 = arith.extui %sign3A_458 : i1 to i32
          %sign3A_460 = arith.subi %sign3A_456, %sign3A_459 : i32
          %ne3A_461 = arith.cmpi ne, %sign3A_453, %sign3A_460 : i32
          %rem3A_462 = arith.remsi %scan3A_444, %jit3A_445 : i32
          %ne3A_463 = arith.constant 0 : i32
          %ne3A_464 = arith.cmpi ne, %rem3A_462, %ne3A_463 : i32
          %and3A_465 = arith.andi %ne3A_461, %ne3A_464 : i1
          %sub3A_466 = arith.constant 1 : i32
          %sub3A_467 = arith.subi %div3A_446, %sub3A_466 : i32
          %select_n3A_468 = arith.select %and3A_465, %sub3A_467, %div3A_446 : i32
          %jit3A_469 = arith.constant 8 : i32
          %eq3A_470 = arith.constant 0 : i32
          %eq3A_471 = arith.cmpi eq, %jit3A_469, %eq3A_470 : i32
          %jit3A_472 = arith.constant 1 : i32
          %select_n3A_473 = arith.select %eq3A_471, %jit3A_472, %jit3A_469 : i32
          %rem3A_474 = arith.remsi %scan3A_444, %select_n3A_473 : i32
          %ne3A_475 = arith.constant 0 : i32
          %ne3A_476 = arith.cmpi ne, %rem3A_474, %ne3A_475 : i32
          %lt3A_477 = arith.constant 0 : i32
          %lt3A_478 = arith.cmpi slt, %rem3A_474, %lt3A_477 : i32
          %lt3A_479 = arith.constant 0 : i32
          %lt3A_480 = arith.cmpi slt, %select_n3A_473, %lt3A_479 : i32
          %ne3A_481 = arith.xori %lt3A_478, %lt3A_480 : i1
          %and3A_482 = arith.andi %ne3A_481, %ne3A_476 : i1
          %add3A_483 = arith.addi %rem3A_474, %select_n3A_473 : i32
          %select_n3A_484 = arith.select %and3A_482, %add3A_483, %rem3A_474 : i32
          %mul3A_485 = arith.constant 16 : i32
          %mul3A_486 = arith.muli %select_n3A_484, %mul3A_485 : i32
          %swap3A_487 = arith.index_cast %select_n3A_468 : i32 to index
          %swap3A_488 = arith.index_cast %mul3A_486 : i32 to index
          %swap3A_489 = tpu.vector_load %arg13[%swap3A_487, %swap3A_488] {strides = array<i32>} : memref<5x128xi32, #tpu.memory_space<vmem>>, vector<16xi32>,
          tpu.vector_store %arg13[%swap3A_487, %swap3A_488], %broadcast_in_dim3A_271 {strides = array<i32>} : memref<5x128xi32, #tpu.memory_space<vmem>>, vector<16xi32>,
          %swap3A_490 = arith.index_cast %select_n3A_468 : i32 to index
          %swap3A_491 = arith.index_cast %mul3A_486 : i32 to index
          %swap3A_492 = tpu.vector_load %arg14[%swap3A_490, %swap3A_491] {strides = array<i32>} : memref<5x128xi32, #tpu.memory_space<vmem>>, vector<16xi32>,
          tpu.vector_store %arg14[%swap3A_490, %swap3A_491], %broadcast_in_dim3A_271 {strides = array<i32>} : memref<5x128xi32, #tpu.memory_space<vmem>>, vector<16xi32>,
          %swap3A_493 = arith.index_cast %select_n3A_468 : i32 to index
          %swap3A_494 = arith.index_cast %mul3A_486 : i32 to index
          %swap3A_495 = tpu.vector_load %arg15[%swap3A_493, %swap3A_494] {strides = array<i32>} : memref<5x128xi32, #tpu.memory_space<vmem>>, vector<16xi32>,
          tpu.vector_store %arg15[%swap3A_493, %swap3A_494], %broadcast_in_dim3A_271 {strides = array<i32>} : memref<5x128xi32, #tpu.memory_space<vmem>>, vector<16xi32>,
          %swap3A_496 = arith.index_cast %select_n3A_468 : i32 to index
          %swap3A_497 = arith.index_cast %mul3A_486 : i32 to index
          %swap3A_498 = tpu.vector_load %arg16[%swap3A_496, %swap3A_497] {strides = array<i32>} : memref<5x128xi32, #tpu.memory_space<vmem>>, vector<16xi32>,
          tpu.vector_store %arg16[%swap3A_496, %swap3A_497], %broadcast_in_dim3A_271 {strides = array<i32>} : memref<5x128xi32, #tpu.memory_space<vmem>>, vector<16xi32>,
          %swap3A_499 = arith.index_cast %select_n3A_468 : i32 to index
          %swap3A_500 = arith.index_cast %mul3A_486 : i32 to index
          %swap3A_501 = tpu.vector_load %arg17[%swap3A_499, %swap3A_500] {strides = array<i32>} : memref<5x128xi32, #tpu.memory_space<vmem>>, vector<16xi32>,
          tpu.vector_store %arg17[%swap3A_499, %swap3A_500], %broadcast_in_dim3A_271 {strides = array<i32>} : memref<5x128xi32, #tpu.memory_space<vmem>>, vector<16xi32>,
        }
        %scan3A_277 = arith.constant 40 : i32
        %barrier3A_278 = arith.constant 0 : index
        tpu.barrier barrier_id(%barrier3A_278)
        %add3A_279 = arith.constant 640 : i32
        %add3A_280 = arith.addi %mul3A_242, %add3A_279 : i32
        %sub3A = arith.constant 1 : i32
        %sub3A_281 = arith.subi %add3A_280, %sub3A : i32
        %jit3A_282 = arith.constant 640 : i32
        %div3A = arith.divsi %sub3A_281, %jit3A_282 : i32
        %sign3A = arith.constant 0 : i32
        %sign3A_283 = arith.cmpi sgt, %sub3A_281, %sign3A : i32
        %sign3A_284 = arith.extui %sign3A_283 : i1 to i32
        %sign3A_285 = arith.constant 0 : i32
        %sign3A_286 = arith.cmpi slt, %sub3A_281, %sign3A_285 : i32
        %sign3A_287 = arith.extui %sign3A_286 : i1 to i32
        %sign3A_288 = arith.subi %sign3A_284, %sign3A_287 : i32
        %sign3A_289 = arith.constant 0 : i32
        %sign3A_290 = arith.cmpi sgt, %jit3A_282, %sign3A_289 : i32
        %sign3A_291 = arith.extui %sign3A_290 : i1 to i32
        %sign3A_292 = arith.constant 0 : i32
        %sign3A_293 = arith.cmpi slt, %jit3A_282, %sign3A_292 : i32
        %sign3A_294 = arith.extui %sign3A_293 : i1 to i32
        %sign3A_295 = arith.subi %sign3A_291, %sign3A_294 : i32
        %ne3A_296 = arith.cmpi ne, %sign3A_288, %sign3A_295 : i32
        %rem3A_297 = arith.remsi %sub3A_281, %jit3A_282 : i32
        %ne3A_298 = arith.constant 0 : i32
        %ne3A_299 = arith.cmpi ne, %rem3A_297, %ne3A_298 : i32
        %and3A_300 = arith.andi %ne3A_296, %ne3A_299 : i1
        %sub3A_301 = arith.constant 1 : i32
        %sub3A_302 = arith.subi %div3A, %sub3A_301 : i32
        %select_n3A_303 = arith.select %and3A_300, %sub3A_302, %div3A : i32
        %while3A = arith.constant 0 : i32
        %while3A_304 = arith.constant 0 : i32
        %while3A_305 = arith.subi %select_n3A_303, %while3A : i32
        %while3A_306 = arith.addi %while3A, %while3A_305 : i32
        %while3A_307 = arith.constant 1 : i32
        %while3A_308 = arith.divsi %while3A_305, %while3A_307 : i32
        %while3A_309 = arith.muli %while3A_308, %while3A_307 : i32
        %while3A_310 = arith.addi %while3A, %while3A_309 : i32
        %while3A_311 = arith.constant 1 : i32
        %while3A_312 = scf.for %while3A_444 = %while3A to %while3A_310 step %while3A_311 iter_args(%while3A_445 = %while3A_304) -> (i32)  : i32 {
          %mul3A_446 = arith.constant 3840 : i32
          %mul3A_447 = arith.muli %while3A_444, %mul3A_446 : i32
          %add3A_448 = arith.addi %mul3A_187, %mul3A_447 : i32
          "tpu.region"() ({
            %run_scoped3A_472 = tpu.sem_alloc : memref<!tpu.dma_semaphore, #tpu.memory_space<semaphore_mem>>
            %dma_start3A_473 = arith.constant 0 : i32
            %dma_start3A_474 = tpu.memref_slice %arg29[%dma_start3A_473] : memref<7680xi32, #tpu.memory_space<vmem>> -> memref<3840xi32, #tpu.memory_space<vmem>>
            %dma_start3A_475 = tpu.memref_slice %arg6[%add3A_448] : memref<31506432xi32, #tpu.memory_space<hbm>> -> memref<3840xi32, #tpu.memory_space<hbm>>
            %dma_start3A_476 = arith.constant 0 : i32
            %dma_start3A_477 = tpu.memref_slice %arg29[%dma_start3A_476] : memref<7680xi32, #tpu.memory_space<vmem>> -> memref<3840xi32, #tpu.memory_space<vmem>>
            %dma_start3A_478 = tpu.memref_slice %arg6[%add3A_448] : memref<31506432xi32, #tpu.memory_space<hbm>> -> memref<3840xi32, #tpu.memory_space<hbm>>
            tpu.enqueue_dma source(%dma_start3A_478 : memref<3840xi32, #tpu.memory_space<hbm>>) target(%dma_start3A_477 : memref<3840xi32, #tpu.memory_space<vmem>>) target_semaphore(%run_scoped3A_472 : memref<!tpu.dma_semaphore, #tpu.memory_space<semaphore_mem>>)
            %dma_wait3A_479 = arith.constant 0 : i32
            %dma_wait3A_480 = tpu.memref_slice %arg29[%dma_wait3A_479] : memref<7680xi32, #tpu.memory_space<vmem>> -> memref<3840xi32, #tpu.memory_space<vmem>>
            %dma_wait3A_481 = tpu.memref_slice %arg6[%add3A_448] : memref<31506432xi32, #tpu.memory_space<hbm>> -> memref<3840xi32, #tpu.memory_space<hbm>>
            %dma_wait3A_482 = arith.constant 0 : i32
            %dma_wait3A_483 = tpu.memref_slice %arg29[%dma_wait3A_482] : memref<7680xi32, #tpu.memory_space<vmem>> -> memref<3840xi32, #tpu.memory_space<vmem>>
            %dma_wait3A_484 = tpu.memref_slice %arg6[%add3A_448] : memref<31506432xi32, #tpu.memory_space<hbm>> -> memref<3840xi32, #tpu.memory_space<hbm>>
            tpu.wait_dma2 semaphore(%run_scoped3A_472 : memref<!tpu.dma_semaphore, #tpu.memory_space<semaphore_mem>>) src(%dma_wait3A_484 : memref<3840xi32, #tpu.memory_space<hbm>>) dst(%dma_wait3A_483 : memref<3840xi32, #tpu.memory_space<vmem>>)
            tpu.yield
          }) : () -> ()
          %scan3A_449 = arith.constant 0 : i32
          %scan3A_450 = arith.constant 0 : i32
          %scan3A_451 = arith.constant 40 : i32
          %scan3A_452 = arith.addi %scan3A_450, %scan3A_451 : i32
          %scan3A_453 = arith.constant 1 : i32
          %scan3A_454 = scf.for %scan3A_472 = %scan3A_450 to %scan3A_452 step %scan3A_453 iter_args(%scan3A_473 = %scan3A_449) -> (i32)  : i32 {
            %mul3A_474 = arith.constant 16 : i32
            %mul3A_475 = arith.muli %scan3A_472, %mul3A_474 : i32
            %add3A_476 = vector.broadcast %mul3A_475 : i32 to vector<16xi32>
            %add3A_477 = arith.addi %add3A_476, %iota3A : vector<16xi32>
            %mul3A_478 = arith.constant 640 : i32
            %mul3A_479 = arith.muli %while3A_444, %mul3A_478 : i32
            %add3A_480 = vector.broadcast %mul3A_479 : i32 to vector<16xi32>
            %add3A_481 = arith.addi %add3A_480, %add3A_477 : vector<16xi32>
            %mul3A_482 = arith.constant 6 : i32
            %mul3A_483 = vector.broadcast %mul3A_482 : i32 to vector<16xi32>
            %mul3A_484 = arith.muli %add3A_477, %mul3A_483 : vector<16xi32>
            %gather3A_485 = tpu.vector_load_idx %arg29[%mul3A_484] : memref<7680xi32, #tpu.memory_space<vmem>>[vector<16xi32>], vector<16xi32>,
            %shift_right_arithmetic3A_486 = arith.constant 15 : i32
            %shift_right_arithmetic3A_487 = vector.broadcast %shift_right_arithmetic3A_486 : i32 to vector<16xi32>
            %shift_right_arithmetic3A_488 = arith.shrsi %gather3A_485, %shift_right_arithmetic3A_487 : vector<16xi32>
            %and3A_489 = arith.constant 32767 : i32
            %and3A_490 = vector.broadcast %and3A_489 : i32 to vector<16xi32>
            %and3A_491 = arith.andi %gather3A_485, %and3A_490 : vector<16xi32>
            %sub3A_492 = vector.broadcast %mul3A_246 : i32 to vector<16xi32>
            %sub3A_493 = arith.subi %and3A_491, %sub3A_492 : vector<16xi32>
            %lt3A_494 = vector.broadcast %mul3A_242 : i32 to vector<16xi32>
            %lt3A_495 = arith.cmpi slt, %add3A_481, %lt3A_494 : vector<16xi32>
            %lt3A_496 = arith.constant 20 : i32
            %lt3A_497 = vector.broadcast %lt3A_496 : i32 to vector<16xi32>
            %lt3A_498 = arith.cmpi slt, %shift_right_arithmetic3A_488, %lt3A_497 : vector<16xi32>
            %and3A_499 = arith.andi %lt3A_495, %lt3A_498 : vector<16xi1>
            %lt3A_500 = arith.constant 30000 : i32
            %lt3A_501 = vector.broadcast %lt3A_500 : i32 to vector<16xi32>
            %lt3A_502 = arith.cmpi slt, %and3A_491, %lt3A_501 : vector<16xi32>
            %and3A_503 = arith.andi %and3A_499, %lt3A_502 : vector<16xi1>
            %ge3A = arith.constant 0 : i32
            %ge3A_504 = vector.broadcast %ge3A : i32 to vector<16xi32>
            %ge3A_505 = arith.cmpi sge, %sub3A_493, %ge3A_504 : vector<16xi32>
            %and3A_506 = arith.andi %and3A_503, %ge3A_505 : vector<16xi1>
            %lt3A_507 = arith.constant 7504 : i32
            %lt3A_508 = vector.broadcast %lt3A_507 : i32 to vector<16xi32>
            %lt3A_509 = arith.cmpi slt, %sub3A_493, %lt3A_508 : vector<16xi32>
            %and3A_510 = arith.andi %and3A_506, %lt3A_509 : vector<16xi1>
            %reduce_or3A = arith.constant 1.000000e+00 : f32
            %reduce_or3A_511 = arith.constant 0.000000e+00 : f32
            %reduce_or3A_512 = vector.broadcast %reduce_or3A : f32 to vector<16xf32>
            %reduce_or3A_513 = vector.broadcast %reduce_or3A_511 : f32 to vector<16xf32>
            %reduce_or3A_514 = arith.select %and3A_510, %reduce_or3A_512, %reduce_or3A_513 : vector<16xi1>, vector<16xf32>
            %reduce_or3A_515 = arith.constant true
            %reduce_or3A_516 = vector.broadcast %reduce_or3A_515 : i1 to vector<16xi1>
            %reduce_or3A_517 = tpu.scan <max>, %reduce_or3A_514 masked %reduce_or3A_516 : vector<16xf32>, vector<16xi1> -> vector<16xf32>
            %reduce_or3A_518 = vector.extract %reduce_or3A_517[15] : f32 from vector<16xf32>
            %reduce_or3A_519 = arith.constant 0.000000e+00 : f32
            %reduce_or3A_520 = arith.cmpf ogt, %reduce_or3A_518, %reduce_or3A_519 : f32
            %convert_element_type3A_521 = arith.extui %reduce_or3A_520 : i1 to i32
            %cond3A_522 = arith.constant 0 : i32
            %cond3A_523 = arith.cmpi ne, %convert_element_type3A_521, %cond3A_522 : i32
            %cond3A_524 = scf.if %cond3A_523 -> (i32) {
              %mul3A_525 = arith.constant 7504 : i32
              %mul3A_526 = vector.broadcast %mul3A_525 : i32 to vector<16xi32>
              %mul3A_527 = arith.muli %shift_right_arithmetic3A_488, %mul3A_526 : vector<16xi32>
              %add3A_528 = arith.addi %mul3A_527, %sub3A_493 : vector<16xi32>
              %convert_element_type3A_529 = arith.extui %and3A_510 : vector<16xi1> to vector<16xi32>
              %broadcast_in_dim3A_530 = arith.constant true
              %broadcast_in_dim3A_531 = vector.broadcast %broadcast_in_dim3A_530 : i1 to vector<16xi1>
              %masked_cumsum3A = tpu.scan <sum>, %convert_element_type3A_529 masked %broadcast_in_dim3A_531 : vector<16xi32>, vector<16xi1> -> vector<16xi32>
              %add3A_532 = vector.broadcast %scan3A_473 : i32 to vector<16xi32>
              %add3A_533 = arith.addi %add3A_532, %masked_cumsum3A : vector<16xi32>
              %sub3A_534 = arith.constant 1 : i32
              %sub3A_535 = vector.broadcast %sub3A_534 : i32 to vector<16xi32>
              %sub3A_536 = arith.subi %add3A_533, %sub3A_535 : vector<16xi32>
              %shift_right_arithmetic3A_537 = arith.constant 7 : i32
              %shift_right_arithmetic3A_538 = vector.broadcast %shift_right_arithmetic3A_537 : i32 to vector<16xi32>
              %shift_right_arithmetic3A_539 = arith.shrsi %sub3A_536, %shift_right_arithmetic3A_538 : vector<16xi32>
              %and3A_540 = arith.constant 127 : i32
              %and3A_541 = vector.broadcast %and3A_540 : i32 to vector<16xi32>
              %and3A_542 = arith.andi %sub3A_536, %and3A_541 : vector<16xi32>
              %add3A_543 = arith.constant 0 : i32
              %add3A_544 = vector.broadcast %add3A_543 : i32 to vector<16xi32>
              %add3A_545 = arith.addi %add3A_528, %add3A_544 : vector<16xi32>
              tpu.vector_store_idx %arg13[%shift_right_arithmetic3A_539, %and3A_542], %add3A_545 masked %and3A_510 : memref<5x128xi32, #tpu.memory_space<vmem>>[vector<16xi32>, vector<16xi32>], vector<16xi32>, vector<16xi1>
              %add3A_546 = arith.constant 1 : i32
              %add3A_547 = vector.broadcast %add3A_546 : i32 to vector<16xi32>
              %add3A_548 = arith.addi %mul3A_484, %add3A_547 : vector<16xi32>
              %add3A_549 = arith.constant 0 : i32
              %add3A_550 = vector.broadcast %add3A_549 : i32 to vector<16xi32>
              %add3A_551 = arith.addi %add3A_548, %add3A_550 : vector<16xi32>
              %gather3A_552 = tpu.vector_load_idx %arg29[%add3A_551] masked %and3A_510 : memref<7680xi32, #tpu.memory_space<vmem>>[vector<16xi32>], vector<16xi32>, vector<16xi1>
              %bitcast3A = vector.bitcast %gather3A_552 : vector<16xi32> to vector<16xf32>
              tpu.vector_store_idx %arg18[%shift_right_arithmetic3A_539, %and3A_542], %bitcast3A masked %and3A_510 : memref<5x128xf32, #tpu.memory_space<vmem>>[vector<16xi32>, vector<16xi32>], vector<16xf32>, vector<16xi1>
              %add3A_553 = arith.constant 150080 : i32
              %add3A_554 = vector.broadcast %add3A_553 : i32 to vector<16xi32>
              %add3A_555 = arith.addi %add3A_528, %add3A_554 : vector<16xi32>
              tpu.vector_store_idx %arg14[%shift_right_arithmetic3A_539, %and3A_542], %add3A_555 masked %and3A_510 : memref<5x128xi32, #tpu.memory_space<vmem>>[vector<16xi32>, vector<16xi32>], vector<16xi32>, vector<16xi1>
              %add3A_556 = arith.constant 1 : i32
              %add3A_557 = vector.broadcast %add3A_556 : i32 to vector<16xi32>
              %add3A_558 = arith.addi %mul3A_484, %add3A_557 : vector<16xi32>
              %add3A_559 = arith.constant 1 : i32
              %add3A_560 = vector.broadcast %add3A_559 : i32 to vector<16xi32>
              %add3A_561 = arith.addi %add3A_558, %add3A_560 : vector<16xi32>
              %gather3A_562 = tpu.vector_load_idx %arg29[%add3A_561] masked %and3A_510 : memref<7680xi32, #tpu.memory_space<vmem>>[vector<16xi32>], vector<16xi32>, vector<16xi1>
              %bitcast3A_563 = vector.bitcast %gather3A_562 : vector<16xi32> to vector<16xf32>
              tpu.vector_store_idx %arg19[%shift_right_arithmetic3A_539, %and3A_542], %bitcast3A_563 masked %and3A_510 : memref<5x128xf32, #tpu.memory_space<vmem>>[vector<16xi32>, vector<16xi32>], vector<16xf32>, vector<16xi1>
              %add3A_564 = arith.constant 300160 : i32
              %add3A_565 = vector.broadcast %add3A_564 : i32 to vector<16xi32>
              %add3A_566 = arith.addi %add3A_528, %add3A_565 : vector<16xi32>
              tpu.vector_store_idx %arg15[%shift_right_arithmetic3A_539, %and3A_542], %add3A_566 masked %and3A_510 : memref<5x128xi32, #tpu.memory_space<vmem>>[vector<16xi32>, vector<16xi32>], vector<16xi32>, vector<16xi1>
              %add3A_567 = arith.constant 1 : i32
              %add3A_568 = vector.broadcast %add3A_567 : i32 to vector<16xi32>
              %add3A_569 = arith.addi %mul3A_484, %add3A_568 : vector<16xi32>
              %add3A_570 = arith.constant 2 : i32
              %add3A_571 = vector.broadcast %add3A_570 : i32 to vector<16xi32>
              %add3A_572 = arith.addi %add3A_569, %add3A_571 : vector<16xi32>
              %gather3A_573 = tpu.vector_load_idx %arg29[%add3A_572] masked %and3A_510 : memref<7680xi32, #tpu.memory_space<vmem>>[vector<16xi32>], vector<16xi32>, vector<16xi1>
              %bitcast3A_574 = vector.bitcast %gather3A_573 : vector<16xi32> to vector<16xf32>
              tpu.vector_store_idx %arg20[%shift_right_arithmetic3A_539, %and3A_542], %bitcast3A_574 masked %and3A_510 : memref<5x128xf32, #tpu.memory_space<vmem>>[vector<16xi32>, vector<16xi32>], vector<16xf32>, vector<16xi1>
              %add3A_575 = arith.constant 450240 : i32
              %add3A_576 = vector.broadcast %add3A_575 : i32 to vector<16xi32>
              %add3A_577 = arith.addi %add3A_528, %add3A_576 : vector<16xi32>
              tpu.vector_store_idx %arg16[%shift_right_arithmetic3A_539, %and3A_542], %add3A_577 masked %and3A_510 : memref<5x128xi32, #tpu.memory_space<vmem>>[vector<16xi32>, vector<16xi32>], vector<16xi32>, vector<16xi1>
              %add3A_578 = arith.constant 1 : i32
              %add3A_579 = vector.broadcast %add3A_578 : i32 to vector<16xi32>
              %add3A_580 = arith.addi %mul3A_484, %add3A_579 : vector<16xi32>
              %add3A_581 = arith.constant 3 : i32
              %add3A_582 = vector.broadcast %add3A_581 : i32 to vector<16xi32>
              %add3A_583 = arith.addi %add3A_580, %add3A_582 : vector<16xi32>
              %gather3A_584 = tpu.vector_load_idx %arg29[%add3A_583] masked %and3A_510 : memref<7680xi32, #tpu.memory_space<vmem>>[vector<16xi32>], vector<16xi32>, vector<16xi1>
              %bitcast3A_585 = vector.bitcast %gather3A_584 : vector<16xi32> to vector<16xf32>
              tpu.vector_store_idx %arg21[%shift_right_arithmetic3A_539, %and3A_542], %bitcast3A_585 masked %and3A_510 : memref<5x128xf32, #tpu.memory_space<vmem>>[vector<16xi32>, vector<16xi32>], vector<16xf32>, vector<16xi1>
              %add3A_586 = arith.constant 600320 : i32
              %add3A_587 = vector.broadcast %add3A_586 : i32 to vector<16xi32>
              %add3A_588 = arith.addi %add3A_528, %add3A_587 : vector<16xi32>
              tpu.vector_store_idx %arg17[%shift_right_arithmetic3A_539, %and3A_542], %add3A_588 masked %and3A_510 : memref<5x128xi32, #tpu.memory_space<vmem>>[vector<16xi32>, vector<16xi32>], vector<16xi32>, vector<16xi1>
              %add3A_589 = arith.constant 1 : i32
              %add3A_590 = vector.broadcast %add3A_589 : i32 to vector<16xi32>
              %add3A_591 = arith.addi %mul3A_484, %add3A_590 : vector<16xi32>
              %add3A_592 = arith.constant 4 : i32
              %add3A_593 = vector.broadcast %add3A_592 : i32 to vector<16xi32>
              %add3A_594 = arith.addi %add3A_591, %add3A_593 : vector<16xi32>
              %gather3A_595 = tpu.vector_load_idx %arg29[%add3A_594] masked %and3A_510 : memref<7680xi32, #tpu.memory_space<vmem>>[vector<16xi32>], vector<16xi32>, vector<16xi1>
              %bitcast3A_596 = vector.bitcast %gather3A_595 : vector<16xi32> to vector<16xf32>
              tpu.vector_store_idx %arg22[%shift_right_arithmetic3A_539, %and3A_542], %bitcast3A_596 masked %and3A_510 : memref<5x128xf32, #tpu.memory_space<vmem>>[vector<16xi32>, vector<16xi32>], vector<16xf32>, vector<16xi1>
              %reduce_sum3A_597 = arith.constant true
              %reduce_sum3A_598 = vector.broadcast %reduce_sum3A_597 : i1 to vector<16xi1>
              %reduce_sum3A_599 = tpu.scan <sum>, %convert_element_type3A_529 masked %reduce_sum3A_598 : vector<16xi32>, vector<16xi1> -> vector<16xi32>
              %reduce_sum3A_600 = vector.extract %reduce_sum3A_599[15] : i32 from vector<16xi32>
              %add3A_601 = arith.addi %scan3A_473, %reduce_sum3A_600 : i32
              scf.yield %add3A_601 : i32
            } else {
              scf.yield %scan3A_473 : i32
            }
            scf.yield %cond3A_524 : i32
          }
          %scan3A_455 = arith.constant 40 : i32
          %add3A_456 = arith.constant 127 : i32
          %add3A_457 = arith.addi %scan3A_454, %add3A_456 : i32
          %shift_right_arithmetic3A = arith.constant 7 : i32
          %shift_right_arithmetic3A_458 = arith.shrsi %add3A_457, %shift_right_arithmetic3A : i32
          %while3A_459 = arith.constant 0 : i32
          %while3A_460 = arith.constant 0 : i32
          %while3A_461 = arith.subi %shift_right_arithmetic3A_458, %while3A_459 : i32
          %while3A_462 = arith.addi %while3A_459, %while3A_461 : i32
          %while3A_463 = arith.constant 1 : i32
          %while3A_464 = arith.divsi %while3A_461, %while3A_463 : i32
          %while3A_465 = arith.muli %while3A_464, %while3A_463 : i32
          %while3A_466 = arith.addi %while3A_459, %while3A_465 : i32
          %while3A_467 = arith.constant 1 : i32
          %while3A_468 = scf.for %while3A_472 = %while3A_459 to %while3A_466 step %while3A_467 iter_args(%while3A_473 = %while3A_460) -> (i32)  : i32 {
            %dma_start3A_474 = arith.constant 0 : i32
            %dma_start3A_475 = tpu.memref_slice %arg18[%while3A_472, %dma_start3A_474] : memref<5x128xf32, #tpu.memory_space<vmem>> -> memref<1x128xf32, #tpu.memory_space<vmem>>
            %dma_start3A_476 = tpu.memref_squeeze %dma_start3A_475 : memref<1x128xf32, #tpu.memory_space<vmem>> -> memref<128xf32, #tpu.memory_space<vmem>>
            %dma_start3A_477 = arith.constant 0 : i32
            %dma_start3A_478 = tpu.memref_slice %arg13[%while3A_472, %dma_start3A_477] : memref<5x128xi32, #tpu.memory_space<vmem>> -> memref<1x128xi32, #tpu.memory_space<vmem>>
            %dma_start3A_479 = tpu.memref_squeeze %dma_start3A_478 : memref<1x128xi32, #tpu.memory_space<vmem>> -> memref<128xi32, #tpu.memory_space<vmem>>
            %dma_start3A_480 = arith.constant 0 : i32
            %dma_start3A_481 = tpu.memref_slice %arg30[%dma_start3A_480] : memref<750592xf32, #tpu.memory_space<vmem_shared>> -> memref<750592xf32, #tpu.memory_space<vmem_shared>>
            tpu.enqueue_indirect_dma source(%dma_start3A_476 : memref<128xf32, #tpu.memory_space<vmem>>) target(%dma_start3A_481 : memref<750592xf32, #tpu.memory_space<vmem_shared>>) offsets(%dma_start3A_479 : memref<128xi32, #tpu.memory_space<vmem>>) semaphore(%arg34 : memref<!tpu.dma_semaphore, #tpu.memory_space<semaphore_mem>>)
            %dma_wait3A_482 = arith.constant 0 : i32
            %dma_wait3A_483 = tpu.memref_slice %arg18[%while3A_472, %dma_wait3A_482] : memref<5x128xf32, #tpu.memory_space<vmem>> -> memref<1x128xf32, #tpu.memory_space<vmem>>
            %dma_wait3A_484 = tpu.memref_squeeze %dma_wait3A_483 : memref<1x128xf32, #tpu.memory_space<vmem>> -> memref<128xf32, #tpu.memory_space<vmem>>
            %dma_wait3A_485 = arith.constant 0 : i32
            %dma_wait3A_486 = tpu.memref_slice %arg13[%while3A_472, %dma_wait3A_485] : memref<5x128xi32, #tpu.memory_space<vmem>> -> memref<1x128xi32, #tpu.memory_space<vmem>>
            %dma_wait3A_487 = tpu.memref_squeeze %dma_wait3A_486 : memref<1x128xi32, #tpu.memory_space<vmem>> -> memref<128xi32, #tpu.memory_space<vmem>>
            %dma_wait3A_488 = arith.constant 0 : i32
            %dma_wait3A_489 = tpu.memref_slice %arg30[%dma_wait3A_488] : memref<750592xf32, #tpu.memory_space<vmem_shared>> -> memref<750592xf32, #tpu.memory_space<vmem_shared>>
            tpu.wait_indirect_dma semaphore(%arg34 : memref<!tpu.dma_semaphore, #tpu.memory_space<semaphore_mem>>) src(%dma_wait3A_484 : memref<128xf32, #tpu.memory_space<vmem>>) dst(%dma_wait3A_489 : memref<750592xf32, #tpu.memory_space<vmem_shared>>)
            %dma_start3A_490 = arith.constant 0 : i32
            %dma_start3A_491 = tpu.memref_slice %arg19[%while3A_472, %dma_start3A_490] : memref<5x128xf32, #tpu.memory_space<vmem>> -> memref<1x128xf32, #tpu.memory_space<vmem>>
            %dma_start3A_492 = tpu.memref_squeeze %dma_start3A_491 : memref<1x128xf32, #tpu.memory_space<vmem>> -> memref<128xf32, #tpu.memory_space<vmem>>
            %dma_start3A_493 = arith.constant 0 : i32
            %dma_start3A_494 = tpu.memref_slice %arg14[%while3A_472, %dma_start3A_493] : memref<5x128xi32, #tpu.memory_space<vmem>> -> memref<1x128xi32, #tpu.memory_space<vmem>>
            %dma_start3A_495 = tpu.memref_squeeze %dma_start3A_494 : memref<1x128xi32, #tpu.memory_space<vmem>> -> memref<128xi32, #tpu.memory_space<vmem>>
            %dma_start3A_496 = arith.constant 0 : i32
            %dma_start3A_497 = tpu.memref_slice %arg30[%dma_start3A_496] : memref<750592xf32, #tpu.memory_space<vmem_shared>> -> memref<750592xf32, #tpu.memory_space<vmem_shared>>
            tpu.enqueue_indirect_dma source(%dma_start3A_492 : memref<128xf32, #tpu.memory_space<vmem>>) target(%dma_start3A_497 : memref<750592xf32, #tpu.memory_space<vmem_shared>>) offsets(%dma_start3A_495 : memref<128xi32, #tpu.memory_space<vmem>>) semaphore(%arg34 : memref<!tpu.dma_semaphore, #tpu.memory_space<semaphore_mem>>)
            %dma_wait3A_498 = arith.constant 0 : i32
            %dma_wait3A_499 = tpu.memref_slice %arg19[%while3A_472, %dma_wait3A_498] : memref<5x128xf32, #tpu.memory_space<vmem>> -> memref<1x128xf32, #tpu.memory_space<vmem>>
            %dma_wait3A_500 = tpu.memref_squeeze %dma_wait3A_499 : memref<1x128xf32, #tpu.memory_space<vmem>> -> memref<128xf32, #tpu.memory_space<vmem>>
            %dma_wait3A_501 = arith.constant 0 : i32
            %dma_wait3A_502 = tpu.memref_slice %arg14[%while3A_472, %dma_wait3A_501] : memref<5x128xi32, #tpu.memory_space<vmem>> -> memref<1x128xi32, #tpu.memory_space<vmem>>
            %dma_wait3A_503 = tpu.memref_squeeze %dma_wait3A_502 : memref<1x128xi32, #tpu.memory_space<vmem>> -> memref<128xi32, #tpu.memory_space<vmem>>
            %dma_wait3A_504 = arith.constant 0 : i32
            %dma_wait3A_505 = tpu.memref_slice %arg30[%dma_wait3A_504] : memref<750592xf32, #tpu.memory_space<vmem_shared>> -> memref<750592xf32, #tpu.memory_space<vmem_shared>>
            tpu.wait_indirect_dma semaphore(%arg34 : memref<!tpu.dma_semaphore, #tpu.memory_space<semaphore_mem>>) src(%dma_wait3A_500 : memref<128xf32, #tpu.memory_space<vmem>>) dst(%dma_wait3A_505 : memref<750592xf32, #tpu.memory_space<vmem_shared>>)
            %dma_start3A_506 = arith.constant 0 : i32
            %dma_start3A_507 = tpu.memref_slice %arg20[%while3A_472, %dma_start3A_506] : memref<5x128xf32, #tpu.memory_space<vmem>> -> memref<1x128xf32, #tpu.memory_space<vmem>>
            %dma_start3A_508 = tpu.memref_squeeze %dma_start3A_507 : memref<1x128xf32, #tpu.memory_space<vmem>> -> memref<128xf32, #tpu.memory_space<vmem>>
            %dma_start3A_509 = arith.constant 0 : i32
            %dma_start3A_510 = tpu.memref_slice %arg15[%while3A_472, %dma_start3A_509] : memref<5x128xi32, #tpu.memory_space<vmem>> -> memref<1x128xi32, #tpu.memory_space<vmem>>
            %dma_start3A_511 = tpu.memref_squeeze %dma_start3A_510 : memref<1x128xi32, #tpu.memory_space<vmem>> -> memref<128xi32, #tpu.memory_space<vmem>>
            %dma_start3A_512 = arith.constant 0 : i32
            %dma_start3A_513 = tpu.memref_slice %arg30[%dma_start3A_512] : memref<750592xf32, #tpu.memory_space<vmem_shared>> -> memref<750592xf32, #tpu.memory_space<vmem_shared>>
            tpu.enqueue_indirect_dma source(%dma_start3A_508 : memref<128xf32, #tpu.memory_space<vmem>>) target(%dma_start3A_513 : memref<750592xf32, #tpu.memory_space<vmem_shared>>) offsets(%dma_start3A_511 : memref<128xi32, #tpu.memory_space<vmem>>) semaphore(%arg34 : memref<!tpu.dma_semaphore, #tpu.memory_space<semaphore_mem>>)
            %dma_wait3A_514 = arith.constant 0 : i32
            %dma_wait3A_515 = tpu.memref_slice %arg20[%while3A_472, %dma_wait3A_514] : memref<5x128xf32, #tpu.memory_space<vmem>> -> memref<1x128xf32, #tpu.memory_space<vmem>>
            %dma_wait3A_516 = tpu.memref_squeeze %dma_wait3A_515 : memref<1x128xf32, #tpu.memory_space<vmem>> -> memref<128xf32, #tpu.memory_space<vmem>>
            %dma_wait3A_517 = arith.constant 0 : i32
            %dma_wait3A_518 = tpu.memref_slice %arg15[%while3A_472, %dma_wait3A_517] : memref<5x128xi32, #tpu.memory_space<vmem>> -> memref<1x128xi32, #tpu.memory_space<vmem>>
            %dma_wait3A_519 = tpu.memref_squeeze %dma_wait3A_518 : memref<1x128xi32, #tpu.memory_space<vmem>> -> memref<128xi32, #tpu.memory_space<vmem>>
            %dma_wait3A_520 = arith.constant 0 : i32
            %dma_wait3A_521 = tpu.memref_slice %arg30[%dma_wait3A_520] : memref<750592xf32, #tpu.memory_space<vmem_shared>> -> memref<750592xf32, #tpu.memory_space<vmem_shared>>
            tpu.wait_indirect_dma semaphore(%arg34 : memref<!tpu.dma_semaphore, #tpu.memory_space<semaphore_mem>>) src(%dma_wait3A_516 : memref<128xf32, #tpu.memory_space<vmem>>) dst(%dma_wait3A_521 : memref<750592xf32, #tpu.memory_space<vmem_shared>>)
            %dma_start3A_522 = arith.constant 0 : i32
            %dma_start3A_523 = tpu.memref_slice %arg21[%while3A_472, %dma_start3A_522] : memref<5x128xf32, #tpu.memory_space<vmem>> -> memref<1x128xf32, #tpu.memory_space<vmem>>
            %dma_start3A_524 = tpu.memref_squeeze %dma_start3A_523 : memref<1x128xf32, #tpu.memory_space<vmem>> -> memref<128xf32, #tpu.memory_space<vmem>>
            %dma_start3A_525 = arith.constant 0 : i32
            %dma_start3A_526 = tpu.memref_slice %arg16[%while3A_472, %dma_start3A_525] : memref<5x128xi32, #tpu.memory_space<vmem>> -> memref<1x128xi32, #tpu.memory_space<vmem>>
            %dma_start3A_527 = tpu.memref_squeeze %dma_start3A_526 : memref<1x128xi32, #tpu.memory_space<vmem>> -> memref<128xi32, #tpu.memory_space<vmem>>
            %dma_start3A_528 = arith.constant 0 : i32
            %dma_start3A_529 = tpu.memref_slice %arg30[%dma_start3A_528] : memref<750592xf32, #tpu.memory_space<vmem_shared>> -> memref<750592xf32, #tpu.memory_space<vmem_shared>>
            tpu.enqueue_indirect_dma source(%dma_start3A_524 : memref<128xf32, #tpu.memory_space<vmem>>) target(%dma_start3A_529 : memref<750592xf32, #tpu.memory_space<vmem_shared>>) offsets(%dma_start3A_527 : memref<128xi32, #tpu.memory_space<vmem>>) semaphore(%arg34 : memref<!tpu.dma_semaphore, #tpu.memory_space<semaphore_mem>>)
            %dma_wait3A_530 = arith.constant 0 : i32
            %dma_wait3A_531 = tpu.memref_slice %arg21[%while3A_472, %dma_wait3A_530] : memref<5x128xf32, #tpu.memory_space<vmem>> -> memref<1x128xf32, #tpu.memory_space<vmem>>
            %dma_wait3A_532 = tpu.memref_squeeze %dma_wait3A_531 : memref<1x128xf32, #tpu.memory_space<vmem>> -> memref<128xf32, #tpu.memory_space<vmem>>
            %dma_wait3A_533 = arith.constant 0 : i32
            %dma_wait3A_534 = tpu.memref_slice %arg16[%while3A_472, %dma_wait3A_533] : memref<5x128xi32, #tpu.memory_space<vmem>> -> memref<1x128xi32, #tpu.memory_space<vmem>>
            %dma_wait3A_535 = tpu.memref_squeeze %dma_wait3A_534 : memref<1x128xi32, #tpu.memory_space<vmem>> -> memref<128xi32, #tpu.memory_space<vmem>>
            %dma_wait3A_536 = arith.constant 0 : i32
            %dma_wait3A_537 = tpu.memref_slice %arg30[%dma_wait3A_536] : memref<750592xf32, #tpu.memory_space<vmem_shared>> -> memref<750592xf32, #tpu.memory_space<vmem_shared>>
            tpu.wait_indirect_dma semaphore(%arg34 : memref<!tpu.dma_semaphore, #tpu.memory_space<semaphore_mem>>) src(%dma_wait3A_532 : memref<128xf32, #tpu.memory_space<vmem>>) dst(%dma_wait3A_537 : memref<750592xf32, #tpu.memory_space<vmem_shared>>)
            %dma_start3A_538 = arith.constant 0 : i32
            %dma_start3A_539 = tpu.memref_slice %arg22[%while3A_472, %dma_start3A_538] : memref<5x128xf32, #tpu.memory_space<vmem>> -> memref<1x128xf32, #tpu.memory_space<vmem>>
            %dma_start3A_540 = tpu.memref_squeeze %dma_start3A_539 : memref<1x128xf32, #tpu.memory_space<vmem>> -> memref<128xf32, #tpu.memory_space<vmem>>
            %dma_start3A_541 = arith.constant 0 : i32
            %dma_start3A_542 = tpu.memref_slice %arg17[%while3A_472, %dma_start3A_541] : memref<5x128xi32, #tpu.memory_space<vmem>> -> memref<1x128xi32, #tpu.memory_space<vmem>>
            %dma_start3A_543 = tpu.memref_squeeze %dma_start3A_542 : memref<1x128xi32, #tpu.memory_space<vmem>> -> memref<128xi32, #tpu.memory_space<vmem>>
            %dma_start3A_544 = arith.constant 0 : i32
            %dma_start3A_545 = tpu.memref_slice %arg30[%dma_start3A_544] : memref<750592xf32, #tpu.memory_space<vmem_shared>> -> memref<750592xf32, #tpu.memory_space<vmem_shared>>
            tpu.enqueue_indirect_dma source(%dma_start3A_540 : memref<128xf32, #tpu.memory_space<vmem>>) target(%dma_start3A_545 : memref<750592xf32, #tpu.memory_space<vmem_shared>>) offsets(%dma_start3A_543 : memref<128xi32, #tpu.memory_space<vmem>>) semaphore(%arg34 : memref<!tpu.dma_semaphore, #tpu.memory_space<semaphore_mem>>)
            %dma_wait3A_546 = arith.constant 0 : i32
            %dma_wait3A_547 = tpu.memref_slice %arg22[%while3A_472, %dma_wait3A_546] : memref<5x128xf32, #tpu.memory_space<vmem>> -> memref<1x128xf32, #tpu.memory_space<vmem>>
            %dma_wait3A_548 = tpu.memref_squeeze %dma_wait3A_547 : memref<1x128xf32, #tpu.memory_space<vmem>> -> memref<128xf32, #tpu.memory_space<vmem>>
            %dma_wait3A_549 = arith.constant 0 : i32
            %dma_wait3A_550 = tpu.memref_slice %arg17[%while3A_472, %dma_wait3A_549] : memref<5x128xi32, #tpu.memory_space<vmem>> -> memref<1x128xi32, #tpu.memory_space<vmem>>
            %dma_wait3A_551 = tpu.memref_squeeze %dma_wait3A_550 : memref<1x128xi32, #tpu.memory_space<vmem>> -> memref<128xi32, #tpu.memory_space<vmem>>
            %dma_wait3A_552 = arith.constant 0 : i32
            %dma_wait3A_553 = tpu.memref_slice %arg30[%dma_wait3A_552] : memref<750592xf32, #tpu.memory_space<vmem_shared>> -> memref<750592xf32, #tpu.memory_space<vmem_shared>>
            tpu.wait_indirect_dma semaphore(%arg34 : memref<!tpu.dma_semaphore, #tpu.memory_space<semaphore_mem>>) src(%dma_wait3A_548 : memref<128xf32, #tpu.memory_space<vmem>>) dst(%dma_wait3A_553 : memref<750592xf32, #tpu.memory_space<vmem_shared>>)
            %while3A_554 = arith.constant 0 : i32
            scf.yield %while3A_554 : i32
          }
          %while3A_469 = arith.constant 1 : i32
          %while3A_470 = scf.for %while3A_472 = %while3A_466 to %while3A_462 step %while3A_469 iter_args(%while3A_473 = %while3A_468) -> (i32)  : i32 {
            %dma_start3A_474 = arith.constant 0 : i32
            %dma_start3A_475 = tpu.memref_slice %arg18[%while3A_472, %dma_start3A_474] : memref<5x128xf32, #tpu.memory_space<vmem>> -> memref<1x128xf32, #tpu.memory_space<vmem>>
            %dma_start3A_476 = tpu.memref_squeeze %dma_start3A_475 : memref<1x128xf32, #tpu.memory_space<vmem>> -> memref<128xf32, #tpu.memory_space<vmem>>
            %dma_start3A_477 = arith.constant 0 : i32
            %dma_start3A_478 = tpu.memref_slice %arg13[%while3A_472, %dma_start3A_477] : memref<5x128xi32, #tpu.memory_space<vmem>> -> memref<1x128xi32, #tpu.memory_space<vmem>>
            %dma_start3A_479 = tpu.memref_squeeze %dma_start3A_478 : memref<1x128xi32, #tpu.memory_space<vmem>> -> memref<128xi32, #tpu.memory_space<vmem>>
            %dma_start3A_480 = arith.constant 0 : i32
            %dma_start3A_481 = tpu.memref_slice %arg30[%dma_start3A_480] : memref<750592xf32, #tpu.memory_space<vmem_shared>> -> memref<750592xf32, #tpu.memory_space<vmem_shared>>
            tpu.enqueue_indirect_dma source(%dma_start3A_476 : memref<128xf32, #tpu.memory_space<vmem>>) target(%dma_start3A_481 : memref<750592xf32, #tpu.memory_space<vmem_shared>>) offsets(%dma_start3A_479 : memref<128xi32, #tpu.memory_space<vmem>>) semaphore(%arg34 : memref<!tpu.dma_semaphore, #tpu.memory_space<semaphore_mem>>)
            %dma_wait3A_482 = arith.constant 0 : i32
            %dma_wait3A_483 = tpu.memref_slice %arg18[%while3A_472, %dma_wait3A_482] : memref<5x128xf32, #tpu.memory_space<vmem>> -> memref<1x128xf32, #tpu.memory_space<vmem>>
            %dma_wait3A_484 = tpu.memref_squeeze %dma_wait3A_483 : memref<1x128xf32, #tpu.memory_space<vmem>> -> memref<128xf32, #tpu.memory_space<vmem>>
            %dma_wait3A_485 = arith.constant 0 : i32
            %dma_wait3A_486 = tpu.memref_slice %arg13[%while3A_472, %dma_wait3A_485] : memref<5x128xi32, #tpu.memory_space<vmem>> -> memref<1x128xi32, #tpu.memory_space<vmem>>
            %dma_wait3A_487 = tpu.memref_squeeze %dma_wait3A_486 : memref<1x128xi32, #tpu.memory_space<vmem>> -> memref<128xi32, #tpu.memory_space<vmem>>
            %dma_wait3A_488 = arith.constant 0 : i32
            %dma_wait3A_489 = tpu.memref_slice %arg30[%dma_wait3A_488] : memref<750592xf32, #tpu.memory_space<vmem_shared>> -> memref<750592xf32, #tpu.memory_space<vmem_shared>>
            tpu.wait_indirect_dma semaphore(%arg34 : memref<!tpu.dma_semaphore, #tpu.memory_space<semaphore_mem>>) src(%dma_wait3A_484 : memref<128xf32, #tpu.memory_space<vmem>>) dst(%dma_wait3A_489 : memref<750592xf32, #tpu.memory_space<vmem_shared>>)
            %dma_start3A_490 = arith.constant 0 : i32
            %dma_start3A_491 = tpu.memref_slice %arg19[%while3A_472, %dma_start3A_490] : memref<5x128xf32, #tpu.memory_space<vmem>> -> memref<1x128xf32, #tpu.memory_space<vmem>>
            %dma_start3A_492 = tpu.memref_squeeze %dma_start3A_491 : memref<1x128xf32, #tpu.memory_space<vmem>> -> memref<128xf32, #tpu.memory_space<vmem>>
            %dma_start3A_493 = arith.constant 0 : i32
            %dma_start3A_494 = tpu.memref_slice %arg14[%while3A_472, %dma_start3A_493] : memref<5x128xi32, #tpu.memory_space<vmem>> -> memref<1x128xi32, #tpu.memory_space<vmem>>
            %dma_start3A_495 = tpu.memref_squeeze %dma_start3A_494 : memref<1x128xi32, #tpu.memory_space<vmem>> -> memref<128xi32, #tpu.memory_space<vmem>>
            %dma_start3A_496 = arith.constant 0 : i32
            %dma_start3A_497 = tpu.memref_slice %arg30[%dma_start3A_496] : memref<750592xf32, #tpu.memory_space<vmem_shared>> -> memref<750592xf32, #tpu.memory_space<vmem_shared>>
            tpu.enqueue_indirect_dma source(%dma_start3A_492 : memref<128xf32, #tpu.memory_space<vmem>>) target(%dma_start3A_497 : memref<750592xf32, #tpu.memory_space<vmem_shared>>) offsets(%dma_start3A_495 : memref<128xi32, #tpu.memory_space<vmem>>) semaphore(%arg34 : memref<!tpu.dma_semaphore, #tpu.memory_space<semaphore_mem>>)
            %dma_wait3A_498 = arith.constant 0 : i32
            %dma_wait3A_499 = tpu.memref_slice %arg19[%while3A_472, %dma_wait3A_498] : memref<5x128xf32, #tpu.memory_space<vmem>> -> memref<1x128xf32, #tpu.memory_space<vmem>>
            %dma_wait3A_500 = tpu.memref_squeeze %dma_wait3A_499 : memref<1x128xf32, #tpu.memory_space<vmem>> -> memref<128xf32, #tpu.memory_space<vmem>>
            %dma_wait3A_501 = arith.constant 0 : i32
            %dma_wait3A_502 = tpu.memref_slice %arg14[%while3A_472, %dma_wait3A_501] : memref<5x128xi32, #tpu.memory_space<vmem>> -> memref<1x128xi32, #tpu.memory_space<vmem>>
            %dma_wait3A_503 = tpu.memref_squeeze %dma_wait3A_502 : memref<1x128xi32, #tpu.memory_space<vmem>> -> memref<128xi32, #tpu.memory_space<vmem>>
            %dma_wait3A_504 = arith.constant 0 : i32
            %dma_wait3A_505 = tpu.memref_slice %arg30[%dma_wait3A_504] : memref<750592xf32, #tpu.memory_space<vmem_shared>> -> memref<750592xf32, #tpu.memory_space<vmem_shared>>
            tpu.wait_indirect_dma semaphore(%arg34 : memref<!tpu.dma_semaphore, #tpu.memory_space<semaphore_mem>>) src(%dma_wait3A_500 : memref<128xf32, #tpu.memory_space<vmem>>) dst(%dma_wait3A_505 : memref<750592xf32, #tpu.memory_space<vmem_shared>>)
            %dma_start3A_506 = arith.constant 0 : i32
            %dma_start3A_507 = tpu.memref_slice %arg20[%while3A_472, %dma_start3A_506] : memref<5x128xf32, #tpu.memory_space<vmem>> -> memref<1x128xf32, #tpu.memory_space<vmem>>
            %dma_start3A_508 = tpu.memref_squeeze %dma_start3A_507 : memref<1x128xf32, #tpu.memory_space<vmem>> -> memref<128xf32, #tpu.memory_space<vmem>>
            %dma_start3A_509 = arith.constant 0 : i32
            %dma_start3A_510 = tpu.memref_slice %arg15[%while3A_472, %dma_start3A_509] : memref<5x128xi32, #tpu.memory_space<vmem>> -> memref<1x128xi32, #tpu.memory_space<vmem>>
            %dma_start3A_511 = tpu.memref_squeeze %dma_start3A_510 : memref<1x128xi32, #tpu.memory_space<vmem>> -> memref<128xi32, #tpu.memory_space<vmem>>
            %dma_start3A_512 = arith.constant 0 : i32
            %dma_start3A_513 = tpu.memref_slice %arg30[%dma_start3A_512] : memref<750592xf32, #tpu.memory_space<vmem_shared>> -> memref<750592xf32, #tpu.memory_space<vmem_shared>>
            tpu.enqueue_indirect_dma source(%dma_start3A_508 : memref<128xf32, #tpu.memory_space<vmem>>) target(%dma_start3A_513 : memref<750592xf32, #tpu.memory_space<vmem_shared>>) offsets(%dma_start3A_511 : memref<128xi32, #tpu.memory_space<vmem>>) semaphore(%arg34 : memref<!tpu.dma_semaphore, #tpu.memory_space<semaphore_mem>>)
            %dma_wait3A_514 = arith.constant 0 : i32
            %dma_wait3A_515 = tpu.memref_slice %arg20[%while3A_472, %dma_wait3A_514] : memref<5x128xf32, #tpu.memory_space<vmem>> -> memref<1x128xf32, #tpu.memory_space<vmem>>
            %dma_wait3A_516 = tpu.memref_squeeze %dma_wait3A_515 : memref<1x128xf32, #tpu.memory_space<vmem>> -> memref<128xf32, #tpu.memory_space<vmem>>
            %dma_wait3A_517 = arith.constant 0 : i32
            %dma_wait3A_518 = tpu.memref_slice %arg15[%while3A_472, %dma_wait3A_517] : memref<5x128xi32, #tpu.memory_space<vmem>> -> memref<1x128xi32, #tpu.memory_space<vmem>>
            %dma_wait3A_519 = tpu.memref_squeeze %dma_wait3A_518 : memref<1x128xi32, #tpu.memory_space<vmem>> -> memref<128xi32, #tpu.memory_space<vmem>>
            %dma_wait3A_520 = arith.constant 0 : i32
            %dma_wait3A_521 = tpu.memref_slice %arg30[%dma_wait3A_520] : memref<750592xf32, #tpu.memory_space<vmem_shared>> -> memref<750592xf32, #tpu.memory_space<vmem_shared>>
            tpu.wait_indirect_dma semaphore(%arg34 : memref<!tpu.dma_semaphore, #tpu.memory_space<semaphore_mem>>) src(%dma_wait3A_516 : memref<128xf32, #tpu.memory_space<vmem>>) dst(%dma_wait3A_521 : memref<750592xf32, #tpu.memory_space<vmem_shared>>)
            %dma_start3A_522 = arith.constant 0 : i32
            %dma_start3A_523 = tpu.memref_slice %arg21[%while3A_472, %dma_start3A_522] : memref<5x128xf32, #tpu.memory_space<vmem>> -> memref<1x128xf32, #tpu.memory_space<vmem>>
            %dma_start3A_524 = tpu.memref_squeeze %dma_start3A_523 : memref<1x128xf32, #tpu.memory_space<vmem>> -> memref<128xf32, #tpu.memory_space<vmem>>
            %dma_start3A_525 = arith.constant 0 : i32
            %dma_start3A_526 = tpu.memref_slice %arg16[%while3A_472, %dma_start3A_525] : memref<5x128xi32, #tpu.memory_space<vmem>> -> memref<1x128xi32, #tpu.memory_space<vmem>>
            %dma_start3A_527 = tpu.memref_squeeze %dma_start3A_526 : memref<1x128xi32, #tpu.memory_space<vmem>> -> memref<128xi32, #tpu.memory_space<vmem>>
            %dma_start3A_528 = arith.constant 0 : i32
            %dma_start3A_529 = tpu.memref_slice %arg30[%dma_start3A_528] : memref<750592xf32, #tpu.memory_space<vmem_shared>> -> memref<750592xf32, #tpu.memory_space<vmem_shared>>
            tpu.enqueue_indirect_dma source(%dma_start3A_524 : memref<128xf32, #tpu.memory_space<vmem>>) target(%dma_start3A_529 : memref<750592xf32, #tpu.memory_space<vmem_shared>>) offsets(%dma_start3A_527 : memref<128xi32, #tpu.memory_space<vmem>>) semaphore(%arg34 : memref<!tpu.dma_semaphore, #tpu.memory_space<semaphore_mem>>)
            %dma_wait3A_530 = arith.constant 0 : i32
            %dma_wait3A_531 = tpu.memref_slice %arg21[%while3A_472, %dma_wait3A_530] : memref<5x128xf32, #tpu.memory_space<vmem>> -> memref<1x128xf32, #tpu.memory_space<vmem>>
            %dma_wait3A_532 = tpu.memref_squeeze %dma_wait3A_531 : memref<1x128xf32, #tpu.memory_space<vmem>> -> memref<128xf32, #tpu.memory_space<vmem>>
            %dma_wait3A_533 = arith.constant 0 : i32
            %dma_wait3A_534 = tpu.memref_slice %arg16[%while3A_472, %dma_wait3A_533] : memref<5x128xi32, #tpu.memory_space<vmem>> -> memref<1x128xi32, #tpu.memory_space<vmem>>
            %dma_wait3A_535 = tpu.memref_squeeze %dma_wait3A_534 : memref<1x128xi32, #tpu.memory_space<vmem>> -> memref<128xi32, #tpu.memory_space<vmem>>
            %dma_wait3A_536 = arith.constant 0 : i32
            %dma_wait3A_537 = tpu.memref_slice %arg30[%dma_wait3A_536] : memref<750592xf32, #tpu.memory_space<vmem_shared>> -> memref<750592xf32, #tpu.memory_space<vmem_shared>>
            tpu.wait_indirect_dma semaphore(%arg34 : memref<!tpu.dma_semaphore, #tpu.memory_space<semaphore_mem>>) src(%dma_wait3A_532 : memref<128xf32, #tpu.memory_space<vmem>>) dst(%dma_wait3A_537 : memref<750592xf32, #tpu.memory_space<vmem_shared>>)
            %dma_start3A_538 = arith.constant 0 : i32
            %dma_start3A_539 = tpu.memref_slice %arg22[%while3A_472, %dma_start3A_538] : memref<5x128xf32, #tpu.memory_space<vmem>> -> memref<1x128xf32, #tpu.memory_space<vmem>>
            %dma_start3A_540 = tpu.memref_squeeze %dma_start3A_539 : memref<1x128xf32, #tpu.memory_space<vmem>> -> memref<128xf32, #tpu.memory_space<vmem>>
            %dma_start3A_541 = arith.constant 0 : i32
            %dma_start3A_542 = tpu.memref_slice %arg17[%while3A_472, %dma_start3A_541] : memref<5x128xi32, #tpu.memory_space<vmem>> -> memref<1x128xi32, #tpu.memory_space<vmem>>
            %dma_start3A_543 = tpu.memref_squeeze %dma_start3A_542 : memref<1x128xi32, #tpu.memory_space<vmem>> -> memref<128xi32, #tpu.memory_space<vmem>>
            %dma_start3A_544 = arith.constant 0 : i32
            %dma_start3A_545 = tpu.memref_slice %arg30[%dma_start3A_544] : memref<750592xf32, #tpu.memory_space<vmem_shared>> -> memref<750592xf32, #tpu.memory_space<vmem_shared>>
            tpu.enqueue_indirect_dma source(%dma_start3A_540 : memref<128xf32, #tpu.memory_space<vmem>>) target(%dma_start3A_545 : memref<750592xf32, #tpu.memory_space<vmem_shared>>) offsets(%dma_start3A_543 : memref<128xi32, #tpu.memory_space<vmem>>) semaphore(%arg34 : memref<!tpu.dma_semaphore, #tpu.memory_space<semaphore_mem>>)
            %dma_wait3A_546 = arith.constant 0 : i32
            %dma_wait3A_547 = tpu.memref_slice %arg22[%while3A_472, %dma_wait3A_546] : memref<5x128xf32, #tpu.memory_space<vmem>> -> memref<1x128xf32, #tpu.memory_space<vmem>>
            %dma_wait3A_548 = tpu.memref_squeeze %dma_wait3A_547 : memref<1x128xf32, #tpu.memory_space<vmem>> -> memref<128xf32, #tpu.memory_space<vmem>>
            %dma_wait3A_549 = arith.constant 0 : i32
            %dma_wait3A_550 = tpu.memref_slice %arg17[%while3A_472, %dma_wait3A_549] : memref<5x128xi32, #tpu.memory_space<vmem>> -> memref<1x128xi32, #tpu.memory_space<vmem>>
            %dma_wait3A_551 = tpu.memref_squeeze %dma_wait3A_550 : memref<1x128xi32, #tpu.memory_space<vmem>> -> memref<128xi32, #tpu.memory_space<vmem>>
            %dma_wait3A_552 = arith.constant 0 : i32
            %dma_wait3A_553 = tpu.memref_slice %arg30[%dma_wait3A_552] : memref<750592xf32, #tpu.memory_space<vmem_shared>> -> memref<750592xf32, #tpu.memory_space<vmem_shared>>
            tpu.wait_indirect_dma semaphore(%arg34 : memref<!tpu.dma_semaphore, #tpu.memory_space<semaphore_mem>>) src(%dma_wait3A_548 : memref<128xf32, #tpu.memory_space<vmem>>) dst(%dma_wait3A_553 : memref<750592xf32, #tpu.memory_space<vmem_shared>>)
            %while3A_554 = arith.constant 0 : i32
            scf.yield %while3A_554 : i32
          }
          %while3A_471 = arith.constant 0 : i32
          scf.yield %while3A_471 : i32
        }
        %while3A_313 = arith.constant 1 : i32
        %while3A_314 = scf.for %while3A_444 = %while3A_310 to %while3A_306 step %while3A_313 iter_args(%while3A_445 = %while3A_312) -> (i32)  : i32 {
          %mul3A_446 = arith.constant 3840 : i32
          %mul3A_447 = arith.muli %while3A_444, %mul3A_446 : i32
          %add3A_448 = arith.addi %mul3A_187, %mul3A_447 : i32
          "tpu.region"() ({
            %run_scoped3A_472 = tpu.sem_alloc : memref<!tpu.dma_semaphore, #tpu.memory_space<semaphore_mem>>
            %dma_start3A_473 = arith.constant 0 : i32
            %dma_start3A_474 = tpu.memref_slice %arg29[%dma_start3A_473] : memref<7680xi32, #tpu.memory_space<vmem>> -> memref<3840xi32, #tpu.memory_space<vmem>>
            %dma_start3A_475 = tpu.memref_slice %arg6[%add3A_448] : memref<31506432xi32, #tpu.memory_space<hbm>> -> memref<3840xi32, #tpu.memory_space<hbm>>
            %dma_start3A_476 = arith.constant 0 : i32
            %dma_start3A_477 = tpu.memref_slice %arg29[%dma_start3A_476] : memref<7680xi32, #tpu.memory_space<vmem>> -> memref<3840xi32, #tpu.memory_space<vmem>>
            %dma_start3A_478 = tpu.memref_slice %arg6[%add3A_448] : memref<31506432xi32, #tpu.memory_space<hbm>> -> memref<3840xi32, #tpu.memory_space<hbm>>
            tpu.enqueue_dma source(%dma_start3A_478 : memref<3840xi32, #tpu.memory_space<hbm>>) target(%dma_start3A_477 : memref<3840xi32, #tpu.memory_space<vmem>>) target_semaphore(%run_scoped3A_472 : memref<!tpu.dma_semaphore, #tpu.memory_space<semaphore_mem>>)
            %dma_wait3A_479 = arith.constant 0 : i32
            %dma_wait3A_480 = tpu.memref_slice %arg29[%dma_wait3A_479] : memref<7680xi32, #tpu.memory_space<vmem>> -> memref<3840xi32, #tpu.memory_space<vmem>>
            %dma_wait3A_481 = tpu.memref_slice %arg6[%add3A_448] : memref<31506432xi32, #tpu.memory_space<hbm>> -> memref<3840xi32, #tpu.memory_space<hbm>>
            %dma_wait3A_482 = arith.constant 0 : i32
            %dma_wait3A_483 = tpu.memref_slice %arg29[%dma_wait3A_482] : memref<7680xi32, #tpu.memory_space<vmem>> -> memref<3840xi32, #tpu.memory_space<vmem>>
            %dma_wait3A_484 = tpu.memref_slice %arg6[%add3A_448] : memref<31506432xi32, #tpu.memory_space<hbm>> -> memref<3840xi32, #tpu.memory_space<hbm>>
            tpu.wait_dma2 semaphore(%run_scoped3A_472 : memref<!tpu.dma_semaphore, #tpu.memory_space<semaphore_mem>>) src(%dma_wait3A_484 : memref<3840xi32, #tpu.memory_space<hbm>>) dst(%dma_wait3A_483 : memref<3840xi32, #tpu.memory_space<vmem>>)
            tpu.yield
          }) : () -> ()
          %scan3A_449 = arith.constant 0 : i32
          %scan3A_450 = arith.constant 0 : i32
          %scan3A_451 = arith.constant 40 : i32
          %scan3A_452 = arith.addi %scan3A_450, %scan3A_451 : i32
          %scan3A_453 = arith.constant 1 : i32
          %scan3A_454 = scf.for %scan3A_472 = %scan3A_450 to %scan3A_452 step %scan3A_453 iter_args(%scan3A_473 = %scan3A_449) -> (i32)  : i32 {
            %mul3A_474 = arith.constant 16 : i32
            %mul3A_475 = arith.muli %scan3A_472, %mul3A_474 : i32
            %add3A_476 = vector.broadcast %mul3A_475 : i32 to vector<16xi32>
            %add3A_477 = arith.addi %add3A_476, %iota3A : vector<16xi32>
            %mul3A_478 = arith.constant 640 : i32
            %mul3A_479 = arith.muli %while3A_444, %mul3A_478 : i32
            %add3A_480 = vector.broadcast %mul3A_479 : i32 to vector<16xi32>
            %add3A_481 = arith.addi %add3A_480, %add3A_477 : vector<16xi32>
            %mul3A_482 = arith.constant 6 : i32
            %mul3A_483 = vector.broadcast %mul3A_482 : i32 to vector<16xi32>
            %mul3A_484 = arith.muli %add3A_477, %mul3A_483 : vector<16xi32>
            %gather3A_485 = tpu.vector_load_idx %arg29[%mul3A_484] : memref<7680xi32, #tpu.memory_space<vmem>>[vector<16xi32>], vector<16xi32>,
            %shift_right_arithmetic3A_486 = arith.constant 15 : i32
            %shift_right_arithmetic3A_487 = vector.broadcast %shift_right_arithmetic3A_486 : i32 to vector<16xi32>
            %shift_right_arithmetic3A_488 = arith.shrsi %gather3A_485, %shift_right_arithmetic3A_487 : vector<16xi32>
            %and3A_489 = arith.constant 32767 : i32
            %and3A_490 = vector.broadcast %and3A_489 : i32 to vector<16xi32>
            %and3A_491 = arith.andi %gather3A_485, %and3A_490 : vector<16xi32>
            %sub3A_492 = vector.broadcast %mul3A_246 : i32 to vector<16xi32>
            %sub3A_493 = arith.subi %and3A_491, %sub3A_492 : vector<16xi32>
            %lt3A_494 = vector.broadcast %mul3A_242 : i32 to vector<16xi32>
            %lt3A_495 = arith.cmpi slt, %add3A_481, %lt3A_494 : vector<16xi32>
            %lt3A_496 = arith.constant 20 : i32
            %lt3A_497 = vector.broadcast %lt3A_496 : i32 to vector<16xi32>
            %lt3A_498 = arith.cmpi slt, %shift_right_arithmetic3A_488, %lt3A_497 : vector<16xi32>
            %and3A_499 = arith.andi %lt3A_495, %lt3A_498 : vector<16xi1>
            %lt3A_500 = arith.constant 30000 : i32
            %lt3A_501 = vector.broadcast %lt3A_500 : i32 to vector<16xi32>
            %lt3A_502 = arith.cmpi slt, %and3A_491, %lt3A_501 : vector<16xi32>
            %and3A_503 = arith.andi %and3A_499, %lt3A_502 : vector<16xi1>
            %ge3A = arith.constant 0 : i32
            %ge3A_504 = vector.broadcast %ge3A : i32 to vector<16xi32>
            %ge3A_505 = arith.cmpi sge, %sub3A_493, %ge3A_504 : vector<16xi32>
            %and3A_506 = arith.andi %and3A_503, %ge3A_505 : vector<16xi1>
            %lt3A_507 = arith.constant 7504 : i32
            %lt3A_508 = vector.broadcast %lt3A_507 : i32 to vector<16xi32>
            %lt3A_509 = arith.cmpi slt, %sub3A_493, %lt3A_508 : vector<16xi32>
            %and3A_510 = arith.andi %and3A_506, %lt3A_509 : vector<16xi1>
            %reduce_or3A = arith.constant 1.000000e+00 : f32
            %reduce_or3A_511 = arith.constant 0.000000e+00 : f32
            %reduce_or3A_512 = vector.broadcast %reduce_or3A : f32 to vector<16xf32>
            %reduce_or3A_513 = vector.broadcast %reduce_or3A_511 : f32 to vector<16xf32>
            %reduce_or3A_514 = arith.select %and3A_510, %reduce_or3A_512, %reduce_or3A_513 : vector<16xi1>, vector<16xf32>
            %reduce_or3A_515 = arith.constant true
            %reduce_or3A_516 = vector.broadcast %reduce_or3A_515 : i1 to vector<16xi1>
            %reduce_or3A_517 = tpu.scan <max>, %reduce_or3A_514 masked %reduce_or3A_516 : vector<16xf32>, vector<16xi1> -> vector<16xf32>
            %reduce_or3A_518 = vector.extract %reduce_or3A_517[15] : f32 from vector<16xf32>
            %reduce_or3A_519 = arith.constant 0.000000e+00 : f32
            %reduce_or3A_520 = arith.cmpf ogt, %reduce_or3A_518, %reduce_or3A_519 : f32
            %convert_element_type3A_521 = arith.extui %reduce_or3A_520 : i1 to i32
            %cond3A_522 = arith.constant 0 : i32
            %cond3A_523 = arith.cmpi ne, %convert_element_type3A_521, %cond3A_522 : i32
            %cond3A_524 = scf.if %cond3A_523 -> (i32) {
              %mul3A_525 = arith.constant 7504 : i32
              %mul3A_526 = vector.broadcast %mul3A_525 : i32 to vector<16xi32>
              %mul3A_527 = arith.muli %shift_right_arithmetic3A_488, %mul3A_526 : vector<16xi32>
              %add3A_528 = arith.addi %mul3A_527, %sub3A_493 : vector<16xi32>
              %convert_element_type3A_529 = arith.extui %and3A_510 : vector<16xi1> to vector<16xi32>
              %broadcast_in_dim3A_530 = arith.constant true
              %broadcast_in_dim3A_531 = vector.broadcast %broadcast_in_dim3A_530 : i1 to vector<16xi1>
              %masked_cumsum3A = tpu.scan <sum>, %convert_element_type3A_529 masked %broadcast_in_dim3A_531 : vector<16xi32>, vector<16xi1> -> vector<16xi32>
              %add3A_532 = vector.broadcast %scan3A_473 : i32 to vector<16xi32>
              %add3A_533 = arith.addi %add3A_532, %masked_cumsum3A : vector<16xi32>
              %sub3A_534 = arith.constant 1 : i32
              %sub3A_535 = vector.broadcast %sub3A_534 : i32 to vector<16xi32>
              %sub3A_536 = arith.subi %add3A_533, %sub3A_535 : vector<16xi32>
              %shift_right_arithmetic3A_537 = arith.constant 7 : i32
              %shift_right_arithmetic3A_538 = vector.broadcast %shift_right_arithmetic3A_537 : i32 to vector<16xi32>
              %shift_right_arithmetic3A_539 = arith.shrsi %sub3A_536, %shift_right_arithmetic3A_538 : vector<16xi32>
              %and3A_540 = arith.constant 127 : i32
              %and3A_541 = vector.broadcast %and3A_540 : i32 to vector<16xi32>
              %and3A_542 = arith.andi %sub3A_536, %and3A_541 : vector<16xi32>
              %add3A_543 = arith.constant 0 : i32
              %add3A_544 = vector.broadcast %add3A_543 : i32 to vector<16xi32>
              %add3A_545 = arith.addi %add3A_528, %add3A_544 : vector<16xi32>
              tpu.vector_store_idx %arg13[%shift_right_arithmetic3A_539, %and3A_542], %add3A_545 masked %and3A_510 : memref<5x128xi32, #tpu.memory_space<vmem>>[vector<16xi32>, vector<16xi32>], vector<16xi32>, vector<16xi1>
              %add3A_546 = arith.constant 1 : i32
              %add3A_547 = vector.broadcast %add3A_546 : i32 to vector<16xi32>
              %add3A_548 = arith.addi %mul3A_484, %add3A_547 : vector<16xi32>
              %add3A_549 = arith.constant 0 : i32
              %add3A_550 = vector.broadcast %add3A_549 : i32 to vector<16xi32>
              %add3A_551 = arith.addi %add3A_548, %add3A_550 : vector<16xi32>
              %gather3A_552 = tpu.vector_load_idx %arg29[%add3A_551] masked %and3A_510 : memref<7680xi32, #tpu.memory_space<vmem>>[vector<16xi32>], vector<16xi32>, vector<16xi1>
              %bitcast3A = vector.bitcast %gather3A_552 : vector<16xi32> to vector<16xf32>
              tpu.vector_store_idx %arg18[%shift_right_arithmetic3A_539, %and3A_542], %bitcast3A masked %and3A_510 : memref<5x128xf32, #tpu.memory_space<vmem>>[vector<16xi32>, vector<16xi32>], vector<16xf32>, vector<16xi1>
              %add3A_553 = arith.constant 150080 : i32
              %add3A_554 = vector.broadcast %add3A_553 : i32 to vector<16xi32>
              %add3A_555 = arith.addi %add3A_528, %add3A_554 : vector<16xi32>
              tpu.vector_store_idx %arg14[%shift_right_arithmetic3A_539, %and3A_542], %add3A_555 masked %and3A_510 : memref<5x128xi32, #tpu.memory_space<vmem>>[vector<16xi32>, vector<16xi32>], vector<16xi32>, vector<16xi1>
              %add3A_556 = arith.constant 1 : i32
              %add3A_557 = vector.broadcast %add3A_556 : i32 to vector<16xi32>
              %add3A_558 = arith.addi %mul3A_484, %add3A_557 : vector<16xi32>
              %add3A_559 = arith.constant 1 : i32
              %add3A_560 = vector.broadcast %add3A_559 : i32 to vector<16xi32>
              %add3A_561 = arith.addi %add3A_558, %add3A_560 : vector<16xi32>
              %gather3A_562 = tpu.vector_load_idx %arg29[%add3A_561] masked %and3A_510 : memref<7680xi32, #tpu.memory_space<vmem>>[vector<16xi32>], vector<16xi32>, vector<16xi1>
              %bitcast3A_563 = vector.bitcast %gather3A_562 : vector<16xi32> to vector<16xf32>
              tpu.vector_store_idx %arg19[%shift_right_arithmetic3A_539, %and3A_542], %bitcast3A_563 masked %and3A_510 : memref<5x128xf32, #tpu.memory_space<vmem>>[vector<16xi32>, vector<16xi32>], vector<16xf32>, vector<16xi1>
              %add3A_564 = arith.constant 300160 : i32
              %add3A_565 = vector.broadcast %add3A_564 : i32 to vector<16xi32>
              %add3A_566 = arith.addi %add3A_528, %add3A_565 : vector<16xi32>
              tpu.vector_store_idx %arg15[%shift_right_arithmetic3A_539, %and3A_542], %add3A_566 masked %and3A_510 : memref<5x128xi32, #tpu.memory_space<vmem>>[vector<16xi32>, vector<16xi32>], vector<16xi32>, vector<16xi1>
              %add3A_567 = arith.constant 1 : i32
              %add3A_568 = vector.broadcast %add3A_567 : i32 to vector<16xi32>
              %add3A_569 = arith.addi %mul3A_484, %add3A_568 : vector<16xi32>
              %add3A_570 = arith.constant 2 : i32
              %add3A_571 = vector.broadcast %add3A_570 : i32 to vector<16xi32>
              %add3A_572 = arith.addi %add3A_569, %add3A_571 : vector<16xi32>
              %gather3A_573 = tpu.vector_load_idx %arg29[%add3A_572] masked %and3A_510 : memref<7680xi32, #tpu.memory_space<vmem>>[vector<16xi32>], vector<16xi32>, vector<16xi1>
              %bitcast3A_574 = vector.bitcast %gather3A_573 : vector<16xi32> to vector<16xf32>
              tpu.vector_store_idx %arg20[%shift_right_arithmetic3A_539, %and3A_542], %bitcast3A_574 masked %and3A_510 : memref<5x128xf32, #tpu.memory_space<vmem>>[vector<16xi32>, vector<16xi32>], vector<16xf32>, vector<16xi1>
              %add3A_575 = arith.constant 450240 : i32
              %add3A_576 = vector.broadcast %add3A_575 : i32 to vector<16xi32>
              %add3A_577 = arith.addi %add3A_528, %add3A_576 : vector<16xi32>
              tpu.vector_store_idx %arg16[%shift_right_arithmetic3A_539, %and3A_542], %add3A_577 masked %and3A_510 : memref<5x128xi32, #tpu.memory_space<vmem>>[vector<16xi32>, vector<16xi32>], vector<16xi32>, vector<16xi1>
              %add3A_578 = arith.constant 1 : i32
              %add3A_579 = vector.broadcast %add3A_578 : i32 to vector<16xi32>
              %add3A_580 = arith.addi %mul3A_484, %add3A_579 : vector<16xi32>
              %add3A_581 = arith.constant 3 : i32
              %add3A_582 = vector.broadcast %add3A_581 : i32 to vector<16xi32>
              %add3A_583 = arith.addi %add3A_580, %add3A_582 : vector<16xi32>
              %gather3A_584 = tpu.vector_load_idx %arg29[%add3A_583] masked %and3A_510 : memref<7680xi32, #tpu.memory_space<vmem>>[vector<16xi32>], vector<16xi32>, vector<16xi1>
              %bitcast3A_585 = vector.bitcast %gather3A_584 : vector<16xi32> to vector<16xf32>
              tpu.vector_store_idx %arg21[%shift_right_arithmetic3A_539, %and3A_542], %bitcast3A_585 masked %and3A_510 : memref<5x128xf32, #tpu.memory_space<vmem>>[vector<16xi32>, vector<16xi32>], vector<16xf32>, vector<16xi1>
              %add3A_586 = arith.constant 600320 : i32
              %add3A_587 = vector.broadcast %add3A_586 : i32 to vector<16xi32>
              %add3A_588 = arith.addi %add3A_528, %add3A_587 : vector<16xi32>
              tpu.vector_store_idx %arg17[%shift_right_arithmetic3A_539, %and3A_542], %add3A_588 masked %and3A_510 : memref<5x128xi32, #tpu.memory_space<vmem>>[vector<16xi32>, vector<16xi32>], vector<16xi32>, vector<16xi1>
              %add3A_589 = arith.constant 1 : i32
              %add3A_590 = vector.broadcast %add3A_589 : i32 to vector<16xi32>
              %add3A_591 = arith.addi %mul3A_484, %add3A_590 : vector<16xi32>
              %add3A_592 = arith.constant 4 : i32
              %add3A_593 = vector.broadcast %add3A_592 : i32 to vector<16xi32>
              %add3A_594 = arith.addi %add3A_591, %add3A_593 : vector<16xi32>
              %gather3A_595 = tpu.vector_load_idx %arg29[%add3A_594] masked %and3A_510 : memref<7680xi32, #tpu.memory_space<vmem>>[vector<16xi32>], vector<16xi32>, vector<16xi1>
              %bitcast3A_596 = vector.bitcast %gather3A_595 : vector<16xi32> to vector<16xf32>
              tpu.vector_store_idx %arg22[%shift_right_arithmetic3A_539, %and3A_542], %bitcast3A_596 masked %and3A_510 : memref<5x128xf32, #tpu.memory_space<vmem>>[vector<16xi32>, vector<16xi32>], vector<16xf32>, vector<16xi1>
              %reduce_sum3A_597 = arith.constant true
              %reduce_sum3A_598 = vector.broadcast %reduce_sum3A_597 : i1 to vector<16xi1>
              %reduce_sum3A_599 = tpu.scan <sum>, %convert_element_type3A_529 masked %reduce_sum3A_598 : vector<16xi32>, vector<16xi1> -> vector<16xi32>
              %reduce_sum3A_600 = vector.extract %reduce_sum3A_599[15] : i32 from vector<16xi32>
              %add3A_601 = arith.addi %scan3A_473, %reduce_sum3A_600 : i32
              scf.yield %add3A_601 : i32
            } else {
              scf.yield %scan3A_473 : i32
            }
            scf.yield %cond3A_524 : i32
          }
          %scan3A_455 = arith.constant 40 : i32
          %add3A_456 = arith.constant 127 : i32
          %add3A_457 = arith.addi %scan3A_454, %add3A_456 : i32
          %shift_right_arithmetic3A = arith.constant 7 : i32
          %shift_right_arithmetic3A_458 = arith.shrsi %add3A_457, %shift_right_arithmetic3A : i32
          %while3A_459 = arith.constant 0 : i32
          %while3A_460 = arith.constant 0 : i32
          %while3A_461 = arith.subi %shift_right_arithmetic3A_458, %while3A_459 : i32
          %while3A_462 = arith.addi %while3A_459, %while3A_461 : i32
          %while3A_463 = arith.constant 1 : i32
          %while3A_464 = arith.divsi %while3A_461, %while3A_463 : i32
          %while3A_465 = arith.muli %while3A_464, %while3A_463 : i32
          %while3A_466 = arith.addi %while3A_459, %while3A_465 : i32
          %while3A_467 = arith.constant 1 : i32
          %while3A_468 = scf.for %while3A_472 = %while3A_459 to %while3A_466 step %while3A_467 iter_args(%while3A_473 = %while3A_460) -> (i32)  : i32 {
            %dma_start3A_474 = arith.constant 0 : i32
            %dma_start3A_475 = tpu.memref_slice %arg18[%while3A_472, %dma_start3A_474] : memref<5x128xf32, #tpu.memory_space<vmem>> -> memref<1x128xf32, #tpu.memory_space<vmem>>
            %dma_start3A_476 = tpu.memref_squeeze %dma_start3A_475 : memref<1x128xf32, #tpu.memory_space<vmem>> -> memref<128xf32, #tpu.memory_space<vmem>>
            %dma_start3A_477 = arith.constant 0 : i32
            %dma_start3A_478 = tpu.memref_slice %arg13[%while3A_472, %dma_start3A_477] : memref<5x128xi32, #tpu.memory_space<vmem>> -> memref<1x128xi32, #tpu.memory_space<vmem>>
            %dma_start3A_479 = tpu.memref_squeeze %dma_start3A_478 : memref<1x128xi32, #tpu.memory_space<vmem>> -> memref<128xi32, #tpu.memory_space<vmem>>
            %dma_start3A_480 = arith.constant 0 : i32
            %dma_start3A_481 = tpu.memref_slice %arg30[%dma_start3A_480] : memref<750592xf32, #tpu.memory_space<vmem_shared>> -> memref<750592xf32, #tpu.memory_space<vmem_shared>>
            tpu.enqueue_indirect_dma source(%dma_start3A_476 : memref<128xf32, #tpu.memory_space<vmem>>) target(%dma_start3A_481 : memref<750592xf32, #tpu.memory_space<vmem_shared>>) offsets(%dma_start3A_479 : memref<128xi32, #tpu.memory_space<vmem>>) semaphore(%arg34 : memref<!tpu.dma_semaphore, #tpu.memory_space<semaphore_mem>>)
            %dma_wait3A_482 = arith.constant 0 : i32
            %dma_wait3A_483 = tpu.memref_slice %arg18[%while3A_472, %dma_wait3A_482] : memref<5x128xf32, #tpu.memory_space<vmem>> -> memref<1x128xf32, #tpu.memory_space<vmem>>
            %dma_wait3A_484 = tpu.memref_squeeze %dma_wait3A_483 : memref<1x128xf32, #tpu.memory_space<vmem>> -> memref<128xf32, #tpu.memory_space<vmem>>
            %dma_wait3A_485 = arith.constant 0 : i32
            %dma_wait3A_486 = tpu.memref_slice %arg13[%while3A_472, %dma_wait3A_485] : memref<5x128xi32, #tpu.memory_space<vmem>> -> memref<1x128xi32, #tpu.memory_space<vmem>>
            %dma_wait3A_487 = tpu.memref_squeeze %dma_wait3A_486 : memref<1x128xi32, #tpu.memory_space<vmem>> -> memref<128xi32, #tpu.memory_space<vmem>>
            %dma_wait3A_488 = arith.constant 0 : i32
            %dma_wait3A_489 = tpu.memref_slice %arg30[%dma_wait3A_488] : memref<750592xf32, #tpu.memory_space<vmem_shared>> -> memref<750592xf32, #tpu.memory_space<vmem_shared>>
            tpu.wait_indirect_dma semaphore(%arg34 : memref<!tpu.dma_semaphore, #tpu.memory_space<semaphore_mem>>) src(%dma_wait3A_484 : memref<128xf32, #tpu.memory_space<vmem>>) dst(%dma_wait3A_489 : memref<750592xf32, #tpu.memory_space<vmem_shared>>)
            %dma_start3A_490 = arith.constant 0 : i32
            %dma_start3A_491 = tpu.memref_slice %arg19[%while3A_472, %dma_start3A_490] : memref<5x128xf32, #tpu.memory_space<vmem>> -> memref<1x128xf32, #tpu.memory_space<vmem>>
            %dma_start3A_492 = tpu.memref_squeeze %dma_start3A_491 : memref<1x128xf32, #tpu.memory_space<vmem>> -> memref<128xf32, #tpu.memory_space<vmem>>
            %dma_start3A_493 = arith.constant 0 : i32
            %dma_start3A_494 = tpu.memref_slice %arg14[%while3A_472, %dma_start3A_493] : memref<5x128xi32, #tpu.memory_space<vmem>> -> memref<1x128xi32, #tpu.memory_space<vmem>>
            %dma_start3A_495 = tpu.memref_squeeze %dma_start3A_494 : memref<1x128xi32, #tpu.memory_space<vmem>> -> memref<128xi32, #tpu.memory_space<vmem>>
            %dma_start3A_496 = arith.constant 0 : i32
            %dma_start3A_497 = tpu.memref_slice %arg30[%dma_start3A_496] : memref<750592xf32, #tpu.memory_space<vmem_shared>> -> memref<750592xf32, #tpu.memory_space<vmem_shared>>
            tpu.enqueue_indirect_dma source(%dma_start3A_492 : memref<128xf32, #tpu.memory_space<vmem>>) target(%dma_start3A_497 : memref<750592xf32, #tpu.memory_space<vmem_shared>>) offsets(%dma_start3A_495 : memref<128xi32, #tpu.memory_space<vmem>>) semaphore(%arg34 : memref<!tpu.dma_semaphore, #tpu.memory_space<semaphore_mem>>)
            %dma_wait3A_498 = arith.constant 0 : i32
            %dma_wait3A_499 = tpu.memref_slice %arg19[%while3A_472, %dma_wait3A_498] : memref<5x128xf32, #tpu.memory_space<vmem>> -> memref<1x128xf32, #tpu.memory_space<vmem>>
            %dma_wait3A_500 = tpu.memref_squeeze %dma_wait3A_499 : memref<1x128xf32, #tpu.memory_space<vmem>> -> memref<128xf32, #tpu.memory_space<vmem>>
            %dma_wait3A_501 = arith.constant 0 : i32
            %dma_wait3A_502 = tpu.memref_slice %arg14[%while3A_472, %dma_wait3A_501] : memref<5x128xi32, #tpu.memory_space<vmem>> -> memref<1x128xi32, #tpu.memory_space<vmem>>
            %dma_wait3A_503 = tpu.memref_squeeze %dma_wait3A_502 : memref<1x128xi32, #tpu.memory_space<vmem>> -> memref<128xi32, #tpu.memory_space<vmem>>
            %dma_wait3A_504 = arith.constant 0 : i32
            %dma_wait3A_505 = tpu.memref_slice %arg30[%dma_wait3A_504] : memref<750592xf32, #tpu.memory_space<vmem_shared>> -> memref<750592xf32, #tpu.memory_space<vmem_shared>>
            tpu.wait_indirect_dma semaphore(%arg34 : memref<!tpu.dma_semaphore, #tpu.memory_space<semaphore_mem>>) src(%dma_wait3A_500 : memref<128xf32, #tpu.memory_space<vmem>>) dst(%dma_wait3A_505 : memref<750592xf32, #tpu.memory_space<vmem_shared>>)
            %dma_start3A_506 = arith.constant 0 : i32
            %dma_start3A_507 = tpu.memref_slice %arg20[%while3A_472, %dma_start3A_506] : memref<5x128xf32, #tpu.memory_space<vmem>> -> memref<1x128xf32, #tpu.memory_space<vmem>>
            %dma_start3A_508 = tpu.memref_squeeze %dma_start3A_507 : memref<1x128xf32, #tpu.memory_space<vmem>> -> memref<128xf32, #tpu.memory_space<vmem>>
            %dma_start3A_509 = arith.constant 0 : i32
            %dma_start3A_510 = tpu.memref_slice %arg15[%while3A_472, %dma_start3A_509] : memref<5x128xi32, #tpu.memory_space<vmem>> -> memref<1x128xi32, #tpu.memory_space<vmem>>
            %dma_start3A_511 = tpu.memref_squeeze %dma_start3A_510 : memref<1x128xi32, #tpu.memory_space<vmem>> -> memref<128xi32, #tpu.memory_space<vmem>>
            %dma_start3A_512 = arith.constant 0 : i32
            %dma_start3A_513 = tpu.memref_slice %arg30[%dma_start3A_512] : memref<750592xf32, #tpu.memory_space<vmem_shared>> -> memref<750592xf32, #tpu.memory_space<vmem_shared>>
            tpu.enqueue_indirect_dma source(%dma_start3A_508 : memref<128xf32, #tpu.memory_space<vmem>>) target(%dma_start3A_513 : memref<750592xf32, #tpu.memory_space<vmem_shared>>) offsets(%dma_start3A_511 : memref<128xi32, #tpu.memory_space<vmem>>) semaphore(%arg34 : memref<!tpu.dma_semaphore, #tpu.memory_space<semaphore_mem>>)
            %dma_wait3A_514 = arith.constant 0 : i32
            %dma_wait3A_515 = tpu.memref_slice %arg20[%while3A_472, %dma_wait3A_514] : memref<5x128xf32, #tpu.memory_space<vmem>> -> memref<1x128xf32, #tpu.memory_space<vmem>>
            %dma_wait3A_516 = tpu.memref_squeeze %dma_wait3A_515 : memref<1x128xf32, #tpu.memory_space<vmem>> -> memref<128xf32, #tpu.memory_space<vmem>>
            %dma_wait3A_517 = arith.constant 0 : i32
            %dma_wait3A_518 = tpu.memref_slice %arg15[%while3A_472, %dma_wait3A_517] : memref<5x128xi32, #tpu.memory_space<vmem>> -> memref<1x128xi32, #tpu.memory_space<vmem>>
            %dma_wait3A_519 = tpu.memref_squeeze %dma_wait3A_518 : memref<1x128xi32, #tpu.memory_space<vmem>> -> memref<128xi32, #tpu.memory_space<vmem>>
            %dma_wait3A_520 = arith.constant 0 : i32
            %dma_wait3A_521 = tpu.memref_slice %arg30[%dma_wait3A_520] : memref<750592xf32, #tpu.memory_space<vmem_shared>> -> memref<750592xf32, #tpu.memory_space<vmem_shared>>
            tpu.wait_indirect_dma semaphore(%arg34 : memref<!tpu.dma_semaphore, #tpu.memory_space<semaphore_mem>>) src(%dma_wait3A_516 : memref<128xf32, #tpu.memory_space<vmem>>) dst(%dma_wait3A_521 : memref<750592xf32, #tpu.memory_space<vmem_shared>>)
            %dma_start3A_522 = arith.constant 0 : i32
            %dma_start3A_523 = tpu.memref_slice %arg21[%while3A_472, %dma_start3A_522] : memref<5x128xf32, #tpu.memory_space<vmem>> -> memref<1x128xf32, #tpu.memory_space<vmem>>
            %dma_start3A_524 = tpu.memref_squeeze %dma_start3A_523 : memref<1x128xf32, #tpu.memory_space<vmem>> -> memref<128xf32, #tpu.memory_space<vmem>>
            %dma_start3A_525 = arith.constant 0 : i32
            %dma_start3A_526 = tpu.memref_slice %arg16[%while3A_472, %dma_start3A_525] : memref<5x128xi32, #tpu.memory_space<vmem>> -> memref<1x128xi32, #tpu.memory_space<vmem>>
            %dma_start3A_527 = tpu.memref_squeeze %dma_start3A_526 : memref<1x128xi32, #tpu.memory_space<vmem>> -> memref<128xi32, #tpu.memory_space<vmem>>
            %dma_start3A_528 = arith.constant 0 : i32
            %dma_start3A_529 = tpu.memref_slice %arg30[%dma_start3A_528] : memref<750592xf32, #tpu.memory_space<vmem_shared>> -> memref<750592xf32, #tpu.memory_space<vmem_shared>>
            tpu.enqueue_indirect_dma source(%dma_start3A_524 : memref<128xf32, #tpu.memory_space<vmem>>) target(%dma_start3A_529 : memref<750592xf32, #tpu.memory_space<vmem_shared>>) offsets(%dma_start3A_527 : memref<128xi32, #tpu.memory_space<vmem>>) semaphore(%arg34 : memref<!tpu.dma_semaphore, #tpu.memory_space<semaphore_mem>>)
            %dma_wait3A_530 = arith.constant 0 : i32
            %dma_wait3A_531 = tpu.memref_slice %arg21[%while3A_472, %dma_wait3A_530] : memref<5x128xf32, #tpu.memory_space<vmem>> -> memref<1x128xf32, #tpu.memory_space<vmem>>
            %dma_wait3A_532 = tpu.memref_squeeze %dma_wait3A_531 : memref<1x128xf32, #tpu.memory_space<vmem>> -> memref<128xf32, #tpu.memory_space<vmem>>
            %dma_wait3A_533 = arith.constant 0 : i32
            %dma_wait3A_534 = tpu.memref_slice %arg16[%while3A_472, %dma_wait3A_533] : memref<5x128xi32, #tpu.memory_space<vmem>> -> memref<1x128xi32, #tpu.memory_space<vmem>>
            %dma_wait3A_535 = tpu.memref_squeeze %dma_wait3A_534 : memref<1x128xi32, #tpu.memory_space<vmem>> -> memref<128xi32, #tpu.memory_space<vmem>>
            %dma_wait3A_536 = arith.constant 0 : i32
            %dma_wait3A_537 = tpu.memref_slice %arg30[%dma_wait3A_536] : memref<750592xf32, #tpu.memory_space<vmem_shared>> -> memref<750592xf32, #tpu.memory_space<vmem_shared>>
            tpu.wait_indirect_dma semaphore(%arg34 : memref<!tpu.dma_semaphore, #tpu.memory_space<semaphore_mem>>) src(%dma_wait3A_532 : memref<128xf32, #tpu.memory_space<vmem>>) dst(%dma_wait3A_537 : memref<750592xf32, #tpu.memory_space<vmem_shared>>)
            %dma_start3A_538 = arith.constant 0 : i32
            %dma_start3A_539 = tpu.memref_slice %arg22[%while3A_472, %dma_start3A_538] : memref<5x128xf32, #tpu.memory_space<vmem>> -> memref<1x128xf32, #tpu.memory_space<vmem>>
            %dma_start3A_540 = tpu.memref_squeeze %dma_start3A_539 : memref<1x128xf32, #tpu.memory_space<vmem>> -> memref<128xf32, #tpu.memory_space<vmem>>
            %dma_start3A_541 = arith.constant 0 : i32
            %dma_start3A_542 = tpu.memref_slice %arg17[%while3A_472, %dma_start3A_541] : memref<5x128xi32, #tpu.memory_space<vmem>> -> memref<1x128xi32, #tpu.memory_space<vmem>>
            %dma_start3A_543 = tpu.memref_squeeze %dma_start3A_542 : memref<1x128xi32, #tpu.memory_space<vmem>> -> memref<128xi32, #tpu.memory_space<vmem>>
            %dma_start3A_544 = arith.constant 0 : i32
            %dma_start3A_545 = tpu.memref_slice %arg30[%dma_start3A_544] : memref<750592xf32, #tpu.memory_space<vmem_shared>> -> memref<750592xf32, #tpu.memory_space<vmem_shared>>
            tpu.enqueue_indirect_dma source(%dma_start3A_540 : memref<128xf32, #tpu.memory_space<vmem>>) target(%dma_start3A_545 : memref<750592xf32, #tpu.memory_space<vmem_shared>>) offsets(%dma_start3A_543 : memref<128xi32, #tpu.memory_space<vmem>>) semaphore(%arg34 : memref<!tpu.dma_semaphore, #tpu.memory_space<semaphore_mem>>)
            %dma_wait3A_546 = arith.constant 0 : i32
            %dma_wait3A_547 = tpu.memref_slice %arg22[%while3A_472, %dma_wait3A_546] : memref<5x128xf32, #tpu.memory_space<vmem>> -> memref<1x128xf32, #tpu.memory_space<vmem>>
            %dma_wait3A_548 = tpu.memref_squeeze %dma_wait3A_547 : memref<1x128xf32, #tpu.memory_space<vmem>> -> memref<128xf32, #tpu.memory_space<vmem>>
            %dma_wait3A_549 = arith.constant 0 : i32
            %dma_wait3A_550 = tpu.memref_slice %arg17[%while3A_472, %dma_wait3A_549] : memref<5x128xi32, #tpu.memory_space<vmem>> -> memref<1x128xi32, #tpu.memory_space<vmem>>
            %dma_wait3A_551 = tpu.memref_squeeze %dma_wait3A_550 : memref<1x128xi32, #tpu.memory_space<vmem>> -> memref<128xi32, #tpu.memory_space<vmem>>
            %dma_wait3A_552 = arith.constant 0 : i32
            %dma_wait3A_553 = tpu.memref_slice %arg30[%dma_wait3A_552] : memref<750592xf32, #tpu.memory_space<vmem_shared>> -> memref<750592xf32, #tpu.memory_space<vmem_shared>>
            tpu.wait_indirect_dma semaphore(%arg34 : memref<!tpu.dma_semaphore, #tpu.memory_space<semaphore_mem>>) src(%dma_wait3A_548 : memref<128xf32, #tpu.memory_space<vmem>>) dst(%dma_wait3A_553 : memref<750592xf32, #tpu.memory_space<vmem_shared>>)
            %while3A_554 = arith.constant 0 : i32
            scf.yield %while3A_554 : i32
          }
          %while3A_469 = arith.constant 1 : i32
          %while3A_470 = scf.for %while3A_472 = %while3A_466 to %while3A_462 step %while3A_469 iter_args(%while3A_473 = %while3A_468) -> (i32)  : i32 {
            %dma_start3A_474 = arith.constant 0 : i32
            %dma_start3A_475 = tpu.memref_slice %arg18[%while3A_472, %dma_start3A_474] : memref<5x128xf32, #tpu.memory_space<vmem>> -> memref<1x128xf32, #tpu.memory_space<vmem>>
            %dma_start3A_476 = tpu.memref_squeeze %dma_start3A_475 : memref<1x128xf32, #tpu.memory_space<vmem>> -> memref<128xf32, #tpu.memory_space<vmem>>
            %dma_start3A_477 = arith.constant 0 : i32
            %dma_start3A_478 = tpu.memref_slice %arg13[%while3A_472, %dma_start3A_477] : memref<5x128xi32, #tpu.memory_space<vmem>> -> memref<1x128xi32, #tpu.memory_space<vmem>>
            %dma_start3A_479 = tpu.memref_squeeze %dma_start3A_478 : memref<1x128xi32, #tpu.memory_space<vmem>> -> memref<128xi32, #tpu.memory_space<vmem>>
            %dma_start3A_480 = arith.constant 0 : i32
            %dma_start3A_481 = tpu.memref_slice %arg30[%dma_start3A_480] : memref<750592xf32, #tpu.memory_space<vmem_shared>> -> memref<750592xf32, #tpu.memory_space<vmem_shared>>
            tpu.enqueue_indirect_dma source(%dma_start3A_476 : memref<128xf32, #tpu.memory_space<vmem>>) target(%dma_start3A_481 : memref<750592xf32, #tpu.memory_space<vmem_shared>>) offsets(%dma_start3A_479 : memref<128xi32, #tpu.memory_space<vmem>>) semaphore(%arg34 : memref<!tpu.dma_semaphore, #tpu.memory_space<semaphore_mem>>)
            %dma_wait3A_482 = arith.constant 0 : i32
            %dma_wait3A_483 = tpu.memref_slice %arg18[%while3A_472, %dma_wait3A_482] : memref<5x128xf32, #tpu.memory_space<vmem>> -> memref<1x128xf32, #tpu.memory_space<vmem>>
            %dma_wait3A_484 = tpu.memref_squeeze %dma_wait3A_483 : memref<1x128xf32, #tpu.memory_space<vmem>> -> memref<128xf32, #tpu.memory_space<vmem>>
            %dma_wait3A_485 = arith.constant 0 : i32
            %dma_wait3A_486 = tpu.memref_slice %arg13[%while3A_472, %dma_wait3A_485] : memref<5x128xi32, #tpu.memory_space<vmem>> -> memref<1x128xi32, #tpu.memory_space<vmem>>
            %dma_wait3A_487 = tpu.memref_squeeze %dma_wait3A_486 : memref<1x128xi32, #tpu.memory_space<vmem>> -> memref<128xi32, #tpu.memory_space<vmem>>
            %dma_wait3A_488 = arith.constant 0 : i32
            %dma_wait3A_489 = tpu.memref_slice %arg30[%dma_wait3A_488] : memref<750592xf32, #tpu.memory_space<vmem_shared>> -> memref<750592xf32, #tpu.memory_space<vmem_shared>>
            tpu.wait_indirect_dma semaphore(%arg34 : memref<!tpu.dma_semaphore, #tpu.memory_space<semaphore_mem>>) src(%dma_wait3A_484 : memref<128xf32, #tpu.memory_space<vmem>>) dst(%dma_wait3A_489 : memref<750592xf32, #tpu.memory_space<vmem_shared>>)
            %dma_start3A_490 = arith.constant 0 : i32
            %dma_start3A_491 = tpu.memref_slice %arg19[%while3A_472, %dma_start3A_490] : memref<5x128xf32, #tpu.memory_space<vmem>> -> memref<1x128xf32, #tpu.memory_space<vmem>>
            %dma_start3A_492 = tpu.memref_squeeze %dma_start3A_491 : memref<1x128xf32, #tpu.memory_space<vmem>> -> memref<128xf32, #tpu.memory_space<vmem>>
            %dma_start3A_493 = arith.constant 0 : i32
            %dma_start3A_494 = tpu.memref_slice %arg14[%while3A_472, %dma_start3A_493] : memref<5x128xi32, #tpu.memory_space<vmem>> -> memref<1x128xi32, #tpu.memory_space<vmem>>
            %dma_start3A_495 = tpu.memref_squeeze %dma_start3A_494 : memref<1x128xi32, #tpu.memory_space<vmem>> -> memref<128xi32, #tpu.memory_space<vmem>>
            %dma_start3A_496 = arith.constant 0 : i32
            %dma_start3A_497 = tpu.memref_slice %arg30[%dma_start3A_496] : memref<750592xf32, #tpu.memory_space<vmem_shared>> -> memref<750592xf32, #tpu.memory_space<vmem_shared>>
            tpu.enqueue_indirect_dma source(%dma_start3A_492 : memref<128xf32, #tpu.memory_space<vmem>>) target(%dma_start3A_497 : memref<750592xf32, #tpu.memory_space<vmem_shared>>) offsets(%dma_start3A_495 : memref<128xi32, #tpu.memory_space<vmem>>) semaphore(%arg34 : memref<!tpu.dma_semaphore, #tpu.memory_space<semaphore_mem>>)
            %dma_wait3A_498 = arith.constant 0 : i32
            %dma_wait3A_499 = tpu.memref_slice %arg19[%while3A_472, %dma_wait3A_498] : memref<5x128xf32, #tpu.memory_space<vmem>> -> memref<1x128xf32, #tpu.memory_space<vmem>>
            %dma_wait3A_500 = tpu.memref_squeeze %dma_wait3A_499 : memref<1x128xf32, #tpu.memory_space<vmem>> -> memref<128xf32, #tpu.memory_space<vmem>>
            %dma_wait3A_501 = arith.constant 0 : i32
            %dma_wait3A_502 = tpu.memref_slice %arg14[%while3A_472, %dma_wait3A_501] : memref<5x128xi32, #tpu.memory_space<vmem>> -> memref<1x128xi32, #tpu.memory_space<vmem>>
            %dma_wait3A_503 = tpu.memref_squeeze %dma_wait3A_502 : memref<1x128xi32, #tpu.memory_space<vmem>> -> memref<128xi32, #tpu.memory_space<vmem>>
            %dma_wait3A_504 = arith.constant 0 : i32
            %dma_wait3A_505 = tpu.memref_slice %arg30[%dma_wait3A_504] : memref<750592xf32, #tpu.memory_space<vmem_shared>> -> memref<750592xf32, #tpu.memory_space<vmem_shared>>
            tpu.wait_indirect_dma semaphore(%arg34 : memref<!tpu.dma_semaphore, #tpu.memory_space<semaphore_mem>>) src(%dma_wait3A_500 : memref<128xf32, #tpu.memory_space<vmem>>) dst(%dma_wait3A_505 : memref<750592xf32, #tpu.memory_space<vmem_shared>>)
            %dma_start3A_506 = arith.constant 0 : i32
            %dma_start3A_507 = tpu.memref_slice %arg20[%while3A_472, %dma_start3A_506] : memref<5x128xf32, #tpu.memory_space<vmem>> -> memref<1x128xf32, #tpu.memory_space<vmem>>
            %dma_start3A_508 = tpu.memref_squeeze %dma_start3A_507 : memref<1x128xf32, #tpu.memory_space<vmem>> -> memref<128xf32, #tpu.memory_space<vmem>>
            %dma_start3A_509 = arith.constant 0 : i32
            %dma_start3A_510 = tpu.memref_slice %arg15[%while3A_472, %dma_start3A_509] : memref<5x128xi32, #tpu.memory_space<vmem>> -> memref<1x128xi32, #tpu.memory_space<vmem>>
            %dma_start3A_511 = tpu.memref_squeeze %dma_start3A_510 : memref<1x128xi32, #tpu.memory_space<vmem>> -> memref<128xi32, #tpu.memory_space<vmem>>
            %dma_start3A_512 = arith.constant 0 : i32
            %dma_start3A_513 = tpu.memref_slice %arg30[%dma_start3A_512] : memref<750592xf32, #tpu.memory_space<vmem_shared>> -> memref<750592xf32, #tpu.memory_space<vmem_shared>>
            tpu.enqueue_indirect_dma source(%dma_start3A_508 : memref<128xf32, #tpu.memory_space<vmem>>) target(%dma_start3A_513 : memref<750592xf32, #tpu.memory_space<vmem_shared>>) offsets(%dma_start3A_511 : memref<128xi32, #tpu.memory_space<vmem>>) semaphore(%arg34 : memref<!tpu.dma_semaphore, #tpu.memory_space<semaphore_mem>>)
            %dma_wait3A_514 = arith.constant 0 : i32
            %dma_wait3A_515 = tpu.memref_slice %arg20[%while3A_472, %dma_wait3A_514] : memref<5x128xf32, #tpu.memory_space<vmem>> -> memref<1x128xf32, #tpu.memory_space<vmem>>
            %dma_wait3A_516 = tpu.memref_squeeze %dma_wait3A_515 : memref<1x128xf32, #tpu.memory_space<vmem>> -> memref<128xf32, #tpu.memory_space<vmem>>
            %dma_wait3A_517 = arith.constant 0 : i32
            %dma_wait3A_518 = tpu.memref_slice %arg15[%while3A_472, %dma_wait3A_517] : memref<5x128xi32, #tpu.memory_space<vmem>> -> memref<1x128xi32, #tpu.memory_space<vmem>>
            %dma_wait3A_519 = tpu.memref_squeeze %dma_wait3A_518 : memref<1x128xi32, #tpu.memory_space<vmem>> -> memref<128xi32, #tpu.memory_space<vmem>>
            %dma_wait3A_520 = arith.constant 0 : i32
            %dma_wait3A_521 = tpu.memref_slice %arg30[%dma_wait3A_520] : memref<750592xf32, #tpu.memory_space<vmem_shared>> -> memref<750592xf32, #tpu.memory_space<vmem_shared>>
            tpu.wait_indirect_dma semaphore(%arg34 : memref<!tpu.dma_semaphore, #tpu.memory_space<semaphore_mem>>) src(%dma_wait3A_516 : memref<128xf32, #tpu.memory_space<vmem>>) dst(%dma_wait3A_521 : memref<750592xf32, #tpu.memory_space<vmem_shared>>)
            %dma_start3A_522 = arith.constant 0 : i32
            %dma_start3A_523 = tpu.memref_slice %arg21[%while3A_472, %dma_start3A_522] : memref<5x128xf32, #tpu.memory_space<vmem>> -> memref<1x128xf32, #tpu.memory_space<vmem>>
            %dma_start3A_524 = tpu.memref_squeeze %dma_start3A_523 : memref<1x128xf32, #tpu.memory_space<vmem>> -> memref<128xf32, #tpu.memory_space<vmem>>
            %dma_start3A_525 = arith.constant 0 : i32
            %dma_start3A_526 = tpu.memref_slice %arg16[%while3A_472, %dma_start3A_525] : memref<5x128xi32, #tpu.memory_space<vmem>> -> memref<1x128xi32, #tpu.memory_space<vmem>>
            %dma_start3A_527 = tpu.memref_squeeze %dma_start3A_526 : memref<1x128xi32, #tpu.memory_space<vmem>> -> memref<128xi32, #tpu.memory_space<vmem>>
            %dma_start3A_528 = arith.constant 0 : i32
            %dma_start3A_529 = tpu.memref_slice %arg30[%dma_start3A_528] : memref<750592xf32, #tpu.memory_space<vmem_shared>> -> memref<750592xf32, #tpu.memory_space<vmem_shared>>
            tpu.enqueue_indirect_dma source(%dma_start3A_524 : memref<128xf32, #tpu.memory_space<vmem>>) target(%dma_start3A_529 : memref<750592xf32, #tpu.memory_space<vmem_shared>>) offsets(%dma_start3A_527 : memref<128xi32, #tpu.memory_space<vmem>>) semaphore(%arg34 : memref<!tpu.dma_semaphore, #tpu.memory_space<semaphore_mem>>)
            %dma_wait3A_530 = arith.constant 0 : i32
            %dma_wait3A_531 = tpu.memref_slice %arg21[%while3A_472, %dma_wait3A_530] : memref<5x128xf32, #tpu.memory_space<vmem>> -> memref<1x128xf32, #tpu.memory_space<vmem>>
            %dma_wait3A_532 = tpu.memref_squeeze %dma_wait3A_531 : memref<1x128xf32, #tpu.memory_space<vmem>> -> memref<128xf32, #tpu.memory_space<vmem>>
            %dma_wait3A_533 = arith.constant 0 : i32
            %dma_wait3A_534 = tpu.memref_slice %arg16[%while3A_472, %dma_wait3A_533] : memref<5x128xi32, #tpu.memory_space<vmem>> -> memref<1x128xi32, #tpu.memory_space<vmem>>
            %dma_wait3A_535 = tpu.memref_squeeze %dma_wait3A_534 : memref<1x128xi32, #tpu.memory_space<vmem>> -> memref<128xi32, #tpu.memory_space<vmem>>
            %dma_wait3A_536 = arith.constant 0 : i32
            %dma_wait3A_537 = tpu.memref_slice %arg30[%dma_wait3A_536] : memref<750592xf32, #tpu.memory_space<vmem_shared>> -> memref<750592xf32, #tpu.memory_space<vmem_shared>>
            tpu.wait_indirect_dma semaphore(%arg34 : memref<!tpu.dma_semaphore, #tpu.memory_space<semaphore_mem>>) src(%dma_wait3A_532 : memref<128xf32, #tpu.memory_space<vmem>>) dst(%dma_wait3A_537 : memref<750592xf32, #tpu.memory_space<vmem_shared>>)
            %dma_start3A_538 = arith.constant 0 : i32
            %dma_start3A_539 = tpu.memref_slice %arg22[%while3A_472, %dma_start3A_538] : memref<5x128xf32, #tpu.memory_space<vmem>> -> memref<1x128xf32, #tpu.memory_space<vmem>>
            %dma_start3A_540 = tpu.memref_squeeze %dma_start3A_539 : memref<1x128xf32, #tpu.memory_space<vmem>> -> memref<128xf32, #tpu.memory_space<vmem>>
            %dma_start3A_541 = arith.constant 0 : i32
            %dma_start3A_542 = tpu.memref_slice %arg17[%while3A_472, %dma_start3A_541] : memref<5x128xi32, #tpu.memory_space<vmem>> -> memref<1x128xi32, #tpu.memory_space<vmem>>
            %dma_start3A_543 = tpu.memref_squeeze %dma_start3A_542 : memref<1x128xi32, #tpu.memory_space<vmem>> -> memref<128xi32, #tpu.memory_space<vmem>>
            %dma_start3A_544 = arith.constant 0 : i32
            %dma_start3A_545 = tpu.memref_slice %arg30[%dma_start3A_544] : memref<750592xf32, #tpu.memory_space<vmem_shared>> -> memref<750592xf32, #tpu.memory_space<vmem_shared>>
            tpu.enqueue_indirect_dma source(%dma_start3A_540 : memref<128xf32, #tpu.memory_space<vmem>>) target(%dma_start3A_545 : memref<750592xf32, #tpu.memory_space<vmem_shared>>) offsets(%dma_start3A_543 : memref<128xi32, #tpu.memory_space<vmem>>) semaphore(%arg34 : memref<!tpu.dma_semaphore, #tpu.memory_space<semaphore_mem>>)
            %dma_wait3A_546 = arith.constant 0 : i32
            %dma_wait3A_547 = tpu.memref_slice %arg22[%while3A_472, %dma_wait3A_546] : memref<5x128xf32, #tpu.memory_space<vmem>> -> memref<1x128xf32, #tpu.memory_space<vmem>>
            %dma_wait3A_548 = tpu.memref_squeeze %dma_wait3A_547 : memref<1x128xf32, #tpu.memory_space<vmem>> -> memref<128xf32, #tpu.memory_space<vmem>>
            %dma_wait3A_549 = arith.constant 0 : i32
            %dma_wait3A_550 = tpu.memref_slice %arg17[%while3A_472, %dma_wait3A_549] : memref<5x128xi32, #tpu.memory_space<vmem>> -> memref<1x128xi32, #tpu.memory_space<vmem>>
            %dma_wait3A_551 = tpu.memref_squeeze %dma_wait3A_550 : memref<1x128xi32, #tpu.memory_space<vmem>> -> memref<128xi32, #tpu.memory_space<vmem>>
            %dma_wait3A_552 = arith.constant 0 : i32
            %dma_wait3A_553 = tpu.memref_slice %arg30[%dma_wait3A_552] : memref<750592xf32, #tpu.memory_space<vmem_shared>> -> memref<750592xf32, #tpu.memory_space<vmem_shared>>
            tpu.wait_indirect_dma semaphore(%arg34 : memref<!tpu.dma_semaphore, #tpu.memory_space<semaphore_mem>>) src(%dma_wait3A_548 : memref<128xf32, #tpu.memory_space<vmem>>) dst(%dma_wait3A_553 : memref<750592xf32, #tpu.memory_space<vmem_shared>>)
            %while3A_554 = arith.constant 0 : i32
            scf.yield %while3A_554 : i32
          }
          %while3A_471 = arith.constant 0 : i32
          scf.yield %while3A_471 : i32
        }
        %barrier3A_315 = arith.constant 0 : index
        tpu.barrier barrier_id(%barrier3A_315)
        %add3A_316 = arith.constant 0 : i32
        %add3A_317 = arith.addi %arg1, %add3A_316 : i32
        %lt3A_318 = arith.constant 100 : i32
        %lt3A_319 = arith.cmpi slt, %add3A_317, %lt3A_318 : i32
        %lt3A_320 = arith.constant 3 : i32
        %lt3A_321 = arith.cmpi slt, %scan3A_239, %lt3A_320 : i32
        %and3A_322 = arith.andi %lt3A_319, %lt3A_321 : i1
        %convert_element_type3A_323 = arith.extui %and3A_322 : i1 to i32
        %cond3A_324 = arith.constant 0 : i32
        %cond3A_325 = arith.cmpi ne, %convert_element_type3A_323, %cond3A_324 : i32
        scf.if %cond3A_325 {
          %mul3A_444 = arith.constant 7504 : i32
          %mul3A_445 = arith.muli %add3A_317, %mul3A_444 : i32
          %mul3A_446 = arith.constant 120000 : i32
          %mul3A_447 = arith.muli %add3A_317, %mul3A_446 : i32
          %add3A_448 = arith.addi %mul3A_447, %mul3A_244 : i32
          %add3A_449 = arith.addi %add3A_448, %mul3A_246 : i32
          %dma_start3A_450 = tpu.memref_slice %arg3[%add3A_449] : memref<12000000xf32, #tpu.memory_space<hbm>> -> memref<7504xf32, #tpu.memory_space<hbm>>
          %dma_start3A_451 = tpu.memref_slice %arg30[%mul3A_445] : memref<750592xf32, #tpu.memory_space<vmem_shared>> -> memref<7504xf32, #tpu.memory_space<vmem_shared>>
          tpu.enqueue_dma source(%dma_start3A_451 : memref<7504xf32, #tpu.memory_space<vmem_shared>>) target(%dma_start3A_450 : memref<7504xf32, #tpu.memory_space<hbm>>) target_semaphore(%arg34 : memref<!tpu.dma_semaphore, #tpu.memory_space<semaphore_mem>>)
          %dma_wait3A_452 = tpu.memref_slice %arg3[%add3A_449] : memref<12000000xf32, #tpu.memory_space<hbm>> -> memref<7504xf32, #tpu.memory_space<hbm>>
          %dma_wait3A_453 = tpu.memref_slice %arg30[%mul3A_445] : memref<750592xf32, #tpu.memory_space<vmem_shared>> -> memref<7504xf32, #tpu.memory_space<vmem_shared>>
          tpu.wait_dma2 semaphore(%arg34 : memref<!tpu.dma_semaphore, #tpu.memory_space<semaphore_mem>>) src(%dma_wait3A_453 : memref<7504xf32, #tpu.memory_space<vmem_shared>>) dst(%dma_wait3A_452 : memref<7504xf32, #tpu.memory_space<hbm>>)
        } else {
        }
        %lt3A_326 = arith.constant 100 : i32
        %lt3A_327 = arith.cmpi slt, %add3A_317, %lt3A_326 : i32
        %eq3A_328 = arith.constant 3 : i32
        %eq3A_329 = arith.cmpi eq, %scan3A_239, %eq3A_328 : i32
        %and3A_330 = arith.andi %lt3A_327, %eq3A_329 : i1
        %convert_element_type3A_331 = arith.extui %and3A_330 : i1 to i32
        %cond3A_332 = arith.constant 0 : i32
        %cond3A_333 = arith.cmpi ne, %convert_element_type3A_331, %cond3A_332 : i32
        scf.if %cond3A_333 {
          %mul3A_444 = arith.constant 7504 : i32
          %mul3A_445 = arith.muli %add3A_317, %mul3A_444 : i32
          %mul3A_446 = arith.constant 120000 : i32
          %mul3A_447 = arith.muli %add3A_317, %mul3A_446 : i32
          %add3A_448 = arith.addi %mul3A_447, %mul3A_244 : i32
          %add3A_449 = arith.addi %add3A_448, %mul3A_246 : i32
          %dma_start3A_450 = tpu.memref_slice %arg3[%add3A_449] : memref<12000000xf32, #tpu.memory_space<hbm>> -> memref<7488xf32, #tpu.memory_space<hbm>>
          %dma_start3A_451 = tpu.memref_slice %arg30[%mul3A_445] : memref<750592xf32, #tpu.memory_space<vmem_shared>> -> memref<7488xf32, #tpu.memory_space<vmem_shared>>
          tpu.enqueue_dma source(%dma_start3A_451 : memref<7488xf32, #tpu.memory_space<vmem_shared>>) target(%dma_start3A_450 : memref<7488xf32, #tpu.memory_space<hbm>>) target_semaphore(%arg34 : memref<!tpu.dma_semaphore, #tpu.memory_space<semaphore_mem>>)
          %dma_wait3A_452 = tpu.memref_slice %arg3[%add3A_449] : memref<12000000xf32, #tpu.memory_space<hbm>> -> memref<7488xf32, #tpu.memory_space<hbm>>
          %dma_wait3A_453 = tpu.memref_slice %arg30[%mul3A_445] : memref<750592xf32, #tpu.memory_space<vmem_shared>> -> memref<7488xf32, #tpu.memory_space<vmem_shared>>
          tpu.wait_dma2 semaphore(%arg34 : memref<!tpu.dma_semaphore, #tpu.memory_space<semaphore_mem>>) src(%dma_wait3A_453 : memref<7488xf32, #tpu.memory_space<vmem_shared>>) dst(%dma_wait3A_452 : memref<7488xf32, #tpu.memory_space<hbm>>)
        } else {
        }
        %add3A_334 = arith.constant 16 : i32
        %add3A_335 = arith.addi %arg1, %add3A_334 : i32
        %lt3A_336 = arith.constant 100 : i32
        %lt3A_337 = arith.cmpi slt, %add3A_335, %lt3A_336 : i32
        %lt3A_338 = arith.constant 3 : i32
        %lt3A_339 = arith.cmpi slt, %scan3A_239, %lt3A_338 : i32
        %and3A_340 = arith.andi %lt3A_337, %lt3A_339 : i1
        %convert_element_type3A_341 = arith.extui %and3A_340 : i1 to i32
        %cond3A_342 = arith.constant 0 : i32
        %cond3A_343 = arith.cmpi ne, %convert_element_type3A_341, %cond3A_342 : i32
        scf.if %cond3A_343 {
          %mul3A_444 = arith.constant 7504 : i32
          %mul3A_445 = arith.muli %add3A_335, %mul3A_444 : i32
          %mul3A_446 = arith.constant 120000 : i32
          %mul3A_447 = arith.muli %add3A_335, %mul3A_446 : i32
          %add3A_448 = arith.addi %mul3A_447, %mul3A_244 : i32
          %add3A_449 = arith.addi %add3A_448, %mul3A_246 : i32
          %dma_start3A_450 = tpu.memref_slice %arg3[%add3A_449] : memref<12000000xf32, #tpu.memory_space<hbm>> -> memref<7504xf32, #tpu.memory_space<hbm>>
          %dma_start3A_451 = tpu.memref_slice %arg30[%mul3A_445] : memref<750592xf32, #tpu.memory_space<vmem_shared>> -> memref<7504xf32, #tpu.memory_space<vmem_shared>>
          tpu.enqueue_dma source(%dma_start3A_451 : memref<7504xf32, #tpu.memory_space<vmem_shared>>) target(%dma_start3A_450 : memref<7504xf32, #tpu.memory_space<hbm>>) target_semaphore(%arg34 : memref<!tpu.dma_semaphore, #tpu.memory_space<semaphore_mem>>)
          %dma_wait3A_452 = tpu.memref_slice %arg3[%add3A_449] : memref<12000000xf32, #tpu.memory_space<hbm>> -> memref<7504xf32, #tpu.memory_space<hbm>>
          %dma_wait3A_453 = tpu.memref_slice %arg30[%mul3A_445] : memref<750592xf32, #tpu.memory_space<vmem_shared>> -> memref<7504xf32, #tpu.memory_space<vmem_shared>>
          tpu.wait_dma2 semaphore(%arg34 : memref<!tpu.dma_semaphore, #tpu.memory_space<semaphore_mem>>) src(%dma_wait3A_453 : memref<7504xf32, #tpu.memory_space<vmem_shared>>) dst(%dma_wait3A_452 : memref<7504xf32, #tpu.memory_space<hbm>>)
        } else {
        }
        %lt3A_344 = arith.constant 100 : i32
        %lt3A_345 = arith.cmpi slt, %add3A_335, %lt3A_344 : i32
        %eq3A_346 = arith.constant 3 : i32
        %eq3A_347 = arith.cmpi eq, %scan3A_239, %eq3A_346 : i32
        %and3A_348 = arith.andi %lt3A_345, %eq3A_347 : i1
        %convert_element_type3A_349 = arith.extui %and3A_348 : i1 to i32
        %cond3A_350 = arith.constant 0 : i32
        %cond3A_351 = arith.cmpi ne, %convert_element_type3A_349, %cond3A_350 : i32
        scf.if %cond3A_351 {
          %mul3A_444 = arith.constant 7504 : i32
          %mul3A_445 = arith.muli %add3A_335, %mul3A_444 : i32
          %mul3A_446 = arith.constant 120000 : i32
          %mul3A_447 = arith.muli %add3A_335, %mul3A_446 : i32
          %add3A_448 = arith.addi %mul3A_447, %mul3A_244 : i32
          %add3A_449 = arith.addi %add3A_448, %mul3A_246 : i32
          %dma_start3A_450 = tpu.memref_slice %arg3[%add3A_449] : memref<12000000xf32, #tpu.memory_space<hbm>> -> memref<7488xf32, #tpu.memory_space<hbm>>
          %dma_start3A_451 = tpu.memref_slice %arg30[%mul3A_445] : memref<750592xf32, #tpu.memory_space<vmem_shared>> -> memref<7488xf32, #tpu.memory_space<vmem_shared>>
          tpu.enqueue_dma source(%dma_start3A_451 : memref<7488xf32, #tpu.memory_space<vmem_shared>>) target(%dma_start3A_450 : memref<7488xf32, #tpu.memory_space<hbm>>) target_semaphore(%arg34 : memref<!tpu.dma_semaphore, #tpu.memory_space<semaphore_mem>>)
          %dma_wait3A_452 = tpu.memref_slice %arg3[%add3A_449] : memref<12000000xf32, #tpu.memory_space<hbm>> -> memref<7488xf32, #tpu.memory_space<hbm>>
          %dma_wait3A_453 = tpu.memref_slice %arg30[%mul3A_445] : memref<750592xf32, #tpu.memory_space<vmem_shared>> -> memref<7488xf32, #tpu.memory_space<vmem_shared>>
          tpu.wait_dma2 semaphore(%arg34 : memref<!tpu.dma_semaphore, #tpu.memory_space<semaphore_mem>>) src(%dma_wait3A_453 : memref<7488xf32, #tpu.memory_space<vmem_shared>>) dst(%dma_wait3A_452 : memref<7488xf32, #tpu.memory_space<hbm>>)
        } else {
        }
        %add3A_352 = arith.constant 32 : i32
        %add3A_353 = arith.addi %arg1, %add3A_352 : i32
        %lt3A_354 = arith.constant 100 : i32
        %lt3A_355 = arith.cmpi slt, %add3A_353, %lt3A_354 : i32
        %lt3A_356 = arith.constant 3 : i32
        %lt3A_357 = arith.cmpi slt, %scan3A_239, %lt3A_356 : i32
        %and3A_358 = arith.andi %lt3A_355, %lt3A_357 : i1
        %convert_element_type3A_359 = arith.extui %and3A_358 : i1 to i32
        %cond3A_360 = arith.constant 0 : i32
        %cond3A_361 = arith.cmpi ne, %convert_element_type3A_359, %cond3A_360 : i32
        scf.if %cond3A_361 {
          %mul3A_444 = arith.constant 7504 : i32
          %mul3A_445 = arith.muli %add3A_353, %mul3A_444 : i32
          %mul3A_446 = arith.constant 120000 : i32
          %mul3A_447 = arith.muli %add3A_353, %mul3A_446 : i32
          %add3A_448 = arith.addi %mul3A_447, %mul3A_244 : i32
          %add3A_449 = arith.addi %add3A_448, %mul3A_246 : i32
          %dma_start3A_450 = tpu.memref_slice %arg3[%add3A_449] : memref<12000000xf32, #tpu.memory_space<hbm>> -> memref<7504xf32, #tpu.memory_space<hbm>>
          %dma_start3A_451 = tpu.memref_slice %arg30[%mul3A_445] : memref<750592xf32, #tpu.memory_space<vmem_shared>> -> memref<7504xf32, #tpu.memory_space<vmem_shared>>
          tpu.enqueue_dma source(%dma_start3A_451 : memref<7504xf32, #tpu.memory_space<vmem_shared>>) target(%dma_start3A_450 : memref<7504xf32, #tpu.memory_space<hbm>>) target_semaphore(%arg34 : memref<!tpu.dma_semaphore, #tpu.memory_space<semaphore_mem>>)
          %dma_wait3A_452 = tpu.memref_slice %arg3[%add3A_449] : memref<12000000xf32, #tpu.memory_space<hbm>> -> memref<7504xf32, #tpu.memory_space<hbm>>
          %dma_wait3A_453 = tpu.memref_slice %arg30[%mul3A_445] : memref<750592xf32, #tpu.memory_space<vmem_shared>> -> memref<7504xf32, #tpu.memory_space<vmem_shared>>
          tpu.wait_dma2 semaphore(%arg34 : memref<!tpu.dma_semaphore, #tpu.memory_space<semaphore_mem>>) src(%dma_wait3A_453 : memref<7504xf32, #tpu.memory_space<vmem_shared>>) dst(%dma_wait3A_452 : memref<7504xf32, #tpu.memory_space<hbm>>)
        } else {
        }
        %lt3A_362 = arith.constant 100 : i32
        %lt3A_363 = arith.cmpi slt, %add3A_353, %lt3A_362 : i32
        %eq3A_364 = arith.constant 3 : i32
        %eq3A_365 = arith.cmpi eq, %scan3A_239, %eq3A_364 : i32
        %and3A_366 = arith.andi %lt3A_363, %eq3A_365 : i1
        %convert_element_type3A_367 = arith.extui %and3A_366 : i1 to i32
        %cond3A_368 = arith.constant 0 : i32
        %cond3A_369 = arith.cmpi ne, %convert_element_type3A_367, %cond3A_368 : i32
        scf.if %cond3A_369 {
          %mul3A_444 = arith.constant 7504 : i32
          %mul3A_445 = arith.muli %add3A_353, %mul3A_444 : i32
          %mul3A_446 = arith.constant 120000 : i32
          %mul3A_447 = arith.muli %add3A_353, %mul3A_446 : i32
          %add3A_448 = arith.addi %mul3A_447, %mul3A_244 : i32
          %add3A_449 = arith.addi %add3A_448, %mul3A_246 : i32
          %dma_start3A_450 = tpu.memref_slice %arg3[%add3A_449] : memref<12000000xf32, #tpu.memory_space<hbm>> -> memref<7488xf32, #tpu.memory_space<hbm>>
          %dma_start3A_451 = tpu.memref_slice %arg30[%mul3A_445] : memref<750592xf32, #tpu.memory_space<vmem_shared>> -> memref<7488xf32, #tpu.memory_space<vmem_shared>>
          tpu.enqueue_dma source(%dma_start3A_451 : memref<7488xf32, #tpu.memory_space<vmem_shared>>) target(%dma_start3A_450 : memref<7488xf32, #tpu.memory_space<hbm>>) target_semaphore(%arg34 : memref<!tpu.dma_semaphore, #tpu.memory_space<semaphore_mem>>)
          %dma_wait3A_452 = tpu.memref_slice %arg3[%add3A_449] : memref<12000000xf32, #tpu.memory_space<hbm>> -> memref<7488xf32, #tpu.memory_space<hbm>>
          %dma_wait3A_453 = tpu.memref_slice %arg30[%mul3A_445] : memref<750592xf32, #tpu.memory_space<vmem_shared>> -> memref<7488xf32, #tpu.memory_space<vmem_shared>>
          tpu.wait_dma2 semaphore(%arg34 : memref<!tpu.dma_semaphore, #tpu.memory_space<semaphore_mem>>) src(%dma_wait3A_453 : memref<7488xf32, #tpu.memory_space<vmem_shared>>) dst(%dma_wait3A_452 : memref<7488xf32, #tpu.memory_space<hbm>>)
        } else {
        }
        %add3A_370 = arith.constant 48 : i32
        %add3A_371 = arith.addi %arg1, %add3A_370 : i32
        %lt3A_372 = arith.constant 100 : i32
        %lt3A_373 = arith.cmpi slt, %add3A_371, %lt3A_372 : i32
        %lt3A_374 = arith.constant 3 : i32
        %lt3A_375 = arith.cmpi slt, %scan3A_239, %lt3A_374 : i32
        %and3A_376 = arith.andi %lt3A_373, %lt3A_375 : i1
        %convert_element_type3A_377 = arith.extui %and3A_376 : i1 to i32
        %cond3A_378 = arith.constant 0 : i32
        %cond3A_379 = arith.cmpi ne, %convert_element_type3A_377, %cond3A_378 : i32
        scf.if %cond3A_379 {
          %mul3A_444 = arith.constant 7504 : i32
          %mul3A_445 = arith.muli %add3A_371, %mul3A_444 : i32
          %mul3A_446 = arith.constant 120000 : i32
          %mul3A_447 = arith.muli %add3A_371, %mul3A_446 : i32
          %add3A_448 = arith.addi %mul3A_447, %mul3A_244 : i32
          %add3A_449 = arith.addi %add3A_448, %mul3A_246 : i32
          %dma_start3A_450 = tpu.memref_slice %arg3[%add3A_449] : memref<12000000xf32, #tpu.memory_space<hbm>> -> memref<7504xf32, #tpu.memory_space<hbm>>
          %dma_start3A_451 = tpu.memref_slice %arg30[%mul3A_445] : memref<750592xf32, #tpu.memory_space<vmem_shared>> -> memref<7504xf32, #tpu.memory_space<vmem_shared>>
          tpu.enqueue_dma source(%dma_start3A_451 : memref<7504xf32, #tpu.memory_space<vmem_shared>>) target(%dma_start3A_450 : memref<7504xf32, #tpu.memory_space<hbm>>) target_semaphore(%arg34 : memref<!tpu.dma_semaphore, #tpu.memory_space<semaphore_mem>>)
          %dma_wait3A_452 = tpu.memref_slice %arg3[%add3A_449] : memref<12000000xf32, #tpu.memory_space<hbm>> -> memref<7504xf32, #tpu.memory_space<hbm>>
          %dma_wait3A_453 = tpu.memref_slice %arg30[%mul3A_445] : memref<750592xf32, #tpu.memory_space<vmem_shared>> -> memref<7504xf32, #tpu.memory_space<vmem_shared>>
          tpu.wait_dma2 semaphore(%arg34 : memref<!tpu.dma_semaphore, #tpu.memory_space<semaphore_mem>>) src(%dma_wait3A_453 : memref<7504xf32, #tpu.memory_space<vmem_shared>>) dst(%dma_wait3A_452 : memref<7504xf32, #tpu.memory_space<hbm>>)
        } else {
        }
        %lt3A_380 = arith.constant 100 : i32
        %lt3A_381 = arith.cmpi slt, %add3A_371, %lt3A_380 : i32
        %eq3A_382 = arith.constant 3 : i32
        %eq3A_383 = arith.cmpi eq, %scan3A_239, %eq3A_382 : i32
        %and3A_384 = arith.andi %lt3A_381, %eq3A_383 : i1
        %convert_element_type3A_385 = arith.extui %and3A_384 : i1 to i32
        %cond3A_386 = arith.constant 0 : i32
        %cond3A_387 = arith.cmpi ne, %convert_element_type3A_385, %cond3A_386 : i32
        scf.if %cond3A_387 {
          %mul3A_444 = arith.constant 7504 : i32
          %mul3A_445 = arith.muli %add3A_371, %mul3A_444 : i32
          %mul3A_446 = arith.constant 120000 : i32
          %mul3A_447 = arith.muli %add3A_371, %mul3A_446 : i32
          %add3A_448 = arith.addi %mul3A_447, %mul3A_244 : i32
          %add3A_449 = arith.addi %add3A_448, %mul3A_246 : i32
          %dma_start3A_450 = tpu.memref_slice %arg3[%add3A_449] : memref<12000000xf32, #tpu.memory_space<hbm>> -> memref<7488xf32, #tpu.memory_space<hbm>>
          %dma_start3A_451 = tpu.memref_slice %arg30[%mul3A_445] : memref<750592xf32, #tpu.memory_space<vmem_shared>> -> memref<7488xf32, #tpu.memory_space<vmem_shared>>
          tpu.enqueue_dma source(%dma_start3A_451 : memref<7488xf32, #tpu.memory_space<vmem_shared>>) target(%dma_start3A_450 : memref<7488xf32, #tpu.memory_space<hbm>>) target_semaphore(%arg34 : memref<!tpu.dma_semaphore, #tpu.memory_space<semaphore_mem>>)
          %dma_wait3A_452 = tpu.memref_slice %arg3[%add3A_449] : memref<12000000xf32, #tpu.memory_space<hbm>> -> memref<7488xf32, #tpu.memory_space<hbm>>
          %dma_wait3A_453 = tpu.memref_slice %arg30[%mul3A_445] : memref<750592xf32, #tpu.memory_space<vmem_shared>> -> memref<7488xf32, #tpu.memory_space<vmem_shared>>
          tpu.wait_dma2 semaphore(%arg34 : memref<!tpu.dma_semaphore, #tpu.memory_space<semaphore_mem>>) src(%dma_wait3A_453 : memref<7488xf32, #tpu.memory_space<vmem_shared>>) dst(%dma_wait3A_452 : memref<7488xf32, #tpu.memory_space<hbm>>)
        } else {
        }
        %add3A_388 = arith.constant 64 : i32
        %add3A_389 = arith.addi %arg1, %add3A_388 : i32
        %lt3A_390 = arith.constant 100 : i32
        %lt3A_391 = arith.cmpi slt, %add3A_389, %lt3A_390 : i32
        %lt3A_392 = arith.constant 3 : i32
        %lt3A_393 = arith.cmpi slt, %scan3A_239, %lt3A_392 : i32
        %and3A_394 = arith.andi %lt3A_391, %lt3A_393 : i1
        %convert_element_type3A_395 = arith.extui %and3A_394 : i1 to i32
        %cond3A_396 = arith.constant 0 : i32
        %cond3A_397 = arith.cmpi ne, %convert_element_type3A_395, %cond3A_396 : i32
        scf.if %cond3A_397 {
          %mul3A_444 = arith.constant 7504 : i32
          %mul3A_445 = arith.muli %add3A_389, %mul3A_444 : i32
          %mul3A_446 = arith.constant 120000 : i32
          %mul3A_447 = arith.muli %add3A_389, %mul3A_446 : i32
          %add3A_448 = arith.addi %mul3A_447, %mul3A_244 : i32
          %add3A_449 = arith.addi %add3A_448, %mul3A_246 : i32
          %dma_start3A_450 = tpu.memref_slice %arg3[%add3A_449] : memref<12000000xf32, #tpu.memory_space<hbm>> -> memref<7504xf32, #tpu.memory_space<hbm>>
          %dma_start3A_451 = tpu.memref_slice %arg30[%mul3A_445] : memref<750592xf32, #tpu.memory_space<vmem_shared>> -> memref<7504xf32, #tpu.memory_space<vmem_shared>>
          tpu.enqueue_dma source(%dma_start3A_451 : memref<7504xf32, #tpu.memory_space<vmem_shared>>) target(%dma_start3A_450 : memref<7504xf32, #tpu.memory_space<hbm>>) target_semaphore(%arg34 : memref<!tpu.dma_semaphore, #tpu.memory_space<semaphore_mem>>)
          %dma_wait3A_452 = tpu.memref_slice %arg3[%add3A_449] : memref<12000000xf32, #tpu.memory_space<hbm>> -> memref<7504xf32, #tpu.memory_space<hbm>>
          %dma_wait3A_453 = tpu.memref_slice %arg30[%mul3A_445] : memref<750592xf32, #tpu.memory_space<vmem_shared>> -> memref<7504xf32, #tpu.memory_space<vmem_shared>>
          tpu.wait_dma2 semaphore(%arg34 : memref<!tpu.dma_semaphore, #tpu.memory_space<semaphore_mem>>) src(%dma_wait3A_453 : memref<7504xf32, #tpu.memory_space<vmem_shared>>) dst(%dma_wait3A_452 : memref<7504xf32, #tpu.memory_space<hbm>>)
        } else {
        }
        %lt3A_398 = arith.constant 100 : i32
        %lt3A_399 = arith.cmpi slt, %add3A_389, %lt3A_398 : i32
        %eq3A_400 = arith.constant 3 : i32
        %eq3A_401 = arith.cmpi eq, %scan3A_239, %eq3A_400 : i32
        %and3A_402 = arith.andi %lt3A_399, %eq3A_401 : i1
        %convert_element_type3A_403 = arith.extui %and3A_402 : i1 to i32
        %cond3A_404 = arith.constant 0 : i32
        %cond3A_405 = arith.cmpi ne, %convert_element_type3A_403, %cond3A_404 : i32
        scf.if %cond3A_405 {
          %mul3A_444 = arith.constant 7504 : i32
          %mul3A_445 = arith.muli %add3A_389, %mul3A_444 : i32
          %mul3A_446 = arith.constant 120000 : i32
          %mul3A_447 = arith.muli %add3A_389, %mul3A_446 : i32
          %add3A_448 = arith.addi %mul3A_447, %mul3A_244 : i32
          %add3A_449 = arith.addi %add3A_448, %mul3A_246 : i32
          %dma_start3A_450 = tpu.memref_slice %arg3[%add3A_449] : memref<12000000xf32, #tpu.memory_space<hbm>> -> memref<7488xf32, #tpu.memory_space<hbm>>
          %dma_start3A_451 = tpu.memref_slice %arg30[%mul3A_445] : memref<750592xf32, #tpu.memory_space<vmem_shared>> -> memref<7488xf32, #tpu.memory_space<vmem_shared>>
          tpu.enqueue_dma source(%dma_start3A_451 : memref<7488xf32, #tpu.memory_space<vmem_shared>>) target(%dma_start3A_450 : memref<7488xf32, #tpu.memory_space<hbm>>) target_semaphore(%arg34 : memref<!tpu.dma_semaphore, #tpu.memory_space<semaphore_mem>>)
          %dma_wait3A_452 = tpu.memref_slice %arg3[%add3A_449] : memref<12000000xf32, #tpu.memory_space<hbm>> -> memref<7488xf32, #tpu.memory_space<hbm>>
          %dma_wait3A_453 = tpu.memref_slice %arg30[%mul3A_445] : memref<750592xf32, #tpu.memory_space<vmem_shared>> -> memref<7488xf32, #tpu.memory_space<vmem_shared>>
          tpu.wait_dma2 semaphore(%arg34 : memref<!tpu.dma_semaphore, #tpu.memory_space<semaphore_mem>>) src(%dma_wait3A_453 : memref<7488xf32, #tpu.memory_space<vmem_shared>>) dst(%dma_wait3A_452 : memref<7488xf32, #tpu.memory_space<hbm>>)
        } else {
        }
        %add3A_406 = arith.constant 80 : i32
        %add3A_407 = arith.addi %arg1, %add3A_406 : i32
        %lt3A_408 = arith.constant 100 : i32
        %lt3A_409 = arith.cmpi slt, %add3A_407, %lt3A_408 : i32
        %lt3A_410 = arith.constant 3 : i32
        %lt3A_411 = arith.cmpi slt, %scan3A_239, %lt3A_410 : i32
        %and3A_412 = arith.andi %lt3A_409, %lt3A_411 : i1
        %convert_element_type3A_413 = arith.extui %and3A_412 : i1 to i32
        %cond3A_414 = arith.constant 0 : i32
        %cond3A_415 = arith.cmpi ne, %convert_element_type3A_413, %cond3A_414 : i32
        scf.if %cond3A_415 {
          %mul3A_444 = arith.constant 7504 : i32
          %mul3A_445 = arith.muli %add3A_407, %mul3A_444 : i32
          %mul3A_446 = arith.constant 120000 : i32
          %mul3A_447 = arith.muli %add3A_407, %mul3A_446 : i32
          %add3A_448 = arith.addi %mul3A_447, %mul3A_244 : i32
          %add3A_449 = arith.addi %add3A_448, %mul3A_246 : i32
          %dma_start3A_450 = tpu.memref_slice %arg3[%add3A_449] : memref<12000000xf32, #tpu.memory_space<hbm>> -> memref<7504xf32, #tpu.memory_space<hbm>>
          %dma_start3A_451 = tpu.memref_slice %arg30[%mul3A_445] : memref<750592xf32, #tpu.memory_space<vmem_shared>> -> memref<7504xf32, #tpu.memory_space<vmem_shared>>
          tpu.enqueue_dma source(%dma_start3A_451 : memref<7504xf32, #tpu.memory_space<vmem_shared>>) target(%dma_start3A_450 : memref<7504xf32, #tpu.memory_space<hbm>>) target_semaphore(%arg34 : memref<!tpu.dma_semaphore, #tpu.memory_space<semaphore_mem>>)
          %dma_wait3A_452 = tpu.memref_slice %arg3[%add3A_449] : memref<12000000xf32, #tpu.memory_space<hbm>> -> memref<7504xf32, #tpu.memory_space<hbm>>
          %dma_wait3A_453 = tpu.memref_slice %arg30[%mul3A_445] : memref<750592xf32, #tpu.memory_space<vmem_shared>> -> memref<7504xf32, #tpu.memory_space<vmem_shared>>
          tpu.wait_dma2 semaphore(%arg34 : memref<!tpu.dma_semaphore, #tpu.memory_space<semaphore_mem>>) src(%dma_wait3A_453 : memref<7504xf32, #tpu.memory_space<vmem_shared>>) dst(%dma_wait3A_452 : memref<7504xf32, #tpu.memory_space<hbm>>)
        } else {
        }
        %lt3A_416 = arith.constant 100 : i32
        %lt3A_417 = arith.cmpi slt, %add3A_407, %lt3A_416 : i32
        %eq3A_418 = arith.constant 3 : i32
        %eq3A_419 = arith.cmpi eq, %scan3A_239, %eq3A_418 : i32
        %and3A_420 = arith.andi %lt3A_417, %eq3A_419 : i1
        %convert_element_type3A_421 = arith.extui %and3A_420 : i1 to i32
        %cond3A_422 = arith.constant 0 : i32
        %cond3A_423 = arith.cmpi ne, %convert_element_type3A_421, %cond3A_422 : i32
        scf.if %cond3A_423 {
          %mul3A_444 = arith.constant 7504 : i32
          %mul3A_445 = arith.muli %add3A_407, %mul3A_444 : i32
          %mul3A_446 = arith.constant 120000 : i32
          %mul3A_447 = arith.muli %add3A_407, %mul3A_446 : i32
          %add3A_448 = arith.addi %mul3A_447, %mul3A_244 : i32
          %add3A_449 = arith.addi %add3A_448, %mul3A_246 : i32
          %dma_start3A_450 = tpu.memref_slice %arg3[%add3A_449] : memref<12000000xf32, #tpu.memory_space<hbm>> -> memref<7488xf32, #tpu.memory_space<hbm>>
          %dma_start3A_451 = tpu.memref_slice %arg30[%mul3A_445] : memref<750592xf32, #tpu.memory_space<vmem_shared>> -> memref<7488xf32, #tpu.memory_space<vmem_shared>>
          tpu.enqueue_dma source(%dma_start3A_451 : memref<7488xf32, #tpu.memory_space<vmem_shared>>) target(%dma_start3A_450 : memref<7488xf32, #tpu.memory_space<hbm>>) target_semaphore(%arg34 : memref<!tpu.dma_semaphore, #tpu.memory_space<semaphore_mem>>)
          %dma_wait3A_452 = tpu.memref_slice %arg3[%add3A_449] : memref<12000000xf32, #tpu.memory_space<hbm>> -> memref<7488xf32, #tpu.memory_space<hbm>>
          %dma_wait3A_453 = tpu.memref_slice %arg30[%mul3A_445] : memref<750592xf32, #tpu.memory_space<vmem_shared>> -> memref<7488xf32, #tpu.memory_space<vmem_shared>>
          tpu.wait_dma2 semaphore(%arg34 : memref<!tpu.dma_semaphore, #tpu.memory_space<semaphore_mem>>) src(%dma_wait3A_453 : memref<7488xf32, #tpu.memory_space<vmem_shared>>) dst(%dma_wait3A_452 : memref<7488xf32, #tpu.memory_space<hbm>>)
        } else {
        }
        %add3A_424 = arith.constant 96 : i32
        %add3A_425 = arith.addi %arg1, %add3A_424 : i32
        %lt3A_426 = arith.constant 100 : i32
        %lt3A_427 = arith.cmpi slt, %add3A_425, %lt3A_426 : i32
        %lt3A_428 = arith.constant 3 : i32
        %lt3A_429 = arith.cmpi slt, %scan3A_239, %lt3A_428 : i32
        %and3A_430 = arith.andi %lt3A_427, %lt3A_429 : i1
        %convert_element_type3A_431 = arith.extui %and3A_430 : i1 to i32
        %cond3A_432 = arith.constant 0 : i32
        %cond3A_433 = arith.cmpi ne, %convert_element_type3A_431, %cond3A_432 : i32
        scf.if %cond3A_433 {
          %mul3A_444 = arith.constant 7504 : i32
          %mul3A_445 = arith.muli %add3A_425, %mul3A_444 : i32
          %mul3A_446 = arith.constant 120000 : i32
          %mul3A_447 = arith.muli %add3A_425, %mul3A_446 : i32
          %add3A_448 = arith.addi %mul3A_447, %mul3A_244 : i32
          %add3A_449 = arith.addi %add3A_448, %mul3A_246 : i32
          %dma_start3A_450 = tpu.memref_slice %arg3[%add3A_449] : memref<12000000xf32, #tpu.memory_space<hbm>> -> memref<7504xf32, #tpu.memory_space<hbm>>
          %dma_start3A_451 = tpu.memref_slice %arg30[%mul3A_445] : memref<750592xf32, #tpu.memory_space<vmem_shared>> -> memref<7504xf32, #tpu.memory_space<vmem_shared>>
          tpu.enqueue_dma source(%dma_start3A_451 : memref<7504xf32, #tpu.memory_space<vmem_shared>>) target(%dma_start3A_450 : memref<7504xf32, #tpu.memory_space<hbm>>) target_semaphore(%arg34 : memref<!tpu.dma_semaphore, #tpu.memory_space<semaphore_mem>>)
          %dma_wait3A_452 = tpu.memref_slice %arg3[%add3A_449] : memref<12000000xf32, #tpu.memory_space<hbm>> -> memref<7504xf32, #tpu.memory_space<hbm>>
          %dma_wait3A_453 = tpu.memref_slice %arg30[%mul3A_445] : memref<750592xf32, #tpu.memory_space<vmem_shared>> -> memref<7504xf32, #tpu.memory_space<vmem_shared>>
          tpu.wait_dma2 semaphore(%arg34 : memref<!tpu.dma_semaphore, #tpu.memory_space<semaphore_mem>>) src(%dma_wait3A_453 : memref<7504xf32, #tpu.memory_space<vmem_shared>>) dst(%dma_wait3A_452 : memref<7504xf32, #tpu.memory_space<hbm>>)
        } else {
        }
        %lt3A_434 = arith.constant 100 : i32
        %lt3A_435 = arith.cmpi slt, %add3A_425, %lt3A_434 : i32
        %eq3A_436 = arith.constant 3 : i32
        %eq3A_437 = arith.cmpi eq, %scan3A_239, %eq3A_436 : i32
        %and3A_438 = arith.andi %lt3A_435, %eq3A_437 : i1
        %convert_element_type3A_439 = arith.extui %and3A_438 : i1 to i32
        %cond3A_440 = arith.constant 0 : i32
        %cond3A_441 = arith.cmpi ne, %convert_element_type3A_439, %cond3A_440 : i32
        scf.if %cond3A_441 {
          %mul3A_444 = arith.constant 7504 : i32
          %mul3A_445 = arith.muli %add3A_425, %mul3A_444 : i32
          %mul3A_446 = arith.constant 120000 : i32
          %mul3A_447 = arith.muli %add3A_425, %mul3A_446 : i32
          %add3A_448 = arith.addi %mul3A_447, %mul3A_244 : i32
          %add3A_449 = arith.addi %add3A_448, %mul3A_246 : i32
          %dma_start3A_450 = tpu.memref_slice %arg3[%add3A_449] : memref<12000000xf32, #tpu.memory_space<hbm>> -> memref<7488xf32, #tpu.memory_space<hbm>>
          %dma_start3A_451 = tpu.memref_slice %arg30[%mul3A_445] : memref<750592xf32, #tpu.memory_space<vmem_shared>> -> memref<7488xf32, #tpu.memory_space<vmem_shared>>
          tpu.enqueue_dma source(%dma_start3A_451 : memref<7488xf32, #tpu.memory_space<vmem_shared>>) target(%dma_start3A_450 : memref<7488xf32, #tpu.memory_space<hbm>>) target_semaphore(%arg34 : memref<!tpu.dma_semaphore, #tpu.memory_space<semaphore_mem>>)
          %dma_wait3A_452 = tpu.memref_slice %arg3[%add3A_449] : memref<12000000xf32, #tpu.memory_space<hbm>> -> memref<7488xf32, #tpu.memory_space<hbm>>
          %dma_wait3A_453 = tpu.memref_slice %arg30[%mul3A_445] : memref<750592xf32, #tpu.memory_space<vmem_shared>> -> memref<7488xf32, #tpu.memory_space<vmem_shared>>
          tpu.wait_dma2 semaphore(%arg34 : memref<!tpu.dma_semaphore, #tpu.memory_space<semaphore_mem>>) src(%dma_wait3A_453 : memref<7488xf32, #tpu.memory_space<vmem_shared>>) dst(%dma_wait3A_452 : memref<7488xf32, #tpu.memory_space<hbm>>)
        } else {
        }
        %barrier3A_442 = arith.constant 0 : index
        tpu.barrier barrier_id(%barrier3A_442)
        "tpu.trace_stop"() : () -> ()
        %scan3A_443 = arith.constant 0 : i32
        scf.yield %scan3A_443 : i32
      }
      %scan3A_237 = arith.constant 4 : i32
      %scan3A_238 = arith.constant 0 : i32
      scf.yield %scan3A_238 : i32
    }
    %scan3A_27 = arith.constant 2 : i32
    return
  }
}

</mosaic_0001>

<sc_bundles>
// kernel: kernel.3.cloned.1.call-start
scs
__scs_entry_jumppad:
0x0: {  	(pc) =	sbr.rel $0x88, $3  }
0x1: {  	(tag) =	ssettag $0x0;
	lr =	simm.s32 $0x1  }
0x2: {  	[smem:$0x3FA0] =	sst lr;
	_ =	strace $0xD0000000  }
0x3: {  	_ = 	snop  }
0x4: {  	_ = 	snop  }
0x5: {  	_ = 	snop  }
0x6: {  	_ = 	snop  }
0x7: {  	_ = 	snop  }
__scs_overlays_trampoline_lowered:
0x8: {  	[smem:$0x3FAF] =	sst s0  }
0x9: {  	[smem:$0x3FB0] =	sst s1  }
0xa: {  	[smem:$0x3FB1] =	sst s2  }
0xb: {  	[smem:$0x3FB2] =	sst s3  }
0xc: {  	[smem:$0x3FB3] =	sst s4  }
0xd: {  	[smem:$0x3FB4] =	sst s5  }
0xe: {  	[smem:$0x3FB5] =	sst s6  }
0xf: {  	[smem:$0x3FB6] =	sst s7  }
0x10: {  	[smem:$0x3FB7] =	sst s8  }
0x11: {  	[smem:$0x3FB8] =	sst s9;
	s0 =	simm.s32 @!p0 $0x0  }
0x12: {  	s1 =	sld [smem:$0x3F9E];
	s0 =	simm.s32 @p0 $0x1  }
0x13: {  	[smem:$0x3FB9] =	sst s0;
	s0 =	simm.s32 @!p1 $0x0  }
0x14: {  	s2 =	sld [smem:$0x3F9D];
	s0 =	simm.s32 @p1 $0x1  }
0x15: {  	[smem:$0x3FBA] =	sst s0;
	s0 =	simm.s32 @!p2 $0x0  }
0x16: {  	s3 =	sld [smem:$0x3FDB];
	s0 =	simm.s32 @p2 $0x1  }
0x17: {  	s4 =	simm.s32 $0x1BF5;
	[smem:$0x3FBC] =	sst s0  }
0x18: {  	s0 =	sld [smem:$0x3F9F];
	_ =	swait.ge [sflag:s4], $0x0  }
0x19: {  	s7 =	sld [smem:$0x3FA0]  }
0x1a: {  	s8 =	sadd.s32 $0xFFFFE003, lr  }
0x1b: {  	s9 =	sadd.s32 $0xFFFFFEF7, lr;
	s5 =	simm.s32 $0xFFFFFFFF;
	p2 =	slt.u32 s8, $0xFFFFF086  }
0x1c: {  	p1 =	slt.u32 s9, $0xF7A;
	s5 =	simm.s32 @!p2 $0x0  }
0x1d: {  	s5 =	simm.s32 @p1 $0x1;
	p0 =	seq.s32 s7, s2  }
0x1e: {  	s7 =	smul.u32 @!p0 $0xF7A, s2;
	p2 =	seq.s32 @!p0 s5, $0x0  }
0x1f: {  	s9 =	smul.u32 $0xF7A, s1;
	s8 =	simm.s32 @!p0 $0x1BF5;
	p2 =	por !p2, p0  }
0x20: {  	[sflag:s8] =	ssyncset.s32 @!p0 $0xFFFFF086;
	s6 =	sadd.s32 @!p0 s3, s7;
	s7 =	simm.s32 @!p0 $0x108  }
0x21: {  	s3 =	sadd.s32 s3, s9;
	s6 =	sadd.s32 @!p0 $0x88, s6;
	s7 =	simm.s32 @p2 $0x1082  }
0x22: {  	[simem:s7], [sflag:s8] =	dma.local @!p0 [hbm:s6], $0xF7A  }
0x23: {  	s9 =	sor.u32 $0xD0000000, s2;
	s6 =	simm.s32 $0x108;
	_ =	swait.ge @!p0 [sflag:s8], $0x0  }
0x24: {  	s3 =	sadd.s32 $0x88, s3;
	s6 =	simm.s32 @!p1 $0x1082;
	[sflag:s4] =	ssyncset.s32 $0xFFFFF086  }
0x25: {  	[simem:s6], [sflag:s4] =	dma.local [hbm:s3], $0xF7A  }
0x26: {  	[smem:$0x3FA0] =	sst s1;
	(tag) =	ssettag s2;
	_ =	strace s9  }
0x27: {  	s1 =	sld [smem:$0x3FB0]  }
0x28: {  	s2 =	sld [smem:$0x3FB1]  }
0x29: {  	s4 =	sld [smem:$0x3FB3]  }
0x2a: {  	p0 =	seq.s32 s5, $0x0;
	s5 =	sld [smem:$0x3FB4]  }
0x2b: {  	s6 =	sld [smem:$0x3FB5]  }
0x2c: {  	s7 =	sld [smem:$0x3FB6]  }
0x2d: {  	s3 =	simm.s32 $0x108;
	s8 =	sld [smem:$0x3FB7]  }
0x2e: {  	s3 =	simm.s32 @!p0 $0x1082;
	s9 =	sld [smem:$0x3FB8]  }
0x2f: {  	lr =	sadd.s32 s0, s3;
	s0 =	sld [smem:$0x3FAF]  }
0x30: {  	s3 =	sld [smem:$0x3FB2]  }
0x31: {  	[smem:$0x3FBB] =	sst s10  }
0x32: {  	s10 =	sld [smem:$0x3FB9];
	_ =	sdelay $0x3  }
0x33: {  	p0 =	seq.s32 s10, $0x1;
	s10 =	sld [smem:$0x3FBB];
	_ =	sdelay $0x3  }
0x34: {  	[smem:$0x3FBB] =	sst s10  }
0x35: {  	s10 =	sld [smem:$0x3FBA];
	_ =	sdelay $0x3  }
0x36: {  	p1 =	seq.s32 s10, $0x1;
	s10 =	sld [smem:$0x3FBB];
	_ =	sdelay $0x3  }
0x37: {  	[smem:$0x3FBB] =	sst s10  }
0x38: {  	s10 =	sld [smem:$0x3FBC]  }
0x39: {  	_ = 	snop;
	(pc) =	sbr.ind lr, $3  }
0x3a: {  	_ = 	snop  }
0x3b: {  	_ = 	snop  }
0x3c: {  	p2 =	seq.s32 s10, $0x1;
	s10 =	sld [smem:$0x3FBB]  }
0x3d: {  	_ =	shalt  }
0x3e: {  	_ =	shalt  }
0x3f: {  	_ =	shalt  }
0x40: {  	_ =	shalt  }
0x41: {  	_ =	shalt  }
0x42: {  	_ =	shalt  }
0x43: {  	_ =	shalt  }
0x44: {  	_ =	shalt  }
0x45: {  	_ =	shalt  }
0x46: {  	_ =	shalt  }
0x47: {  	_ =	shalt  }
0x48: {  	_ =	shalt  }
0x49: {  	_ =	shalt  }
0x4a: {  	_ =	shalt  }
0x4b: {  	_ =	shalt  }
0x4c: {  	_ =	shalt  }
0x4d: {  	_ =	shalt  }
0x4e: {  	_ =	shalt  }
0x4f: {  	_ =	shalt  }
0x50: {  	_ =	shalt  }
0x51: {  	_ =	shalt  }
0x52: {  	_ =	shalt  }
0x53: {  	_ =	shalt  }
0x54: {  	_ =	shalt  }
0x55: {  	_ =	shalt  }
0x56: {  	_ =	shalt  }
0x57: {  	_ =	shalt  }
0x58: {  	_ =	shalt  }
0x59: {  	_ =	shalt  }
0x5a: {  	_ =	shalt  }
0x5b: {  	_ =	shalt  }
0x5c: {  	_ =	shalt  }
0x5d: {  	_ =	shalt  }
0x5e: {  	_ =	shalt  }
0x5f: {  	_ =	shalt  }
0x60: {  	_ =	shalt  }
0x61: {  	_ =	shalt  }
0x62: {  	_ =	shalt  }
0x63: {  	_ =	shalt  }
0x64: {  	_ =	shalt  }
0x65: {  	_ =	shalt  }
0x66: {  	_ =	shalt  }
0x67: {  	_ =	shalt  }
0x68: {  	_ =	shalt  }
0x69: {  	_ =	shalt  }
0x6a: {  	_ =	shalt  }
0x6b: {  	_ =	shalt  }
0x6c: {  	_ =	shalt  }
0x6d: {  	_ =	shalt  }
0x6e: {  	_ =	shalt  }
0x6f: {  	_ =	shalt  }
0x70: {  	_ =	shalt  }
0x71: {  	_ =	shalt  }
0x72: {  	_ =	shalt  }
0x73: {  	_ =	shalt  }
0x74: {  	_ =	shalt  }
0x75: {  	_ =	shalt  }
0x76: {  	_ =	shalt  }
0x77: {  	_ =	shalt  }
0x78: {  	_ =	shalt  }
0x79: {  	_ =	shalt  }
0x7a: {  	_ =	shalt  }
0x7b: {  	_ =	shalt  }
0x7c: {  	_ =	shalt  }
0x7d: {  	_ =	shalt  }
0x7e: {  	_ =	shalt  }
0x7f: {  	_ =	shalt  }
0x80: {  	_ =	shalt  }
0x81: {  	_ =	shalt  }
0x82: {  	_ =	shalt  }
0x83: {  	_ =	shalt  }
0x84: {  	_ =	shalt  }
0x85: {  	_ =	shalt  }
0x86: {  	_ =	shalt  }
0x87: {  	_ =	shalt  }
.Lfunc_end0:
.L_simem_size_0:
called_computation_lowered:
.L_overlay_start_0:
0x88: {  	s2 =	sld [smem:$0x3FD9]  }
0x89: {  	s3 =	sld [smem:$0x3FFE];
	_ =	sdelay $0x1  }
0x8a: {  	s1 =	srdreg.scid  }
0x8b: {  	s0 =	sand.u32 $0x1, s1  }
0x8c: {  	s14 =	sshll.u32 s0, $0xA;
	s2 =	sadd.s32 s3, s2  }
0x8d: {  	s2 =	sadd.s32 s2, s14  }
0x8e: {  	[smem:$0x3FC7] =	sst s2  }
0x8f: {  	_ = 	snop  }
0x90: {  	s2 =	sld [smem:$0x3FD0];
	_ =	sdelay $0x2  }
0x91: {  	s15 =	simm.s32 $0xA;
	s4 =	simm.s32 $0x10  }
0x92: {  	[smem:s4], [sflag:s15] =	dma.local [hbm:s2], $0x1  }
0x93: {  	_ =	swait.eq [sflag:s15], $0x1  }
0x94: {  	[sflag:s15] =	ssyncset.done $0x0  }
0x95: {  	s16 =	sld [smem:$0x10];
	[sflag:s15] =	ssyncadd.s32 $0xFFFFFFFF  }
0x96: {  	s17 =	sld [smem:$0x11];
	(tm) =	ssettm $0x1  }
0x97: {  	s18 =	sld [smem:$0x3FFB];
	_ =	sdelay $0x3  }
0x98: {  	_ =	strace s18  }
0x99: {  	s4 =	sld [smem:$0x3FFC];
	_ =	sdelay $0x3  }
0x9a: {  	_ =	strace s4  }
0x9b: {  	s4 =	sld [smem:$0x3FFD];
	_ =	sdelay $0x3  }
0x9c: {  	_ =	strace s4  }
0x9d: {  	_ =	strace $0x8FFFFFFF  }
0x9e: {  	s19 =	sld [smem:$0x3FDB];
	_ =	sdelay $0x1  }
0x9f: {  	s5 =	simm.s32 $_scs_section_size  }
0xa0: {  	s6 =	simm.s32 $_size__tile_overlayer_lowered;
	s7 =	simm.s32 $_tile_overlayer_lowered  }
0xa1: {  	s22 =	simm.s32 $0x1BFF;
	s21 =	sshll.u32 s7, $0x1;
	s4 =	sadd.s32 s5, s19  }
0xa2: {  	s8 =	simm.s32 $0x0;
	s20 =	sshll.u32 s6, $0x1;
	s6 =	sadd.s32 s21, s4  }
0xa3: {  	[timem:s8], [sflag:s22] =	dma.local [hbm:s6], s20  }
0xa4: {  	_ =	swait.ge [sflag:s22], s20  }
0xa5: {  	s5 =	ssub.s32 $0x0, s20;
	[sflag:s22] =	ssyncset.done $0x0  }
0xa6: {  	[sflag:s22] =	ssyncadd.s32 s5;
	_ =	sdelay $0x1  }
0xa7: {  	s23 =	simm.s32 $0x1B8B  }
0xa8: {  	_ =	swait.ge [sflag:s23], $0x1  }
0xa9: {  	[sflag:s23] =	ssyncset.done $0x0  }
0xaa: {  	s25 =	simm.s32 $0x1B8E;
	s24 =	sld [smem:$0x3FFE];
	[sflag:s23] =	ssyncadd.s32 $0xFFFFFFFF  }
0xab: {  	s26 =	simm.s32 $execute0_lowered;
	[smem:$0x3FD2] =	sst s25  }
0xac: {  	s6 =	sshll.u32 s26, $0x1;
	_ =	strace $0x80000046;
	[dreg:$0x1] =	wrdreg $0xFFFFFFFF  }
0xad: {  	s28 =	simm.s32 $_size_execute0_lowered;
	s4 =	sadd.s32 s4, s6;
	[dreg:$0x0] =	wrdreg $0x0  }
0xae: {  	s6 =	sshll.u32 s28, $0x1;
	[dreg:$0x2] =	wrdreg s4  }
0xaf: {  	[dreg:$0x3] =	wrdreg s6  }
0xb0: {  	[dreg:$0x4] =	wrdreg $0xC0  }
0xb1: {  	_ =	task [dreg:s8], $0x5FFFF  }
0xb2: {  	[dreg:$0x1] =	wrdreg $0xFFFFFFFF  }
0xb3: {  	[dreg:$0x0] =	wrdreg $0x60  }
0xb4: {  	[dreg:$0x2] =	wrdreg s16  }
0xb5: {  	[dreg:$0x3] =	wrdreg s24  }
0xb6: {  	[dreg:$0x4] =	wrdreg s17  }
0xb7: {  	[dreg:$0x5] =	wrdreg $0x1D5400  }
0xb8: {  	[dreg:$0x6] =	wrdreg $0x1F2900  }
0xb9: {  	[dreg:$0x7] =	wrdreg $0x11E000  }
0xba: {  	[dreg:$0x8] =	wrdreg $0x9  }
0xbb: {  	_ =	task.clear_ibuf [dreg:s8], $0x9FFFF;
	_ =	strace $0x90000046  }
0xbc: {  	s29 =	simm.s32 $0x9;
	_ =	strace $0x8000004F  }
0xbd: {  	_ =	swait.ge [sflag:s29], $0x1  }
0xbe: {  	[sflag:s29] =	ssyncadd.s32 $0xFFFFFFFF  }
0xbf: {  	_ =	strace $0x9000004F  }
0xc0: {  	_ =	sfence  }
0xc1: {  	s30 =	sld [smem:$0x0];
	_ =	sdelay $0x2  }
0xc2: {  	s31 =	sshll.u32 s1, $0xD;
	s1 =	sshrl.u32 s1, $0x2  }
0xc3: {  	s3 =	sand.u32 $0x4000, s31;
	s1 =	sadd.s32 s1, s30  }
0xc4: {  	s0 =	sor.u32 s3, s0;
	s1 =	sshll.u32 s1, $0x11  }
0xc5: {  	s0 =	sor.u32 s1, s0  }
0xc6: {  	s0 =	sadd.s32 $0x8F2B, s0  }
0xc7: {  	[sflag:s0] =	ssyncadd.remote.s32 $0x1  }
0xc8: {  	_ =	sfence.sel $0xFFFF  }
0xc9: {  	[dreg:$0x0] =	wrdreg $0xFFFFFFFF;
	(pc) =	sbr.abs _section_cstart, $3  }
0xca: {  	[dreg:$0x1] =	wrdreg $0xFFFFFFFF  }
0xcb: {  	_ =	task.clear_ibuf [dreg:s8], $0x2FFFF;
	_ =	strace $0x9FFFFFFF  }
0xcc: {  	(tm) =	ssettm $0x7FFFFFFF  }
0xcd: {  	_ =	shalt  }
tec
execute0_lowered:
.L_overlay_start_1:
0x0: {  	(tag) =	ssettag $0x1  }
0x1: {  	s0 =	rddreg [dreg:$0x1]  }
0x2: {  	s2 =	rddreg [dreg:$0x3]  }
0x3: {  	s1 =	srdreg.scid;
	s13 =	rddreg [dreg:$0x4]  }
0x4: {  	s6 =	rddreg [dreg:$0x5];
	s9 =	stileid.u32;
	s7 =	simm.s32 $0x0  }
0x5: {  	s1 =	sand.u32 $0x1, s1;
	[smem:$0x7FF] =	sst s7;
	s30 =	smul.u32 $0x2DD00, s9  }
0x6: {  	s4 =	sor.u32 $0x10, s9;
	s5 =	sadd.s32 $0x3D4A00, s0;
	s23 =	sadd.s32 $0xA00, s0  }
0x7: {  	s11 =	sor.u32 $0x20, s9;
	s12 =	sadd.s32 $0x13200, s0;
	s21 =	smul.u32 $0xF0600, s9  }
0x8: {  	s18 =	sshll.u32 s9, $0x4;
	s20 =	sor.u32 $0x40, s9;
	s14 =	smul.u32 $0x1D4C0, s4  }
0x9: {  	s26 =	sor.u32 $0x60, s9;
	s3 =	sshll.u32 s1, $0x4;
	s4 =	smul.u32 $0x7540, s4  }
0xa: {  	_ =	strace $0x80000047;
	[dreg:$0x7] =	wrdreg s5;
	s15 =	smul.u32 $0x1D4C0, s11  }
0xb: {  	s16 =	ssub.s32 $0x2, s1;
	s5 =	smul.u32 $0x7540, s11;
	s11 =	sor.u32 $0x30, s9  }
0xc: {  	s17 =	sshll.u32 s1, $0x1;
	s1 =	smul.u32 $0xF06000, s1;
	s3 =	sor.u32 s9, s3  }
0xd: {  	[dreg:$0x9] =	wrdreg s23;
	s10 =	sshrl.u32 s16, $0x1;
	s8 =	smul.u32 $0xF0600, s3  }
0xe: {  	[dreg:$0xb] =	wrdreg s17;
	s0 =	ssub.s32 s16, s10;
	s16 =	smul.u32 $0x1D4C0, s11  }
0xf: {  	s3 =	sshrl.u32 s30, $0x2;
	s11 =	smul.u32 $0x7540, s11;
	[dreg:$0x8] =	wrdreg s14  }
0x10: {  	s10 =	sadd.s32 s18, s13;
	s19 =	sshrl.u32 s4, $0x2;
	[dreg:$0xa] =	wrdreg s15  }
0x11: {  	s13 =	smul.u32 $0x1D4C0, s20;
	s1 =	sadd.s32 s21, s1;
	[dreg:$0xd] =	wrdreg s10  }
0x12: {  	s17 =	sadd.s32 s3, s6;
	s3 =	sadd.s32 s19, s6;
	[dreg:$0x10] =	wrdreg s1  }
0x13: {  	s4 =	smul.u32 $0x7540, s20;
	s0 =	smax.u32 s0, $0x1;
	[dreg:$0xe] =	wrdreg s3  }
0x14: {  	s24 =	sor.u32 $0x50, s9;
	s30 =	smul.u32 $0x7540, s26;
	[dreg:$0x19] =	wrdreg s0  }
0x15: {  	s22 =	sshrl.u32 s5, $0x2;
	s10 =	smul.u32 $0x1D4C0, s24;
	[dreg:$0xc] =	wrdreg s16  }
0x16: {  	s1 =	smul.u32 $0x7540, s24;
	s3 =	sadd.s32 s22, s6;
	[dreg:$0xf] =	wrdreg s13  }
0x17: {  	s25 =	sshrl.u32 s11, $0x2;
	s11 =	sshll.u32 s9, $0xE;
	[dreg:$0x11] =	wrdreg s3  }
0x18: {  	s24 =	smul.u32 $0x2500, s9;
	[dreg:$0x1a] =	wrdreg s11  }
0x19: {  	s4 =	sshrl.u32 s4, $0x2;
	[dreg:$0x12] =	wrdreg s10  }
0x1a: {  	s5 =	sshrl.u32 s30, $0x2;
	s3 =	sadd.s32 s25, s6;
	[dreg:$0x1b] =	wrdreg s24  }
0x1b: {  	s30 =	smul.u32 $0x1D4C0, s9;
	s29 =	sadd.s32 s4, s6;
	[dreg:$0x13] =	wrdreg s3  }
0x1c: {  	s1 =	sshrl.u32 s1, $0x2;
	[dreg:$0x14] =	wrdreg s29  }
0x1d: {  	s4 =	smul.u32 $0x1D4C0, s26;
	s1 =	sadd.s32 s1, s6;
	[smem:$0x7F6] =	sst s30  }
0x1e: {  	v0 =	vimm.f32 $2.000000030e-01;
	v1 =	vmov s11;
	s29 =	sadd.s32 $0x4000, s11;
	s11 =	sadd.s32 $0x1D1F0, s2;
	[dreg:$0x16] =	wrdreg s1  }
0x1f: {  	(erf) = vrcp.f32 v0;
	v0 =	vimm.f32 $8.000000000e+00;
	[smem:$0x7F3] =	sst s11  }
0x20: {  	(erf) = vrcp.f32 v0;
	v0 =	vimm.f32 $1.024000020e+02;
	s3 =	smul.u32 $0x1D50, s9;
	s1 =	sadd.s32 s5, s6;
	[dreg:$0x15] =	wrdreg s4  }
0x21: {  	(erf) = vrcp.f32 v0;
	v0 =	vimm.f32 $2.550000000e+02;
	[dreg:$0x18] =	wrdreg s1  }
0x22: {  	(erf) = vrcp.f32 v0;
	v0 =	vmov s29;
	s29 =	sadd.s32 $0x57F0, s10;
	[dreg:$0x17] =	wrdreg s3  }
0x23: {  	s18 =	sadd.s32 s3, s2;
	[smem:$0x7FC] =	sst s29  }
0x24: {  	s19 =	sadd.s32 $0x3C0, s18;
	[dreg:$0x1c] =	wrdreg s18  }
0x25: {  	s20 =	sadd.s32 $0x780, s18;
	[dreg:$0x1d] =	wrdreg s19  }
0x26: {  	s21 =	sadd.s32 $0xB40, s18;
	[dreg:$0x1e] =	wrdreg s20  }
0x27: {  	s22 =	sadd.s32 $0xF00, s18;
	[dreg:$0x1f] =	wrdreg s21  }
0x28: {  	s25 =	sadd.s32 $0x12C0, s18;
	[smem:$0x7EF] =	sst s22  }
0x29: {  	p0 =	sgt.u32 s26, $0x63;
	s26 =	sadd.s32 $0x1680, s18;
	[smem:$0x7F0] =	sst s25  }
0x2a: {  	s31 =	simm.s32 $0x1;
	s0 =	sadd.s32 $0x1A40, s18;
	[smem:$0x7F1] =	sst s26  }
0x2b: {  	s28 =	simm.s32 $0x5340;
	s18 =	sadd.s32 $0xB400, s17;
	[smem:$0x7F2] =	sst s0  }
0x2c: {  	p1 =	seq.s32 s9, $0xF;
	[smem:$0x7F4] =	sst s18;
	s19 =	sadd.s32 s3, s6  }
0x2d: {  	v2 =	vimm.f32 $0.0e+00;
	s10 =	simm.s32 $0x10000;
	s20 =	sadd.s32 $0x57F0, s30;
	[smem:$0x7F5] =	sst s19  }
0x2e: {  	vm0 =	vcmask $0x1310;
	vm1 =	vcmask $0x300;
	v3 =	vlaneseq.u32;
	s1 =	simm.s32 $0x9340;
	s21 =	sadd.s32 $0x57F0, s14;
	[smem:$0x7F7] =	sst s20  }
.Ltmp0:
0x2f: {  	vm2 =	vcmask $0x3330;
	v7 =	vimm.s32 $0x0;
	v9 =	vimm.s32 $0x1;
	s22 =	sadd.s32 $0x57F0, s15;
	[smem:$0x7F8] =	sst s21;
	(pc) =	sbr.rel .LBB2_1-.Ltmp0, $4  }
0x30: {  	v11 =	vimm.s32 $0x1D4C0;
	v14 =	vimm.s32 $0xB7340;
	v13 =	vmov s9;
	s25 =	sadd.s32 $0x57F0, s16;
	s26 =	sadd.s32 $0x57F0, s13;
	v4 =	vpop (erf);
	[smem:$0x7F9] =	sst s22  }
0x31: {  	vm0 =	vmor vm1, vm0;
	vm1 =	vcmask $0x2320;
	v5 =	vmul.u32 $0x8, v3;
	s30 =	sadd.s32 $0x57F0, s4;
	s16 =	simm.s32 $0x2;
	[smem:$0x7FA] =	sst s25;
	v6 =	vpop (erf)  }
0x32: {  	v10 =	vmul.u32 $0x11, v3;
	vm1 =	vmor vm0, vm1;
	vm0 =	vmxor vm0, vm0;
	s0 =	simm.s32 $0x80;
	s13 =	simm.s32 $0xD340;
	[smem:$0x7FB] =	sst s26;
	v8 =	vpop (erf)  }
0x33: {  	vm1 =	vmor vm1, vm2;
	vm2 =	vgt.u32 v13, v3;
	v13 =	vimm.s32 $0xA0000;
	s4 =	simm.s32 $0x0;
	[smem:$0x7FD] =	sst s30;
	s26 =	simm.s32 $0x4A00;
	v12 =	vpop (erf)  }
.LBB2_62:
0x34: {  	s4 =	sld [smem:$0x7EE];
	_ =	sdelay $0x2  }
0x35: {  	s3 =	rddreg [dreg:$0x19];
	s4 =	sadd.s32 $0x1, s4  }
0x36: {  	p2 =	sne.s32 s4, s3  }
.Ltmp1:
0x37: {  	_ = 	snop;
	(pc) =	sbr.rel @!p2 .LBB2_63-.Ltmp1, $1  }
0x38: {  	_ =	sdelay $0x3  }
.LBB2_1:
0x39: {  	[smem:$0x7EE] =	sst s4;
	s3 =	simm.s32 $0x0  }
.LBB2_2:
0x3a: {  	p2 =	sne.s32 s3, $0xFC0  }
.Ltmp2:
0x3b: {  	_ = 	snop;
	(pc) =	sbr.rel @p2 .LBB2_2-.Ltmp2, $3  }
0x3c: {  	_ =	sdelay $0x1  }
0x3d: {  	s4 =	sshra.s32 s3, $0x2  }
0x3e: {  	s3 =	sadd.s32 $0x40, s3;
	[tilespmem:s4+$0xD340] =	vst v2  }
.Ltmp3:
0x3f: {  	(pc) =	sbr.rel .LBB2_4-.Ltmp3, $2  }
0x40: {  	_ =	sdelay $0x2  }
0x41: {  	s3 =	simm.s32 $0x0;
	p3 =	por $0x1, $0x1  }
.LBB2_61:
0x42: {  	s4 =	sld [smem:$0x7F5]  }
0x43: {  	s3 =	stileid.u32;
	s5 =	sld [smem:$0x7E7]  }
0x44: {  	s3 =	sshll.u32 s3, $0x6  }
0x45: {  	s3 =	sor.u32 $0x1C01, s3;
	s4 =	sshrl.u32 s4, $0x3  }
0x46: {  	[hbm:s5], [sflag:s3] =	dma.local [spmem:s4], $0x3A8  }
0x47: {  	_ =	swait.ge [sflag:s31], $0x3A8  }
0x48: {  	s20 =	sld [smem:$0x7E8]  }
0x49: {  	[sflag:s31] =	ssyncset.done $0x0;
	s19 =	rddreg [dreg:$0xe]  }
0x4a: {  	[sflag:s31] =	ssyncadd.s32 $0xFFFFFC58;
	s4 =	sshrl.u32 s19, $0x3  }
0x4b: {  	[hbm:s20], [sflag:s3] =	dma.local [spmem:s4], $0x3A8  }
0x4c: {  	_ =	swait.ge [sflag:s31], $0x3A8  }
0x4d: {  	s22 =	sld [smem:$0x7E9]  }
0x4e: {  	[sflag:s31] =	ssyncset.done $0x0;
	s21 =	rddreg [dreg:$0x11]  }
0x4f: {  	[sflag:s31] =	ssyncadd.s32 $0xFFFFFC58;
	s4 =	sshrl.u32 s21, $0x3  }
0x50: {  	[hbm:s22], [sflag:s3] =	dma.local [spmem:s4], $0x3A8  }
0x51: {  	_ =	swait.ge [sflag:s31], $0x3A8  }
0x52: {  	s24 =	sld [smem:$0x7EA]  }
0x53: {  	[sflag:s31] =	ssyncset.done $0x0;
	s23 =	rddreg [dreg:$0x13]  }
0x54: {  	[sflag:s31] =	ssyncadd.s32 $0xFFFFFC58;
	s4 =	sshrl.u32 s23, $0x3  }
0x55: {  	[hbm:s24], [sflag:s3] =	dma.local [spmem:s4], $0x3A8  }
0x56: {  	_ =	swait.ge [sflag:s31], $0x3A8  }
0x57: {  	s26 =	sld [smem:$0x7EB]  }
0x58: {  	[sflag:s31] =	ssyncset.done $0x0;
	s25 =	rddreg [dreg:$0x14]  }
0x59: {  	[sflag:s31] =	ssyncadd.s32 $0xFFFFFC58;
	s4 =	sshrl.u32 s25, $0x3  }
0x5a: {  	[hbm:s26], [sflag:s3] =	dma.local [spmem:s4], $0x3A8  }
0x5b: {  	_ =	swait.ge [sflag:s31], $0x3A8  }
0x5c: {  	s30 =	sld [smem:$0x7EC]  }
0x5d: {  	[sflag:s31] =	ssyncset.done $0x0;
	s29 =	rddreg [dreg:$0x16]  }
0x5e: {  	[sflag:s31] =	ssyncadd.s32 $0xFFFFFC58;
	s4 =	sshrl.u32 s29, $0x3  }
0x5f: {  	[hbm:s30], [sflag:s3] =	dma.local [spmem:s4], $0x3A8  }
0x60: {  	_ =	swait.ge [sflag:s31], $0x3A8  }
0x61: {  	s5 =	sld [smem:$0x7ED]  }
0x62: {  	[sflag:s31] =	ssyncset.done $0x0;
	s4 =	rddreg [dreg:$0x18]  }
0x63: {  	[sflag:s31] =	ssyncadd.s32 $0xFFFFFC58;
	s4 =	sshrl.u32 @!p0 s4, $0x3  }
0x64: {  	[hbm:s5], [sflag:s3] =	dma.local @!p0 [spmem:s4], $0x3A8  }
0x65: {  	s3 =	simm.s32 @!p0 $0x1  }
0x66: {  	_ =	swait.ge @!p0 [sflag:s3], $0x3A8  }
0x67: {  	[sflag:s3] =	ssyncset.done @!p0 $0x0  }
.Ltmp4:
0x68: {  	[sflag:s3] =	ssyncadd.s32 @!p0 $0xFFFFFC58;
	(pc) =	sbr.rel @!p2 .LBB2_62-.Ltmp4, $4  }
0x69: {  	[bflag:$0x0] =	sbarrier.arrive $0xFFFF  }
0x6a: {  	_ =	strace $0x9000004E  }
0x6b: {  	p3 =	por $0x0, $0x0;
	s23 =	rddreg [dreg:$0x9]  }
0x6c: {  	s26 =	simm.s32 $0x4A00;
	s3 =	simm.s32 $0x1;
	s24 =	rddreg [dreg:$0x1b]  }
.LBB2_4:
0x6d: {  	s4 =	rddreg [dreg:$0xb]  }
0x6e: {  	s14 =	sor.u32 s4, s3  }
0x6f: {  	s3 =	smul.u32 $0x124F80, s14  }
0x70: {  	s25 =	rddreg [dreg:$0x0]  }
0x71: {  	_ =	strace $0x80000048;
	s29 =	smul.u32 $0x249F0, s14;
	s3 =	sshrl.u32 s3, $0x3  }
0x72: {  	p2 =	por p3, p3;
	s4 =	simm.s32 $0x0;
	s5 =	sadd.s32 s25, s3  }
0x73: {  	s19 =	smul.u32 $0x25000, s14;
	s3 =	sadd.s32 s25, s29;
	s30 =	sadd.s32 $0x246C0, s5  }
.LBB2_5:
0x74: {  	s11 =	smul.u32 $0x4A0, s4;
	_ =	sdelay $0x1  }
0x75: {  	s18 =	sadd.s32 s24, s11  }
0x76: {  	p3 =	sgt.u32 s18, $0x24550  }
0x77: {  	p4 =	sne.s32 @p3 s18, $0x246C0  }
0x78: {  	p4 =	por p4, !p3  }
0x79: {  	s11 =	simm.s32 @!p4 $0x0  }
0x7a: {  	[tilespmem:s11], [sflag:$0x2] =	stream.linear.gather @!p4 [hbm4b:s30+s11], $0x1980, $0x200038;
	[tilespmem:$0x1F3A0] =	vst v63  }
0x7b: {  	s15 =	simm.s32 $0x0;
	s11 =	simm.s32 @!p4 $0x2  }
0x7c: {  	v15 =	vmov s15;
	_ =	swait.ge @!p4 [sflag:s11], $0x1980  }
0x7d: {  	v15 =	vshll.u32 v15, $0x3;
	[sflag:s11] =	ssyncset.done @!p4 $0x0  }
0x7e: {  	v15 =	vor.u32 v5, v15;
	s15 =	simm.s32 @!p3 $0x0;
	[sflag:s11] =	ssyncadd.s32 @!p4 $0xFFFFE680;
	s11 =	sadd.s32 @!p3 s18, s3  }
0x7f: {  	v16 =	vor.u32 $0x2, v15;
	[tilespmem:s15], [sflag:$0x2] =	stream.linear.gather @!p3 [hbm4b:s11+s15], $0x2500, $0x200038;
	[tilespmem:$0x1F3A0] =	vst v63  }
0x80: {  	s11 =	simm.s32 @!p3 $0x2  }
0x81: {  	v17 =	vor.u32 $0x1, v15;
	_ =	swait.ge @!p3 [sflag:s11], $0x2500  }
0x82: {  	[sflag:s11] =	ssyncset.done @!p3 $0x0  }
0x83: {  	[sflag:s11] =	ssyncadd.s32 @!p3 $0xFFFFDB00  }
0x84: {  	v16 =	vld.idx.msk [tilespmem:v16+s7+$0x0], $0xffff  }
0x85: {  	v15 =	vld.idx.msk [tilespmem:v15+s7+$0x0], $0xffff  }
0x86: {  	v17 =	vld.idx.msk [tilespmem:v17+s7+$0x0], $0xffff;
	_ =	sdelay $0x3  }
0x87: {  	s25 =	simm.s32 $0x10;
	v15 =	vadd.f32 $5.120000080e+01, v15  }
0x88: {  	v18 =	vmov s25;
	v16 =	vadd.f32 $5.000000000e+00, v16;
	v17 =	vadd.f32 $5.120000080e+01, v17  }
0x89: {  	v18 =	vshll.u32 v18, $0x3;
	v15 =	vmul.f32 v15, v4  }
0x8a: {  	v18 =	vor.u32 v5, v18;
	v16 =	vmul.f32 v16, v6;
	v17 =	vmul.f32 v17, v4  }
0x8b: {  	v19 =	vor.u32 $0x2, v18;
	vm3 =	vlt.f32 v15, $5.120000000e+02  }
0x8c: {  	vm4 =	vge.f32 v16, $0.0e+00;
	vm5 =	vge.f32 v15, $0.0e+00;
	vm6 =	vge.f32 v17, $0.0e+00  }
0x8d: {  	v20 =	vmax.f32 v15, $0.0e+00;
	v15 =	vmax.f32 v17, $0.0e+00;
	vm5 =	vmand vm5, vm6  }
0x8e: {  	v20 =	vmin.f32 v20, $5.130000000e+02;
	v15 =	vmin.f32 v15, $5.130000000e+02;
	vm3 =	vmand vm5, vm3  }
0x8f: {  	vm5 =	vlt.f32 v17, $5.120000000e+02;
	v15 =	vtrunc.f32 v15;
	v17 =	vtrunc.f32 v20  }
0x90: {  	s29 =	sadd.s32 $0x0, s18;
	vm3 =	vmand vm5, vm3;
	v15 =	vcvt.f32.s32 v15;
	vm5 =	vmmov vm0  }
0x91: {  	p3 =	slt.u32 s29, $0x249F0;
	vm3 =	vmand vm4, vm3;
	vm4 =	vlt.f32 v16, $1.000000000e+00;
	v16 =	vcvt.f32.s32 v17  }
0x92: {  	vm5 =	vmneg @p3 vm5;
	vm3 =	vmand vm4, vm3;
	v15 =	vshll.u32 v15, $0x9  }
0x93: {  	v17 =	vor.u32 $0x1, v18;
	vm3 =	vmand vm5, vm3;
	v15 =	vadd.s32 v16, v15  }
0x94: {  	s21 =	simm.s32 $0x4A00;
	v15 =	vnsel vm3, $0x40000, v15  }
0x95: {  	[tilespmem:s21+$0x0] =	vst v15  }
0x96: {  	v15 =	vld.idx.msk [tilespmem:v19+s7+$0x0], $0xffff  }
0x97: {  	v16 =	vld.idx.msk [tilespmem:v18+s7+$0x0], $0xffff  }
0x98: {  	v17 =	vld.idx.msk [tilespmem:v17+s7+$0x0], $0xffff;
	_ =	sdelay $0x2  }
0x99: {  	s20 =	simm.s32 $0x20  }
0x9a: {  	v18 =	vmov s20;
	v16 =	vadd.f32 $5.120000080e+01, v16;
	v19 =	vadd.f32 $5.000000000e+00, v15  }
0x9b: {  	v15 =	vshll.u32 v18, $0x3;
	v18 =	vadd.f32 $5.120000080e+01, v17  }
0x9c: {  	v15 =	vor.u32 v5, v15;
	v20 =	vmul.f32 v16, v4;
	v17 =	vmul.f32 v19, v6  }
0x9d: {  	v16 =	vor.u32 $0x2, v15;
	v18 =	vmul.f32 v18, v4  }
0x9e: {  	vm4 =	vlt.f32 v20, $5.120000000e+02;
	vm3 =	vge.f32 v17, $0.0e+00;
	v19 =	vmax.f32 v20, $0.0e+00  }
0x9f: {  	vm5 =	vge.f32 v20, $0.0e+00;
	vm6 =	vge.f32 v18, $0.0e+00;
	v20 =	vmax.f32 v18, $0.0e+00  }
0xa0: {  	vm5 =	vmand vm5, vm6;
	v19 =	vmin.f32 v19, $5.130000000e+02;
	v20 =	vmin.f32 v20, $5.130000000e+02  }
0xa1: {  	vm4 =	vmand vm5, vm4;
	vm5 =	vlt.f32 v18, $5.120000000e+02;
	v18 =	vtrunc.f32 v20  }
0xa2: {  	s22 =	simm.s32 $0x30;
	s11 =	sadd.s32 $0x10, s18;
	v19 =	vtrunc.f32 v19;
	vm4 =	vmand vm5, vm4;
	v18 =	vcvt.f32.s32 v18  }
.LBB2_6:
0xa3: {  	vm3 =	vmand vm3, vm4;
	vm4 =	vlt.f32 v17, $1.000000000e+00  }
0xa4: {  	p3 =	sne.s32 s22, $0x490;
	p4 =	slt.u32 s11, $0x249F0;
	v17 =	vcvt.f32.s32 v19;
	vm3 =	vmand vm4, vm3;
	vm4 =	vmmov vm0  }
0xa5: {  	v18 =	vshll.u32 v18, $0x9;
	vm4 =	vmneg @p4 vm4  }
0xa6: {  	v19 =	vor.u32 $0x1, v15;
	v17 =	vadd.s32 v17, v18;
	vm3 =	vmand vm4, vm3  }
0xa7: {  	s21 =	sadd.s32 $0x10, s21;
	v17 =	vnsel vm3, $0x40000, v17  }
0xa8: {  	[tilespmem:s21+$0x0] =	vst v17  }
0xa9: {  	v16 =	vld.idx.msk [tilespmem:v16+s7+$0x0], $0xffff  }
0xaa: {  	v15 =	vld.idx.msk [tilespmem:v15+s7+$0x0], $0xffff  }
0xab: {  	v17 =	vld.idx.msk [tilespmem:v19+s7+$0x0], $0xffff;
	_ =	sdelay $0x4  }
0xac: {  	v18 =	vmov s22;
	v16 =	vadd.f32 $5.000000000e+00, v16;
	v19 =	vadd.f32 $5.120000080e+01, v15  }
0xad: {  	v15 =	vshll.u32 v18, $0x3;
	v18 =	vadd.f32 $5.120000080e+01, v17  }
0xae: {  	v15 =	vor.u32 v5, v15;
	v17 =	vmul.f32 v16, v6;
	v19 =	vmul.f32 v19, v4  }
0xaf: {  	v16 =	vor.u32 $0x2, v15;
	v18 =	vmul.f32 v18, v4  }
.Ltmp5:
0xb0: {  	vm3 =	vge.f32 v17, $0.0e+00;
	vm4 =	vlt.f32 v19, $5.120000000e+02;
	v20 =	vmax.f32 v19, $0.0e+00;
	(pc) =	sbr.rel @p3 .LBB2_6-.Ltmp5, $4  }
0xb1: {  	vm5 =	vge.f32 v19, $0.0e+00;
	vm6 =	vge.f32 v18, $0.0e+00;
	v19 =	vmax.f32 v18, $0.0e+00  }
0xb2: {  	v20 =	vmin.f32 v20, $5.130000000e+02;
	vm5 =	vmand vm5, vm6;
	v19 =	vmin.f32 v19, $5.130000000e+02  }
0xb3: {  	vm4 =	vmand vm5, vm4;
	vm5 =	vlt.f32 v18, $5.120000000e+02;
	v18 =	vtrunc.f32 v19  }
0xb4: {  	s11 =	sadd.s32 s18, s20;
	s20 =	smov.u32 s22;
	s22 =	sadd.s32 $0x10, s22;
	v19 =	vtrunc.f32 v20;
	vm4 =	vmand vm5, vm4;
	v18 =	vcvt.f32.s32 v18  }
0xb5: {  	vm3 =	vmand vm3, vm4  }
0xb6: {  	vm11 =	vlt.f32 v17, $1.000000000e+00;
	p3 =	slt.u32 s11, $0x249F0;
	v59 =	vcvt.f32.s32 v19;
	vm5 =	vmmov vm0  }
0xb7: {  	vm3 =	vmand vm11, vm3;
	vm5 =	vmneg @p3 vm5;
	v18 =	vshll.u32 v18, $0x9  }
0xb8: {  	v60 =	vor.u32 $0x1, v15;
	vm3 =	vmand vm5, vm3;
	v17 =	vadd.s32 v59, v18  }
0xb9: {  	s22 =	sadd.s32 $0x10, s21;
	v17 =	vnsel vm3, $0x40000, v17  }
0xba: {  	[tilespmem:s22+$0x0] =	vst v17  }
0xbb: {  	v15 =	vld.idx.msk [tilespmem:v15+s7+$0x0], $0xffff  }
0xbc: {  	v16 =	vld.idx.msk [tilespmem:v16+s7+$0x0], $0xffff  }
0xbd: {  	v17 =	vld.idx.msk [tilespmem:v60+s7+$0x0], $0xffff;
	_ =	sdelay $0x2  }
0xbe: {  	v15 =	vadd.f32 $5.120000080e+01, v15  }
0xbf: {  	v16 =	vadd.f32 $5.000000000e+00, v16  }
0xc0: {  	v17 =	vadd.f32 $5.120000080e+01, v17;
	v15 =	vmul.f32 v15, v4  }
0xc1: {  	v16 =	vmul.f32 v16, v6  }
0xc2: {  	v17 =	vmul.f32 v17, v4;
	vm3 =	vlt.f32 v15, $5.120000000e+02  }
0xc3: {  	vm12 =	vge.f32 v16, $0.0e+00;
	v61 =	vmax.f32 v15, $0.0e+00;
	vm13 =	vge.f32 v15, $0.0e+00  }
0xc4: {  	vm6 =	vge.f32 v17, $0.0e+00;
	v15 =	vmax.f32 v17, $0.0e+00;
	vm14 =	vlt.f32 v17, $5.120000000e+02  }
0xc5: {  	vm15 =	vlt.f32 v16, $1.000000000e+00;
	vm5 =	vmand vm13, vm6;
	v15 =	vmin.f32 v15, $5.130000000e+02  }
0xc6: {  	v18 =	vmin.f32 v61, $5.130000000e+02;
	vm3 =	vmand vm5, vm3;
	v15 =	vtrunc.f32 v15  }
0xc7: {  	s15 =	sadd.s32 s18, s20;
	v62 =	vtrunc.f32 v18;
	vm3 =	vmand vm14, vm3;
	v15 =	vcvt.f32.s32 v15  }
0xc8: {  	p3 =	slt.u32 s15, $0x249F0;
	vm5 =	vmmov vm0;
	v63 =	vcvt.f32.s32 v62;
	vm3 =	vmand vm12, vm3  }
0xc9: {  	vm5 =	vmneg @p3 vm5;
	vm3 =	vmand vm15, vm3;
	v15 =	vshll.u32 v15, $0x9  }
0xca: {  	s25 =	sadd.s32 s19, s18;
	s4 =	sadd.s32 $0x1, s4;
	vm3 =	vmand vm5, vm3;
	v15 =	vadd.s32 v63, v15  }
0xcb: {  	s11 =	sadd.s32 $0x10, s22;
	s15 =	sshrl.u32 s25, $0x3;
	p3 =	sne.s32 s4, $0x8;
	v15 =	vnsel vm3, $0x40000, v15  }
.Ltmp6:
0xcc: {  	s29 =	sadd.s32 s23, s15;
	[tilespmem:s11+$0x0] =	vst v15;
	(pc) =	sbr.rel @p3 .LBB2_5-.Ltmp6, $4  }
0xcd: {  	[hbm4b:s29+s7] =	stream.linear.scatter [tilespmem:s26], [sflag:$0x2], $0x4A0, $0x200038;
	[tilespmem:$0x1F3A0] =	vst v63  }
0xce: {  	_ =	swait.ge [sflag:s16], $0x4A0  }
0xcf: {  	[sflag:s16] =	ssyncset.done $0x0  }
0xd0: {  	[sflag:s16] =	ssyncadd.s32 $0xFFFFFB60  }
0xd1: {  	_ =	strace $0x90000048;
	v15 =	vmov s14  }
0xd2: {  	s3 =	simm.s32 $0x40;
	s4 =	simm.s32 $0x0;
	_ =	strace $0x80000049;
	v15 =	vnsel vm1, $0xFFFFFFFF, v15  }
.LBB2_9:
0xd3: {  	p3 =	sne.s32 s3, $0xEC0;
	[tilespmem:s4+$0xD740] =	vst v15;
	s4 =	smov.u32 s3;
	s3 =	sadd.s32 $0x40, s3  }
.Ltmp7:
0xd4: {  	(pc) =	sbr.rel @p3 .LBB2_9-.Ltmp7, $2  }
0xd5: {  	_ =	sdelay $0x2  }
0xd6: {  	s4 =	sshra.s32 s4, $0x2  }
0xd7: {  	s3 =	rddreg [dreg:$0x1c]  }
0xd8: {  	[tilespmem:s4+$0xD740] =	vst v15;
	s18 =	simm.s32 $0xD740;
	s20 =	rddreg [dreg:$0x1d]  }
0xd9: {  	[spmem:s3] =	stream.linear.scatter [tilespmem:s18], [sflag:$0x1], $0x3C0, $0x200038;
	[tilespmem:$0x1F3A0] =	vst v63  }
0xda: {  	s21 =	rddreg [dreg:$0x1e]  }
0xdb: {  	[spmem:s20] =	stream.linear.scatter [tilespmem:s18], [sflag:$0x1], $0x3C0, $0x200038;
	[tilespmem:$0x1F3A0] =	vst v63  }
0xdc: {  	s22 =	rddreg [dreg:$0x1f]  }
0xdd: {  	[spmem:s21] =	stream.linear.scatter [tilespmem:s18], [sflag:$0x1], $0x3C0, $0x200038;
	[tilespmem:$0x1F3A0] =	vst v63  }
0xde: {  	s24 =	sld [smem:$0x7EF]  }
0xdf: {  	[spmem:s22] =	stream.linear.scatter [tilespmem:s18], [sflag:$0x1], $0x3C0, $0x200038;
	[tilespmem:$0x1F3A0] =	vst v63  }
0xe0: {  	s25 =	sld [smem:$0x7F0]  }
0xe1: {  	[spmem:s24] =	stream.linear.scatter [tilespmem:s18], [sflag:$0x1], $0x3C0, $0x200038;
	[tilespmem:$0x1F3A0] =	vst v63  }
0xe2: {  	s29 =	sld [smem:$0x7F1]  }
0xe3: {  	[spmem:s25] =	stream.linear.scatter [tilespmem:s18], [sflag:$0x1], $0x3C0, $0x200038;
	[tilespmem:$0x1F3A0] =	vst v63  }
0xe4: {  	s4 =	sld [smem:$0x7F3]  }
0xe5: {  	[spmem:s29] =	stream.linear.scatter [tilespmem:s18], [sflag:$0x1], $0x3C0, $0x200038;
	[tilespmem:$0x1F3A0] =	vst v63  }
0xe6: {  	s3 =	simm.s32 @p1 $0xD740  }
0xe7: {  	[spmem:s4] =	stream.linear.scatter @p1 [tilespmem:s3], [sflag:$0x1], $0x2D0, $0x200038;
	[tilespmem:$0x1F3A0] =	vst v63  }
0xe8: {  	s3 =	simm.s32 @p1 $0x1  }
0xe9: {  	_ =	swait.ge @p1 [sflag:s3], $0x2D0  }
0xea: {  	s4 =	sld [smem:$0x7F2]  }
0xeb: {  	[sflag:s3] =	ssyncset.done @p1 $0x0  }
0xec: {  	[sflag:s3] =	ssyncadd.s32 @p1 $0xFFFFFD30;
	s3 =	simm.s32 @!p1 $0xD740  }
0xed: {  	[spmem:s4] =	stream.linear.scatter @!p1 [tilespmem:s3], [sflag:$0x1], $0x310, $0x200038;
	[tilespmem:$0x1F3A0] =	vst v63  }
0xee: {  	s3 =	simm.s32 @!p1 $0x1  }
0xef: {  	_ =	swait.ge @!p1 [sflag:s3], $0x310  }
0xf0: {  	[sflag:s3] =	ssyncset.done @!p1 $0x0  }
0xf1: {  	[sflag:s3] =	ssyncadd.s32 @!p1 $0xFFFFFCF0  }
0xf2: {  	_ =	swait.ge [sflag:s31], $0x3C0  }
0xf3: {  	[sflag:s31] =	ssyncset.done $0x0  }
0xf4: {  	[sflag:s31] =	ssyncadd.s32 $0xFFFFFC40  }
0xf5: {  	_ =	swait.ge [sflag:s31], $0x3C0  }
0xf6: {  	[sflag:s31] =	ssyncset.done $0x0  }
0xf7: {  	[sflag:s31] =	ssyncadd.s32 $0xFFFFFC40  }
0xf8: {  	_ =	swait.ge [sflag:s31], $0x3C0  }
0xf9: {  	[sflag:s31] =	ssyncset.done $0x0  }
0xfa: {  	[sflag:s31] =	ssyncadd.s32 $0xFFFFFC40  }
0xfb: {  	_ =	swait.ge [sflag:s31], $0x3C0  }
0xfc: {  	[sflag:s31] =	ssyncset.done $0x0  }
0xfd: {  	[sflag:s31] =	ssyncadd.s32 $0xFFFFFC40  }
0xfe: {  	_ =	swait.ge [sflag:s31], $0x3C0  }
0xff: {  	[sflag:s31] =	ssyncset.done $0x0  }
0x100: {  	[sflag:s31] =	ssyncadd.s32 $0xFFFFFC40  }
0x101: {  	_ =	swait.ge [sflag:s31], $0x3C0  }
0x102: {  	[sflag:s31] =	ssyncset.done $0x0  }
0x103: {  	[sflag:s31] =	ssyncadd.s32 $0xFFFFFC40  }
0x104: {  	_ =	swait.ge [sflag:s31], $0x3C0  }
0x105: {  	[sflag:s31] =	ssyncset.done $0x0  }
0x106: {  	[sflag:s31] =	ssyncadd.s32 $0xFFFFFC40  }
0x107: {  	_ =	strace $0x90000049  }
0x108: {  	s11 =	simm.s32 $0x0;
	[bflag:$0x0] =	sbarrier.arrive $0xFFFF  }
0x109: {  	s4 =	simm.s32 $0x40;
	s3 =	simm.s32 $0x0;
	_ =	strace $0x8000004A  }
.LBB2_11:
0x10a: {  	p3 =	sne.s32 s4, $0xFFC0;
	[tilespmem:s11+$0x5340] =	vst v7;
	s11 =	smov.u32 s4;
	s4 =	sadd.s32 $0x40, s4  }
.Ltmp8:
0x10b: {  	(pc) =	sbr.rel @p3 .LBB2_11-.Ltmp8, $2  }
0x10c: {  	_ =	sdelay $0x2  }
0x10d: {  	s11 =	sshra.s32 s11, $0x2  }
0x10e: {  	[tilespmem:s11+$0x5340] =	vst v7  }
.LBB2_13:
0x10f: {  	s4 =	smul.u32 $0x4A0, s3;
	_ =	sdelay $0x1  }
0x110: {  	s4 =	sadd.s32 s19, s4  }
0x111: {  	s4 =	sshrl.u32 s4, $0x3  }
0x112: {  	s11 =	simm.s32 $0x0;
	s4 =	sadd.s32 s23, s4  }
0x113: {  	[tilespmem:s26], [sflag:$0x2] =	stream.linear.gather [hbm4b:s4+s11], $0x4A0, $0x200038;
	[tilespmem:$0x1F3A0] =	vst v63  }
0x114: {  	_ =	swait.ge [sflag:s16], $0x4A0  }
0x115: {  	[sflag:s16] =	ssyncset.done $0x0  }
0x116: {  	s11 =	simm.s32 $0x0;
	s4 =	simm.s32 $0x40;
	[sflag:s16] =	ssyncadd.s32 $0xFFFFFB60  }
.LBB2_14:
0x117: {  	p3 =	sne.s32 s4, $0x1240;
	v15 =	vld [tilespmem:s11+$0x4A00];
	_ =	sdelay $0x4  }
0x118: {  	vm3 =	vge.s32 v15, v1;
	vm4 =	vlt.s32 v15, v0  }
0x119: {  	v15 =	vsub.s32 v15, v1;
	vm3 =	vmand vm3, vm4  }
0x11a: {  	v15 =	vnsel vm3, $0x0, v15  }
.Ltmp9:
0x11b: {  	(pc) =	sbr.rel @p3 .LBB2_14-.Ltmp9, $2  }
0x11c: {  	_ =	sdelay $0x2  }
0x11d: {  	s11 =	sshra.s32 s4, $0x2;
	s4 =	sadd.s32 $0x40, s4;
	[tilespmem:v15+s28+$0x0] =	vst.idx.add.s32.msk vm3, v9  }
0x11e: {  	v15 =	vld [tilespmem:s11+$0x4A00];
	_ =	sdelay $0x4  }
0x11f: {  	vm3 =	vge.s32 v15, v1;
	vm4 =	vlt.s32 v15, v0  }
0x120: {  	s3 =	sadd.s32 $0x1, s3;
	v15 =	vsub.s32 v15, v1;
	vm3 =	vmand vm3, vm4  }
0x121: {  	p3 =	sne.s32 s3, $0x80;
	v15 =	vnsel vm3, $0x0, v15  }
.Ltmp10:
0x122: {  	_ = 	snop;
	(pc) =	sbr.rel @p3 .LBB2_13-.Ltmp10, $2  }
0x123: {  	_ =	sdelay $0x2  }
0x124: {  	[tilespmem:v15+s28+$0x0] =	vst.idx.add.s32.msk vm3, v9  }
0x125: {  	_ =	strace $0x9000004A  }
0x126: {  	s20 =	simm.s32 $0x0;
	_ =	strace $0x8000004B  }
0x127: {  	v15 =	vld [tilespmem:s20+$0x5340];
	_ =	sdelay $0x1  }
0x128: {  	s3 =	simm.s32 $0x10  }
0x129: {  	s18 =	simm.s32 $0x20;
	v16 =	vld [tilespmem:s3+$0x5340]  }
0x12a: {  	v18 =	vld [tilespmem:s18+$0x5340]  }
0x12b: {  	vm3 =	vgt.s32 v15, $0x0  }
0x12c: {  	v17 =	vsel vm3, $0x1, v7  }
0x12d: {  	(xrf0) =	vadd.scan.msk.s32 $0xffff, v17  }
0x12e: {  	vm4 =	vgt.s32 v16, $0x0  }
0x12f: {  	vm5 =	vgt.s32 v18, $0x0;
	v16 =	vsel vm4, $0x1, v7  }
0x130: {  	v15 =	vsel vm5, $0x1, v7;
	(xrf0) =	vadd.scan.msk.s32 $0xffff, v16  }
0x131: {  	(xrf0) =	vadd.scan.msk.s32 $0xffff, v15;
	_ =	sdelay $0x1  }
0x132: {  	v23, _, _ =	vpop (xrf0)  }
0x133: {  	v20 =	vsel vm3, $0xFFFFFFFF, v7;
	(v2sf) =	vpush v23, $0xF;
	_ =	sdelay $0x1  }
0x134: {  	s11 =	simm.s32 $0x0;
	v22, _, _ =	vpop (xrf0)  }
0x135: {  	s4 =	simm.s32 $0x30;
	v24 =	vadd.s32 s11, v20;
	(v2sf) =	vpush v22, $0xF;
	v20, _, _ =	vpop (xrf0)  }
0x136: {  	v18 =	vld [tilespmem:s4+$0x5340];
	(v2sf) =	vpush v20, $0xF;
	_ =	sdelay $0x4  }
0x137: {  	s21 =	simm.s32 $0x40;
	vm3 =	vgt.s32 v18, $0x0  }
0x138: {  	v18 =	vsel vm3, $0x1, v7;
	v25 =	vadd.s32 v23, v24;
	v24 =	vld [tilespmem:s21+$0x5340]  }
0x139: {  	(xrf0) =	vadd.scan.msk.s32 $0xffff, v18  }
0x13a: {  	v21 =	vsel vm4, $0xFFFFFFFF, v7  }
0x13b: {  	s15 =	simm.s32 $0x140;
	v19 =	vsel vm5, $0xFFFFFFFF, v7;
	v23 =	vsel vm3, $0xFFFFFFFF, v7;
	v25 =	vshll.u32 v25, $0x1  }
.LBB2_17:
0x13c: {  	s22 =	sshra.s32 s15, $0x2;
	v25 =	vor.u32 v17, v25;
	v17 =	vmovc v16;
	v16 =	vmov v15;
	v15 =	vmov v18;
	p3 =	sne.s32 s15, $0xFFC0  }
.Ltmp11:
0x13d: {  	s15 =	sadd.s32 $0x40, s15;
	vm3 =	vgt.s32 v24, $0x0;
	[tilespmem:s20+$0x9340] =	vst v25;
	s20 =	spop (v2sf);
	(pc) =	sbr.rel @p3 .LBB2_17-.Ltmp11, $4  }
0x13e: {  	v24 =	vld [tilespmem:s22+$0x5340];
	v25 =	vsel vm3, $0xFFFFFFFF, v7;
	v18 =	vsel vm3, $0x1, v7;
	s11 =	sadd.s32 s11, s20;
	s20 =	smov.u32 s3;
	s3 =	smov.u32 s18  }
0x13f: {  	s18 =	smov.u32 s4;
	s4 =	smov.u32 s21;
	s21 =	smov.u32 s22;
	(xrf0) =	vadd.scan.msk.s32 $0xffff, v18;
	v26, _, _ =	vpop (xrf0);
	v27 =	vadd.s32 s11, v21;
	v21 =	vmov v19;
	v19 =	vmov v23  }
0x140: {  	v23 =	vmovc v25;
	(v2sf) =	vpush v26, $0xF;
	v27 =	vadd.s32 v22, v27;
	v22 =	vmovc v20;
	v20 =	vmov v26  }
0x141: {  	v25 =	vshll.u32 v27, $0x1  }
0x142: {  	_ = 	snop  }
0x143: {  	vm3 =	vgt.s32 v24, $0x0  }
0x144: {  	v24 =	vsel vm3, $0x1, v7  }
0x145: {  	(xrf0) =	vadd.scan.msk.s32 $0xffff, v24;
	_ =	sdelay $0x1  }
0x146: {  	v26, _, _ =	vpop (xrf0)  }
0x147: {  	(v2sf) =	vpush v26, $0xF;
	_ =	sdelay $0x2  }
0x148: {  	v27, _, _ =	vpop (xrf0)  }
0x149: {  	(v2sf) =	vpush v27, $0xF;
	_ =	sdelay $0x6  }
0x14a: {  	s15 =	spop (v2sf)  }
0x14b: {  	s11 =	sadd.s32 s11, s15  }
0x14c: {  	s29 =	spop (v2sf);
	v21 =	vadd.s32 s11, v21  }
0x14d: {  	v17 =	vor.u32 v17, v25;
	s11 =	sadd.s32 s11, s29;
	v21 =	vadd.s32 v22, v21;
	s9 =	spop (v2sf)  }
0x14e: {  	v61 =	vsel vm3, $0xFFFFFFFF, v7;
	v19 =	vadd.s32 s11, v19;
	v21 =	vshll.u32 v21, $0x1;
	s15 =	sadd.s32 s11, s9;
	s22 =	spop (v2sf)  }
0x14f: {  	v19 =	vadd.s32 v20, v19;
	v16 =	vor.u32 v16, v21;
	v60 =	vadd.s32 s15, v23;
	s11 =	sadd.s32 s15, s22  }
0x150: {  	[tilespmem:s20+$0x9340] =	vst v17;
	v17 =	vshll.u32 v19, $0x1;
	v62 =	vadd.s32 v26, v60;
	v63 =	vadd.s32 s11, v61  }
0x151: {  	[tilespmem:s3+$0x9340] =	vst v16;
	v15 =	vor.u32 v15, v17;
	v16 =	vshll.u32 v62, $0x1;
	v17 =	vadd.s32 v27, v63  }
0x152: {  	[tilespmem:s18+$0x9340] =	vst v15;
	v15 =	vor.u32 v18, v16;
	v16 =	vshll.u32 v17, $0x1;
	s23 =	spop (v2sf)  }
0x153: {  	[tilespmem:s4+$0x9340] =	vst v15;
	v15 =	vor.u32 v24, v16;
	s3 =	sadd.s32 s11, s23  }
0x154: {  	[tilespmem:s21+$0x9340] =	vst v15;
	v15 =	vmov s3  }
0x155: {  	s24 =	rddreg [dreg:$0xd];
	[tilespmem:$0x4A00] =	vst v15  }
0x156: {  	[spmem:s24] =	stream.linear.scatter [tilespmem:s26], [sflag:$0x2], $0x10, $0x200038;
	[tilespmem:$0x1F3A0] =	vst v63  }
0x157: {  	_ =	swait.ge [sflag:s16], $0x10  }
0x158: {  	[sflag:s16] =	ssyncset.done $0x0  }
0x159: {  	[sflag:s16] =	ssyncadd.s32 $0xFFFFFFF0  }
0x15a: {  	[bflag:$0x0] =	sbarrier.arrive $0xFFFF  }
0x15b: {  	s29 =	simm.s32 $0x1F2A0;
	s25 =	rddreg [dreg:$0x4]  }
0x15c: {  	[tilespmem:s29], [sflag:$0x2] =	stream.linear.gather [spmem:s25], $0x100, $0x200038;
	[tilespmem:$0x1F3A0] =	vst v63  }
0x15d: {  	_ =	swait.ge [sflag:s16], $0x100  }
0x15e: {  	[sflag:s16] =	ssyncset.done $0x0  }
0x15f: {  	[sflag:s16] =	ssyncadd.s32 $0xFFFFFF00  }
0x160: {  	v15 =	vld.idx.msk [tilespmem:v10+s29+$0x0], $0xffff;
	_ =	strace $0x9000004B  }
0x161: {  	s4 =	simm.s32 $0x40;
	s3 =	simm.s32 $0x0;
	_ =	strace $0x8000004C  }
.LBB2_19:
0x162: {  	p3 =	seq.s32 s4, $0x7C0;
	[tilespmem:s3+$0xFA00] =	vst v7;
	s11 =	smov.u32 s4;
	s4 =	sadd.s32 $0x40, s4  }
.Ltmp12:
0x163: {  	[tilespmem:s3+$0xF800] =	vst v11;
	(pc) =	sbr.rel @!p3 .LBB2_19-.Ltmp12, $3  }
0x164: {  	[tilespmem:s3+$0xF400] =	vst v11  }
0x165: {  	[tilespmem:s3+$0xF600] =	vst v11;
	_ =	sdelay $0x1  }
0x166: {  	s3 =	sshra.s32 s11, $0x2  }
0x167: {  	v15 =	vnsel vm2, $0x0, v15  }
0x168: {  	(xrf0) =	vadd.scan.msk.s32 $0xffff, v15;
	_ =	sdelay $0x2  }
.Ltmp13:
0x169: {  	_ = 	snop;
	(pc) =	sbr.rel .LBB2_21-.Ltmp13, $4  }
0x16a: {  	[tilespmem:s3+$0xFA00] =	vst v7  }
0x16b: {  	[tilespmem:s3+$0xF800] =	vst v11  }
0x16c: {  	[tilespmem:s3+$0xF400] =	vst v11;
	s4 =	simm.s32 $0x0;
	v15, _, _ =	vpop (xrf0)  }
0x16d: {  	[tilespmem:s3+$0xF600] =	vst v11;
	s18 =	simm.s32 $0x9340;
	s20 =	rddreg [dreg:$0x1a];
	s21 =	simm.s32 $0x0;
	v15 =	vbroadcast v15, $0xF  }
.LBB2_26:
0x16e: {  	[sflag:s31] =	ssyncadd.s32 $0xFFFFFF80  }
.LBB2_27:
0x16f: {  	s21 =	sadd.s32 $0x1, s21  }
0x170: {  	p3 =	sne.s32 s21, $0x20  }
.Ltmp14:
0x171: {  	_ = 	snop;
	(pc) =	sbr.rel @!p3 .LBB2_28-.Ltmp14, $2  }
0x172: {  	_ =	sdelay $0x2  }
0x173: {  	s18 =	sadd.s32 $0x200, s18;
	s20 =	sadd.s32 $0x200, s20  }
.LBB2_21:
0x174: {  	v16 =	vmov s18;
	_ =	sdelay $0x3  }
0x175: {  	s3 =	simm.s32 $0x0  }
0x176: {  	v17 =	vld.idx.msk [tilespmem:v16+s3+$0x0 ss:$0x1], $0xffff;
	_ =	sdelay $0x4  }
0x177: {  	v18 =	vshra.s32 v17, $0x1  }
0x178: {  	v17 =	vand.u32 $0x1, v17;
	v18 =	vadd.s32 v15, v18  }
0x179: {  	vm3 =	veq.s32 v17, $0x1;
	vm4 =	vlt.s32 v18, $0x7530  }
0x17a: {  	vm3 =	vmand vm4, vm3  }
0x17b: {  	v17 =	vsel vm3, $0x3F800000, v2  }
0x17c: {  	(xrf0) =	vmax.scan.msk.f32 $0xffff, v17;
	_ =	sdelay $0x5  }
0x17d: {  	v17, _, _ =	vpop (xrf0)  }
0x17e: {  	(v2sf) =	vpush v17, $0xF;
	_ =	sdelay $0xe  }
0x17f: {  	s29 =	spop (v2sf)  }
0x180: {  	p3 =	sgt.f32 s29, $0.0e+00;
	_ =	sdelay $0x1  }
0x181: {  	v17 =	vimm.s32 @p3 $0x0  }
0x182: {  	v17 =	vsel @p3 vm3, $0x1, v17  }
0x183: {  	(xrf0) =	vadd.scan.msk.s32 @p3 $0xffff, v17;
	_ =	sdelay $0x3  }
0x184: {  	v17 =	vmov @p3 s4  }
0x185: {  	v17 =	vadd.s32 @p3 $0xFFFFFFFF, v17  }
0x186: {  	v17 =	vbroadcast @p3 v17, $0x0;
	v19, _, _ =	vpop @p3 (xrf0)  }
0x187: {  	(v2sf) =	vpush @p3 v19, $0xF  }
0x188: {  	v17 =	vadd.s32 @p3 v19, v17;
	_ =	sdelay $0x2  }
0x189: {  	v18 =	vshll.u32 @p3 v18, $0x2  }
0x18a: {  	s3 =	simm.s32 @p3 $0xF400;
	v19 =	vor.u32 @p3 $0x1, v18  }
0x18b: {  	v20 =	vor.u32 @p3 $0x2, v18;
	[tilespmem:v17+s3+$0x0] =	vst.idx.msk @p3 vm3, v19;
	s3 =	simm.s32 @p3 $0xF600  }
0x18c: {  	v21 =	vlaneseq.u32 @p3;
	v18 =	vor.u32 @p3 $0x3, v18;
	v19 =	vmov @p3 s20;
	[tilespmem:v17+s3+$0x0] =	vst.idx.msk @p3 vm3, v20;
	s3 =	simm.s32 @p3 $0xF800  }
0x18d: {  	v20 =	vor.u32 @p3 s20, v21;
	v19 =	vshrl.u32 @p3 v19, $0x9;
	[tilespmem:v17+s3+$0x0] =	vst.idx.msk @p3 vm3, v18;
	s3 =	simm.s32 @p3 $0xFC00  }
0x18e: {  	v18 =	vand.u32 @p3 $0x1FF, v20;
	[tilespmem:v17+s3+$0x0] =	vst.idx.msk @p3 vm3, v19;
	s3 =	simm.s32 @p3 $0xFE00  }
0x18f: {  	s11 =	simm.s32 $0x10;
	[tilespmem:v17+s3+$0x0] =	vst.idx.msk @p3 vm3, v18  }
0x190: {  	v17 =	vld.idx.msk [tilespmem:v16+s11+$0x0 ss:$0x1], $0xffff;
	_ =	sdelay $0x3  }
0x191: {  	s23 =	simm.s32 $0x80;
	s3 =	spop @p3 (v2sf)  }
0x192: {  	s22 =	smov.u32 s20;
	v18 =	vshra.s32 v17, $0x1;
	v17 =	vand.u32 $0x1, v17;
	s11 =	sadd.s32 @p3 $0x0, s3;
	s3 =	simm.s32 $0x0  }
.LBB2_22:
0x193: {  	s3 =	smov.u32 @p3 s11  }
0x194: {  	v18 =	vadd.s32 v15, v18;
	s22 =	sadd.s32 $0x10, s22;
	s24 =	smov.u32 s23;
	s23 =	sadd.s32 $0x40, s23  }
0x195: {  	vm3 =	veq.s32 v17, $0x1;
	p4 =	sne.s32 s23, $0x800;
	vm4 =	vlt.s32 v18, $0x7530  }
0x196: {  	vm3 =	vmand vm4, vm3  }
0x197: {  	v17 =	vsel vm3, $0x3F800000, v2  }
0x198: {  	(xrf0) =	vmax.scan.msk.f32 $0xffff, v17;
	_ =	sdelay $0x5  }
0x199: {  	v17, _, _ =	vpop (xrf0)  }
0x19a: {  	(v2sf) =	vpush v17, $0xF;
	_ =	sdelay $0xe  }
0x19b: {  	s11 =	spop (v2sf)  }
0x19c: {  	p3 =	sgt.f32 s11, $0.0e+00;
	_ =	sdelay $0x1  }
0x19d: {  	v17 =	vimm.s32 @p3 $0x0;
	v19 =	vmov @p3 s3;
	v18 =	vshll.u32 @p3 v18, $0x2  }
0x19e: {  	v17 =	vsel @p3 vm3, $0x1, v17;
	v19 =	vadd.s32 @p3 $0xFFFFFFFF, v19;
	v20 =	vor.u32 @p3 $0x1, v18  }
0x19f: {  	v21 =	vor.u32 @p3 $0x2, v18;
	v18 =	vor.u32 @p3 $0x3, v18;
	v19 =	vbroadcast @p3 v19, $0x0;
	(xrf0) =	vadd.scan.msk.s32 @p3 $0xffff, v17  }
0x1a0: {  	v22 =	vlaneseq.u32 @p3;
	v17 =	vmov @p3 s22  }
0x1a1: {  	v22 =	vor.u32 @p3 s22, v22;
	v17 =	vshrl.u32 @p3 v17, $0x9;
	_ =	sdelay $0x3  }
0x1a2: {  	v23, _, _ =	vpop @p3 (xrf0)  }
0x1a3: {  	v19 =	vadd.s32 @p3 v23, v19;
	(v2sf) =	vpush @p3 v23, $0xF;
	_ =	sdelay $0x3  }
0x1a4: {  	s11 =	simm.s32 @p3 $0xF400  }
0x1a5: {  	[tilespmem:v19+s11+$0x0] =	vst.idx.msk @p3 vm3, v20;
	s11 =	simm.s32 @p3 $0xF600  }
0x1a6: {  	[tilespmem:v19+s11+$0x0] =	vst.idx.msk @p3 vm3, v21;
	s11 =	simm.s32 @p3 $0xF800  }
0x1a7: {  	[tilespmem:v19+s11+$0x0] =	vst.idx.msk @p3 vm3, v18;
	s11 =	simm.s32 @p3 $0xFC00  }
0x1a8: {  	v18 =	vand.u32 @p3 $0x1FF, v22;
	[tilespmem:v19+s11+$0x0] =	vst.idx.msk @p3 vm3, v17;
	s11 =	simm.s32 @p3 $0xFE00  }
0x1a9: {  	s15 =	sshra.s32 s24, $0x2;
	[tilespmem:v19+s11+$0x0] =	vst.idx.msk @p3 vm3, v18  }
0x1aa: {  	v17 =	vld.idx.msk [tilespmem:v16+s15+$0x0 ss:$0x1], $0xffff;
	_ =	sdelay $0x1  }
.Ltmp15:
0x1ab: {  	(pc) =	sbr.rel @p4 .LBB2_22-.Ltmp15, $3  }
0x1ac: {  	_ =	sdelay $0x1  }
0x1ad: {  	s11 =	spop @p3 (v2sf)  }
0x1ae: {  	v18 =	vshra.s32 v17, $0x1;
	v17 =	vand.u32 $0x1, v17;
	s11 =	sadd.s32 @p3 s3, s11  }
0x1af: {  	v16 =	vadd.s32 v15, v18  }
0x1b0: {  	vm3 =	veq.s32 v17, $0x1;
	vm4 =	vlt.s32 v16, $0x7530  }
0x1b1: {  	vm3 =	vmand vm4, vm3  }
0x1b2: {  	v17 =	vsel vm3, $0x3F800000, v2  }
0x1b3: {  	(xrf0) =	vmax.scan.msk.f32 $0xffff, v17;
	_ =	sdelay $0x5  }
0x1b4: {  	v17, _, _ =	vpop (xrf0)  }
0x1b5: {  	(v2sf) =	vpush v17, $0xF;
	_ =	sdelay $0xe  }
0x1b6: {  	s15 =	spop (v2sf)  }
0x1b7: {  	p4 =	sgt.f32 s15, $0.0e+00;
	_ =	sdelay $0x1  }
0x1b8: {  	v17 =	vimm.s32 @p4 $0x0  }
0x1b9: {  	v17 =	vsel @p4 vm3, $0x1, v17  }
0x1ba: {  	(xrf0) =	vadd.scan.msk.s32 @p4 $0xffff, v17;
	_ =	sdelay $0x5  }
0x1bb: {  	v17, _, _ =	vpop @p4 (xrf0)  }
0x1bc: {  	(v2sf) =	vpush @p4 v17, $0xF;
	_ =	sdelay $0x7  }
0x1bd: {  	s3 =	smov.u32 @p3 s11  }
0x1be: {  	v18 =	vmov @p4 s3  }
0x1bf: {  	v18 =	vadd.s32 @p4 $0xFFFFFFFF, v18  }
0x1c0: {  	v18 =	vbroadcast @p4 v18, $0x0;
	_ =	sdelay $0x1  }
0x1c1: {  	v17 =	vadd.s32 @p4 v17, v18;
	_ =	sdelay $0x1  }
0x1c2: {  	s11 =	spop @p4 (v2sf)  }
0x1c3: {  	v16 =	vshll.u32 @p4 v16, $0x2;
	s11 =	sadd.s32 @p4 s3, s11  }
0x1c4: {  	s15 =	simm.s32 @p4 $0xF400;
	v18 =	vor.u32 @p4 $0x1, v16;
	s3 =	smov.u32 @p4 s11  }
0x1c5: {  	v20 =	vlaneseq.u32 @p4;
	[tilespmem:v17+s15+$0x0] =	vst.idx.msk @p4 vm3, v18;
	s15 =	sadd.s32 $0x10, s22;
	v18 =	vor.u32 @p4 $0x2, v16;
	s11 =	simm.s32 @p4 $0xF600;
	s3 =	sadd.s32 $0x7F, s3  }
0x1c6: {  	v19 =	vmov @p4 s15;
	[tilespmem:v17+s11+$0x0] =	vst.idx.msk @p4 vm3, v18;
	v18 =	vor.u32 @p4 s15, v20;
	s15 =	sshra.s32 s3, $0x7  }
0x1c7: {  	p3 =	slt.s32 s15, $0x1  }
.Ltmp16:
0x1c8: {  	_ = 	snop;
	(pc) =	sbr.rel @p3 .LBB2_27-.Ltmp16, $4  }
0x1c9: {  	v16 =	vor.u32 @p4 $0x3, v16;
	s11 =	simm.s32 @p4 $0xF800  }
0x1ca: {  	v19 =	vshrl.u32 @p4 v19, $0x9;
	[tilespmem:v17+s11+$0x0] =	vst.idx.msk @p4 vm3, v16;
	s11 =	simm.s32 @p4 $0xFC00  }
0x1cb: {  	v16 =	vand.u32 @p4 $0x1FF, v18;
	s3 =	simm.s32 @p4 $0xFE00;
	[tilespmem:v17+s11+$0x0] =	vst.idx.msk @p4 vm3, v19  }
0x1cc: {  	[tilespmem:v17+s3+$0x0] =	vst.idx.msk @p4 vm3, v16  }
0x1cd: {  	s3 =	simm.s32 $0xFA00;
	s11 =	simm.s32 $0xF400  }
0x1ce: {  	[spmem:s2] =	stream.indirect.scatter [tilespmem:s3], [sflag:$0x1], $0x1, s11, s0, $0x2000b8;
	[tilespmem:$0x1F3A0] =	vst v63  }
0x1cf: {  	_ =	swait.ge [sflag:s31], $0x80  }
0x1d0: {  	[sflag:s31] =	ssyncset.done $0x0  }
0x1d1: {  	s22 =	simm.s32 $0xFC00;
	s23 =	simm.s32 $0xF600;
	[sflag:s31] =	ssyncadd.s32 $0xFFFFFF80  }
0x1d2: {  	[spmem:s2] =	stream.indirect.scatter [tilespmem:s22], [sflag:$0x1], $0x1, s23, s0, $0x2000b8;
	[tilespmem:$0x1F3A0] =	vst v63  }
0x1d3: {  	p3 =	sne.s32 s15, $0x1;
	_ =	swait.ge [sflag:s31], $0x80  }
.Ltmp17:
0x1d4: {  	s25 =	simm.s32 $0xFE00;
	[sflag:s31] =	ssyncset.done $0x0;
	(pc) =	sbr.rel @!p3 .LBB2_26-.Ltmp17, $4  }
0x1d5: {  	s29 =	simm.s32 $0xF800;
	s15 =	sadd.s32 $0xFFFFFFFF, s15;
	[sflag:s31] =	ssyncadd.s32 $0xFFFFFF80  }
0x1d6: {  	[spmem:s2] =	stream.indirect.scatter [tilespmem:s25], [sflag:$0x1], $0x1, s29, s0, $0x2000b8;
	[tilespmem:$0x1F3A0] =	vst v63  }
0x1d7: {  	s24 =	simm.s32 $0xFC80;
	s22 =	simm.s32 $0xFE80;
	_ =	swait.ge [sflag:s31], $0x80  }
0x1d8: {  	s23 =	simm.s32 $0xF880;
	s25 =	simm.s32 $0xF680;
	[sflag:s31] =	ssyncset.done $0x0  }
.LBB2_25:
0x1d9: {  	[sflag:s31] =	ssyncadd.s32 $0xFFFFFF80;
	s3 =	sadd.s32 $0x80, s3;
	s11 =	sadd.s32 $0x80, s11  }
0x1da: {  	[spmem:s2] =	stream.indirect.scatter [tilespmem:s3], [sflag:$0x1], $0x1, s11, s0, $0x2000b8;
	[tilespmem:$0x1F3A0] =	vst v63  }
0x1db: {  	p3 =	sne.s32 s15, $0x1;
	s15 =	sadd.s32 $0xFFFFFFFF, s15;
	_ =	swait.ge [sflag:s31], $0x80  }
0x1dc: {  	[sflag:s31] =	ssyncset.done $0x0  }
0x1dd: {  	[sflag:s31] =	ssyncadd.s32 $0xFFFFFF80  }
0x1de: {  	[spmem:s2] =	stream.indirect.scatter [tilespmem:s24], [sflag:$0x1], $0x1, s25, s0, $0x2000b8;
	[tilespmem:$0x1F3A0] =	vst v63  }
0x1df: {  	_ =	swait.ge [sflag:s31], $0x80  }
.Ltmp18:
0x1e0: {  	[sflag:s31] =	ssyncset.done $0x0;
	(pc) =	sbr.rel @p3 .LBB2_25-.Ltmp18, $4  }
0x1e1: {  	[sflag:s31] =	ssyncadd.s32 $0xFFFFFF80  }
0x1e2: {  	[spmem:s2] =	stream.indirect.scatter [tilespmem:s22], [sflag:$0x1], $0x1, s23, s0, $0x2000b8;
	[tilespmem:$0x1F3A0] =	vst v63  }
0x1e3: {  	s22 =	sadd.s32 $0x80, s22;
	s23 =	sadd.s32 $0x80, s23;
	_ =	swait.ge [sflag:s31], $0x80  }
0x1e4: {  	s24 =	sadd.s32 $0x80, s24;
	s25 =	sadd.s32 $0x80, s25;
	[sflag:s31] =	ssyncset.done $0x0  }
.Ltmp19:
0x1e5: {  	_ = 	snop;
	(pc) =	sbr.rel .LBB2_26-.Ltmp19, $1  }
0x1e6: {  	_ =	sdelay $0x3  }
.LBB2_28:
0x1e7: {  	s3 =	smul.u32 $0x1D4C0, s14  }
0x1e8: {  	[bflag:$0x0] =	sbarrier.arrive $0xFFFF  }
0x1e9: {  	s9 =	rddreg [dreg:$0x2];
	s4 =	sshrl.u32 @p1 s3, $0x3  }
0x1ea: {  	s18 =	rddreg [dreg:$0x1c];
	s4 =	sadd.s32 @p1 s9, s4  }
0x1eb: {  	s15 =	simm.s32 @p1 $0x1FC2;
	s11 =	sshrl.u32 @p1 s18, $0x3;
	s4 =	sadd.s32 @p1 $0x36F6, s4  }
0x1ec: {  	[hbm:s4], [sflag:s15] =	dma.local @p1 [spmem:s11], $0x3A2  }
0x1ed: {  	s4 =	simm.s32 @p1 $0x2  }
0x1ee: {  	_ =	swait.ge @p1 [sflag:s4], $0x3A2  }
0x1ef: {  	[sflag:s4] =	ssyncset.done @p1 $0x0;
	s11 =	rddreg [dreg:$0x17]  }
0x1f0: {  	s3 =	sadd.s32 @!p1 s11, s3;
	[sflag:s4] =	ssyncadd.s32 @p1 $0xFFFFFC5E;
	s4 =	stileid.u32  }
0x1f1: {  	s3 =	sshrl.u32 @!p1 s3, $0x3;
	s4 =	sshll.u32 @!p1 s4, $0x6  }
0x1f2: {  	s11 =	sshrl.u32 @!p1 s18, $0x3;
	s3 =	sadd.s32 @!p1 s9, s3;
	s4 =	sor.u32 @!p1 $0x1C02, s4  }
0x1f3: {  	[hbm:s3], [sflag:s4] =	dma.local @!p1 [spmem:s11], $0x3AA  }
0x1f4: {  	s3 =	simm.s32 @!p1 $0x2  }
0x1f5: {  	_ =	swait.ge @!p1 [sflag:s3], $0x3AA  }
0x1f6: {  	[sflag:s3] =	ssyncset.done @!p1 $0x0  }
0x1f7: {  	[sflag:s3] =	ssyncadd.s32 @!p1 $0xFFFFFC56  }
0x1f8: {  	[bflag:$0x0] =	sbarrier.arrive $0xFFFF  }
0x1f9: {  	_ =	strace $0x9000004C  }
0x1fa: {  	s4 =	simm.s32 $0x0;
	s3 =	simm.s32 $0x40;
	_ =	strace $0x8000004D  }
.LBB2_29:
0x1fb: {  	p3 =	sne.s32 s3, $0xFFC0;
	[tilespmem:s4+$0x5340] =	vst v7;
	s4 =	smov.u32 s3;
	s3 =	sadd.s32 $0x40, s3  }
.Ltmp20:
0x1fc: {  	(pc) =	sbr.rel @p3 .LBB2_29-.Ltmp20, $2  }
0x1fd: {  	_ =	sdelay $0x2  }
0x1fe: {  	s4 =	sshra.s32 s4, $0x2  }
.Ltmp21:
0x1ff: {  	s3 =	sshrl.u32 s19, $0x3;
	s9 =	rddreg [dreg:$0x9];
	(pc) =	sbr.rel .LBB2_31-.Ltmp21, $4  }
0x200: {  	[tilespmem:s4+$0x5340] =	vst v7;
	s4 =	simm.s32 $0x0;
	s3 =	sadd.s32 s9, s3  }
0x201: {  	[tilespmem:s26], [sflag:$0x1] =	stream.linear.gather [hbm4b:s3+s4], $0x4A0, $0x200038;
	[tilespmem:$0x1F3A0] =	vst v63  }
0x202: {  	s23 =	rddreg [dreg:$0x10];
	s3 =	simm.s32 $0x0  }
0x203: {  	[tilespmem:s4], [sflag:$0x1] =	stream.linear.gather [hbm4b:s5+s4], $0x2500, $0x200038;
	[tilespmem:$0x1F3A0] =	vst v63  }
.LBB2_43:
0x204: {  	[sflag:s16] =	ssyncset.done $0x0  }
0x205: {  	[sflag:s16] =	ssyncadd.s32 $0xFFFFFD00  }
.LBB2_44:
0x206: {  	p3 =	slt.u32 s4, $0x80  }
.Ltmp22:
0x207: {  	_ = 	snop;
	(pc) =	sbr.rel @!p3 .LBB2_45-.Ltmp22, $2  }
0x208: {  	_ =	sdelay $0x2  }
0x209: {  	s3 =	sadd.s32 s3, s11  }
.LBB2_31:
0x20a: {  	p3 =	sgt.u32 s4, $0x7D  }
.Ltmp23:
0x20b: {  	_ = 	snop;
	(pc) =	sbr.rel @p3 .LBB2_33-.Ltmp23, $4  }
0x20c: {  	_ = 	snop  }
0x20d: {  	_ =	swait.ge [sflag:s31], $0x4A0  }
0x20e: {  	[sflag:s31] =	ssyncset.done $0x0  }
0x20f: {  	s11 =	sand.u32 $0x1, s4;
	[sflag:s31] =	ssyncadd.s32 $0xFFFFFB60  }
.Ltmp24:
0x210: {  	(pc) =	sbr.rel .LBB2_35-.Ltmp24, $4  }
0x211: {  	_ = 	snop  }
0x212: {  	_ =	swait.ge [sflag:s31], $0x2500  }
0x213: {  	[sflag:s31] =	ssyncset.done $0x0  }
0x214: {  	[sflag:s31] =	ssyncadd.s32 $0xFFFFDB00  }
.LBB2_33:
0x215: {  	p3 =	sne.s32 s4, $0x7E  }
.Ltmp25:
0x216: {  	_ = 	snop;
	(pc) =	sbr.rel @p3 .LBB2_36-.Ltmp25, $2  }
0x217: {  	_ =	sdelay $0x2  }
0x218: {  	s15 =	simm.s32 $0x80  }
0x219: {  	_ =	swait.ge [sflag:s31], $0x1980  }
0x21a: {  	[sflag:s31] =	ssyncset.done $0x0  }
0x21b: {  	[sflag:s31] =	ssyncadd.s32 $0xFFFFE680  }
.LBB2_35:
0x21c: {  	s15 =	smul.u32 $0x4A0, s4  }
0x21d: {  	s18 =	sxor.u32 $0x1, s11  }
0x21e: {  	p3 =	sgt.u32 s4, $0x7C;
	s20 =	smul.u32 $0x1280, s18;
	s15 =	sadd.s32 $0x4A0, s15  }
0x21f: {  	s22 =	smul.u32 @!p3 $0x9400, s18;
	s21 =	sadd.s32 s19, s15  }
0x220: {  	s20 =	sshrl.u32 s20, $0x2;
	p4 =	sne.s32 s15, $0x246C0;
	s21 =	sshrl.u32 s21, $0x3  }
0x221: {  	s15 =	sadd.s32 @!p3 s15, s5;
	s20 =	sadd.s32 $0x4A00, s20;
	s21 =	sadd.s32 s9, s21  }
0x222: {  	[tilespmem:s20], [sflag:$0x1] =	stream.linear.gather [hbm4b:s21+s7], $0x4A0, $0x200038;
	[tilespmem:$0x1F3A0] =	vst v63  }
0x223: {  	s18 =	smul.u32 @!p4 $0x9400, s18;
	s20 =	sshrl.u32 @!p3 s22, $0x2;
	s21 =	simm.s32 @!p3 $0x0  }
0x224: {  	[tilespmem:s20], [sflag:$0x1] =	stream.linear.gather @!p3 [hbm4b:s15+s21], $0x2500, $0x200038;
	[tilespmem:$0x1F3A0] =	vst v63  }
0x225: {  	s15 =	sshrl.u32 @!p4 s18, $0x2;
	s18 =	simm.s32 @!p4 $0x0  }
0x226: {  	[tilespmem:s15], [sflag:$0x1] =	stream.linear.gather @!p4 [hbm4b:s30+s18], $0x1980, $0x200038;
	[tilespmem:$0x1F3A0] =	vst v63  }
0x227: {  	s15 =	sadd.s32 $0x1, s4  }
.LBB2_36:
0x228: {  	v16 =	vmov s11;
	s4 =	smul.u32 $0x1280, s11  }
0x229: {  	v16 =	vmul.u32 $0x2500, v16  }
0x22a: {  	s21 =	simm.s32 $0x0;
	s11 =	sshrl.u32 s4, $0x2  }
0x22b: {  	s18 =	simm.s32 $0x0;
	s4 =	smov.u32 s15;
	s20 =	sadd.s32 $0x4A00, s11;
	v16 =	vbroadcast v16, $0x0  }
.LBB2_37:
0x22c: {  	v17 =	vld [tilespmem:s20+$0x0];
	_ =	sdelay $0x4  }
0x22d: {  	vm3 =	vge.s32 v17, v1;
	vm4 =	vlt.s32 v17, v0  }
0x22e: {  	vm3 =	vmand vm3, vm4  }
0x22f: {  	v18 =	vsel vm3, $0x3F800000, v2  }
0x230: {  	(xrf0) =	vmax.scan.msk.f32 $0xffff, v18;
	_ =	sdelay $0x5  }
0x231: {  	v18, _, _ =	vpop (xrf0)  }
0x232: {  	(v2sf) =	vpush v18, $0xF;
	_ =	sdelay $0xe  }
0x233: {  	s11 =	spop (v2sf)  }
0x234: {  	p3 =	sgt.f32 s11, $0.0e+00;
	_ =	sdelay $0x1  }
0x235: {  	v17 =	vsub.s32 @p3 v17, v1  }
0x236: {  	v17 =	vnsel @p3 vm3, $0x0, v17  }
0x237: {  	(xrf1) =	vunique.msk.u32 @p3 vm3, v17;
	_ =	sdelay $0x7  }
0x238: {  	v18 =	vld.idx.msk @p3 [tilespmem:v17+s28+$0x0], vm3  }
0x239: {  	[tilespmem:v17+s28+$0x0] =	vst.idx.add.s32.msk @p3 vm3, v9  }
0x23a: {  	v17 =	vld.idx.msk @p3 [tilespmem:v17+s1+$0x0], vm3;
	_ =	sdelay $0x3  }
0x23b: {  	_, v19, _ =	vpop @p3 (xrf1)  }
0x23c: {  	v17 =	vshra.s32 @p3 v17, $0x1;
	v18 =	vadd.s32 @p3 v18, v19  }
0x23d: {  	v17 =	vadd.s32 @p3 v15, v17;
	v18 =	vadd.s32 @p3 $0xFFFFFFFF, v18  }
0x23e: {  	vm5 =	vlt.s32 @p3 v17, $0x7530;
	vm4 =	vlt.s32 @p3 v18, $0x14  }
0x23f: {  	vm4 =	vmand @p3 vm4, vm5  }
0x240: {  	vm3 =	vmand @p3 vm3, vm4  }
0x241: {  	v19 =	vsel @p3 vm3, $0x1, v7  }
0x242: {  	(xrf0) =	vadd.scan.msk.s32 @p3 $0xffff, v19;
	_ =	sdelay $0x5  }
0x243: {  	v19, _, _ =	vpop @p3 (xrf0)  }
0x244: {  	v20 =	vadd.s32 @p3 s18, v19  }
0x245: {  	v21 =	vmov @p3 s21;
	v20 =	vmul.u32 @p3 $0x6, v20  }
0x246: {  	v21 =	vshll.u32 @p3 v21, $0x3  }
0x247: {  	v21 =	vor.u32 @p3 v5, v21;
	v22 =	vadd.s32 @p3 $0xFFFFFFFA, v20  }
0x248: {  	v21 =	vadd.s32 @p3 v16, v21;
	_ =	sdelay $0x1  }
0x249: {  	v18 =	vshll.u32 @p3 v18, $0xF  }
0x24a: {  	v17 =	vadd.s32 @p3 v18, v17  }
0x24b: {  	[tilespmem:v22+s10+$0x0] =	vst.idx.msk @p3 vm3, v17  }
0x24c: {  	v17 =	vld.idx.msk @p3 [tilespmem:v21+s7+$0x0], vm3;
	_ =	sdelay $0x3  }
0x24d: {  	v18 =	vadd.s32 @p3 $0xFFFFFFFB, v20  }
0x24e: {  	v22 =	vor.u32 @p3 $0x1, v21;
	v17 =	vadd.f32 @p3 $5.120000080e+01, v17;
	_ =	sdelay $0x1  }
0x24f: {  	v17 =	vmul.f32 @p3 v17, v8;
	_ =	sdelay $0x1  }
0x250: {  	[tilespmem:v18+s10+$0x0] =	vst.idx.msk @p3 vm3, v17  }
0x251: {  	v17 =	vld.idx.msk @p3 [tilespmem:v22+s7+$0x0], vm3;
	_ =	sdelay $0x3  }
0x252: {  	v18 =	vadd.s32 @p3 $0xFFFFFFFC, v20  }
0x253: {  	v22 =	vor.u32 @p3 $0x2, v21;
	v17 =	vadd.f32 @p3 $5.120000080e+01, v17;
	_ =	sdelay $0x1  }
0x254: {  	v17 =	vmul.f32 @p3 v17, v8;
	_ =	sdelay $0x1  }
0x255: {  	[tilespmem:v18+s10+$0x0] =	vst.idx.msk @p3 vm3, v17  }
0x256: {  	v17 =	vld.idx.msk @p3 [tilespmem:v22+s7+$0x0], vm3;
	_ =	sdelay $0x3  }
0x257: {  	v18 =	vadd.s32 @p3 $0xFFFFFFFD, v20  }
0x258: {  	v22 =	vor.u32 @p3 $0x3, v21;
	v17 =	vadd.f32 @p3 $5.000000000e+00, v17;
	_ =	sdelay $0x1  }
0x259: {  	(v2sf) =	vpush @p3 v19, $0xF;
	v17 =	vmul.f32 @p3 v17, v6;
	_ =	sdelay $0x1  }
0x25a: {  	[tilespmem:v18+s10+$0x0] =	vst.idx.msk @p3 vm3, v17  }
0x25b: {  	v17 =	vld.idx.msk @p3 [tilespmem:v22+s7+$0x0], vm3;
	_ =	sdelay $0x1  }
0x25c: {  	v18 =	vadd.s32 @p3 $0xFFFFFFFE, v20  }
0x25d: {  	v19 =	vor.u32 @p3 $0x4, v21;
	_ =	sdelay $0x1  }
0x25e: {  	v17 =	vmul.f32 @p3 v17, v12;
	_ =	sdelay $0x1  }
0x25f: {  	[tilespmem:v18+s10+$0x0] =	vst.idx.msk @p3 vm3, v17  }
0x260: {  	v18 =	vadd.s32 @p3 $0xFFFFFFFF, v20;
	v17 =	vld.idx.msk @p3 [tilespmem:v19+s7+$0x0], vm3;
	_ =	sdelay $0x3  }
0x261: {  	s21 =	sadd.s32 $0x10, s21;
	s11 =	spop @p3 (v2sf)  }
0x262: {  	s18 =	sadd.s32 @p3 s18, s11;
	[tilespmem:v18+s10+$0x0] =	vst.idx.msk @p3 vm3, v17;
	p3 =	sne.s32 s21, $0x4A0  }
.Ltmp26:
0x263: {  	_ = 	snop;
	(pc) =	sbr.rel @p3 .LBB2_37-.Ltmp26, $2  }
0x264: {  	_ =	sdelay $0x2  }
0x265: {  	s20 =	sadd.s32 $0x10, s20  }
0x266: {  	s11 =	sadd.s32 $0x7F, s18  }
0x267: {  	s29 =	sadd.s32 $0x0, s18;
	s15 =	sand.u32 $0xFFFFFF80, s11  }
0x268: {  	v17 =	vadd.s32 s29, v3;
	v16 =	vmov s15  }
0x269: {  	s15 =	simm.s32 $0x10;
	vm3 =	vlt.s32 v17, v16;
	v17 =	vmul.u32 $0x6, v17  }
.LBB2_39:
0x26a: {  	p3 =	seq.s32 s15, $0x70  }
.Ltmp27:
0x26b: {  	_ = 	snop;
	(pc) =	sbr.rel @!p3 .LBB2_39-.Ltmp27, $4  }
0x26c: {  	_ = 	snop  }
0x26d: {  	s20 =	sadd.s32 s15, s18;
	s15 =	sadd.s32 $0x10, s15  }
0x26e: {  	v18 =	vadd.s32 s20, v3  }
0x26f: {  	[tilespmem:v17+s10+$0x0] =	vst.idx.msk vm3, v13;
	v17 =	vmul.u32 $0x6, v18;
	vm3 =	vlt.s32 v18, v16  }
0x270: {  	s11 =	sshra.s32 s11, $0x7  }
0x271: {  	p3 =	slt.s32 s11, $0x1  }
.Ltmp28:
0x272: {  	_ = 	snop;
	(pc) =	sbr.rel @p3 .LBB2_44-.Ltmp28, $2  }
0x273: {  	_ =	sdelay $0x2  }
0x274: {  	[tilespmem:v17+s10+$0x0] =	vst.idx.msk vm3, v13  }
0x275: {  	s15 =	smul.u32 $0x300, s3  }
0x276: {  	p3 =	sne.s32 s11, $0x1  }
.Ltmp29:
0x277: {  	s20 =	sadd.s32 s15, s23;
	(pc) =	sbr.rel @!p3 .LBB2_43-.Ltmp29, $4  }
0x278: {  	s18 =	sshrl.u32 s20, $0x3  }
0x279: {  	s15 =	simm.s32 $0x10000;
	s18 =	sadd.s32 s12, s18  }
0x27a: {  	[hbm4b:s18+s7] =	stream.linear.scatter [tilespmem:s15], [sflag:$0x2], $0x300, $0x200038;
	[tilespmem:$0x1F3A0] =	vst v63  }
0x27b: {  	s20 =	sadd.s32 $0x300, s20;
	s18 =	sadd.s32 $0xFFFFFFFF, s11;
	_ =	swait.ge [sflag:s16], $0x300  }
.LBB2_42:
0x27c: {  	s21 =	sshrl.u32 s20, $0x3  }
0x27d: {  	[sflag:s16] =	ssyncset.done $0x0;
	s15 =	sadd.s32 $0x300, s15;
	p3 =	sne.s32 s18, $0x1  }
.Ltmp30:
0x27e: {  	s21 =	sadd.s32 s12, s21;
	[sflag:s16] =	ssyncadd.s32 $0xFFFFFD00;
	(pc) =	sbr.rel @p3 .LBB2_42-.Ltmp30, $3  }
0x27f: {  	[hbm4b:s21+s7] =	stream.linear.scatter [tilespmem:s15], [sflag:$0x2], $0x300, $0x200038;
	[tilespmem:$0x1F3A0] =	vst v63  }
0x280: {  	s18 =	sadd.s32 $0xFFFFFFFF, s18;
	_ =	sdelay $0x1  }
0x281: {  	s20 =	sadd.s32 $0x300, s20;
	_ =	swait.ge [sflag:s16], $0x300  }
.Ltmp31:
0x282: {  	_ = 	snop;
	(pc) =	sbr.rel .LBB2_43-.Ltmp31, $1  }
0x283: {  	_ =	sdelay $0x3  }
.LBB2_45:
0x284: {  	_ =	strace $0x9000004D  }
0x285: {  	s23 =	sld [smem:$0x7F6]  }
0x286: {  	s24 =	rddreg [dreg:$0x8]  }
0x287: {  	s25 =	rddreg [dreg:$0xa]  }
0x288: {  	s3 =	sshll.u32 s3, $0x7;
	s26 =	rddreg [dreg:$0xc]  }
0x289: {  	s4 =	sadd.s32 $0x27F, s3;
	s29 =	rddreg [dreg:$0xf]  }
0x28a: {  	s9 =	rddreg [dreg:$0x12];
	s5 =	smulhi.u32 $0x66666667, s4;
	s4 =	sshra.s32 s4, $0x1F  }
0x28b: {  	s15 =	sld [smem:$0x7F8];
	s11 =	smul.u32 $0x66666667, s4  }
0x28c: {  	s18 =	sld [smem:$0x7F9]  }
0x28d: {  	s19 =	sld [smem:$0x7FA];
	s5 =	sadd.s32 s11, s5  }
0x28e: {  	s22 =	sld [smem:$0x7FB];
	s11 =	sshrl.u32 s5, $0x1F;
	s5 =	sshra.s32 s5, $0x8  }
0x28f: {  	s14 =	smul.u32 $0x7530, s14;
	s5 =	sadd.s32 s11, s5;
	s11 =	rddreg [dreg:$0x15]  }
0x290: {  	s30 =	sadd.s32 s4, s5;
	s5 =	sld [smem:$0x7F7]  }
0x291: {  	s4 =	sadd.s32 s23, s14;
	s23 =	sld [smem:$0x7FC]  }
0x292: {  	[smem:$0x7E0] =	sst s4  }
0x293: {  	s4 =	sadd.s32 s24, s14;
	s24 =	sld [smem:$0x7FD]  }
0x294: {  	[smem:$0x7E1] =	sst s4;
	s4 =	sadd.s32 s25, s14  }
0x295: {  	[smem:$0x7E2] =	sst s4;
	s4 =	sadd.s32 s26, s14  }
0x296: {  	[smem:$0x7E3] =	sst s4;
	s4 =	sadd.s32 s29, s14  }
0x297: {  	[smem:$0x7E4] =	sst s4  }
0x298: {  	s4 =	sadd.s32 s14, s5;
	s5 =	sadd.s32 s9, s14;
	s9 =	rddreg [dreg:$0x7]  }
0x299: {  	[smem:$0x7E5] =	sst s5;
	s5 =	sadd.s32 s11, s14;
	s4 =	sshrl.u32 s4, $0x3  }
0x29a: {  	s11 =	sadd.s32 s14, s19;
	[smem:$0x7E6] =	sst s5;
	s4 =	sadd.s32 s9, s4  }
0x29b: {  	s5 =	sadd.s32 s14, s18;
	s21 =	sshrl.u32 s11, $0x3;
	s11 =	sadd.s32 s14, s24  }
0x29c: {  	[smem:$0x7E7] =	sst s4;
	s4 =	sadd.s32 s14, s15;
	s5 =	sshrl.u32 s5, $0x3  }
0x29d: {  	s26 =	sshrl.u32 s11, $0x3;
	s4 =	sshrl.u32 s4, $0x3;
	s20 =	sadd.s32 s9, s5  }
0x29e: {  	s5 =	sadd.s32 s14, s23;
	s4 =	sadd.s32 s9, s4;
	[smem:$0x7E9] =	sst s20  }
0x29f: {  	s29 =	sadd.s32 s9, s26;
	[smem:$0x7E8] =	sst s4;
	s4 =	sadd.s32 s9, s21  }
0x2a0: {  	s5 =	sshrl.u32 s5, $0x3;
	[smem:$0x7EA] =	sst s4;
	s4 =	sadd.s32 s14, s22  }
0x2a1: {  	[smem:$0x7ED] =	sst s29;
	s25 =	sadd.s32 s9, s5;
	s4 =	sshrl.u32 s4, $0x3  }
0x2a2: {  	[smem:$0x7EC] =	sst s25;
	s4 =	sadd.s32 s9, s4  }
0x2a3: {  	v15 =	vmov s3;
	p3 =	slt.s32 s30, $0x1;
	s23 =	simm.s32 $0x0;
	[smem:$0x7EB] =	sst s4  }
.LBB2_46:
0x2a4: {  	_ =	strace $0x8000004E;
	s3 =	sadd.s32 $0x0, s17  }
0x2a5: {  	[spmem:s3] =	stream.linear.scatter [tilespmem:s13], [sflag:$0x1], $0x400, $0x200038;
	[tilespmem:$0x1F3A0] =	vst v63  }
0x2a6: {  	s3 =	simm.s32 $0x1000;
	_ =	swait.ge [sflag:s31], $0x400  }
.LBB2_47:
0x2a7: {  	s4 =	sshra.s32 s3, $0x2;
	[sflag:s31] =	ssyncset.done $0x0;
	p4 =	sne.s32 s3, $0x2C000  }
.Ltmp32:
0x2a8: {  	s4 =	sadd.s32 s4, s17;
	[sflag:s31] =	ssyncadd.s32 $0xFFFFFC00;
	(pc) =	sbr.rel @p4 .LBB2_47-.Ltmp32, $3  }
0x2a9: {  	[spmem:s4] =	stream.linear.scatter [tilespmem:s13], [sflag:$0x1], $0x400, $0x200038;
	[tilespmem:$0x1F3A0] =	vst v63  }
0x2aa: {  	s3 =	sadd.s32 $0x1000, s3;
	_ =	sdelay $0x1  }
0x2ab: {  	_ =	swait.ge [sflag:s31], $0x400  }
0x2ac: {  	s3 =	sld [smem:$0x7F4]  }
0x2ad: {  	[sflag:s31] =	ssyncset.done $0x0  }
0x2ae: {  	[sflag:s31] =	ssyncadd.s32 $0xFFFFFC00  }
0x2af: {  	[spmem:s3] =	stream.linear.scatter [tilespmem:s13], [sflag:$0x1], $0x340, $0x200038;
	[tilespmem:$0x1F3A0] =	vst v63  }
0x2b0: {  	_ =	swait.ge [sflag:s31], $0x340  }
0x2b1: {  	[sflag:s31] =	ssyncset.done $0x0  }
0x2b2: {  	s4 =	simm.s32 $0x40;
	s3 =	simm.s32 $0x0;
	[sflag:s31] =	ssyncadd.s32 $0xFFFFFCC0  }
.LBB2_49:
0x2b3: {  	p4 =	sne.s32 s4, $0x9C0;
	[tilespmem:s3+$0xE500] =	vst v14;
	s5 =	smov.u32 s4;
	s4 =	sadd.s32 $0x40, s4  }
.Ltmp33:
0x2b4: {  	[tilespmem:s3+$0xE280] =	vst v14;
	(pc) =	sbr.rel @p4 .LBB2_49-.Ltmp33, $4  }
0x2b5: {  	[tilespmem:s3+$0xE000] =	vst v14  }
0x2b6: {  	[tilespmem:s3+$0xDB00] =	vst v14  }
0x2b7: {  	[tilespmem:s3+$0xDD80] =	vst v14  }
0x2b8: {  	s3 =	sshra.s32 s5, $0x2  }
0x2b9: {  	[tilespmem:s3+$0xE500] =	vst v14  }
0x2ba: {  	[tilespmem:s3+$0xE280] =	vst v14  }
.Ltmp34:
0x2bb: {  	[tilespmem:s3+$0xE000] =	vst v14;
	(pc) =	sbr.rel @p3 .LBB2_59-.Ltmp34, $4  }
0x2bc: {  	[tilespmem:s3+$0xDB00] =	vst v14  }
0x2bd: {  	[tilespmem:s3+$0xDD80] =	vst v14  }
0x2be: {  	[bflag:$0x0] =	sbarrier.arrive $0xFFFF  }
0x2bf: {  	s24 =	smul.u32 $0x1D50, s23  }
.Ltmp35:
0x2c0: {  	(pc) =	sbr.rel .LBB2_52-.Ltmp35, $2  }
0x2c1: {  	_ =	sdelay $0x2  }
0x2c2: {  	s26 =	simm.s32 $0x0;
	s29 =	simm.s32 $0x0;
	v16 =	vmov s24  }
.LBB2_57:
0x2c3: {  	[sflag:s31] =	ssyncadd.s32 $0xFFFFFF80  }
.LBB2_58:
0x2c4: {  	s29 =	sadd.s32 $0x1, s29  }
0x2c5: {  	p4 =	sne.s32 s29, s30  }
.Ltmp36:
0x2c6: {  	_ = 	snop;
	(pc) =	sbr.rel @!p4 .LBB2_59-.Ltmp36, $1  }
0x2c7: {  	_ =	sdelay $0x3  }
.LBB2_52:
0x2c8: {  	s3 =	smul.u32 $0xF00, s29;
	_ =	sdelay $0x1  }
0x2c9: {  	v18 =	vor.u32 s26, v3;
	s3 =	sadd.s32 s8, s3  }
0x2ca: {  	v20 =	vmul.u32 $0x6, v18;
	s3 =	sshrl.u32 s3, $0x3  }
0x2cb: {  	s3 =	sadd.s32 s12, s3  }
0x2cc: {  	[tilespmem:s10], [sflag:$0x2] =	stream.linear.gather [hbm4b:s3+s26], $0xF00, $0x200038;
	[tilespmem:$0x1F3A0] =	vst v63  }
0x2cd: {  	_ =	swait.ge [sflag:s16], $0xF00  }
0x2ce: {  	[sflag:s16] =	ssyncset.done $0x0  }
0x2cf: {  	[sflag:s16] =	ssyncadd.s32 $0xFFFFF100  }
0x2d0: {  	v19 =	vld.idx.msk [tilespmem:v20+s10+$0x0], $0xffff;
	_ =	sdelay $0x1  }
0x2d1: {  	s22 =	smul.u32 $0x280, s29;
	_ =	sdelay $0x1  }
0x2d2: {  	v17 =	vmov s22  }
0x2d3: {  	v18 =	vadd.s32 v17, v18;
	v21 =	vshra.s32 v19, $0xF  }
0x2d4: {  	vm3 =	vlt.s32 v18, v15;
	v19 =	vand.u32 $0x7FFF, v19;
	vm4 =	vlt.s32 v21, $0x14  }
0x2d5: {  	v18 =	vsub.s32 v19, v16;
	vm3 =	vmand vm3, vm4;
	vm4 =	vlt.u32 v19, $0x7530  }
0x2d6: {  	vm3 =	vmand vm4, vm3;
	vm4 =	vlt.u32 v18, $0x1D50  }
0x2d7: {  	vm3 =	vmand vm4, vm3  }
0x2d8: {  	v19 =	vsel vm3, $0x3F800000, v2  }
0x2d9: {  	(xrf0) =	vmax.scan.msk.f32 $0xffff, v19;
	_ =	sdelay $0x5  }
0x2da: {  	v19, _, _ =	vpop (xrf0)  }
0x2db: {  	(v2sf) =	vpush v19, $0xF;
	_ =	sdelay $0xe  }
0x2dc: {  	s25 =	spop (v2sf)  }
0x2dd: {  	p4 =	sgt.f32 s25, $0.0e+00;
	_ =	sdelay $0x1  }
0x2de: {  	v19 =	vimm.s32 @p4 $0x0  }
0x2df: {  	v19 =	vsel @p4 vm3, $0x1, v19  }
0x2e0: {  	(xrf0) =	vadd.scan.msk.s32 @p4 $0xffff, v19;
	_ =	sdelay $0x2  }
0x2e1: {  	v19 =	vmov @p4 s26  }
0x2e2: {  	v19 =	vadd.s32 @p4 $0xFFFFFFFF, v19  }
0x2e3: {  	v19 =	vbroadcast @p4 v19, $0x0  }
0x2e4: {  	v22, _, _ =	vpop @p4 (xrf0)  }
0x2e5: {  	v19 =	vadd.s32 @p4 v22, v19  }
0x2e6: {  	v23 =	vor.u32 @p4 $0x1, v20  }
0x2e7: {  	v21 =	vmul.u32 @p4 $0x1D50, v21;
	_ =	sdelay $0x1  }
0x2e8: {  	s3 =	simm.s32 @p4 $0xDB00;
	v18 =	vadd.s32 @p4 v18, v21  }
0x2e9: {  	s4 =	simm.s32 @p4 $0x10000;
	[tilespmem:v19+s3+$0x0] =	vst.idx.msk @p4 vm3, v18  }
0x2ea: {  	v21 =	vld.idx.msk @p4 [tilespmem:v23+s4+$0x0], vm3;
	_ =	sdelay $0x1  }
0x2eb: {  	v23 =	vadd.s32 @p4 $0x2, v20;
	_ =	sdelay $0x1  }
0x2ec: {  	s3 =	simm.s32 @p4 $0xE780  }
0x2ed: {  	v24 =	vadd.s32 @p4 $0x24A40, v18;
	[tilespmem:v19+s3+$0x0] =	vst.idx.msk @p4 vm3, v21;
	s3 =	simm.s32 @p4 $0xDD80  }
0x2ee: {  	[tilespmem:v19+s3+$0x0] =	vst.idx.msk @p4 vm3, v24  }
0x2ef: {  	v21 =	vld.idx.msk @p4 [tilespmem:v23+s4+$0x0], vm3;
	_ =	sdelay $0x1  }
0x2f0: {  	v23 =	vadd.s32 @p4 $0x3, v20;
	_ =	sdelay $0x1  }
0x2f1: {  	s3 =	simm.s32 @p4 $0xEA00  }
0x2f2: {  	(v2sf) =	vpush @p4 v22, $0xF;
	v22 =	vadd.s32 @p4 $0x49480, v18;
	[tilespmem:v19+s3+$0x0] =	vst.idx.msk @p4 vm3, v21;
	s3 =	simm.s32 @p4 $0xE000  }
0x2f3: {  	[tilespmem:v19+s3+$0x0] =	vst.idx.msk @p4 vm3, v22  }
0x2f4: {  	v21 =	vld.idx.msk @p4 [tilespmem:v23+s4+$0x0], vm3;
	_ =	sdelay $0x1  }
0x2f5: {  	v22 =	vadd.s32 @p4 $0x4, v20;
	_ =	sdelay $0x1  }
0x2f6: {  	s3 =	simm.s32 @p4 $0xEC80  }
0x2f7: {  	v23 =	vadd.s32 @p4 $0x6DEC0, v18;
	[tilespmem:v19+s3+$0x0] =	vst.idx.msk @p4 vm3, v21;
	s3 =	simm.s32 @p4 $0xE280  }
0x2f8: {  	[tilespmem:v19+s3+$0x0] =	vst.idx.msk @p4 vm3, v23  }
0x2f9: {  	v21 =	vld.idx.msk @p4 [tilespmem:v22+s4+$0x0], vm3;
	_ =	sdelay $0x1  }
0x2fa: {  	v20 =	vadd.s32 @p4 $0x5, v20;
	_ =	sdelay $0x1  }
0x2fb: {  	s3 =	simm.s32 @p4 $0xEF00  }
0x2fc: {  	s5 =	simm.s32 $0x10;
	s14 =	simm.s32 @p4 $0xE500;
	v18 =	vadd.s32 @p4 $0x92900, v18;
	[tilespmem:v19+s3+$0x0] =	vst.idx.msk @p4 vm3, v21  }
0x2fd: {  	[tilespmem:v19+s14+$0x0] =	vst.idx.msk @p4 vm3, v18;
	v18 =	vor.u32 s5, v3  }
0x2fe: {  	v21 =	vld.idx.msk @p4 [tilespmem:v20+s4+$0x0], vm3;
	v20 =	vadd.s32 v17, v18;
	v18 =	vmul.u32 $0x6, v18;
	_ =	sdelay $0x1  }
0x2ff: {  	s11 =	spop @p4 (v2sf)  }
0x300: {  	s11 =	sadd.s32 @p4 $0x0, s11;
	s3 =	simm.s32 $0x0  }
0x301: {  	s22 =	simm.s32 $0x20;
	s3 =	smov.u32 @p4 s11;
	s4 =	simm.s32 @p4 $0xF180  }
.LBB2_53:
0x302: {  	[tilespmem:v19+s4+$0x0] =	vst.idx.msk @p4 vm3, v21;
	s25 =	smov.u32 s22;
	s22 =	sadd.s32 $0x10, s22  }
0x303: {  	p5 =	sne.s32 s22, $0x280;
	v19 =	vld.idx.msk [tilespmem:v18+s10+$0x0], $0xffff;
	_ =	sdelay $0x5  }
0x304: {  	v21 =	vshra.s32 v19, $0xF;
	v19 =	vand.u32 $0x7FFF, v19  }
0x305: {  	vm3 =	vlt.s32 v20, v15;
	v22 =	vsub.s32 v19, v16;
	vm4 =	vlt.s32 v21, $0x14  }
0x306: {  	vm3 =	vmand vm3, vm4;
	vm4 =	vlt.u32 v19, $0x7530  }
0x307: {  	vm3 =	vmand vm4, vm3;
	vm4 =	vlt.u32 v22, $0x1D50  }
0x308: {  	vm3 =	vmand vm4, vm3  }
0x309: {  	v19 =	vsel vm3, $0x3F800000, v2  }
0x30a: {  	(xrf0) =	vmax.scan.msk.f32 $0xffff, v19;
	_ =	sdelay $0x5  }
0x30b: {  	v19, _, _ =	vpop (xrf0)  }
0x30c: {  	(v2sf) =	vpush v19, $0xF;
	_ =	sdelay $0xe  }
0x30d: {  	s4 =	spop (v2sf)  }
0x30e: {  	p4 =	sgt.f32 s4, $0.0e+00;
	_ =	sdelay $0x1  }
0x30f: {  	v19 =	vimm.s32 @p4 $0x0;
	v20 =	vmov @p4 s3;
	v23 =	vor.u32 @p4 $0x1, v18  }
0x310: {  	v21 =	vmul.u32 @p4 $0x1D50, v21;
	v19 =	vsel @p4 vm3, $0x1, v19;
	v20 =	vadd.s32 @p4 $0xFFFFFFFF, v20  }
0x311: {  	v24 =	vadd.s32 @p4 $0x2, v18;
	v25 =	vadd.s32 @p4 $0x3, v18;
	v20 =	vbroadcast @p4 v20, $0x0;
	(xrf0) =	vadd.scan.msk.s32 @p4 $0xffff, v19  }
0x312: {  	v21 =	vadd.s32 @p4 v22, v21;
	v22 =	vadd.s32 @p4 $0x4, v18;
	v18 =	vadd.s32 @p4 $0x5, v18  }
0x313: {  	v26 =	vadd.s32 @p4 $0x24A40, v21;
	v27 =	vadd.s32 @p4 $0x49480, v21;
	v28 =	vadd.s32 @p4 $0x6DEC0, v21  }
0x314: {  	v29 =	vadd.s32 @p4 $0x92900, v21;
	_ =	sdelay $0x2  }
0x315: {  	v30, _, _ =	vpop @p4 (xrf0)  }
0x316: {  	v19 =	vadd.s32 @p4 v30, v20;
	(v2sf) =	vpush @p4 v30, $0xF;
	_ =	sdelay $0x3  }
0x317: {  	s4 =	simm.s32 @p4 $0xDB00  }
0x318: {  	[tilespmem:v19+s4+$0x0] =	vst.idx.msk @p4 vm3, v21;
	s4 =	simm.s32 @p4 $0x10000  }
0x319: {  	v20 =	vld.idx.msk @p4 [tilespmem:v23+s4+$0x0], vm3;
	_ =	sdelay $0x4  }
0x31a: {  	s5 =	simm.s32 @p4 $0xE780  }
0x31b: {  	[tilespmem:v19+s5+$0x0] =	vst.idx.msk @p4 vm3, v20;
	s5 =	simm.s32 @p4 $0xDD80  }
0x31c: {  	[tilespmem:v19+s5+$0x0] =	vst.idx.msk @p4 vm3, v26  }
0x31d: {  	v20 =	vld.idx.msk @p4 [tilespmem:v24+s4+$0x0], vm3  }
0x31e: {  	s5 =	spop @p4 (v2sf)  }
0x31f: {  	s5 =	sadd.s32 @p4 s3, s5  }
0x320: {  	s3 =	smov.u32 @p4 s5;
	_ =	sdelay $0x1  }
0x321: {  	s5 =	simm.s32 @p4 $0xEA00  }
0x322: {  	[tilespmem:v19+s5+$0x0] =	vst.idx.msk @p4 vm3, v20;
	s5 =	simm.s32 @p4 $0xE000  }
0x323: {  	[tilespmem:v19+s5+$0x0] =	vst.idx.msk @p4 vm3, v27  }
0x324: {  	v20 =	vld.idx.msk @p4 [tilespmem:v25+s4+$0x0], vm3;
	_ =	sdelay $0x4  }
0x325: {  	s5 =	simm.s32 @p4 $0xEC80  }
0x326: {  	[tilespmem:v19+s5+$0x0] =	vst.idx.msk @p4 vm3, v20;
	s5 =	simm.s32 @p4 $0xE280  }
0x327: {  	[tilespmem:v19+s5+$0x0] =	vst.idx.msk @p4 vm3, v28  }
0x328: {  	v20 =	vld.idx.msk @p4 [tilespmem:v22+s4+$0x0], vm3;
	_ =	sdelay $0x4  }
0x329: {  	s5 =	simm.s32 @p4 $0xEF00  }
0x32a: {  	[tilespmem:v19+s5+$0x0] =	vst.idx.msk @p4 vm3, v20;
	s5 =	simm.s32 @p4 $0xE500  }
0x32b: {  	[tilespmem:v19+s5+$0x0] =	vst.idx.msk @p4 vm3, v29  }
0x32c: {  	v22 =	vor.u32 s25, v3;
	v21 =	vld.idx.msk @p4 [tilespmem:v18+s4+$0x0], vm3  }
.Ltmp37:
0x32d: {  	v20 =	vadd.s32 v17, v22;
	v18 =	vmul.u32 $0x6, v22;
	(pc) =	sbr.rel @p5 .LBB2_53-.Ltmp37, $2  }
0x32e: {  	_ =	sdelay $0x2  }
0x32f: {  	s4 =	simm.s32 @p4 $0xF180  }
0x330: {  	_ =	sdelay $0x4  }
0x331: {  	[tilespmem:v19+s4+$0x0] =	vst.idx.msk @p4 vm3, v21  }
0x332: {  	v17 =	vld.idx.msk [tilespmem:v18+s10+$0x0], $0xffff;
	_ =	sdelay $0x4  }
0x333: {  	v19 =	vshra.s32 v17, $0xF  }
0x334: {  	vm3 =	vlt.s32 v20, v15;
	v17 =	vand.u32 $0x7FFF, v17;
	vm4 =	vlt.s32 v19, $0x14  }
0x335: {  	v20 =	vsub.s32 v17, v16;
	vm14 =	vlt.u32 v17, $0x7530;
	vm3 =	vmand vm3, vm4  }
0x336: {  	vm15 =	vlt.u32 v20, $0x1D50;
	vm3 =	vmand vm14, vm3  }
0x337: {  	vm3 =	vmand vm15, vm3  }
0x338: {  	v17 =	vsel vm3, $0x3F800000, v2  }
0x339: {  	(xrf0) =	vmax.scan.msk.f32 $0xffff, v17;
	_ =	sdelay $0x5  }
0x33a: {  	v17, _, _ =	vpop (xrf0)  }
0x33b: {  	(v2sf) =	vpush v17, $0xF;
	_ =	sdelay $0xe  }
0x33c: {  	s25 =	spop (v2sf)  }
0x33d: {  	p4 =	sgt.f32 s25, $0.0e+00;
	_ =	sdelay $0x1  }
0x33e: {  	v17 =	vimm.s32 @p4 $0x0  }
0x33f: {  	v17 =	vsel @p4 vm3, $0x1, v17  }
0x340: {  	(xrf0) =	vadd.scan.msk.s32 @p4 $0xffff, v17;
	_ =	sdelay $0x2  }
0x341: {  	v17 =	vmov @p4 s3  }
0x342: {  	v17 =	vadd.s32 @p4 $0xFFFFFFFF, v17  }
0x343: {  	v17 =	vbroadcast @p4 v17, $0x0  }
0x344: {  	v21, _, _ =	vpop @p4 (xrf0)  }
0x345: {  	v17 =	vadd.s32 @p4 v21, v17  }
0x346: {  	v22 =	vor.u32 @p4 $0x1, v18  }
0x347: {  	v19 =	vmul.u32 @p4 $0x1D50, v19;
	_ =	sdelay $0x1  }
0x348: {  	s4 =	simm.s32 @p4 $0xDB00;
	v19 =	vadd.s32 @p4 v20, v19  }
0x349: {  	[tilespmem:v17+s4+$0x0] =	vst.idx.msk @p4 vm3, v19;
	s4 =	simm.s32 @p4 $0x10000  }
0x34a: {  	v20 =	vld.idx.msk @p4 [tilespmem:v22+s4+$0x0], vm3;
	_ =	sdelay $0x1  }
0x34b: {  	v22 =	vadd.s32 @p4 $0x2, v18;
	_ =	sdelay $0x1  }
0x34c: {  	s5 =	simm.s32 @p4 $0xE780  }
0x34d: {  	v23 =	vadd.s32 @p4 $0x24A40, v19;
	[tilespmem:v17+s5+$0x0] =	vst.idx.msk @p4 vm3, v20;
	s5 =	simm.s32 @p4 $0xDD80  }
0x34e: {  	[tilespmem:v17+s5+$0x0] =	vst.idx.msk @p4 vm3, v23  }
0x34f: {  	v20 =	vld.idx.msk @p4 [tilespmem:v22+s4+$0x0], vm3;
	_ =	sdelay $0x1  }
0x350: {  	v22 =	vadd.s32 @p4 $0x3, v18;
	_ =	sdelay $0x1  }
0x351: {  	s5 =	simm.s32 @p4 $0xEA00  }
0x352: {  	(v2sf) =	vpush @p4 v21, $0xF;
	v23 =	vadd.s32 @p4 $0x49480, v19;
	[tilespmem:v17+s5+$0x0] =	vst.idx.msk @p4 vm3, v20;
	s5 =	simm.s32 @p4 $0xE000  }
0x353: {  	[tilespmem:v17+s5+$0x0] =	vst.idx.msk @p4 vm3, v23  }
0x354: {  	v20 =	vld.idx.msk @p4 [tilespmem:v22+s4+$0x0], vm3;
	_ =	sdelay $0x1  }
0x355: {  	v21 =	vadd.s32 @p4 $0x4, v18;
	_ =	sdelay $0x1  }
0x356: {  	s5 =	simm.s32 @p4 $0xEC80  }
0x357: {  	v22 =	vadd.s32 @p4 $0x6DEC0, v19;
	[tilespmem:v17+s5+$0x0] =	vst.idx.msk @p4 vm3, v20;
	s5 =	simm.s32 @p4 $0xE280  }
0x358: {  	[tilespmem:v17+s5+$0x0] =	vst.idx.msk @p4 vm3, v22  }
0x359: {  	v20 =	vld.idx.msk @p4 [tilespmem:v21+s4+$0x0], vm3;
	_ =	sdelay $0x3  }
0x35a: {  	s5 =	simm.s32 @p4 $0xEF00  }
0x35b: {  	v18 =	vadd.s32 @p4 $0x5, v18;
	v19 =	vadd.s32 @p4 $0x92900, v19;
	[tilespmem:v17+s5+$0x0] =	vst.idx.msk @p4 vm3, v20;
	s5 =	simm.s32 @p4 $0xE500  }
0x35c: {  	[tilespmem:v17+s5+$0x0] =	vst.idx.msk @p4 vm3, v19;
	s5 =	spop @p4 (v2sf)  }
0x35d: {  	s5 =	sadd.s32 @p4 s3, s5  }
0x35e: {  	s3 =	smov.u32 @p4 s5  }
0x35f: {  	s3 =	sadd.s32 $0x7F, s3  }
0x360: {  	v18 =	vld.idx.msk @p4 [tilespmem:v18+s4+$0x0], vm3;
	s4 =	sshra.s32 s3, $0x7  }
0x361: {  	p5 =	slt.s32 s4, $0x1  }
.Ltmp38:
0x362: {  	_ = 	snop;
	(pc) =	sbr.rel @p5 .LBB2_58-.Ltmp38, $3  }
0x363: {  	_ =	sdelay $0x1  }
0x364: {  	s3 =	simm.s32 @p4 $0xF180  }
0x365: {  	[tilespmem:v17+s3+$0x0] =	vst.idx.msk @p4 vm3, v18  }
0x366: {  	s3 =	simm.s32 $0xE780;
	s22 =	simm.s32 $0xDB00  }
0x367: {  	[spmem:s6] =	stream.indirect.scatter [tilespmem:s3], [sflag:$0x1], $0x1, s22, s0, $0x2000b8;
	[tilespmem:$0x1F3A0] =	vst v63  }
0x368: {  	_ =	swait.ge [sflag:s31], $0x80  }
0x369: {  	[sflag:s31] =	ssyncset.done $0x0  }
0x36a: {  	s5 =	simm.s32 $0xEA00;
	s11 =	simm.s32 $0xDD80;
	[sflag:s31] =	ssyncadd.s32 $0xFFFFFF80  }
0x36b: {  	[spmem:s6] =	stream.indirect.scatter [tilespmem:s5], [sflag:$0x1], $0x1, s11, s0, $0x2000b8;
	[tilespmem:$0x1F3A0] =	vst v63  }
0x36c: {  	_ =	swait.ge [sflag:s31], $0x80  }
0x36d: {  	[sflag:s31] =	ssyncset.done $0x0  }
0x36e: {  	s19 =	simm.s32 $0xEC80;
	s20 =	simm.s32 $0xE000;
	[sflag:s31] =	ssyncadd.s32 $0xFFFFFF80  }
0x36f: {  	[spmem:s6] =	stream.indirect.scatter [tilespmem:s19], [sflag:$0x1], $0x1, s20, s0, $0x2000b8;
	[tilespmem:$0x1F3A0] =	vst v63  }
0x370: {  	s21 =	simm.s32 $0xEF00;
	_ =	swait.ge [sflag:s31], $0x80  }
0x371: {  	s25 =	simm.s32 $0xE280;
	s18 =	simm.s32 $0xF180;
	[sflag:s31] =	ssyncset.done $0x0  }
0x372: {  	p4 =	sne.s32 s4, $0x1;
	s15 =	simm.s32 $0xE580;
	[sflag:s31] =	ssyncadd.s32 $0xFFFFFF80  }
0x373: {  	[spmem:s6] =	stream.indirect.scatter [tilespmem:s21], [sflag:$0x1], $0x1, s25, s0, $0x2000b8;
	[tilespmem:$0x1F3A0] =	vst v63  }
0x374: {  	s14 =	simm.s32 $0xEF80;
	s11 =	simm.s32 $0xF200;
	_ =	swait.ge [sflag:s31], $0x80  }
.Ltmp39:
0x375: {  	s5 =	simm.s32 $0xED00;
	[sflag:s31] =	ssyncset.done $0x0;
	(pc) =	sbr.rel @!p4 .LBB2_57-.Ltmp39, $4  }
0x376: {  	s20 =	simm.s32 $0xE500;
	s19 =	simm.s32 $0xE300;
	[sflag:s31] =	ssyncadd.s32 $0xFFFFFF80  }
0x377: {  	[spmem:s6] =	stream.indirect.scatter [tilespmem:s18], [sflag:$0x1], $0x1, s20, s0, $0x2000b8;
	[tilespmem:$0x1F3A0] =	vst v63  }
0x378: {  	s25 =	sadd.s32 $0xFFFFFFFF, s4;
	s4 =	simm.s32 $0xE080;
	_ =	swait.ge [sflag:s31], $0x80  }
0x379: {  	s20 =	simm.s32 $0xEA80;
	s18 =	simm.s32 $0xDE00;
	[sflag:s31] =	ssyncset.done $0x0  }
.LBB2_56:
0x37a: {  	[sflag:s31] =	ssyncadd.s32 $0xFFFFFF80;
	s3 =	sadd.s32 $0x80, s3;
	s22 =	sadd.s32 $0x80, s22  }
0x37b: {  	[spmem:s6] =	stream.indirect.scatter [tilespmem:s3], [sflag:$0x1], $0x1, s22, s0, $0x2000b8;
	[tilespmem:$0x1F3A0] =	vst v63  }
0x37c: {  	p4 =	sne.s32 s25, $0x1;
	s25 =	sadd.s32 $0xFFFFFFFF, s25;
	_ =	swait.ge [sflag:s31], $0x80  }
0x37d: {  	s21 =	smov.u32 s15;
	s9 =	smov.u32 s11;
	[sflag:s31] =	ssyncset.done $0x0  }
0x37e: {  	[sflag:s31] =	ssyncadd.s32 $0xFFFFFF80  }
0x37f: {  	[spmem:s6] =	stream.indirect.scatter [tilespmem:s20], [sflag:$0x1], $0x1, s18, s0, $0x2000b8;
	[tilespmem:$0x1F3A0] =	vst v63  }
0x380: {  	_ =	swait.ge [sflag:s31], $0x80  }
0x381: {  	[sflag:s31] =	ssyncset.done $0x0  }
0x382: {  	[sflag:s31] =	ssyncadd.s32 $0xFFFFFF80  }
0x383: {  	[spmem:s6] =	stream.indirect.scatter [tilespmem:s5], [sflag:$0x1], $0x1, s4, s0, $0x2000b8;
	[tilespmem:$0x1F3A0] =	vst v63  }
0x384: {  	_ =	swait.ge [sflag:s31], $0x80  }
0x385: {  	[sflag:s31] =	ssyncset.done $0x0  }
0x386: {  	[sflag:s31] =	ssyncadd.s32 $0xFFFFFF80  }
0x387: {  	[spmem:s6] =	stream.indirect.scatter [tilespmem:s14], [sflag:$0x1], $0x1, s19, s0, $0x2000b8;
	[tilespmem:$0x1F3A0] =	vst v63  }
0x388: {  	s15 =	sadd.s32 $0x80, s15;
	_ =	swait.ge [sflag:s31], $0x80  }
.Ltmp40:
0x389: {  	s11 =	sadd.s32 $0x80, s11;
	[sflag:s31] =	ssyncset.done $0x0;
	(pc) =	sbr.rel @p4 .LBB2_56-.Ltmp40, $4  }
0x38a: {  	s14 =	sadd.s32 $0x80, s14;
	s19 =	sadd.s32 $0x80, s19;
	[sflag:s31] =	ssyncadd.s32 $0xFFFFFF80  }
0x38b: {  	[spmem:s6] =	stream.indirect.scatter [tilespmem:s9], [sflag:$0x1], $0x1, s21, s0, $0x2000b8;
	[tilespmem:$0x1F3A0] =	vst v63  }
0x38c: {  	s5 =	sadd.s32 $0x80, s5;
	s4 =	sadd.s32 $0x80, s4;
	_ =	swait.ge [sflag:s31], $0x80  }
0x38d: {  	s20 =	sadd.s32 $0x80, s20;
	s18 =	sadd.s32 $0x80, s18;
	[sflag:s31] =	ssyncset.done $0x0  }
.Ltmp41:
0x38e: {  	_ = 	snop;
	(pc) =	sbr.rel .LBB2_57-.Ltmp41, $1  }
0x38f: {  	_ =	sdelay $0x3  }
.LBB2_59:
0x390: {  	p4 =	seq.s32 s23, $0x3  }
.Ltmp42:
0x391: {  	_ = 	snop;
	(pc) =	sbr.rel @p4 .LBB2_61-.Ltmp42, $2  }
0x392: {  	_ =	sdelay $0x1  }
0x393: {  	[bflag:$0x0] =	sbarrier.arrive $0xFFFF;
	_ =	sdelay $0x1  }
0x394: {  	s3 =	sld [smem:$0x7E0];
	_ =	sdelay $0x1  }
0x395: {  	s5 =	sld [smem:$0x7F5]  }
0x396: {  	s4 =	stileid.u32;
	s3 =	sadd.s32 s3, s24  }
0x397: {  	s9 =	rddreg [dreg:$0x7];
	s4 =	sshll.u32 s4, $0x6;
	s3 =	sshrl.u32 s3, $0x3  }
0x398: {  	s4 =	sor.u32 $0x1C01, s4;
	s5 =	sshrl.u32 s5, $0x3;
	s3 =	sadd.s32 s9, s3  }
0x399: {  	[hbm:s3], [sflag:s4] =	dma.local [spmem:s5], $0x3AA  }
0x39a: {  	_ =	swait.ge [sflag:s31], $0x3AA  }
0x39b: {  	s14 =	sld [smem:$0x7E1];
	_ =	sdelay $0x2  }
0x39c: {  	s3 =	sadd.s32 s14, s24  }
0x39d: {  	[sflag:s31] =	ssyncset.done $0x0;
	s15 =	rddreg [dreg:$0xe];
	s3 =	sshrl.u32 s3, $0x3  }
0x39e: {  	[sflag:s31] =	ssyncadd.s32 $0xFFFFFC56;
	s5 =	sshrl.u32 s15, $0x3;
	s3 =	sadd.s32 s9, s3  }
0x39f: {  	[hbm:s3], [sflag:s4] =	dma.local [spmem:s5], $0x3AA  }
0x3a0: {  	_ =	swait.ge [sflag:s31], $0x3AA  }
0x3a1: {  	s18 =	sld [smem:$0x7E2];
	_ =	sdelay $0x2  }
0x3a2: {  	s3 =	sadd.s32 s18, s24  }
0x3a3: {  	[sflag:s31] =	ssyncset.done $0x0;
	s19 =	rddreg [dreg:$0x11];
	s3 =	sshrl.u32 s3, $0x3  }
0x3a4: {  	[sflag:s31] =	ssyncadd.s32 $0xFFFFFC56;
	s5 =	sshrl.u32 s19, $0x3;
	s3 =	sadd.s32 s9, s3  }
0x3a5: {  	[hbm:s3], [sflag:s4] =	dma.local [spmem:s5], $0x3AA  }
0x3a6: {  	_ =	swait.ge [sflag:s31], $0x3AA  }
0x3a7: {  	s20 =	sld [smem:$0x7E3];
	_ =	sdelay $0x2  }
0x3a8: {  	s3 =	sadd.s32 s20, s24  }
0x3a9: {  	[sflag:s31] =	ssyncset.done $0x0;
	s21 =	rddreg [dreg:$0x13];
	s3 =	sshrl.u32 s3, $0x3  }
0x3aa: {  	[sflag:s31] =	ssyncadd.s32 $0xFFFFFC56;
	s5 =	sshrl.u32 s21, $0x3;
	s3 =	sadd.s32 s9, s3  }
0x3ab: {  	[hbm:s3], [sflag:s4] =	dma.local [spmem:s5], $0x3AA  }
0x3ac: {  	_ =	swait.ge [sflag:s31], $0x3AA  }
0x3ad: {  	s22 =	sld [smem:$0x7E4];
	_ =	sdelay $0x2  }
0x3ae: {  	s3 =	sadd.s32 s22, s24  }
0x3af: {  	[sflag:s31] =	ssyncset.done $0x0;
	s25 =	rddreg [dreg:$0x14];
	s3 =	sshrl.u32 s3, $0x3  }
0x3b0: {  	[sflag:s31] =	ssyncadd.s32 $0xFFFFFC56;
	s5 =	sshrl.u32 s25, $0x3;
	s3 =	sadd.s32 s9, s3  }
0x3b1: {  	[hbm:s3], [sflag:s4] =	dma.local [spmem:s5], $0x3AA  }
0x3b2: {  	_ =	swait.ge [sflag:s31], $0x3AA  }
0x3b3: {  	s26 =	sld [smem:$0x7E5];
	_ =	sdelay $0x2  }
0x3b4: {  	s3 =	sadd.s32 s26, s24  }
0x3b5: {  	[sflag:s31] =	ssyncset.done $0x0;
	s29 =	rddreg [dreg:$0x16];
	s3 =	sshrl.u32 s3, $0x3  }
0x3b6: {  	[sflag:s31] =	ssyncadd.s32 $0xFFFFFC56;
	s5 =	sshrl.u32 s29, $0x3;
	s3 =	sadd.s32 s9, s3  }
0x3b7: {  	[hbm:s3], [sflag:s4] =	dma.local [spmem:s5], $0x3AA  }
0x3b8: {  	_ =	swait.ge [sflag:s31], $0x3AA  }
0x3b9: {  	s3 =	sld [smem:$0x7E6];
	_ =	sdelay $0x2  }
0x3ba: {  	s3 =	sadd.s32 @!p0 s3, s24  }
0x3bb: {  	[sflag:s31] =	ssyncset.done $0x0;
	s5 =	rddreg [dreg:$0x18];
	s3 =	sshrl.u32 @!p0 s3, $0x3  }
0x3bc: {  	[sflag:s31] =	ssyncadd.s32 $0xFFFFFC56;
	s5 =	sshrl.u32 @!p0 s5, $0x3;
	s3 =	sadd.s32 @!p0 s9, s3  }
0x3bd: {  	[hbm:s3], [sflag:s4] =	dma.local @!p0 [spmem:s5], $0x3AA  }
0x3be: {  	s3 =	simm.s32 @!p0 $0x1  }
.Ltmp43:
0x3bf: {  	_ =	swait.ge @!p0 [sflag:s3], $0x3AA;
	(pc) =	sbr.rel .LBB2_46-.Ltmp43, $4  }
0x3c0: {  	[sflag:s3] =	ssyncset.done @!p0 $0x0  }
0x3c1: {  	[sflag:s3] =	ssyncadd.s32 @!p0 $0xFFFFFC56  }
0x3c2: {  	[bflag:$0x0] =	sbarrier.arrive $0xFFFF  }
0x3c3: {  	s23 =	sadd.s32 $0x1, s23;
	_ =	strace $0x9000004E  }
.LBB2_63:
0x3c4: {  	_ =	sfence.sel $0x180000  }
0x3c5: {  	[bflag:$0x0] =	sbarrier.arrive $0xFFFF  }
0x3c6: {  	_ =	strace $0x90000047  }
0x3c7: {  	s0 =	stileid.u32;
	[bflag:$0x2] =	sbarrier.arrive $0xFFFF  }
0x3c8: {  	p0 =	sne.s32 s0, $0x0;
	s0 =	rddreg [dreg:$0x6]  }
0x3c9: {  	s0 =	sadd.s32 @!p0 $0x100000, s0  }
0x3ca: {  	[sflag:s0] =	ssyncadd.tile.s32 @!p0 $0x1;
	_ =	shalt  }
.Lfunc_end2:
_tile_overlayer_lowered:
.L_overlay_start_2:
0x3cb: {  	(tag) =	ssettag $0x2  }
0x3cc: {  	s0 =	rddreg [dreg:$0x0];
	s2 =	stileid.u32  }
0x3cd: {  	s1 =	rddreg [dreg:$0x1];
	p0 =	sne.s32 s2, $0x0  }
0x3ce: {  	s3 =	rddreg [dreg:$0x2];
	[bflag:$0x3] =	sbarrier.arrive $0xFFFF;
	s2 =	simm.s32 @!p0 $0x1C02  }
0x3cf: {  	[timem:s3], [sflag:s2] =	dma.local @!p0 [hbm:s0], s1  }
0x3d0: {  	s0 =	simm.s32 @!p0 $0x2  }
0x3d1: {  	_ =	swait.ge @!p0 [sflag:s0], s1  }
0x3d2: {  	s1 =	ssub.s32 @!p0 $0x0, s1;
	[sflag:s0] =	ssyncset.done @!p0 $0x0  }
0x3d3: {  	[sflag:s0] =	ssyncadd.s32 @!p0 s1  }
0x3d4: {  	[bflag:$0x3] =	sbarrier.arrive $0xFFFF  }
0x3d5: {  	_ =	shalt  }

</sc_bundles>
